<compile_context>
chip_gen: v7x
topology: tpu7x:2x2x1
jax: 0.10.2.dev20260603
libtpu: 0.0.44.dev20260713+nightly
codegen_flags: <defaults>
</compile_context>

<pallas_src>
import functools

import jax
import jax.numpy as jnp
from jax import lax
from jax.experimental import pallas as pl
from jax.experimental.pallas import tpu as pltpu
from jax.experimental.pallas import tpu_sc as plsc

NUM_CLASSES = 1000
N_ROWS = 4096
N_COLS = 26
N_WORKERS = 32
ROWS_PER_WORKER = N_ROWS // N_WORKERS
ENTRIES_PER_WORKER = ROWS_PER_WORKER * N_COLS
CHUNK_ROWS = 1
CHUNK_ENTRIES = CHUNK_ROWS * N_COLS
N_CHUNKS = ROWS_PER_WORKER // CHUNK_ROWS


def _sc_body(xf_hbm, out_hbm, xv, buf0, buf1, sem0, sem1):
    wid = lax.axis_index("s") * 2 + lax.axis_index("c")
    ii = lax.iota(jnp.int32, 16)
    zeros16 = jnp.zeros((16,), jnp.float32)
    ones16 = jnp.ones((16,), jnp.float32)

    pltpu.sync_copy(
        xf_hbm.at[pl.ds(wid * ENTRIES_PER_WORKER, ENTRIES_PER_WORKER)],
        xv.at[pl.ds(0, ENTRIES_PER_WORKER)],
    )

    def memset(buf):
        def row_body(r, c):
            a = r // N_COLS
            b = r - a * N_COLS

            def m_body(m, cc):
                off = pl.multiple_of(m * 16, 16)
                buf[a, b, pl.ds(off, 16)] = zeros16
                return cc

            lax.fori_loop(0, 62, m_body, c)
            av = jnp.full((16,), a, jnp.int32)
            bv = jnp.full((16,), b, jnp.int32)
            plsc.store_scatter(buf, [av, bv, 992 + ii], zeros16, mask=ii < 8)
            return c

        lax.fori_loop(0, CHUNK_ROWS * N_COLS, row_body, 0)

    memset(buf0)
    memset(buf1)

    def paint(buf, k, value16):
        base = k * CHUNK_ENTRIES
        for i in range(2):
            l = ii + (i * 16)
            cls = plsc.load_gather(xv, [base + i * 16 + ii])
            row = l // N_COLS
            col = l - row * N_COLS
            plsc.store_scatter(buf, [row, col, cls], value16, mask=l < CHUNK_ENTRIES)

    def copy_op(buf, k, sem):
        dst = out_hbm.at[pl.ds(wid * ROWS_PER_WORKER + k * CHUNK_ROWS, CHUNK_ROWS)]
        return pltpu.make_async_copy(buf, dst, sem)

    paint(buf0, 0, ones16)
    copy_op(buf0, 0, sem0).start()
    paint(buf1, 1, ones16)
    copy_op(buf1, 1, sem1).start()

    def chunk_step(buf, sem, k):
        copy_op(buf, k - 2, sem).wait()
        paint(buf, k - 2, zeros16)
        paint(buf, k, ones16)
        copy_op(buf, k, sem).start()

    def loop_body(g, c):
        chunk_step(buf0, sem0, 2 * g)
        chunk_step(buf1, sem1, 2 * g + 1)
        return c

    lax.fori_loop(1, N_CHUNKS // 2, loop_body, 0)

    copy_op(buf0, N_CHUNKS - 2, sem0).wait()
    copy_op(buf1, N_CHUNKS - 1, sem1).wait()


def kernel_single(X):
    xf = jnp.reshape(X, (-1,)).astype(jnp.int32)
    run = functools.partial(
        pl.kernel,
        out_type=jax.ShapeDtypeStruct((N_ROWS, N_COLS, NUM_CLASSES), jnp.float32),
        mesh=plsc.VectorSubcoreMesh(core_axis_name="c", subcore_axis_name="s"),
        scratch_types=[
            pltpu.VMEM((ENTRIES_PER_WORKER + 16,), jnp.int32),
            pltpu.VMEM((CHUNK_ROWS, N_COLS, NUM_CLASSES), jnp.float32),
            pltpu.VMEM((CHUNK_ROWS, N_COLS, NUM_CLASSES), jnp.float32),
            pltpu.SemaphoreType.DMA,
            pltpu.SemaphoreType.DMA,
        ],
        compiler_params=pltpu.CompilerParams(
            needs_layout_passes=False, use_tc_tiling_on_sc=True
        ),
    )(_sc_body)
    return run(xf)



N_QUARTERS = 4
ROWS_PER_Q = N_ROWS // N_QUARTERS
ROWS_PER_WORKER_Q = ROWS_PER_Q // N_WORKERS
ENTRIES_PER_WORKER_Q = ROWS_PER_WORKER_Q * N_COLS
N_CHUNKS_Q = ROWS_PER_WORKER_Q // CHUNK_ROWS


def _sc_body_q(xf_hbm, out_hbm, xv, buf0, buf1, sem0, sem1):
    wid = lax.axis_index("s") * 2 + lax.axis_index("c")
    ii = lax.iota(jnp.int32, 16)
    zeros16 = jnp.zeros((16,), jnp.float32)
    ones16 = jnp.ones((16,), jnp.float32)

    pltpu.sync_copy(
        xf_hbm.at[pl.ds(wid * ENTRIES_PER_WORKER_Q, ENTRIES_PER_WORKER_Q)],
        xv.at[pl.ds(0, ENTRIES_PER_WORKER_Q)],
    )

    def memset(buf):
        def row_body(r, c):
            def m_body(m, cc):
                off = pl.multiple_of(m * 16, 16)
                buf[0, r, pl.ds(off, 16)] = zeros16
                return cc

            lax.fori_loop(0, 62, m_body, c)
            rv = jnp.full((16,), r, jnp.int32)
            z16i = jnp.zeros((16,), jnp.int32)
            plsc.store_scatter(buf, [z16i, rv, 992 + ii], zeros16, mask=ii < 8)
            return c

        lax.fori_loop(0, N_COLS, row_body, 0)

    memset(buf0)
    memset(buf1)

    def paint(buf, k, value16):
        base = k * CHUNK_ENTRIES
        for i in range(2):
            l = ii + (i * 16)
            cls = plsc.load_gather(xv, [base + i * 16 + ii])
            row = l // N_COLS
            col = l - row * N_COLS
            plsc.store_scatter(buf, [row, col, cls], value16, mask=l < CHUNK_ENTRIES)

    def copy_op(buf, k, sem):
        dst = out_hbm.at[pl.ds(wid * ROWS_PER_WORKER_Q + k * CHUNK_ROWS, CHUNK_ROWS)]
        return pltpu.make_async_copy(buf, dst, sem)

    paint(buf0, 0, ones16)
    copy_op(buf0, 0, sem0).start()
    paint(buf1, 1, ones16)
    copy_op(buf1, 1, sem1).start()

    def chunk_step(buf, sem, k):
        copy_op(buf, k - 2, sem).wait()
        paint(buf, k - 2, zeros16)
        paint(buf, k, ones16)
        copy_op(buf, k, sem).start()

    def loop_body(g, c):
        chunk_step(buf0, sem0, 2 * g)
        chunk_step(buf1, sem1, 2 * g + 1)
        return c

    lax.fori_loop(1, N_CHUNKS_Q // 2, loop_body, 0)

    copy_op(buf0, N_CHUNKS_Q - 2, sem0).wait()
    copy_op(buf1, N_CHUNKS_Q - 1, sem1).wait()


def kernel(X):
    xf = jnp.reshape(X, (-1,)).astype(jnp.int32)
    run = functools.partial(
        pl.kernel,
        out_type=jax.ShapeDtypeStruct((ROWS_PER_Q, N_COLS, NUM_CLASSES), jnp.float32),
        mesh=plsc.VectorSubcoreMesh(core_axis_name="c", subcore_axis_name="s"),
        scratch_types=[
            pltpu.VMEM((ENTRIES_PER_WORKER_Q + 16,), jnp.int32),
            pltpu.VMEM((CHUNK_ROWS, N_COLS, NUM_CLASSES), jnp.float32),
            pltpu.VMEM((CHUNK_ROWS, N_COLS, NUM_CLASSES), jnp.float32),
            pltpu.SemaphoreType.DMA,
            pltpu.SemaphoreType.DMA,
        ],
        compiler_params=pltpu.CompilerParams(
            needs_layout_passes=False, use_tc_tiling_on_sc=True
        ),
    )(_sc_body_q)
    parts = [
        run(xf[q * ROWS_PER_Q * N_COLS:(q + 1) * ROWS_PER_Q * N_COLS])
        for q in range(N_QUARTERS)
    ]
    return jnp.concatenate(parts, axis=0)

# --- scband reference (transcript-rebuilt; emitter-appended) ---
"""Pipeline reference for scband-one-hot-3444563772205 (READ-ONLY COPY).

The authoritative reference and input builder live on the scoring server;
editing this copy changes nothing except your own understanding.
"""

import jax, jax.numpy as jnp
import numpy as np

NUM_CLASSES = 1000

def setup_inputs(seed: int = 0) -> dict:
    key = jax.random.key(seed)
    X = jax.random.randint(key, (4096, 26), 0, NUM_CLASSES, dtype=jnp.int64 if jax.config.jax_enable_x64 else jnp.int32)
    return {"X": X}

def reference(X) -> jnp.ndarray:
    # torch.nn.functional.one_hot(X, num_classes).float()
    res = jax.nn.one_hot(X, NUM_CLASSES, dtype=jnp.float32)
    return res

if __name__ == "__main__":
    import jax
    _d = setup_inputs()
    print(jax.jit(kernel)(*tuple(_d.values())))

</pallas_src>

<mosaic_0001>
#map = affine_map<(d0, d1) -> (0)>
#map1 = affine_map<(d0, d1) -> (0, 0, 0)>
module attributes {stable_mosaic.version = 14 : i64} {
  func.func @_sc_body_q(%arg0: i32, %arg1: i32, %arg2: memref<26624xi32, #tpu.memory_space<hbm>>, %arg3: memref<1024x26x1000xf32, #tpu.memory_space<hbm>>, %arg4: memref<848xi32, #tpu.memory_space<vmem>>, %arg5: memref<1x26x1000xf32, #tpu.memory_space<vmem>>, %arg6: memref<1x26x1000xf32, #tpu.memory_space<vmem>>, %arg7: memref<!tpu.dma_semaphore, #tpu.memory_space<semaphore_mem>>, %arg8: memref<!tpu.dma_semaphore, #tpu.memory_space<semaphore_mem>>) attributes {dimension_semantics = [#tpu.dimension_semantics<core_parallel>, #tpu.dimension_semantics<subcore_parallel>], iteration_bounds = array<i64: 2, 16>, scalar_prefetch = 0 : i64, scratch_operands = 5 : i64, tpu.core_type = #tpu.core_type<sc_vector_subcore>, window_params = [{transform_indices = #map}, {transform_indices = #map1}]} {
    %mul3A = arith.constant 2 : i32
    %mul3A_0 = arith.muli %arg1, %mul3A : i32
    %add3A = arith.addi %mul3A_0, %arg0 : i32
    %iota3A = tpu.iota {dimensions = array<i32: 0>} : vector<16xi32>
    %broadcast_in_dim3A = arith.constant 0.000000e+00 : f32
    %broadcast_in_dim3A_1 = vector.broadcast %broadcast_in_dim3A : f32 to vector<16xf32>
    %broadcast_in_dim3A_2 = arith.constant 1.000000e+00 : f32
    %broadcast_in_dim3A_3 = vector.broadcast %broadcast_in_dim3A_2 : f32 to vector<16xf32>
    %mul3A_4 = arith.constant 832 : i32
    %mul3A_5 = arith.muli %add3A, %mul3A_4 : i32
    "tpu.region"() ({
      %run_scoped3A = tpu.sem_alloc : memref<!tpu.dma_semaphore, #tpu.memory_space<semaphore_mem>>
      %dma_start3A_231 = arith.constant 0 : i32
      %dma_start3A_232 = tpu.memref_slice %arg4[%dma_start3A_231] : memref<848xi32, #tpu.memory_space<vmem>> -> memref<832xi32, #tpu.memory_space<vmem>>
      %dma_start3A_233 = tpu.memref_slice %arg2[%mul3A_5] : memref<26624xi32, #tpu.memory_space<hbm>> -> memref<832xi32, #tpu.memory_space<hbm>>
      %dma_start3A_234 = arith.constant 0 : i32
      %dma_start3A_235 = tpu.memref_slice %arg4[%dma_start3A_234] : memref<848xi32, #tpu.memory_space<vmem>> -> memref<832xi32, #tpu.memory_space<vmem>>
      %dma_start3A_236 = tpu.memref_slice %arg2[%mul3A_5] : memref<26624xi32, #tpu.memory_space<hbm>> -> memref<832xi32, #tpu.memory_space<hbm>>
      tpu.enqueue_dma source(%dma_start3A_236 : memref<832xi32, #tpu.memory_space<hbm>>) target(%dma_start3A_235 : memref<832xi32, #tpu.memory_space<vmem>>) target_semaphore(%run_scoped3A : memref<!tpu.dma_semaphore, #tpu.memory_space<semaphore_mem>>)
      %dma_wait3A_237 = arith.constant 0 : i32
      %dma_wait3A_238 = tpu.memref_slice %arg4[%dma_wait3A_237] : memref<848xi32, #tpu.memory_space<vmem>> -> memref<832xi32, #tpu.memory_space<vmem>>
      %dma_wait3A_239 = tpu.memref_slice %arg2[%mul3A_5] : memref<26624xi32, #tpu.memory_space<hbm>> -> memref<832xi32, #tpu.memory_space<hbm>>
      %dma_wait3A_240 = arith.constant 0 : i32
      %dma_wait3A_241 = tpu.memref_slice %arg4[%dma_wait3A_240] : memref<848xi32, #tpu.memory_space<vmem>> -> memref<832xi32, #tpu.memory_space<vmem>>
      %dma_wait3A_242 = tpu.memref_slice %arg2[%mul3A_5] : memref<26624xi32, #tpu.memory_space<hbm>> -> memref<832xi32, #tpu.memory_space<hbm>>
      tpu.wait_dma2 semaphore(%run_scoped3A : memref<!tpu.dma_semaphore, #tpu.memory_space<semaphore_mem>>) src(%dma_wait3A_242 : memref<832xi32, #tpu.memory_space<hbm>>) dst(%dma_wait3A_241 : memref<832xi32, #tpu.memory_space<vmem>>)
      tpu.yield
    }) : () -> ()
    %scan3A = arith.constant 0 : i32
    %scan3A_6 = arith.constant 0 : i32
    %scan3A_7 = arith.constant 26 : i32
    %scan3A_8 = arith.addi %scan3A_6, %scan3A_7 : i32
    %scan3A_9 = arith.constant 1 : i32
    scf.for %scan3A_231 = %scan3A_6 to %scan3A_8 step %scan3A_9  : i32 {
      %scan3A_232 = arith.constant 0 : i32
      %scan3A_233 = arith.constant 62 : i32
      %scan3A_234 = arith.addi %scan3A_232, %scan3A_233 : i32
      %scan3A_235 = arith.constant 1 : i32
      scf.for %scan3A_246 = %scan3A_232 to %scan3A_234 step %scan3A_235  : i32 {
        %mul3A_247 = arith.constant 16 : i32
        %mul3A_248 = arith.muli %scan3A_246, %mul3A_247 : i32
        %multiple_of3A = tpu.assume_multiple %mul3A_248, 16 : i32
        %swap3A = arith.constant 0 : i32
        %swap3A_249 = arith.index_cast %swap3A : i32 to index
        %swap3A_250 = arith.index_cast %scan3A_231 : i32 to index
        %swap3A_251 = arith.index_cast %multiple_of3A : i32 to index
        %swap3A_252 = tpu.vector_load %arg5[%swap3A_249, %swap3A_250, %swap3A_251] {strides = array<i32>} : memref<1x26x1000xf32, #tpu.memory_space<vmem>>, vector<16xf32>,
        tpu.vector_store %arg5[%swap3A_249, %swap3A_250, %swap3A_251], %broadcast_in_dim3A_1 {strides = array<i32>} : memref<1x26x1000xf32, #tpu.memory_space<vmem>>, vector<16xf32>,
      }
      %scan3A_236 = arith.constant 62 : i32
      %broadcast_in_dim3A_237 = vector.broadcast %scan3A_231 : i32 to vector<16xi32>
      %broadcast_in_dim3A_238 = arith.constant 0 : i32
      %broadcast_in_dim3A_239 = vector.broadcast %broadcast_in_dim3A_238 : i32 to vector<16xi32>
      %add3A_240 = arith.constant 992 : i32
      %add3A_241 = vector.broadcast %add3A_240 : i32 to vector<16xi32>
      %add3A_242 = arith.addi %add3A_241, %iota3A : vector<16xi32>
      %lt3A_243 = arith.constant 8 : i32
      %lt3A_244 = vector.broadcast %lt3A_243 : i32 to vector<16xi32>
      %lt3A_245 = arith.cmpi slt, %iota3A, %lt3A_244 : vector<16xi32>
      tpu.vector_store_idx %arg5[%broadcast_in_dim3A_239, %broadcast_in_dim3A_237, %add3A_242], %broadcast_in_dim3A_1 masked %lt3A_245 : memref<1x26x1000xf32, #tpu.memory_space<vmem>>[vector<16xi32>, vector<16xi32>, vector<16xi32>], vector<16xf32>, vector<16xi1>
    }
    %scan3A_10 = arith.constant 26 : i32
    %scan3A_11 = arith.constant 0 : i32
    %scan3A_12 = arith.constant 0 : i32
    %scan3A_13 = arith.constant 26 : i32
    %scan3A_14 = arith.addi %scan3A_12, %scan3A_13 : i32
    %scan3A_15 = arith.constant 1 : i32
    scf.for %scan3A_231 = %scan3A_12 to %scan3A_14 step %scan3A_15  : i32 {
      %scan3A_232 = arith.constant 0 : i32
      %scan3A_233 = arith.constant 62 : i32
      %scan3A_234 = arith.addi %scan3A_232, %scan3A_233 : i32
      %scan3A_235 = arith.constant 1 : i32
      scf.for %scan3A_246 = %scan3A_232 to %scan3A_234 step %scan3A_235  : i32 {
        %mul3A_247 = arith.constant 16 : i32
        %mul3A_248 = arith.muli %scan3A_246, %mul3A_247 : i32
        %multiple_of3A = tpu.assume_multiple %mul3A_248, 16 : i32
        %swap3A = arith.constant 0 : i32
        %swap3A_249 = arith.index_cast %swap3A : i32 to index
        %swap3A_250 = arith.index_cast %scan3A_231 : i32 to index
        %swap3A_251 = arith.index_cast %multiple_of3A : i32 to index
        %swap3A_252 = tpu.vector_load %arg6[%swap3A_249, %swap3A_250, %swap3A_251] {strides = array<i32>} : memref<1x26x1000xf32, #tpu.memory_space<vmem>>, vector<16xf32>,
        tpu.vector_store %arg6[%swap3A_249, %swap3A_250, %swap3A_251], %broadcast_in_dim3A_1 {strides = array<i32>} : memref<1x26x1000xf32, #tpu.memory_space<vmem>>, vector<16xf32>,
      }
      %scan3A_236 = arith.constant 62 : i32
      %broadcast_in_dim3A_237 = vector.broadcast %scan3A_231 : i32 to vector<16xi32>
      %broadcast_in_dim3A_238 = arith.constant 0 : i32
      %broadcast_in_dim3A_239 = vector.broadcast %broadcast_in_dim3A_238 : i32 to vector<16xi32>
      %add3A_240 = arith.constant 992 : i32
      %add3A_241 = vector.broadcast %add3A_240 : i32 to vector<16xi32>
      %add3A_242 = arith.addi %add3A_241, %iota3A : vector<16xi32>
      %lt3A_243 = arith.constant 8 : i32
      %lt3A_244 = vector.broadcast %lt3A_243 : i32 to vector<16xi32>
      %lt3A_245 = arith.cmpi slt, %iota3A, %lt3A_244 : vector<16xi32>
      tpu.vector_store_idx %arg6[%broadcast_in_dim3A_239, %broadcast_in_dim3A_237, %add3A_242], %broadcast_in_dim3A_1 masked %lt3A_245 : memref<1x26x1000xf32, #tpu.memory_space<vmem>>[vector<16xi32>, vector<16xi32>, vector<16xi32>], vector<16xf32>, vector<16xi1>
    }
    %scan3A_16 = arith.constant 26 : i32
    %add3A_17 = arith.constant 0 : i32
    %add3A_18 = vector.broadcast %add3A_17 : i32 to vector<16xi32>
    %add3A_19 = arith.addi %iota3A, %add3A_18 : vector<16xi32>
    %add3A_20 = arith.constant 0 : i32
    %add3A_21 = vector.broadcast %add3A_20 : i32 to vector<16xi32>
    %add3A_22 = arith.addi %add3A_21, %iota3A : vector<16xi32>
    %gather3A = tpu.vector_load_idx %arg4[%add3A_22] : memref<848xi32, #tpu.memory_space<vmem>>[vector<16xi32>], vector<16xi32>,
    %jit3A = arith.constant 26 : i32
    %div3A = vector.broadcast %jit3A : i32 to vector<16xi32>
    %div3A_23 = arith.divsi %add3A_19, %div3A : vector<16xi32>
    %sign3A = arith.constant 0 : i32
    %sign3A_24 = vector.broadcast %sign3A : i32 to vector<16xi32>
    %sign3A_25 = arith.cmpi sgt, %add3A_19, %sign3A_24 : vector<16xi32>
    %sign3A_26 = arith.extui %sign3A_25 : vector<16xi1> to vector<16xi32>
    %sign3A_27 = arith.constant 0 : i32
    %sign3A_28 = vector.broadcast %sign3A_27 : i32 to vector<16xi32>
    %sign3A_29 = arith.cmpi slt, %add3A_19, %sign3A_28 : vector<16xi32>
    %sign3A_30 = arith.extui %sign3A_29 : vector<16xi1> to vector<16xi32>
    %sign3A_31 = arith.subi %sign3A_26, %sign3A_30 : vector<16xi32>
    %sign3A_32 = arith.constant 0 : i32
    %sign3A_33 = arith.cmpi sgt, %jit3A, %sign3A_32 : i32
    %sign3A_34 = arith.extui %sign3A_33 : i1 to i32
    %sign3A_35 = arith.constant 0 : i32
    %sign3A_36 = arith.cmpi slt, %jit3A, %sign3A_35 : i32
    %sign3A_37 = arith.extui %sign3A_36 : i1 to i32
    %sign3A_38 = arith.subi %sign3A_34, %sign3A_37 : i32
    %ne3A = vector.broadcast %sign3A_38 : i32 to vector<16xi32>
    %ne3A_39 = arith.cmpi ne, %sign3A_31, %ne3A : vector<16xi32>
    %rem3A = vector.broadcast %jit3A : i32 to vector<16xi32>
    %rem3A_40 = arith.remsi %add3A_19, %rem3A : vector<16xi32>
    %ne3A_41 = arith.constant 0 : i32
    %ne3A_42 = vector.broadcast %ne3A_41 : i32 to vector<16xi32>
    %ne3A_43 = arith.cmpi ne, %rem3A_40, %ne3A_42 : vector<16xi32>
    %and3A = arith.andi %ne3A_39, %ne3A_43 : vector<16xi1>
    %sub3A = arith.constant 1 : i32
    %sub3A_44 = vector.broadcast %sub3A : i32 to vector<16xi32>
    %sub3A_45 = arith.subi %div3A_23, %sub3A_44 : vector<16xi32>
    %select_n3A = arith.select %and3A, %sub3A_45, %div3A_23 : vector<16xi1>, vector<16xi32>
    %mul3A_46 = arith.constant 26 : i32
    %mul3A_47 = vector.broadcast %mul3A_46 : i32 to vector<16xi32>
    %mul3A_48 = arith.muli %select_n3A, %mul3A_47 : vector<16xi32>
    %sub3A_49 = arith.subi %add3A_19, %mul3A_48 : vector<16xi32>
    %lt3A = arith.constant 26 : i32
    %lt3A_50 = vector.broadcast %lt3A : i32 to vector<16xi32>
    %lt3A_51 = arith.cmpi slt, %add3A_19, %lt3A_50 : vector<16xi32>
    tpu.vector_store_idx %arg5[%select_n3A, %sub3A_49, %gather3A], %broadcast_in_dim3A_3 masked %lt3A_51 : memref<1x26x1000xf32, #tpu.memory_space<vmem>>[vector<16xi32>, vector<16xi32>, vector<16xi32>], vector<16xf32>, vector<16xi1>
    %add3A_52 = arith.constant 16 : i32
    %add3A_53 = vector.broadcast %add3A_52 : i32 to vector<16xi32>
    %add3A_54 = arith.addi %iota3A, %add3A_53 : vector<16xi32>
    %add3A_55 = arith.constant 16 : i32
    %add3A_56 = vector.broadcast %add3A_55 : i32 to vector<16xi32>
    %add3A_57 = arith.addi %add3A_56, %iota3A : vector<16xi32>
    %gather3A_58 = tpu.vector_load_idx %arg4[%add3A_57] : memref<848xi32, #tpu.memory_space<vmem>>[vector<16xi32>], vector<16xi32>,
    %jit3A_59 = arith.constant 26 : i32
    %div3A_60 = vector.broadcast %jit3A_59 : i32 to vector<16xi32>
    %div3A_61 = arith.divsi %add3A_54, %div3A_60 : vector<16xi32>
    %sign3A_62 = arith.constant 0 : i32
    %sign3A_63 = vector.broadcast %sign3A_62 : i32 to vector<16xi32>
    %sign3A_64 = arith.cmpi sgt, %add3A_54, %sign3A_63 : vector<16xi32>
    %sign3A_65 = arith.extui %sign3A_64 : vector<16xi1> to vector<16xi32>
    %sign3A_66 = arith.constant 0 : i32
    %sign3A_67 = vector.broadcast %sign3A_66 : i32 to vector<16xi32>
    %sign3A_68 = arith.cmpi slt, %add3A_54, %sign3A_67 : vector<16xi32>
    %sign3A_69 = arith.extui %sign3A_68 : vector<16xi1> to vector<16xi32>
    %sign3A_70 = arith.subi %sign3A_65, %sign3A_69 : vector<16xi32>
    %sign3A_71 = arith.constant 0 : i32
    %sign3A_72 = arith.cmpi sgt, %jit3A_59, %sign3A_71 : i32
    %sign3A_73 = arith.extui %sign3A_72 : i1 to i32
    %sign3A_74 = arith.constant 0 : i32
    %sign3A_75 = arith.cmpi slt, %jit3A_59, %sign3A_74 : i32
    %sign3A_76 = arith.extui %sign3A_75 : i1 to i32
    %sign3A_77 = arith.subi %sign3A_73, %sign3A_76 : i32
    %ne3A_78 = vector.broadcast %sign3A_77 : i32 to vector<16xi32>
    %ne3A_79 = arith.cmpi ne, %sign3A_70, %ne3A_78 : vector<16xi32>
    %rem3A_80 = vector.broadcast %jit3A_59 : i32 to vector<16xi32>
    %rem3A_81 = arith.remsi %add3A_54, %rem3A_80 : vector<16xi32>
    %ne3A_82 = arith.constant 0 : i32
    %ne3A_83 = vector.broadcast %ne3A_82 : i32 to vector<16xi32>
    %ne3A_84 = arith.cmpi ne, %rem3A_81, %ne3A_83 : vector<16xi32>
    %and3A_85 = arith.andi %ne3A_79, %ne3A_84 : vector<16xi1>
    %sub3A_86 = arith.constant 1 : i32
    %sub3A_87 = vector.broadcast %sub3A_86 : i32 to vector<16xi32>
    %sub3A_88 = arith.subi %div3A_61, %sub3A_87 : vector<16xi32>
    %select_n3A_89 = arith.select %and3A_85, %sub3A_88, %div3A_61 : vector<16xi1>, vector<16xi32>
    %mul3A_90 = arith.constant 26 : i32
    %mul3A_91 = vector.broadcast %mul3A_90 : i32 to vector<16xi32>
    %mul3A_92 = arith.muli %select_n3A_89, %mul3A_91 : vector<16xi32>
    %sub3A_93 = arith.subi %add3A_54, %mul3A_92 : vector<16xi32>
    %lt3A_94 = arith.constant 26 : i32
    %lt3A_95 = vector.broadcast %lt3A_94 : i32 to vector<16xi32>
    %lt3A_96 = arith.cmpi slt, %add3A_54, %lt3A_95 : vector<16xi32>
    tpu.vector_store_idx %arg5[%select_n3A_89, %sub3A_93, %gather3A_58], %broadcast_in_dim3A_3 masked %lt3A_96 : memref<1x26x1000xf32, #tpu.memory_space<vmem>>[vector<16xi32>, vector<16xi32>, vector<16xi32>], vector<16xf32>, vector<16xi1>
    %mul3A_97 = arith.constant 32 : i32
    %mul3A_98 = arith.muli %add3A, %mul3A_97 : i32
    %add3A_99 = arith.constant 0 : i32
    %add3A_100 = arith.addi %mul3A_98, %add3A_99 : i32
    %dma_start3A = arith.constant 0 : i32
    %dma_start3A_101 = arith.constant 0 : i32
    %dma_start3A_102 = tpu.memref_slice %arg3[%add3A_100, %dma_start3A, %dma_start3A_101] : memref<1024x26x1000xf32, #tpu.memory_space<hbm>> -> memref<1x26x1000xf32, #tpu.memory_space<hbm>>
    %dma_start3A_103 = arith.constant 0 : i32
    %dma_start3A_104 = arith.constant 0 : i32
    %dma_start3A_105 = tpu.memref_slice %arg3[%add3A_100, %dma_start3A_103, %dma_start3A_104] : memref<1024x26x1000xf32, #tpu.memory_space<hbm>> -> memref<1x26x1000xf32, #tpu.memory_space<hbm>>
    tpu.enqueue_dma source(%arg5 : memref<1x26x1000xf32, #tpu.memory_space<vmem>>) target(%dma_start3A_105 : memref<1x26x1000xf32, #tpu.memory_space<hbm>>) target_semaphore(%arg7 : memref<!tpu.dma_semaphore, #tpu.memory_space<semaphore_mem>>)
    %add3A_106 = arith.constant 0 : i32
    %add3A_107 = vector.broadcast %add3A_106 : i32 to vector<16xi32>
    %add3A_108 = arith.addi %iota3A, %add3A_107 : vector<16xi32>
    %add3A_109 = arith.constant 26 : i32
    %add3A_110 = vector.broadcast %add3A_109 : i32 to vector<16xi32>
    %add3A_111 = arith.addi %add3A_110, %iota3A : vector<16xi32>
    %gather3A_112 = tpu.vector_load_idx %arg4[%add3A_111] : memref<848xi32, #tpu.memory_space<vmem>>[vector<16xi32>], vector<16xi32>,
    %jit3A_113 = arith.constant 26 : i32
    %div3A_114 = vector.broadcast %jit3A_113 : i32 to vector<16xi32>
    %div3A_115 = arith.divsi %add3A_108, %div3A_114 : vector<16xi32>
    %sign3A_116 = arith.constant 0 : i32
    %sign3A_117 = vector.broadcast %sign3A_116 : i32 to vector<16xi32>
    %sign3A_118 = arith.cmpi sgt, %add3A_108, %sign3A_117 : vector<16xi32>
    %sign3A_119 = arith.extui %sign3A_118 : vector<16xi1> to vector<16xi32>
    %sign3A_120 = arith.constant 0 : i32
    %sign3A_121 = vector.broadcast %sign3A_120 : i32 to vector<16xi32>
    %sign3A_122 = arith.cmpi slt, %add3A_108, %sign3A_121 : vector<16xi32>
    %sign3A_123 = arith.extui %sign3A_122 : vector<16xi1> to vector<16xi32>
    %sign3A_124 = arith.subi %sign3A_119, %sign3A_123 : vector<16xi32>
    %sign3A_125 = arith.constant 0 : i32
    %sign3A_126 = arith.cmpi sgt, %jit3A_113, %sign3A_125 : i32
    %sign3A_127 = arith.extui %sign3A_126 : i1 to i32
    %sign3A_128 = arith.constant 0 : i32
    %sign3A_129 = arith.cmpi slt, %jit3A_113, %sign3A_128 : i32
    %sign3A_130 = arith.extui %sign3A_129 : i1 to i32
    %sign3A_131 = arith.subi %sign3A_127, %sign3A_130 : i32
    %ne3A_132 = vector.broadcast %sign3A_131 : i32 to vector<16xi32>
    %ne3A_133 = arith.cmpi ne, %sign3A_124, %ne3A_132 : vector<16xi32>
    %rem3A_134 = vector.broadcast %jit3A_113 : i32 to vector<16xi32>
    %rem3A_135 = arith.remsi %add3A_108, %rem3A_134 : vector<16xi32>
    %ne3A_136 = arith.constant 0 : i32
    %ne3A_137 = vector.broadcast %ne3A_136 : i32 to vector<16xi32>
    %ne3A_138 = arith.cmpi ne, %rem3A_135, %ne3A_137 : vector<16xi32>
    %and3A_139 = arith.andi %ne3A_133, %ne3A_138 : vector<16xi1>
    %sub3A_140 = arith.constant 1 : i32
    %sub3A_141 = vector.broadcast %sub3A_140 : i32 to vector<16xi32>
    %sub3A_142 = arith.subi %div3A_115, %sub3A_141 : vector<16xi32>
    %select_n3A_143 = arith.select %and3A_139, %sub3A_142, %div3A_115 : vector<16xi1>, vector<16xi32>
    %mul3A_144 = arith.constant 26 : i32
    %mul3A_145 = vector.broadcast %mul3A_144 : i32 to vector<16xi32>
    %mul3A_146 = arith.muli %select_n3A_143, %mul3A_145 : vector<16xi32>
    %sub3A_147 = arith.subi %add3A_108, %mul3A_146 : vector<16xi32>
    %lt3A_148 = arith.constant 26 : i32
    %lt3A_149 = vector.broadcast %lt3A_148 : i32 to vector<16xi32>
    %lt3A_150 = arith.cmpi slt, %add3A_108, %lt3A_149 : vector<16xi32>
    tpu.vector_store_idx %arg6[%select_n3A_143, %sub3A_147, %gather3A_112], %broadcast_in_dim3A_3 masked %lt3A_150 : memref<1x26x1000xf32, #tpu.memory_space<vmem>>[vector<16xi32>, vector<16xi32>, vector<16xi32>], vector<16xf32>, vector<16xi1>
    %add3A_151 = arith.constant 16 : i32
    %add3A_152 = vector.broadcast %add3A_151 : i32 to vector<16xi32>
    %add3A_153 = arith.addi %iota3A, %add3A_152 : vector<16xi32>
    %add3A_154 = arith.constant 42 : i32
    %add3A_155 = vector.broadcast %add3A_154 : i32 to vector<16xi32>
    %add3A_156 = arith.addi %add3A_155, %iota3A : vector<16xi32>
    %gather3A_157 = tpu.vector_load_idx %arg4[%add3A_156] : memref<848xi32, #tpu.memory_space<vmem>>[vector<16xi32>], vector<16xi32>,
    %jit3A_158 = arith.constant 26 : i32
    %div3A_159 = vector.broadcast %jit3A_158 : i32 to vector<16xi32>
    %div3A_160 = arith.divsi %add3A_153, %div3A_159 : vector<16xi32>
    %sign3A_161 = arith.constant 0 : i32
    %sign3A_162 = vector.broadcast %sign3A_161 : i32 to vector<16xi32>
    %sign3A_163 = arith.cmpi sgt, %add3A_153, %sign3A_162 : vector<16xi32>
    %sign3A_164 = arith.extui %sign3A_163 : vector<16xi1> to vector<16xi32>
    %sign3A_165 = arith.constant 0 : i32
    %sign3A_166 = vector.broadcast %sign3A_165 : i32 to vector<16xi32>
    %sign3A_167 = arith.cmpi slt, %add3A_153, %sign3A_166 : vector<16xi32>
    %sign3A_168 = arith.extui %sign3A_167 : vector<16xi1> to vector<16xi32>
    %sign3A_169 = arith.subi %sign3A_164, %sign3A_168 : vector<16xi32>
    %sign3A_170 = arith.constant 0 : i32
    %sign3A_171 = arith.cmpi sgt, %jit3A_158, %sign3A_170 : i32
    %sign3A_172 = arith.extui %sign3A_171 : i1 to i32
    %sign3A_173 = arith.constant 0 : i32
    %sign3A_174 = arith.cmpi slt, %jit3A_158, %sign3A_173 : i32
    %sign3A_175 = arith.extui %sign3A_174 : i1 to i32
    %sign3A_176 = arith.subi %sign3A_172, %sign3A_175 : i32
    %ne3A_177 = vector.broadcast %sign3A_176 : i32 to vector<16xi32>
    %ne3A_178 = arith.cmpi ne, %sign3A_169, %ne3A_177 : vector<16xi32>
    %rem3A_179 = vector.broadcast %jit3A_158 : i32 to vector<16xi32>
    %rem3A_180 = arith.remsi %add3A_153, %rem3A_179 : vector<16xi32>
    %ne3A_181 = arith.constant 0 : i32
    %ne3A_182 = vector.broadcast %ne3A_181 : i32 to vector<16xi32>
    %ne3A_183 = arith.cmpi ne, %rem3A_180, %ne3A_182 : vector<16xi32>
    %and3A_184 = arith.andi %ne3A_178, %ne3A_183 : vector<16xi1>
    %sub3A_185 = arith.constant 1 : i32
    %sub3A_186 = vector.broadcast %sub3A_185 : i32 to vector<16xi32>
    %sub3A_187 = arith.subi %div3A_160, %sub3A_186 : vector<16xi32>
    %select_n3A_188 = arith.select %and3A_184, %sub3A_187, %div3A_160 : vector<16xi1>, vector<16xi32>
    %mul3A_189 = arith.constant 26 : i32
    %mul3A_190 = vector.broadcast %mul3A_189 : i32 to vector<16xi32>
    %mul3A_191 = arith.muli %select_n3A_188, %mul3A_190 : vector<16xi32>
    %sub3A_192 = arith.subi %add3A_153, %mul3A_191 : vector<16xi32>
    %lt3A_193 = arith.constant 26 : i32
    %lt3A_194 = vector.broadcast %lt3A_193 : i32 to vector<16xi32>
    %lt3A_195 = arith.cmpi slt, %add3A_153, %lt3A_194 : vector<16xi32>
    tpu.vector_store_idx %arg6[%select_n3A_188, %sub3A_192, %gather3A_157], %broadcast_in_dim3A_3 masked %lt3A_195 : memref<1x26x1000xf32, #tpu.memory_space<vmem>>[vector<16xi32>, vector<16xi32>, vector<16xi32>], vector<16xf32>, vector<16xi1>
    %mul3A_196 = arith.constant 32 : i32
    %mul3A_197 = arith.muli %add3A, %mul3A_196 : i32
    %add3A_198 = arith.constant 1 : i32
    %add3A_199 = arith.addi %mul3A_197, %add3A_198 : i32
    %dma_start3A_200 = arith.constant 0 : i32
    %dma_start3A_201 = arith.constant 0 : i32
    %dma_start3A_202 = tpu.memref_slice %arg3[%add3A_199, %dma_start3A_200, %dma_start3A_201] : memref<1024x26x1000xf32, #tpu.memory_space<hbm>> -> memref<1x26x1000xf32, #tpu.memory_space<hbm>>
    %dma_start3A_203 = arith.constant 0 : i32
    %dma_start3A_204 = arith.constant 0 : i32
    %dma_start3A_205 = tpu.memref_slice %arg3[%add3A_199, %dma_start3A_203, %dma_start3A_204] : memref<1024x26x1000xf32, #tpu.memory_space<hbm>> -> memref<1x26x1000xf32, #tpu.memory_space<hbm>>
    tpu.enqueue_dma source(%arg6 : memref<1x26x1000xf32, #tpu.memory_space<vmem>>) target(%dma_start3A_205 : memref<1x26x1000xf32, #tpu.memory_space<hbm>>) target_semaphore(%arg8 : memref<!tpu.dma_semaphore, #tpu.memory_space<semaphore_mem>>)
    %scan3A_206 = arith.constant 0 : i32
    %scan3A_207 = arith.constant 1 : i32
    %scan3A_208 = arith.constant 15 : i32
    %scan3A_209 = arith.addi %scan3A_207, %scan3A_208 : i32
    %scan3A_210 = arith.constant 1 : i32
    scf.for %scan3A_231 = %scan3A_207 to %scan3A_209 step %scan3A_210  : i32 {
      %mul3A_232 = arith.constant 2 : i32
      %mul3A_233 = arith.muli %mul3A_232, %scan3A_231 : i32
      %sub3A_234 = arith.constant 2 : i32
      %sub3A_235 = arith.subi %mul3A_233, %sub3A_234 : i32
      %mul3A_236 = arith.constant 32 : i32
      %mul3A_237 = arith.muli %add3A, %mul3A_236 : i32
      %mul3A_238 = arith.constant 1 : i32
      %mul3A_239 = arith.muli %sub3A_235, %mul3A_238 : i32
      %add3A_240 = arith.addi %mul3A_237, %mul3A_239 : i32
      %dma_wait3A_241 = arith.constant 0 : i32
      %dma_wait3A_242 = arith.constant 0 : i32
      %dma_wait3A_243 = tpu.memref_slice %arg3[%add3A_240, %dma_wait3A_241, %dma_wait3A_242] : memref<1024x26x1000xf32, #tpu.memory_space<hbm>> -> memref<1x26x1000xf32, #tpu.memory_space<hbm>>
      %dma_wait3A_244 = arith.constant 0 : i32
      %dma_wait3A_245 = arith.constant 0 : i32
      %dma_wait3A_246 = tpu.memref_slice %arg3[%add3A_240, %dma_wait3A_244, %dma_wait3A_245] : memref<1024x26x1000xf32, #tpu.memory_space<hbm>> -> memref<1x26x1000xf32, #tpu.memory_space<hbm>>
      tpu.wait_dma2 semaphore(%arg7 : memref<!tpu.dma_semaphore, #tpu.memory_space<semaphore_mem>>) src(%arg5 : memref<1x26x1000xf32, #tpu.memory_space<vmem>>) dst(%dma_wait3A_246 : memref<1x26x1000xf32, #tpu.memory_space<hbm>>)
      %sub3A_247 = arith.constant 2 : i32
      %sub3A_248 = arith.subi %mul3A_233, %sub3A_247 : i32
      %mul3A_249 = arith.constant 26 : i32
      %mul3A_250 = arith.muli %sub3A_248, %mul3A_249 : i32
      %add3A_251 = arith.constant 0 : i32
      %add3A_252 = vector.broadcast %add3A_251 : i32 to vector<16xi32>
      %add3A_253 = arith.addi %iota3A, %add3A_252 : vector<16xi32>
      %add3A_254 = arith.constant 0 : i32
      %add3A_255 = arith.addi %mul3A_250, %add3A_254 : i32
      %add3A_256 = vector.broadcast %add3A_255 : i32 to vector<16xi32>
      %add3A_257 = arith.addi %add3A_256, %iota3A : vector<16xi32>
      %gather3A_258 = tpu.vector_load_idx %arg4[%add3A_257] : memref<848xi32, #tpu.memory_space<vmem>>[vector<16xi32>], vector<16xi32>,
      %jit3A_259 = arith.constant 26 : i32
      %div3A_260 = vector.broadcast %jit3A_259 : i32 to vector<16xi32>
      %div3A_261 = arith.divsi %add3A_253, %div3A_260 : vector<16xi32>
      %sign3A_262 = arith.constant 0 : i32
      %sign3A_263 = vector.broadcast %sign3A_262 : i32 to vector<16xi32>
      %sign3A_264 = arith.cmpi sgt, %add3A_253, %sign3A_263 : vector<16xi32>
      %sign3A_265 = arith.extui %sign3A_264 : vector<16xi1> to vector<16xi32>
      %sign3A_266 = arith.constant 0 : i32
      %sign3A_267 = vector.broadcast %sign3A_266 : i32 to vector<16xi32>
      %sign3A_268 = arith.cmpi slt, %add3A_253, %sign3A_267 : vector<16xi32>
      %sign3A_269 = arith.extui %sign3A_268 : vector<16xi1> to vector<16xi32>
      %sign3A_270 = arith.subi %sign3A_265, %sign3A_269 : vector<16xi32>
      %sign3A_271 = arith.constant 0 : i32
      %sign3A_272 = arith.cmpi sgt, %jit3A_259, %sign3A_271 : i32
      %sign3A_273 = arith.extui %sign3A_272 : i1 to i32
      %sign3A_274 = arith.constant 0 : i32
      %sign3A_275 = arith.cmpi slt, %jit3A_259, %sign3A_274 : i32
      %sign3A_276 = arith.extui %sign3A_275 : i1 to i32
      %sign3A_277 = arith.subi %sign3A_273, %sign3A_276 : i32
      %ne3A_278 = vector.broadcast %sign3A_277 : i32 to vector<16xi32>
      %ne3A_279 = arith.cmpi ne, %sign3A_270, %ne3A_278 : vector<16xi32>
      %rem3A_280 = vector.broadcast %jit3A_259 : i32 to vector<16xi32>
      %rem3A_281 = arith.remsi %add3A_253, %rem3A_280 : vector<16xi32>
      %ne3A_282 = arith.constant 0 : i32
      %ne3A_283 = vector.broadcast %ne3A_282 : i32 to vector<16xi32>
      %ne3A_284 = arith.cmpi ne, %rem3A_281, %ne3A_283 : vector<16xi32>
      %and3A_285 = arith.andi %ne3A_279, %ne3A_284 : vector<16xi1>
      %sub3A_286 = arith.constant 1 : i32
      %sub3A_287 = vector.broadcast %sub3A_286 : i32 to vector<16xi32>
      %sub3A_288 = arith.subi %div3A_261, %sub3A_287 : vector<16xi32>
      %select_n3A_289 = arith.select %and3A_285, %sub3A_288, %div3A_261 : vector<16xi1>, vector<16xi32>
      %mul3A_290 = arith.constant 26 : i32
      %mul3A_291 = vector.broadcast %mul3A_290 : i32 to vector<16xi32>
      %mul3A_292 = arith.muli %select_n3A_289, %mul3A_291 : vector<16xi32>
      %sub3A_293 = arith.subi %add3A_253, %mul3A_292 : vector<16xi32>
      %lt3A_294 = arith.constant 26 : i32
      %lt3A_295 = vector.broadcast %lt3A_294 : i32 to vector<16xi32>
      %lt3A_296 = arith.cmpi slt, %add3A_253, %lt3A_295 : vector<16xi32>
      tpu.vector_store_idx %arg5[%select_n3A_289, %sub3A_293, %gather3A_258], %broadcast_in_dim3A_1 masked %lt3A_296 : memref<1x26x1000xf32, #tpu.memory_space<vmem>>[vector<16xi32>, vector<16xi32>, vector<16xi32>], vector<16xf32>, vector<16xi1>
      %add3A_297 = arith.constant 16 : i32
      %add3A_298 = vector.broadcast %add3A_297 : i32 to vector<16xi32>
      %add3A_299 = arith.addi %iota3A, %add3A_298 : vector<16xi32>
      %add3A_300 = arith.constant 16 : i32
      %add3A_301 = arith.addi %mul3A_250, %add3A_300 : i32
      %add3A_302 = vector.broadcast %add3A_301 : i32 to vector<16xi32>
      %add3A_303 = arith.addi %add3A_302, %iota3A : vector<16xi32>
      %gather3A_304 = tpu.vector_load_idx %arg4[%add3A_303] : memref<848xi32, #tpu.memory_space<vmem>>[vector<16xi32>], vector<16xi32>,
      %jit3A_305 = arith.constant 26 : i32
      %div3A_306 = vector.broadcast %jit3A_305 : i32 to vector<16xi32>
      %div3A_307 = arith.divsi %add3A_299, %div3A_306 : vector<16xi32>
      %sign3A_308 = arith.constant 0 : i32
      %sign3A_309 = vector.broadcast %sign3A_308 : i32 to vector<16xi32>
      %sign3A_310 = arith.cmpi sgt, %add3A_299, %sign3A_309 : vector<16xi32>
      %sign3A_311 = arith.extui %sign3A_310 : vector<16xi1> to vector<16xi32>
      %sign3A_312 = arith.constant 0 : i32
      %sign3A_313 = vector.broadcast %sign3A_312 : i32 to vector<16xi32>
      %sign3A_314 = arith.cmpi slt, %add3A_299, %sign3A_313 : vector<16xi32>
      %sign3A_315 = arith.extui %sign3A_314 : vector<16xi1> to vector<16xi32>
      %sign3A_316 = arith.subi %sign3A_311, %sign3A_315 : vector<16xi32>
      %sign3A_317 = arith.constant 0 : i32
      %sign3A_318 = arith.cmpi sgt, %jit3A_305, %sign3A_317 : i32
      %sign3A_319 = arith.extui %sign3A_318 : i1 to i32
      %sign3A_320 = arith.constant 0 : i32
      %sign3A_321 = arith.cmpi slt, %jit3A_305, %sign3A_320 : i32
      %sign3A_322 = arith.extui %sign3A_321 : i1 to i32
      %sign3A_323 = arith.subi %sign3A_319, %sign3A_322 : i32
      %ne3A_324 = vector.broadcast %sign3A_323 : i32 to vector<16xi32>
      %ne3A_325 = arith.cmpi ne, %sign3A_316, %ne3A_324 : vector<16xi32>
      %rem3A_326 = vector.broadcast %jit3A_305 : i32 to vector<16xi32>
      %rem3A_327 = arith.remsi %add3A_299, %rem3A_326 : vector<16xi32>
      %ne3A_328 = arith.constant 0 : i32
      %ne3A_329 = vector.broadcast %ne3A_328 : i32 to vector<16xi32>
      %ne3A_330 = arith.cmpi ne, %rem3A_327, %ne3A_329 : vector<16xi32>
      %and3A_331 = arith.andi %ne3A_325, %ne3A_330 : vector<16xi1>
      %sub3A_332 = arith.constant 1 : i32
      %sub3A_333 = vector.broadcast %sub3A_332 : i32 to vector<16xi32>
      %sub3A_334 = arith.subi %div3A_307, %sub3A_333 : vector<16xi32>
      %select_n3A_335 = arith.select %and3A_331, %sub3A_334, %div3A_307 : vector<16xi1>, vector<16xi32>
      %mul3A_336 = arith.constant 26 : i32
      %mul3A_337 = vector.broadcast %mul3A_336 : i32 to vector<16xi32>
      %mul3A_338 = arith.muli %select_n3A_335, %mul3A_337 : vector<16xi32>
      %sub3A_339 = arith.subi %add3A_299, %mul3A_338 : vector<16xi32>
      %lt3A_340 = arith.constant 26 : i32
      %lt3A_341 = vector.broadcast %lt3A_340 : i32 to vector<16xi32>
      %lt3A_342 = arith.cmpi slt, %add3A_299, %lt3A_341 : vector<16xi32>
      tpu.vector_store_idx %arg5[%select_n3A_335, %sub3A_339, %gather3A_304], %broadcast_in_dim3A_1 masked %lt3A_342 : memref<1x26x1000xf32, #tpu.memory_space<vmem>>[vector<16xi32>, vector<16xi32>, vector<16xi32>], vector<16xf32>, vector<16xi1>
      %mul3A_343 = arith.constant 26 : i32
      %mul3A_344 = arith.muli %mul3A_233, %mul3A_343 : i32
      %add3A_345 = arith.constant 0 : i32
      %add3A_346 = vector.broadcast %add3A_345 : i32 to vector<16xi32>
      %add3A_347 = arith.addi %iota3A, %add3A_346 : vector<16xi32>
      %add3A_348 = arith.constant 0 : i32
      %add3A_349 = arith.addi %mul3A_344, %add3A_348 : i32
      %add3A_350 = vector.broadcast %add3A_349 : i32 to vector<16xi32>
      %add3A_351 = arith.addi %add3A_350, %iota3A : vector<16xi32>
      %gather3A_352 = tpu.vector_load_idx %arg4[%add3A_351] : memref<848xi32, #tpu.memory_space<vmem>>[vector<16xi32>], vector<16xi32>,
      %jit3A_353 = arith.constant 26 : i32
      %div3A_354 = vector.broadcast %jit3A_353 : i32 to vector<16xi32>
      %div3A_355 = arith.divsi %add3A_347, %div3A_354 : vector<16xi32>
      %sign3A_356 = arith.constant 0 : i32
      %sign3A_357 = vector.broadcast %sign3A_356 : i32 to vector<16xi32>
      %sign3A_358 = arith.cmpi sgt, %add3A_347, %sign3A_357 : vector<16xi32>
      %sign3A_359 = arith.extui %sign3A_358 : vector<16xi1> to vector<16xi32>
      %sign3A_360 = arith.constant 0 : i32
      %sign3A_361 = vector.broadcast %sign3A_360 : i32 to vector<16xi32>
      %sign3A_362 = arith.cmpi slt, %add3A_347, %sign3A_361 : vector<16xi32>
      %sign3A_363 = arith.extui %sign3A_362 : vector<16xi1> to vector<16xi32>
      %sign3A_364 = arith.subi %sign3A_359, %sign3A_363 : vector<16xi32>
      %sign3A_365 = arith.constant 0 : i32
      %sign3A_366 = arith.cmpi sgt, %jit3A_353, %sign3A_365 : i32
      %sign3A_367 = arith.extui %sign3A_366 : i1 to i32
      %sign3A_368 = arith.constant 0 : i32
      %sign3A_369 = arith.cmpi slt, %jit3A_353, %sign3A_368 : i32
      %sign3A_370 = arith.extui %sign3A_369 : i1 to i32
      %sign3A_371 = arith.subi %sign3A_367, %sign3A_370 : i32
      %ne3A_372 = vector.broadcast %sign3A_371 : i32 to vector<16xi32>
      %ne3A_373 = arith.cmpi ne, %sign3A_364, %ne3A_372 : vector<16xi32>
      %rem3A_374 = vector.broadcast %jit3A_353 : i32 to vector<16xi32>
      %rem3A_375 = arith.remsi %add3A_347, %rem3A_374 : vector<16xi32>
      %ne3A_376 = arith.constant 0 : i32
      %ne3A_377 = vector.broadcast %ne3A_376 : i32 to vector<16xi32>
      %ne3A_378 = arith.cmpi ne, %rem3A_375, %ne3A_377 : vector<16xi32>
      %and3A_379 = arith.andi %ne3A_373, %ne3A_378 : vector<16xi1>
      %sub3A_380 = arith.constant 1 : i32
      %sub3A_381 = vector.broadcast %sub3A_380 : i32 to vector<16xi32>
      %sub3A_382 = arith.subi %div3A_355, %sub3A_381 : vector<16xi32>
      %select_n3A_383 = arith.select %and3A_379, %sub3A_382, %div3A_355 : vector<16xi1>, vector<16xi32>
      %mul3A_384 = arith.constant 26 : i32
      %mul3A_385 = vector.broadcast %mul3A_384 : i32 to vector<16xi32>
      %mul3A_386 = arith.muli %select_n3A_383, %mul3A_385 : vector<16xi32>
      %sub3A_387 = arith.subi %add3A_347, %mul3A_386 : vector<16xi32>
      %lt3A_388 = arith.constant 26 : i32
      %lt3A_389 = vector.broadcast %lt3A_388 : i32 to vector<16xi32>
      %lt3A_390 = arith.cmpi slt, %add3A_347, %lt3A_389 : vector<16xi32>
      tpu.vector_store_idx %arg5[%select_n3A_383, %sub3A_387, %gather3A_352], %broadcast_in_dim3A_3 masked %lt3A_390 : memref<1x26x1000xf32, #tpu.memory_space<vmem>>[vector<16xi32>, vector<16xi32>, vector<16xi32>], vector<16xf32>, vector<16xi1>
      %add3A_391 = arith.constant 16 : i32
      %add3A_392 = vector.broadcast %add3A_391 : i32 to vector<16xi32>
      %add3A_393 = arith.addi %iota3A, %add3A_392 : vector<16xi32>
      %add3A_394 = arith.constant 16 : i32
      %add3A_395 = arith.addi %mul3A_344, %add3A_394 : i32
      %add3A_396 = vector.broadcast %add3A_395 : i32 to vector<16xi32>
      %add3A_397 = arith.addi %add3A_396, %iota3A : vector<16xi32>
      %gather3A_398 = tpu.vector_load_idx %arg4[%add3A_397] : memref<848xi32, #tpu.memory_space<vmem>>[vector<16xi32>], vector<16xi32>,
      %jit3A_399 = arith.constant 26 : i32
      %div3A_400 = vector.broadcast %jit3A_399 : i32 to vector<16xi32>
      %div3A_401 = arith.divsi %add3A_393, %div3A_400 : vector<16xi32>
      %sign3A_402 = arith.constant 0 : i32
      %sign3A_403 = vector.broadcast %sign3A_402 : i32 to vector<16xi32>
      %sign3A_404 = arith.cmpi sgt, %add3A_393, %sign3A_403 : vector<16xi32>
      %sign3A_405 = arith.extui %sign3A_404 : vector<16xi1> to vector<16xi32>
      %sign3A_406 = arith.constant 0 : i32
      %sign3A_407 = vector.broadcast %sign3A_406 : i32 to vector<16xi32>
      %sign3A_408 = arith.cmpi slt, %add3A_393, %sign3A_407 : vector<16xi32>
      %sign3A_409 = arith.extui %sign3A_408 : vector<16xi1> to vector<16xi32>
      %sign3A_410 = arith.subi %sign3A_405, %sign3A_409 : vector<16xi32>
      %sign3A_411 = arith.constant 0 : i32
      %sign3A_412 = arith.cmpi sgt, %jit3A_399, %sign3A_411 : i32
      %sign3A_413 = arith.extui %sign3A_412 : i1 to i32
      %sign3A_414 = arith.constant 0 : i32
      %sign3A_415 = arith.cmpi slt, %jit3A_399, %sign3A_414 : i32
      %sign3A_416 = arith.extui %sign3A_415 : i1 to i32
      %sign3A_417 = arith.subi %sign3A_413, %sign3A_416 : i32
      %ne3A_418 = vector.broadcast %sign3A_417 : i32 to vector<16xi32>
      %ne3A_419 = arith.cmpi ne, %sign3A_410, %ne3A_418 : vector<16xi32>
      %rem3A_420 = vector.broadcast %jit3A_399 : i32 to vector<16xi32>
      %rem3A_421 = arith.remsi %add3A_393, %rem3A_420 : vector<16xi32>
      %ne3A_422 = arith.constant 0 : i32
      %ne3A_423 = vector.broadcast %ne3A_422 : i32 to vector<16xi32>
      %ne3A_424 = arith.cmpi ne, %rem3A_421, %ne3A_423 : vector<16xi32>
      %and3A_425 = arith.andi %ne3A_419, %ne3A_424 : vector<16xi1>
      %sub3A_426 = arith.constant 1 : i32
      %sub3A_427 = vector.broadcast %sub3A_426 : i32 to vector<16xi32>
      %sub3A_428 = arith.subi %div3A_401, %sub3A_427 : vector<16xi32>
      %select_n3A_429 = arith.select %and3A_425, %sub3A_428, %div3A_401 : vector<16xi1>, vector<16xi32>
      %mul3A_430 = arith.constant 26 : i32
      %mul3A_431 = vector.broadcast %mul3A_430 : i32 to vector<16xi32>
      %mul3A_432 = arith.muli %select_n3A_429, %mul3A_431 : vector<16xi32>
      %sub3A_433 = arith.subi %add3A_393, %mul3A_432 : vector<16xi32>
      %lt3A_434 = arith.constant 26 : i32
      %lt3A_435 = vector.broadcast %lt3A_434 : i32 to vector<16xi32>
      %lt3A_436 = arith.cmpi slt, %add3A_393, %lt3A_435 : vector<16xi32>
      tpu.vector_store_idx %arg5[%select_n3A_429, %sub3A_433, %gather3A_398], %broadcast_in_dim3A_3 masked %lt3A_436 : memref<1x26x1000xf32, #tpu.memory_space<vmem>>[vector<16xi32>, vector<16xi32>, vector<16xi32>], vector<16xf32>, vector<16xi1>
      %mul3A_437 = arith.constant 32 : i32
      %mul3A_438 = arith.muli %add3A, %mul3A_437 : i32
      %mul3A_439 = arith.constant 1 : i32
      %mul3A_440 = arith.muli %mul3A_233, %mul3A_439 : i32
      %add3A_441 = arith.addi %mul3A_438, %mul3A_440 : i32
      %dma_start3A_442 = arith.constant 0 : i32
      %dma_start3A_443 = arith.constant 0 : i32
      %dma_start3A_444 = tpu.memref_slice %arg3[%add3A_441, %dma_start3A_442, %dma_start3A_443] : memref<1024x26x1000xf32, #tpu.memory_space<hbm>> -> memref<1x26x1000xf32, #tpu.memory_space<hbm>>
      %dma_start3A_445 = arith.constant 0 : i32
      %dma_start3A_446 = arith.constant 0 : i32
      %dma_start3A_447 = tpu.memref_slice %arg3[%add3A_441, %dma_start3A_445, %dma_start3A_446] : memref<1024x26x1000xf32, #tpu.memory_space<hbm>> -> memref<1x26x1000xf32, #tpu.memory_space<hbm>>
      tpu.enqueue_dma source(%arg5 : memref<1x26x1000xf32, #tpu.memory_space<vmem>>) target(%dma_start3A_447 : memref<1x26x1000xf32, #tpu.memory_space<hbm>>) target_semaphore(%arg7 : memref<!tpu.dma_semaphore, #tpu.memory_space<semaphore_mem>>)
      %mul3A_448 = arith.constant 2 : i32
      %mul3A_449 = arith.muli %mul3A_448, %scan3A_231 : i32
      %add3A_450 = arith.constant 1 : i32
      %add3A_451 = arith.addi %mul3A_449, %add3A_450 : i32
      %sub3A_452 = arith.constant 2 : i32
      %sub3A_453 = arith.subi %add3A_451, %sub3A_452 : i32
      %mul3A_454 = arith.constant 32 : i32
      %mul3A_455 = arith.muli %add3A, %mul3A_454 : i32
      %mul3A_456 = arith.constant 1 : i32
      %mul3A_457 = arith.muli %sub3A_453, %mul3A_456 : i32
      %add3A_458 = arith.addi %mul3A_455, %mul3A_457 : i32
      %dma_wait3A_459 = arith.constant 0 : i32
      %dma_wait3A_460 = arith.constant 0 : i32
      %dma_wait3A_461 = tpu.memref_slice %arg3[%add3A_458, %dma_wait3A_459, %dma_wait3A_460] : memref<1024x26x1000xf32, #tpu.memory_space<hbm>> -> memref<1x26x1000xf32, #tpu.memory_space<hbm>>
      %dma_wait3A_462 = arith.constant 0 : i32
      %dma_wait3A_463 = arith.constant 0 : i32
      %dma_wait3A_464 = tpu.memref_slice %arg3[%add3A_458, %dma_wait3A_462, %dma_wait3A_463] : memref<1024x26x1000xf32, #tpu.memory_space<hbm>> -> memref<1x26x1000xf32, #tpu.memory_space<hbm>>
      tpu.wait_dma2 semaphore(%arg8 : memref<!tpu.dma_semaphore, #tpu.memory_space<semaphore_mem>>) src(%arg6 : memref<1x26x1000xf32, #tpu.memory_space<vmem>>) dst(%dma_wait3A_464 : memref<1x26x1000xf32, #tpu.memory_space<hbm>>)
      %sub3A_465 = arith.constant 2 : i32
      %sub3A_466 = arith.subi %add3A_451, %sub3A_465 : i32
      %mul3A_467 = arith.constant 26 : i32
      %mul3A_468 = arith.muli %sub3A_466, %mul3A_467 : i32
      %add3A_469 = arith.constant 0 : i32
      %add3A_470 = vector.broadcast %add3A_469 : i32 to vector<16xi32>
      %add3A_471 = arith.addi %iota3A, %add3A_470 : vector<16xi32>
      %add3A_472 = arith.constant 0 : i32
      %add3A_473 = arith.addi %mul3A_468, %add3A_472 : i32
      %add3A_474 = vector.broadcast %add3A_473 : i32 to vector<16xi32>
      %add3A_475 = arith.addi %add3A_474, %iota3A : vector<16xi32>
      %gather3A_476 = tpu.vector_load_idx %arg4[%add3A_475] : memref<848xi32, #tpu.memory_space<vmem>>[vector<16xi32>], vector<16xi32>,
      %jit3A_477 = arith.constant 26 : i32
      %div3A_478 = vector.broadcast %jit3A_477 : i32 to vector<16xi32>
      %div3A_479 = arith.divsi %add3A_471, %div3A_478 : vector<16xi32>
      %sign3A_480 = arith.constant 0 : i32
      %sign3A_481 = vector.broadcast %sign3A_480 : i32 to vector<16xi32>
      %sign3A_482 = arith.cmpi sgt, %add3A_471, %sign3A_481 : vector<16xi32>
      %sign3A_483 = arith.extui %sign3A_482 : vector<16xi1> to vector<16xi32>
      %sign3A_484 = arith.constant 0 : i32
      %sign3A_485 = vector.broadcast %sign3A_484 : i32 to vector<16xi32>
      %sign3A_486 = arith.cmpi slt, %add3A_471, %sign3A_485 : vector<16xi32>
      %sign3A_487 = arith.extui %sign3A_486 : vector<16xi1> to vector<16xi32>
      %sign3A_488 = arith.subi %sign3A_483, %sign3A_487 : vector<16xi32>
      %sign3A_489 = arith.constant 0 : i32
      %sign3A_490 = arith.cmpi sgt, %jit3A_477, %sign3A_489 : i32
      %sign3A_491 = arith.extui %sign3A_490 : i1 to i32
      %sign3A_492 = arith.constant 0 : i32
      %sign3A_493 = arith.cmpi slt, %jit3A_477, %sign3A_492 : i32
      %sign3A_494 = arith.extui %sign3A_493 : i1 to i32
      %sign3A_495 = arith.subi %sign3A_491, %sign3A_494 : i32
      %ne3A_496 = vector.broadcast %sign3A_495 : i32 to vector<16xi32>
      %ne3A_497 = arith.cmpi ne, %sign3A_488, %ne3A_496 : vector<16xi32>
      %rem3A_498 = vector.broadcast %jit3A_477 : i32 to vector<16xi32>
      %rem3A_499 = arith.remsi %add3A_471, %rem3A_498 : vector<16xi32>
      %ne3A_500 = arith.constant 0 : i32
      %ne3A_501 = vector.broadcast %ne3A_500 : i32 to vector<16xi32>
      %ne3A_502 = arith.cmpi ne, %rem3A_499, %ne3A_501 : vector<16xi32>
      %and3A_503 = arith.andi %ne3A_497, %ne3A_502 : vector<16xi1>
      %sub3A_504 = arith.constant 1 : i32
      %sub3A_505 = vector.broadcast %sub3A_504 : i32 to vector<16xi32>
      %sub3A_506 = arith.subi %div3A_479, %sub3A_505 : vector<16xi32>
      %select_n3A_507 = arith.select %and3A_503, %sub3A_506, %div3A_479 : vector<16xi1>, vector<16xi32>
      %mul3A_508 = arith.constant 26 : i32
      %mul3A_509 = vector.broadcast %mul3A_508 : i32 to vector<16xi32>
      %mul3A_510 = arith.muli %select_n3A_507, %mul3A_509 : vector<16xi32>
      %sub3A_511 = arith.subi %add3A_471, %mul3A_510 : vector<16xi32>
      %lt3A_512 = arith.constant 26 : i32
      %lt3A_513 = vector.broadcast %lt3A_512 : i32 to vector<16xi32>
      %lt3A_514 = arith.cmpi slt, %add3A_471, %lt3A_513 : vector<16xi32>
      tpu.vector_store_idx %arg6[%select_n3A_507, %sub3A_511, %gather3A_476], %broadcast_in_dim3A_1 masked %lt3A_514 : memref<1x26x1000xf32, #tpu.memory_space<vmem>>[vector<16xi32>, vector<16xi32>, vector<16xi32>], vector<16xf32>, vector<16xi1>
      %add3A_515 = arith.constant 16 : i32
      %add3A_516 = vector.broadcast %add3A_515 : i32 to vector<16xi32>
      %add3A_517 = arith.addi %iota3A, %add3A_516 : vector<16xi32>
      %add3A_518 = arith.constant 16 : i32
      %add3A_519 = arith.addi %mul3A_468, %add3A_518 : i32
      %add3A_520 = vector.broadcast %add3A_519 : i32 to vector<16xi32>
      %add3A_521 = arith.addi %add3A_520, %iota3A : vector<16xi32>
      %gather3A_522 = tpu.vector_load_idx %arg4[%add3A_521] : memref<848xi32, #tpu.memory_space<vmem>>[vector<16xi32>], vector<16xi32>,
      %jit3A_523 = arith.constant 26 : i32
      %div3A_524 = vector.broadcast %jit3A_523 : i32 to vector<16xi32>
      %div3A_525 = arith.divsi %add3A_517, %div3A_524 : vector<16xi32>
      %sign3A_526 = arith.constant 0 : i32
      %sign3A_527 = vector.broadcast %sign3A_526 : i32 to vector<16xi32>
      %sign3A_528 = arith.cmpi sgt, %add3A_517, %sign3A_527 : vector<16xi32>
      %sign3A_529 = arith.extui %sign3A_528 : vector<16xi1> to vector<16xi32>
      %sign3A_530 = arith.constant 0 : i32
      %sign3A_531 = vector.broadcast %sign3A_530 : i32 to vector<16xi32>
      %sign3A_532 = arith.cmpi slt, %add3A_517, %sign3A_531 : vector<16xi32>
      %sign3A_533 = arith.extui %sign3A_532 : vector<16xi1> to vector<16xi32>
      %sign3A_534 = arith.subi %sign3A_529, %sign3A_533 : vector<16xi32>
      %sign3A_535 = arith.constant 0 : i32
      %sign3A_536 = arith.cmpi sgt, %jit3A_523, %sign3A_535 : i32
      %sign3A_537 = arith.extui %sign3A_536 : i1 to i32
      %sign3A_538 = arith.constant 0 : i32
      %sign3A_539 = arith.cmpi slt, %jit3A_523, %sign3A_538 : i32
      %sign3A_540 = arith.extui %sign3A_539 : i1 to i32
      %sign3A_541 = arith.subi %sign3A_537, %sign3A_540 : i32
      %ne3A_542 = vector.broadcast %sign3A_541 : i32 to vector<16xi32>
      %ne3A_543 = arith.cmpi ne, %sign3A_534, %ne3A_542 : vector<16xi32>
      %rem3A_544 = vector.broadcast %jit3A_523 : i32 to vector<16xi32>
      %rem3A_545 = arith.remsi %add3A_517, %rem3A_544 : vector<16xi32>
      %ne3A_546 = arith.constant 0 : i32
      %ne3A_547 = vector.broadcast %ne3A_546 : i32 to vector<16xi32>
      %ne3A_548 = arith.cmpi ne, %rem3A_545, %ne3A_547 : vector<16xi32>
      %and3A_549 = arith.andi %ne3A_543, %ne3A_548 : vector<16xi1>
      %sub3A_550 = arith.constant 1 : i32
      %sub3A_551 = vector.broadcast %sub3A_550 : i32 to vector<16xi32>
      %sub3A_552 = arith.subi %div3A_525, %sub3A_551 : vector<16xi32>
      %select_n3A_553 = arith.select %and3A_549, %sub3A_552, %div3A_525 : vector<16xi1>, vector<16xi32>
      %mul3A_554 = arith.constant 26 : i32
      %mul3A_555 = vector.broadcast %mul3A_554 : i32 to vector<16xi32>
      %mul3A_556 = arith.muli %select_n3A_553, %mul3A_555 : vector<16xi32>
      %sub3A_557 = arith.subi %add3A_517, %mul3A_556 : vector<16xi32>
      %lt3A_558 = arith.constant 26 : i32
      %lt3A_559 = vector.broadcast %lt3A_558 : i32 to vector<16xi32>
      %lt3A_560 = arith.cmpi slt, %add3A_517, %lt3A_559 : vector<16xi32>
      tpu.vector_store_idx %arg6[%select_n3A_553, %sub3A_557, %gather3A_522], %broadcast_in_dim3A_1 masked %lt3A_560 : memref<1x26x1000xf32, #tpu.memory_space<vmem>>[vector<16xi32>, vector<16xi32>, vector<16xi32>], vector<16xf32>, vector<16xi1>
      %mul3A_561 = arith.constant 26 : i32
      %mul3A_562 = arith.muli %add3A_451, %mul3A_561 : i32
      %add3A_563 = arith.constant 0 : i32
      %add3A_564 = vector.broadcast %add3A_563 : i32 to vector<16xi32>
      %add3A_565 = arith.addi %iota3A, %add3A_564 : vector<16xi32>
      %add3A_566 = arith.constant 0 : i32
      %add3A_567 = arith.addi %mul3A_562, %add3A_566 : i32
      %add3A_568 = vector.broadcast %add3A_567 : i32 to vector<16xi32>
      %add3A_569 = arith.addi %add3A_568, %iota3A : vector<16xi32>
      %gather3A_570 = tpu.vector_load_idx %arg4[%add3A_569] : memref<848xi32, #tpu.memory_space<vmem>>[vector<16xi32>], vector<16xi32>,
      %jit3A_571 = arith.constant 26 : i32
      %div3A_572 = vector.broadcast %jit3A_571 : i32 to vector<16xi32>
      %div3A_573 = arith.divsi %add3A_565, %div3A_572 : vector<16xi32>
      %sign3A_574 = arith.constant 0 : i32
      %sign3A_575 = vector.broadcast %sign3A_574 : i32 to vector<16xi32>
      %sign3A_576 = arith.cmpi sgt, %add3A_565, %sign3A_575 : vector<16xi32>
      %sign3A_577 = arith.extui %sign3A_576 : vector<16xi1> to vector<16xi32>
      %sign3A_578 = arith.constant 0 : i32
      %sign3A_579 = vector.broadcast %sign3A_578 : i32 to vector<16xi32>
      %sign3A_580 = arith.cmpi slt, %add3A_565, %sign3A_579 : vector<16xi32>
      %sign3A_581 = arith.extui %sign3A_580 : vector<16xi1> to vector<16xi32>
      %sign3A_582 = arith.subi %sign3A_577, %sign3A_581 : vector<16xi32>
      %sign3A_583 = arith.constant 0 : i32
      %sign3A_584 = arith.cmpi sgt, %jit3A_571, %sign3A_583 : i32
      %sign3A_585 = arith.extui %sign3A_584 : i1 to i32
      %sign3A_586 = arith.constant 0 : i32
      %sign3A_587 = arith.cmpi slt, %jit3A_571, %sign3A_586 : i32
      %sign3A_588 = arith.extui %sign3A_587 : i1 to i32
      %sign3A_589 = arith.subi %sign3A_585, %sign3A_588 : i32
      %ne3A_590 = vector.broadcast %sign3A_589 : i32 to vector<16xi32>
      %ne3A_591 = arith.cmpi ne, %sign3A_582, %ne3A_590 : vector<16xi32>
      %rem3A_592 = vector.broadcast %jit3A_571 : i32 to vector<16xi32>
      %rem3A_593 = arith.remsi %add3A_565, %rem3A_592 : vector<16xi32>
      %ne3A_594 = arith.constant 0 : i32
      %ne3A_595 = vector.broadcast %ne3A_594 : i32 to vector<16xi32>
      %ne3A_596 = arith.cmpi ne, %rem3A_593, %ne3A_595 : vector<16xi32>
      %and3A_597 = arith.andi %ne3A_591, %ne3A_596 : vector<16xi1>
      %sub3A_598 = arith.constant 1 : i32
      %sub3A_599 = vector.broadcast %sub3A_598 : i32 to vector<16xi32>
      %sub3A_600 = arith.subi %div3A_573, %sub3A_599 : vector<16xi32>
      %select_n3A_601 = arith.select %and3A_597, %sub3A_600, %div3A_573 : vector<16xi1>, vector<16xi32>
      %mul3A_602 = arith.constant 26 : i32
      %mul3A_603 = vector.broadcast %mul3A_602 : i32 to vector<16xi32>
      %mul3A_604 = arith.muli %select_n3A_601, %mul3A_603 : vector<16xi32>
      %sub3A_605 = arith.subi %add3A_565, %mul3A_604 : vector<16xi32>
      %lt3A_606 = arith.constant 26 : i32
      %lt3A_607 = vector.broadcast %lt3A_606 : i32 to vector<16xi32>
      %lt3A_608 = arith.cmpi slt, %add3A_565, %lt3A_607 : vector<16xi32>
      tpu.vector_store_idx %arg6[%select_n3A_601, %sub3A_605, %gather3A_570], %broadcast_in_dim3A_3 masked %lt3A_608 : memref<1x26x1000xf32, #tpu.memory_space<vmem>>[vector<16xi32>, vector<16xi32>, vector<16xi32>], vector<16xf32>, vector<16xi1>
      %add3A_609 = arith.constant 16 : i32
      %add3A_610 = vector.broadcast %add3A_609 : i32 to vector<16xi32>
      %add3A_611 = arith.addi %iota3A, %add3A_610 : vector<16xi32>
      %add3A_612 = arith.constant 16 : i32
      %add3A_613 = arith.addi %mul3A_562, %add3A_612 : i32
      %add3A_614 = vector.broadcast %add3A_613 : i32 to vector<16xi32>
      %add3A_615 = arith.addi %add3A_614, %iota3A : vector<16xi32>
      %gather3A_616 = tpu.vector_load_idx %arg4[%add3A_615] : memref<848xi32, #tpu.memory_space<vmem>>[vector<16xi32>], vector<16xi32>,
      %jit3A_617 = arith.constant 26 : i32
      %div3A_618 = vector.broadcast %jit3A_617 : i32 to vector<16xi32>
      %div3A_619 = arith.divsi %add3A_611, %div3A_618 : vector<16xi32>
      %sign3A_620 = arith.constant 0 : i32
      %sign3A_621 = vector.broadcast %sign3A_620 : i32 to vector<16xi32>
      %sign3A_622 = arith.cmpi sgt, %add3A_611, %sign3A_621 : vector<16xi32>
      %sign3A_623 = arith.extui %sign3A_622 : vector<16xi1> to vector<16xi32>
      %sign3A_624 = arith.constant 0 : i32
      %sign3A_625 = vector.broadcast %sign3A_624 : i32 to vector<16xi32>
      %sign3A_626 = arith.cmpi slt, %add3A_611, %sign3A_625 : vector<16xi32>
      %sign3A_627 = arith.extui %sign3A_626 : vector<16xi1> to vector<16xi32>
      %sign3A_628 = arith.subi %sign3A_623, %sign3A_627 : vector<16xi32>
      %sign3A_629 = arith.constant 0 : i32
      %sign3A_630 = arith.cmpi sgt, %jit3A_617, %sign3A_629 : i32
      %sign3A_631 = arith.extui %sign3A_630 : i1 to i32
      %sign3A_632 = arith.constant 0 : i32
      %sign3A_633 = arith.cmpi slt, %jit3A_617, %sign3A_632 : i32
      %sign3A_634 = arith.extui %sign3A_633 : i1 to i32
      %sign3A_635 = arith.subi %sign3A_631, %sign3A_634 : i32
      %ne3A_636 = vector.broadcast %sign3A_635 : i32 to vector<16xi32>
      %ne3A_637 = arith.cmpi ne, %sign3A_628, %ne3A_636 : vector<16xi32>
      %rem3A_638 = vector.broadcast %jit3A_617 : i32 to vector<16xi32>
      %rem3A_639 = arith.remsi %add3A_611, %rem3A_638 : vector<16xi32>
      %ne3A_640 = arith.constant 0 : i32
      %ne3A_641 = vector.broadcast %ne3A_640 : i32 to vector<16xi32>
      %ne3A_642 = arith.cmpi ne, %rem3A_639, %ne3A_641 : vector<16xi32>
      %and3A_643 = arith.andi %ne3A_637, %ne3A_642 : vector<16xi1>
      %sub3A_644 = arith.constant 1 : i32
      %sub3A_645 = vector.broadcast %sub3A_644 : i32 to vector<16xi32>
      %sub3A_646 = arith.subi %div3A_619, %sub3A_645 : vector<16xi32>
      %select_n3A_647 = arith.select %and3A_643, %sub3A_646, %div3A_619 : vector<16xi1>, vector<16xi32>
      %mul3A_648 = arith.constant 26 : i32
      %mul3A_649 = vector.broadcast %mul3A_648 : i32 to vector<16xi32>
      %mul3A_650 = arith.muli %select_n3A_647, %mul3A_649 : vector<16xi32>
      %sub3A_651 = arith.subi %add3A_611, %mul3A_650 : vector<16xi32>
      %lt3A_652 = arith.constant 26 : i32
      %lt3A_653 = vector.broadcast %lt3A_652 : i32 to vector<16xi32>
      %lt3A_654 = arith.cmpi slt, %add3A_611, %lt3A_653 : vector<16xi32>
      tpu.vector_store_idx %arg6[%select_n3A_647, %sub3A_651, %gather3A_616], %broadcast_in_dim3A_3 masked %lt3A_654 : memref<1x26x1000xf32, #tpu.memory_space<vmem>>[vector<16xi32>, vector<16xi32>, vector<16xi32>], vector<16xf32>, vector<16xi1>
      %mul3A_655 = arith.constant 32 : i32
      %mul3A_656 = arith.muli %add3A, %mul3A_655 : i32
      %mul3A_657 = arith.constant 1 : i32
      %mul3A_658 = arith.muli %add3A_451, %mul3A_657 : i32
      %add3A_659 = arith.addi %mul3A_656, %mul3A_658 : i32
      %dma_start3A_660 = arith.constant 0 : i32
      %dma_start3A_661 = arith.constant 0 : i32
      %dma_start3A_662 = tpu.memref_slice %arg3[%add3A_659, %dma_start3A_660, %dma_start3A_661] : memref<1024x26x1000xf32, #tpu.memory_space<hbm>> -> memref<1x26x1000xf32, #tpu.memory_space<hbm>>
      %dma_start3A_663 = arith.constant 0 : i32
      %dma_start3A_664 = arith.constant 0 : i32
      %dma_start3A_665 = tpu.memref_slice %arg3[%add3A_659, %dma_start3A_663, %dma_start3A_664] : memref<1024x26x1000xf32, #tpu.memory_space<hbm>> -> memref<1x26x1000xf32, #tpu.memory_space<hbm>>
      tpu.enqueue_dma source(%arg6 : memref<1x26x1000xf32, #tpu.memory_space<vmem>>) target(%dma_start3A_665 : memref<1x26x1000xf32, #tpu.memory_space<hbm>>) target_semaphore(%arg8 : memref<!tpu.dma_semaphore, #tpu.memory_space<semaphore_mem>>)
    }
    %scan3A_211 = arith.constant 15 : i32
    %mul3A_212 = arith.constant 32 : i32
    %mul3A_213 = arith.muli %add3A, %mul3A_212 : i32
    %add3A_214 = arith.constant 30 : i32
    %add3A_215 = arith.addi %mul3A_213, %add3A_214 : i32
    %dma_wait3A = arith.constant 0 : i32
    %dma_wait3A_216 = arith.constant 0 : i32
    %dma_wait3A_217 = tpu.memref_slice %arg3[%add3A_215, %dma_wait3A, %dma_wait3A_216] : memref<1024x26x1000xf32, #tpu.memory_space<hbm>> -> memref<1x26x1000xf32, #tpu.memory_space<hbm>>
    %dma_wait3A_218 = arith.constant 0 : i32
    %dma_wait3A_219 = arith.constant 0 : i32
    %dma_wait3A_220 = tpu.memref_slice %arg3[%add3A_215, %dma_wait3A_218, %dma_wait3A_219] : memref<1024x26x1000xf32, #tpu.memory_space<hbm>> -> memref<1x26x1000xf32, #tpu.memory_space<hbm>>
    tpu.wait_dma2 semaphore(%arg7 : memref<!tpu.dma_semaphore, #tpu.memory_space<semaphore_mem>>) src(%arg5 : memref<1x26x1000xf32, #tpu.memory_space<vmem>>) dst(%dma_wait3A_220 : memref<1x26x1000xf32, #tpu.memory_space<hbm>>)
    %mul3A_221 = arith.constant 32 : i32
    %mul3A_222 = arith.muli %add3A, %mul3A_221 : i32
    %add3A_223 = arith.constant 31 : i32
    %add3A_224 = arith.addi %mul3A_222, %add3A_223 : i32
    %dma_wait3A_225 = arith.constant 0 : i32
    %dma_wait3A_226 = arith.constant 0 : i32
    %dma_wait3A_227 = tpu.memref_slice %arg3[%add3A_224, %dma_wait3A_225, %dma_wait3A_226] : memref<1024x26x1000xf32, #tpu.memory_space<hbm>> -> memref<1x26x1000xf32, #tpu.memory_space<hbm>>
    %dma_wait3A_228 = arith.constant 0 : i32
    %dma_wait3A_229 = arith.constant 0 : i32
    %dma_wait3A_230 = tpu.memref_slice %arg3[%add3A_224, %dma_wait3A_228, %dma_wait3A_229] : memref<1024x26x1000xf32, #tpu.memory_space<hbm>> -> memref<1x26x1000xf32, #tpu.memory_space<hbm>>
    tpu.wait_dma2 semaphore(%arg8 : memref<!tpu.dma_semaphore, #tpu.memory_space<semaphore_mem>>) src(%arg6 : memref<1x26x1000xf32, #tpu.memory_space<vmem>>) dst(%dma_wait3A_230 : memref<1x26x1000xf32, #tpu.memory_space<hbm>>)
    return
  }
}

#map = affine_map<(d0, d1) -> (0)>
#map1 = affine_map<(d0, d1) -> (0, 0, 0)>
module attributes {stable_mosaic.version = 14 : i64} {
  func.func @_sc_body_q(%arg0: i32, %arg1: i32, %arg2: memref<26624xi32, #tpu.memory_space<hbm>>, %arg3: memref<1024x26x1000xf32, #tpu.memory_space<hbm>>, %arg4: memref<848xi32, #tpu.memory_space<vmem>>, %arg5: memref<1x26x1000xf32, #tpu.memory_space<vmem>>, %arg6: memref<1x26x1000xf32, #tpu.memory_space<vmem>>, %arg7: memref<!tpu.dma_semaphore, #tpu.memory_space<semaphore_mem>>, %arg8: memref<!tpu.dma_semaphore, #tpu.memory_space<semaphore_mem>>) attributes {dimension_semantics = [#tpu.dimension_semantics<core_parallel>, #tpu.dimension_semantics<subcore_parallel>], iteration_bounds = array<i64: 2, 16>, scalar_prefetch = 0 : i64, scratch_operands = 5 : i64, tpu.core_type = #tpu.core_type<sc_vector_subcore>, window_params = [{transform_indices = #map}, {transform_indices = #map1}]} {
    %mul3A = arith.constant 2 : i32
    %mul3A_0 = arith.muli %arg1, %mul3A : i32
    %add3A = arith.addi %mul3A_0, %arg0 : i32
    %iota3A = tpu.iota {dimensions = array<i32: 0>} : vector<16xi32>
    %broadcast_in_dim3A = arith.constant 0.000000e+00 : f32
    %broadcast_in_dim3A_1 = vector.broadcast %broadcast_in_dim3A : f32 to vector<16xf32>
    %broadcast_in_dim3A_2 = arith.constant 1.000000e+00 : f32
    %broadcast_in_dim3A_3 = vector.broadcast %broadcast_in_dim3A_2 : f32 to vector<16xf32>
    %mul3A_4 = arith.constant 832 : i32
    %mul3A_5 = arith.muli %add3A, %mul3A_4 : i32
    "tpu.region"() ({
      %run_scoped3A = tpu.sem_alloc : memref<!tpu.dma_semaphore, #tpu.memory_space<semaphore_mem>>
      %dma_start3A_231 = arith.constant 0 : i32
      %dma_start3A_232 = tpu.memref_slice %arg4[%dma_start3A_231] : memref<848xi32, #tpu.memory_space<vmem>> -> memref<832xi32, #tpu.memory_space<vmem>>
      %dma_start3A_233 = tpu.memref_slice %arg2[%mul3A_5] : memref<26624xi32, #tpu.memory_space<hbm>> -> memref<832xi32, #tpu.memory_space<hbm>>
      %dma_start3A_234 = arith.constant 0 : i32
      %dma_start3A_235 = tpu.memref_slice %arg4[%dma_start3A_234] : memref<848xi32, #tpu.memory_space<vmem>> -> memref<832xi32, #tpu.memory_space<vmem>>
      %dma_start3A_236 = tpu.memref_slice %arg2[%mul3A_5] : memref<26624xi32, #tpu.memory_space<hbm>> -> memref<832xi32, #tpu.memory_space<hbm>>
      tpu.enqueue_dma source(%dma_start3A_236 : memref<832xi32, #tpu.memory_space<hbm>>) target(%dma_start3A_235 : memref<832xi32, #tpu.memory_space<vmem>>) target_semaphore(%run_scoped3A : memref<!tpu.dma_semaphore, #tpu.memory_space<semaphore_mem>>)
      %dma_wait3A_237 = arith.constant 0 : i32
      %dma_wait3A_238 = tpu.memref_slice %arg4[%dma_wait3A_237] : memref<848xi32, #tpu.memory_space<vmem>> -> memref<832xi32, #tpu.memory_space<vmem>>
      %dma_wait3A_239 = tpu.memref_slice %arg2[%mul3A_5] : memref<26624xi32, #tpu.memory_space<hbm>> -> memref<832xi32, #tpu.memory_space<hbm>>
      %dma_wait3A_240 = arith.constant 0 : i32
      %dma_wait3A_241 = tpu.memref_slice %arg4[%dma_wait3A_240] : memref<848xi32, #tpu.memory_space<vmem>> -> memref<832xi32, #tpu.memory_space<vmem>>
      %dma_wait3A_242 = tpu.memref_slice %arg2[%mul3A_5] : memref<26624xi32, #tpu.memory_space<hbm>> -> memref<832xi32, #tpu.memory_space<hbm>>
      tpu.wait_dma2 semaphore(%run_scoped3A : memref<!tpu.dma_semaphore, #tpu.memory_space<semaphore_mem>>) src(%dma_wait3A_242 : memref<832xi32, #tpu.memory_space<hbm>>) dst(%dma_wait3A_241 : memref<832xi32, #tpu.memory_space<vmem>>)
      tpu.yield
    }) : () -> ()
    %scan3A = arith.constant 0 : i32
    %scan3A_6 = arith.constant 0 : i32
    %scan3A_7 = arith.constant 26 : i32
    %scan3A_8 = arith.addi %scan3A_6, %scan3A_7 : i32
    %scan3A_9 = arith.constant 1 : i32
    scf.for %scan3A_231 = %scan3A_6 to %scan3A_8 step %scan3A_9  : i32 {
      %scan3A_232 = arith.constant 0 : i32
      %scan3A_233 = arith.constant 62 : i32
      %scan3A_234 = arith.addi %scan3A_232, %scan3A_233 : i32
      %scan3A_235 = arith.constant 1 : i32
      scf.for %scan3A_246 = %scan3A_232 to %scan3A_234 step %scan3A_235  : i32 {
        %mul3A_247 = arith.constant 16 : i32
        %mul3A_248 = arith.muli %scan3A_246, %mul3A_247 : i32
        %multiple_of3A = tpu.assume_multiple %mul3A_248, 16 : i32
        %swap3A = arith.constant 0 : i32
        %swap3A_249 = arith.index_cast %swap3A : i32 to index
        %swap3A_250 = arith.index_cast %scan3A_231 : i32 to index
        %swap3A_251 = arith.index_cast %multiple_of3A : i32 to index
        %swap3A_252 = tpu.vector_load %arg5[%swap3A_249, %swap3A_250, %swap3A_251] {strides = array<i32>} : memref<1x26x1000xf32, #tpu.memory_space<vmem>>, vector<16xf32>,
        tpu.vector_store %arg5[%swap3A_249, %swap3A_250, %swap3A_251], %broadcast_in_dim3A_1 {strides = array<i32>} : memref<1x26x1000xf32, #tpu.memory_space<vmem>>, vector<16xf32>,
      }
      %scan3A_236 = arith.constant 62 : i32
      %broadcast_in_dim3A_237 = vector.broadcast %scan3A_231 : i32 to vector<16xi32>
      %broadcast_in_dim3A_238 = arith.constant 0 : i32
      %broadcast_in_dim3A_239 = vector.broadcast %broadcast_in_dim3A_238 : i32 to vector<16xi32>
      %add3A_240 = arith.constant 992 : i32
      %add3A_241 = vector.broadcast %add3A_240 : i32 to vector<16xi32>
      %add3A_242 = arith.addi %add3A_241, %iota3A : vector<16xi32>
      %lt3A_243 = arith.constant 8 : i32
      %lt3A_244 = vector.broadcast %lt3A_243 : i32 to vector<16xi32>
      %lt3A_245 = arith.cmpi slt, %iota3A, %lt3A_244 : vector<16xi32>
      tpu.vector_store_idx %arg5[%broadcast_in_dim3A_239, %broadcast_in_dim3A_237, %add3A_242], %broadcast_in_dim3A_1 masked %lt3A_245 : memref<1x26x1000xf32, #tpu.memory_space<vmem>>[vector<16xi32>, vector<16xi32>, vector<16xi32>], vector<16xf32>, vector<16xi1>
    }
    %scan3A_10 = arith.constant 26 : i32
    %scan3A_11 = arith.constant 0 : i32
    %scan3A_12 = arith.constant 0 : i32
    %scan3A_13 = arith.constant 26 : i32
    %scan3A_14 = arith.addi %scan3A_12, %scan3A_13 : i32
    %scan3A_15 = arith.constant 1 : i32
    scf.for %scan3A_231 = %scan3A_12 to %scan3A_14 step %scan3A_15  : i32 {
      %scan3A_232 = arith.constant 0 : i32
      %scan3A_233 = arith.constant 62 : i32
      %scan3A_234 = arith.addi %scan3A_232, %scan3A_233 : i32
      %scan3A_235 = arith.constant 1 : i32
      scf.for %scan3A_246 = %scan3A_232 to %scan3A_234 step %scan3A_235  : i32 {
        %mul3A_247 = arith.constant 16 : i32
        %mul3A_248 = arith.muli %scan3A_246, %mul3A_247 : i32
        %multiple_of3A = tpu.assume_multiple %mul3A_248, 16 : i32
        %swap3A = arith.constant 0 : i32
        %swap3A_249 = arith.index_cast %swap3A : i32 to index
        %swap3A_250 = arith.index_cast %scan3A_231 : i32 to index
        %swap3A_251 = arith.index_cast %multiple_of3A : i32 to index
        %swap3A_252 = tpu.vector_load %arg6[%swap3A_249, %swap3A_250, %swap3A_251] {strides = array<i32>} : memref<1x26x1000xf32, #tpu.memory_space<vmem>>, vector<16xf32>,
        tpu.vector_store %arg6[%swap3A_249, %swap3A_250, %swap3A_251], %broadcast_in_dim3A_1 {strides = array<i32>} : memref<1x26x1000xf32, #tpu.memory_space<vmem>>, vector<16xf32>,
      }
      %scan3A_236 = arith.constant 62 : i32
      %broadcast_in_dim3A_237 = vector.broadcast %scan3A_231 : i32 to vector<16xi32>
      %broadcast_in_dim3A_238 = arith.constant 0 : i32
      %broadcast_in_dim3A_239 = vector.broadcast %broadcast_in_dim3A_238 : i32 to vector<16xi32>
      %add3A_240 = arith.constant 992 : i32
      %add3A_241 = vector.broadcast %add3A_240 : i32 to vector<16xi32>
      %add3A_242 = arith.addi %add3A_241, %iota3A : vector<16xi32>
      %lt3A_243 = arith.constant 8 : i32
      %lt3A_244 = vector.broadcast %lt3A_243 : i32 to vector<16xi32>
      %lt3A_245 = arith.cmpi slt, %iota3A, %lt3A_244 : vector<16xi32>
      tpu.vector_store_idx %arg6[%broadcast_in_dim3A_239, %broadcast_in_dim3A_237, %add3A_242], %broadcast_in_dim3A_1 masked %lt3A_245 : memref<1x26x1000xf32, #tpu.memory_space<vmem>>[vector<16xi32>, vector<16xi32>, vector<16xi32>], vector<16xf32>, vector<16xi1>
    }
    %scan3A_16 = arith.constant 26 : i32
    %add3A_17 = arith.constant 0 : i32
    %add3A_18 = vector.broadcast %add3A_17 : i32 to vector<16xi32>
    %add3A_19 = arith.addi %iota3A, %add3A_18 : vector<16xi32>
    %add3A_20 = arith.constant 0 : i32
    %add3A_21 = vector.broadcast %add3A_20 : i32 to vector<16xi32>
    %add3A_22 = arith.addi %add3A_21, %iota3A : vector<16xi32>
    %gather3A = tpu.vector_load_idx %arg4[%add3A_22] : memref<848xi32, #tpu.memory_space<vmem>>[vector<16xi32>], vector<16xi32>,
    %jit3A = arith.constant 26 : i32
    %div3A = vector.broadcast %jit3A : i32 to vector<16xi32>
    %div3A_23 = arith.divsi %add3A_19, %div3A : vector<16xi32>
    %sign3A = arith.constant 0 : i32
    %sign3A_24 = vector.broadcast %sign3A : i32 to vector<16xi32>
    %sign3A_25 = arith.cmpi sgt, %add3A_19, %sign3A_24 : vector<16xi32>
    %sign3A_26 = arith.extui %sign3A_25 : vector<16xi1> to vector<16xi32>
    %sign3A_27 = arith.constant 0 : i32
    %sign3A_28 = vector.broadcast %sign3A_27 : i32 to vector<16xi32>
    %sign3A_29 = arith.cmpi slt, %add3A_19, %sign3A_28 : vector<16xi32>
    %sign3A_30 = arith.extui %sign3A_29 : vector<16xi1> to vector<16xi32>
    %sign3A_31 = arith.subi %sign3A_26, %sign3A_30 : vector<16xi32>
    %sign3A_32 = arith.constant 0 : i32
    %sign3A_33 = arith.cmpi sgt, %jit3A, %sign3A_32 : i32
    %sign3A_34 = arith.extui %sign3A_33 : i1 to i32
    %sign3A_35 = arith.constant 0 : i32
    %sign3A_36 = arith.cmpi slt, %jit3A, %sign3A_35 : i32
    %sign3A_37 = arith.extui %sign3A_36 : i1 to i32
    %sign3A_38 = arith.subi %sign3A_34, %sign3A_37 : i32
    %ne3A = vector.broadcast %sign3A_38 : i32 to vector<16xi32>
    %ne3A_39 = arith.cmpi ne, %sign3A_31, %ne3A : vector<16xi32>
    %rem3A = vector.broadcast %jit3A : i32 to vector<16xi32>
    %rem3A_40 = arith.remsi %add3A_19, %rem3A : vector<16xi32>
    %ne3A_41 = arith.constant 0 : i32
    %ne3A_42 = vector.broadcast %ne3A_41 : i32 to vector<16xi32>
    %ne3A_43 = arith.cmpi ne, %rem3A_40, %ne3A_42 : vector<16xi32>
    %and3A = arith.andi %ne3A_39, %ne3A_43 : vector<16xi1>
    %sub3A = arith.constant 1 : i32
    %sub3A_44 = vector.broadcast %sub3A : i32 to vector<16xi32>
    %sub3A_45 = arith.subi %div3A_23, %sub3A_44 : vector<16xi32>
    %select_n3A = arith.select %and3A, %sub3A_45, %div3A_23 : vector<16xi1>, vector<16xi32>
    %mul3A_46 = arith.constant 26 : i32
    %mul3A_47 = vector.broadcast %mul3A_46 : i32 to vector<16xi32>
    %mul3A_48 = arith.muli %select_n3A, %mul3A_47 : vector<16xi32>
    %sub3A_49 = arith.subi %add3A_19, %mul3A_48 : vector<16xi32>
    %lt3A = arith.constant 26 : i32
    %lt3A_50 = vector.broadcast %lt3A : i32 to vector<16xi32>
    %lt3A_51 = arith.cmpi slt, %add3A_19, %lt3A_50 : vector<16xi32>
    tpu.vector_store_idx %arg5[%select_n3A, %sub3A_49, %gather3A], %broadcast_in_dim3A_3 masked %lt3A_51 : memref<1x26x1000xf32, #tpu.memory_space<vmem>>[vector<16xi32>, vector<16xi32>, vector<16xi32>], vector<16xf32>, vector<16xi1>
    %add3A_52 = arith.constant 16 : i32
    %add3A_53 = vector.broadcast %add3A_52 : i32 to vector<16xi32>
    %add3A_54 = arith.addi %iota3A, %add3A_53 : vector<16xi32>
    %add3A_55 = arith.constant 16 : i32
    %add3A_56 = vector.broadcast %add3A_55 : i32 to vector<16xi32>
    %add3A_57 = arith.addi %add3A_56, %iota3A : vector<16xi32>
    %gather3A_58 = tpu.vector_load_idx %arg4[%add3A_57] : memref<848xi32, #tpu.memory_space<vmem>>[vector<16xi32>], vector<16xi32>,
    %jit3A_59 = arith.constant 26 : i32
    %div3A_60 = vector.broadcast %jit3A_59 : i32 to vector<16xi32>
    %div3A_61 = arith.divsi %add3A_54, %div3A_60 : vector<16xi32>
    %sign3A_62 = arith.constant 0 : i32
    %sign3A_63 = vector.broadcast %sign3A_62 : i32 to vector<16xi32>
    %sign3A_64 = arith.cmpi sgt, %add3A_54, %sign3A_63 : vector<16xi32>
    %sign3A_65 = arith.extui %sign3A_64 : vector<16xi1> to vector<16xi32>
    %sign3A_66 = arith.constant 0 : i32
    %sign3A_67 = vector.broadcast %sign3A_66 : i32 to vector<16xi32>
    %sign3A_68 = arith.cmpi slt, %add3A_54, %sign3A_67 : vector<16xi32>
    %sign3A_69 = arith.extui %sign3A_68 : vector<16xi1> to vector<16xi32>
    %sign3A_70 = arith.subi %sign3A_65, %sign3A_69 : vector<16xi32>
    %sign3A_71 = arith.constant 0 : i32
    %sign3A_72 = arith.cmpi sgt, %jit3A_59, %sign3A_71 : i32
    %sign3A_73 = arith.extui %sign3A_72 : i1 to i32
    %sign3A_74 = arith.constant 0 : i32
    %sign3A_75 = arith.cmpi slt, %jit3A_59, %sign3A_74 : i32
    %sign3A_76 = arith.extui %sign3A_75 : i1 to i32
    %sign3A_77 = arith.subi %sign3A_73, %sign3A_76 : i32
    %ne3A_78 = vector.broadcast %sign3A_77 : i32 to vector<16xi32>
    %ne3A_79 = arith.cmpi ne, %sign3A_70, %ne3A_78 : vector<16xi32>
    %rem3A_80 = vector.broadcast %jit3A_59 : i32 to vector<16xi32>
    %rem3A_81 = arith.remsi %add3A_54, %rem3A_80 : vector<16xi32>
    %ne3A_82 = arith.constant 0 : i32
    %ne3A_83 = vector.broadcast %ne3A_82 : i32 to vector<16xi32>
    %ne3A_84 = arith.cmpi ne, %rem3A_81, %ne3A_83 : vector<16xi32>
    %and3A_85 = arith.andi %ne3A_79, %ne3A_84 : vector<16xi1>
    %sub3A_86 = arith.constant 1 : i32
    %sub3A_87 = vector.broadcast %sub3A_86 : i32 to vector<16xi32>
    %sub3A_88 = arith.subi %div3A_61, %sub3A_87 : vector<16xi32>
    %select_n3A_89 = arith.select %and3A_85, %sub3A_88, %div3A_61 : vector<16xi1>, vector<16xi32>
    %mul3A_90 = arith.constant 26 : i32
    %mul3A_91 = vector.broadcast %mul3A_90 : i32 to vector<16xi32>
    %mul3A_92 = arith.muli %select_n3A_89, %mul3A_91 : vector<16xi32>
    %sub3A_93 = arith.subi %add3A_54, %mul3A_92 : vector<16xi32>
    %lt3A_94 = arith.constant 26 : i32
    %lt3A_95 = vector.broadcast %lt3A_94 : i32 to vector<16xi32>
    %lt3A_96 = arith.cmpi slt, %add3A_54, %lt3A_95 : vector<16xi32>
    tpu.vector_store_idx %arg5[%select_n3A_89, %sub3A_93, %gather3A_58], %broadcast_in_dim3A_3 masked %lt3A_96 : memref<1x26x1000xf32, #tpu.memory_space<vmem>>[vector<16xi32>, vector<16xi32>, vector<16xi32>], vector<16xf32>, vector<16xi1>
    %mul3A_97 = arith.constant 32 : i32
    %mul3A_98 = arith.muli %add3A, %mul3A_97 : i32
    %add3A_99 = arith.constant 0 : i32
    %add3A_100 = arith.addi %mul3A_98, %add3A_99 : i32
    %dma_start3A = arith.constant 0 : i32
    %dma_start3A_101 = arith.constant 0 : i32
    %dma_start3A_102 = tpu.memref_slice %arg3[%add3A_100, %dma_start3A, %dma_start3A_101] : memref<1024x26x1000xf32, #tpu.memory_space<hbm>> -> memref<1x26x1000xf32, #tpu.memory_space<hbm>>
    %dma_start3A_103 = arith.constant 0 : i32
    %dma_start3A_104 = arith.constant 0 : i32
    %dma_start3A_105 = tpu.memref_slice %arg3[%add3A_100, %dma_start3A_103, %dma_start3A_104] : memref<1024x26x1000xf32, #tpu.memory_space<hbm>> -> memref<1x26x1000xf32, #tpu.memory_space<hbm>>
    tpu.enqueue_dma source(%arg5 : memref<1x26x1000xf32, #tpu.memory_space<vmem>>) target(%dma_start3A_105 : memref<1x26x1000xf32, #tpu.memory_space<hbm>>) target_semaphore(%arg7 : memref<!tpu.dma_semaphore, #tpu.memory_space<semaphore_mem>>)
    %add3A_106 = arith.constant 0 : i32
    %add3A_107 = vector.broadcast %add3A_106 : i32 to vector<16xi32>
    %add3A_108 = arith.addi %iota3A, %add3A_107 : vector<16xi32>
    %add3A_109 = arith.constant 26 : i32
    %add3A_110 = vector.broadcast %add3A_109 : i32 to vector<16xi32>
    %add3A_111 = arith.addi %add3A_110, %iota3A : vector<16xi32>
    %gather3A_112 = tpu.vector_load_idx %arg4[%add3A_111] : memref<848xi32, #tpu.memory_space<vmem>>[vector<16xi32>], vector<16xi32>,
    %jit3A_113 = arith.constant 26 : i32
    %div3A_114 = vector.broadcast %jit3A_113 : i32 to vector<16xi32>
    %div3A_115 = arith.divsi %add3A_108, %div3A_114 : vector<16xi32>
    %sign3A_116 = arith.constant 0 : i32
    %sign3A_117 = vector.broadcast %sign3A_116 : i32 to vector<16xi32>
    %sign3A_118 = arith.cmpi sgt, %add3A_108, %sign3A_117 : vector<16xi32>
    %sign3A_119 = arith.extui %sign3A_118 : vector<16xi1> to vector<16xi32>
    %sign3A_120 = arith.constant 0 : i32
    %sign3A_121 = vector.broadcast %sign3A_120 : i32 to vector<16xi32>
    %sign3A_122 = arith.cmpi slt, %add3A_108, %sign3A_121 : vector<16xi32>
    %sign3A_123 = arith.extui %sign3A_122 : vector<16xi1> to vector<16xi32>
    %sign3A_124 = arith.subi %sign3A_119, %sign3A_123 : vector<16xi32>
    %sign3A_125 = arith.constant 0 : i32
    %sign3A_126 = arith.cmpi sgt, %jit3A_113, %sign3A_125 : i32
    %sign3A_127 = arith.extui %sign3A_126 : i1 to i32
    %sign3A_128 = arith.constant 0 : i32
    %sign3A_129 = arith.cmpi slt, %jit3A_113, %sign3A_128 : i32
    %sign3A_130 = arith.extui %sign3A_129 : i1 to i32
    %sign3A_131 = arith.subi %sign3A_127, %sign3A_130 : i32
    %ne3A_132 = vector.broadcast %sign3A_131 : i32 to vector<16xi32>
    %ne3A_133 = arith.cmpi ne, %sign3A_124, %ne3A_132 : vector<16xi32>
    %rem3A_134 = vector.broadcast %jit3A_113 : i32 to vector<16xi32>
    %rem3A_135 = arith.remsi %add3A_108, %rem3A_134 : vector<16xi32>
    %ne3A_136 = arith.constant 0 : i32
    %ne3A_137 = vector.broadcast %ne3A_136 : i32 to vector<16xi32>
    %ne3A_138 = arith.cmpi ne, %rem3A_135, %ne3A_137 : vector<16xi32>
    %and3A_139 = arith.andi %ne3A_133, %ne3A_138 : vector<16xi1>
    %sub3A_140 = arith.constant 1 : i32
    %sub3A_141 = vector.broadcast %sub3A_140 : i32 to vector<16xi32>
    %sub3A_142 = arith.subi %div3A_115, %sub3A_141 : vector<16xi32>
    %select_n3A_143 = arith.select %and3A_139, %sub3A_142, %div3A_115 : vector<16xi1>, vector<16xi32>
    %mul3A_144 = arith.constant 26 : i32
    %mul3A_145 = vector.broadcast %mul3A_144 : i32 to vector<16xi32>
    %mul3A_146 = arith.muli %select_n3A_143, %mul3A_145 : vector<16xi32>
    %sub3A_147 = arith.subi %add3A_108, %mul3A_146 : vector<16xi32>
    %lt3A_148 = arith.constant 26 : i32
    %lt3A_149 = vector.broadcast %lt3A_148 : i32 to vector<16xi32>
    %lt3A_150 = arith.cmpi slt, %add3A_108, %lt3A_149 : vector<16xi32>
    tpu.vector_store_idx %arg6[%select_n3A_143, %sub3A_147, %gather3A_112], %broadcast_in_dim3A_3 masked %lt3A_150 : memref<1x26x1000xf32, #tpu.memory_space<vmem>>[vector<16xi32>, vector<16xi32>, vector<16xi32>], vector<16xf32>, vector<16xi1>
    %add3A_151 = arith.constant 16 : i32
    %add3A_152 = vector.broadcast %add3A_151 : i32 to vector<16xi32>
    %add3A_153 = arith.addi %iota3A, %add3A_152 : vector<16xi32>
    %add3A_154 = arith.constant 42 : i32
    %add3A_155 = vector.broadcast %add3A_154 : i32 to vector<16xi32>
    %add3A_156 = arith.addi %add3A_155, %iota3A : vector<16xi32>
    %gather3A_157 = tpu.vector_load_idx %arg4[%add3A_156] : memref<848xi32, #tpu.memory_space<vmem>>[vector<16xi32>], vector<16xi32>,
    %jit3A_158 = arith.constant 26 : i32
    %div3A_159 = vector.broadcast %jit3A_158 : i32 to vector<16xi32>
    %div3A_160 = arith.divsi %add3A_153, %div3A_159 : vector<16xi32>
    %sign3A_161 = arith.constant 0 : i32
    %sign3A_162 = vector.broadcast %sign3A_161 : i32 to vector<16xi32>
    %sign3A_163 = arith.cmpi sgt, %add3A_153, %sign3A_162 : vector<16xi32>
    %sign3A_164 = arith.extui %sign3A_163 : vector<16xi1> to vector<16xi32>
    %sign3A_165 = arith.constant 0 : i32
    %sign3A_166 = vector.broadcast %sign3A_165 : i32 to vector<16xi32>
    %sign3A_167 = arith.cmpi slt, %add3A_153, %sign3A_166 : vector<16xi32>
    %sign3A_168 = arith.extui %sign3A_167 : vector<16xi1> to vector<16xi32>
    %sign3A_169 = arith.subi %sign3A_164, %sign3A_168 : vector<16xi32>
    %sign3A_170 = arith.constant 0 : i32
    %sign3A_171 = arith.cmpi sgt, %jit3A_158, %sign3A_170 : i32
    %sign3A_172 = arith.extui %sign3A_171 : i1 to i32
    %sign3A_173 = arith.constant 0 : i32
    %sign3A_174 = arith.cmpi slt, %jit3A_158, %sign3A_173 : i32
    %sign3A_175 = arith.extui %sign3A_174 : i1 to i32
    %sign3A_176 = arith.subi %sign3A_172, %sign3A_175 : i32
    %ne3A_177 = vector.broadcast %sign3A_176 : i32 to vector<16xi32>
    %ne3A_178 = arith.cmpi ne, %sign3A_169, %ne3A_177 : vector<16xi32>
    %rem3A_179 = vector.broadcast %jit3A_158 : i32 to vector<16xi32>
    %rem3A_180 = arith.remsi %add3A_153, %rem3A_179 : vector<16xi32>
    %ne3A_181 = arith.constant 0 : i32
    %ne3A_182 = vector.broadcast %ne3A_181 : i32 to vector<16xi32>
    %ne3A_183 = arith.cmpi ne, %rem3A_180, %ne3A_182 : vector<16xi32>
    %and3A_184 = arith.andi %ne3A_178, %ne3A_183 : vector<16xi1>
    %sub3A_185 = arith.constant 1 : i32
    %sub3A_186 = vector.broadcast %sub3A_185 : i32 to vector<16xi32>
    %sub3A_187 = arith.subi %div3A_160, %sub3A_186 : vector<16xi32>
    %select_n3A_188 = arith.select %and3A_184, %sub3A_187, %div3A_160 : vector<16xi1>, vector<16xi32>
    %mul3A_189 = arith.constant 26 : i32
    %mul3A_190 = vector.broadcast %mul3A_189 : i32 to vector<16xi32>
    %mul3A_191 = arith.muli %select_n3A_188, %mul3A_190 : vector<16xi32>
    %sub3A_192 = arith.subi %add3A_153, %mul3A_191 : vector<16xi32>
    %lt3A_193 = arith.constant 26 : i32
    %lt3A_194 = vector.broadcast %lt3A_193 : i32 to vector<16xi32>
    %lt3A_195 = arith.cmpi slt, %add3A_153, %lt3A_194 : vector<16xi32>
    tpu.vector_store_idx %arg6[%select_n3A_188, %sub3A_192, %gather3A_157], %broadcast_in_dim3A_3 masked %lt3A_195 : memref<1x26x1000xf32, #tpu.memory_space<vmem>>[vector<16xi32>, vector<16xi32>, vector<16xi32>], vector<16xf32>, vector<16xi1>
    %mul3A_196 = arith.constant 32 : i32
    %mul3A_197 = arith.muli %add3A, %mul3A_196 : i32
    %add3A_198 = arith.constant 1 : i32
    %add3A_199 = arith.addi %mul3A_197, %add3A_198 : i32
    %dma_start3A_200 = arith.constant 0 : i32
    %dma_start3A_201 = arith.constant 0 : i32
    %dma_start3A_202 = tpu.memref_slice %arg3[%add3A_199, %dma_start3A_200, %dma_start3A_201] : memref<1024x26x1000xf32, #tpu.memory_space<hbm>> -> memref<1x26x1000xf32, #tpu.memory_space<hbm>>
    %dma_start3A_203 = arith.constant 0 : i32
    %dma_start3A_204 = arith.constant 0 : i32
    %dma_start3A_205 = tpu.memref_slice %arg3[%add3A_199, %dma_start3A_203, %dma_start3A_204] : memref<1024x26x1000xf32, #tpu.memory_space<hbm>> -> memref<1x26x1000xf32, #tpu.memory_space<hbm>>
    tpu.enqueue_dma source(%arg6 : memref<1x26x1000xf32, #tpu.memory_space<vmem>>) target(%dma_start3A_205 : memref<1x26x1000xf32, #tpu.memory_space<hbm>>) target_semaphore(%arg8 : memref<!tpu.dma_semaphore, #tpu.memory_space<semaphore_mem>>)
    %scan3A_206 = arith.constant 0 : i32
    %scan3A_207 = arith.constant 1 : i32
    %scan3A_208 = arith.constant 15 : i32
    %scan3A_209 = arith.addi %scan3A_207, %scan3A_208 : i32
    %scan3A_210 = arith.constant 1 : i32
    scf.for %scan3A_231 = %scan3A_207 to %scan3A_209 step %scan3A_210  : i32 {
      %mul3A_232 = arith.constant 2 : i32
      %mul3A_233 = arith.muli %mul3A_232, %scan3A_231 : i32
      %sub3A_234 = arith.constant 2 : i32
      %sub3A_235 = arith.subi %mul3A_233, %sub3A_234 : i32
      %mul3A_236 = arith.constant 32 : i32
      %mul3A_237 = arith.muli %add3A, %mul3A_236 : i32
      %mul3A_238 = arith.constant 1 : i32
      %mul3A_239 = arith.muli %sub3A_235, %mul3A_238 : i32
      %add3A_240 = arith.addi %mul3A_237, %mul3A_239 : i32
      %dma_wait3A_241 = arith.constant 0 : i32
      %dma_wait3A_242 = arith.constant 0 : i32
      %dma_wait3A_243 = tpu.memref_slice %arg3[%add3A_240, %dma_wait3A_241, %dma_wait3A_242] : memref<1024x26x1000xf32, #tpu.memory_space<hbm>> -> memref<1x26x1000xf32, #tpu.memory_space<hbm>>
      %dma_wait3A_244 = arith.constant 0 : i32
      %dma_wait3A_245 = arith.constant 0 : i32
      %dma_wait3A_246 = tpu.memref_slice %arg3[%add3A_240, %dma_wait3A_244, %dma_wait3A_245] : memref<1024x26x1000xf32, #tpu.memory_space<hbm>> -> memref<1x26x1000xf32, #tpu.memory_space<hbm>>
      tpu.wait_dma2 semaphore(%arg7 : memref<!tpu.dma_semaphore, #tpu.memory_space<semaphore_mem>>) src(%arg5 : memref<1x26x1000xf32, #tpu.memory_space<vmem>>) dst(%dma_wait3A_246 : memref<1x26x1000xf32, #tpu.memory_space<hbm>>)
      %sub3A_247 = arith.constant 2 : i32
      %sub3A_248 = arith.subi %mul3A_233, %sub3A_247 : i32
      %mul3A_249 = arith.constant 26 : i32
      %mul3A_250 = arith.muli %sub3A_248, %mul3A_249 : i32
      %add3A_251 = arith.constant 0 : i32
      %add3A_252 = vector.broadcast %add3A_251 : i32 to vector<16xi32>
      %add3A_253 = arith.addi %iota3A, %add3A_252 : vector<16xi32>
      %add3A_254 = arith.constant 0 : i32
      %add3A_255 = arith.addi %mul3A_250, %add3A_254 : i32
      %add3A_256 = vector.broadcast %add3A_255 : i32 to vector<16xi32>
      %add3A_257 = arith.addi %add3A_256, %iota3A : vector<16xi32>
      %gather3A_258 = tpu.vector_load_idx %arg4[%add3A_257] : memref<848xi32, #tpu.memory_space<vmem>>[vector<16xi32>], vector<16xi32>,
      %jit3A_259 = arith.constant 26 : i32
      %div3A_260 = vector.broadcast %jit3A_259 : i32 to vector<16xi32>
      %div3A_261 = arith.divsi %add3A_253, %div3A_260 : vector<16xi32>
      %sign3A_262 = arith.constant 0 : i32
      %sign3A_263 = vector.broadcast %sign3A_262 : i32 to vector<16xi32>
      %sign3A_264 = arith.cmpi sgt, %add3A_253, %sign3A_263 : vector<16xi32>
      %sign3A_265 = arith.extui %sign3A_264 : vector<16xi1> to vector<16xi32>
      %sign3A_266 = arith.constant 0 : i32
      %sign3A_267 = vector.broadcast %sign3A_266 : i32 to vector<16xi32>
      %sign3A_268 = arith.cmpi slt, %add3A_253, %sign3A_267 : vector<16xi32>
      %sign3A_269 = arith.extui %sign3A_268 : vector<16xi1> to vector<16xi32>
      %sign3A_270 = arith.subi %sign3A_265, %sign3A_269 : vector<16xi32>
      %sign3A_271 = arith.constant 0 : i32
      %sign3A_272 = arith.cmpi sgt, %jit3A_259, %sign3A_271 : i32
      %sign3A_273 = arith.extui %sign3A_272 : i1 to i32
      %sign3A_274 = arith.constant 0 : i32
      %sign3A_275 = arith.cmpi slt, %jit3A_259, %sign3A_274 : i32
      %sign3A_276 = arith.extui %sign3A_275 : i1 to i32
      %sign3A_277 = arith.subi %sign3A_273, %sign3A_276 : i32
      %ne3A_278 = vector.broadcast %sign3A_277 : i32 to vector<16xi32>
      %ne3A_279 = arith.cmpi ne, %sign3A_270, %ne3A_278 : vector<16xi32>
      %rem3A_280 = vector.broadcast %jit3A_259 : i32 to vector<16xi32>
      %rem3A_281 = arith.remsi %add3A_253, %rem3A_280 : vector<16xi32>
      %ne3A_282 = arith.constant 0 : i32
      %ne3A_283 = vector.broadcast %ne3A_282 : i32 to vector<16xi32>
      %ne3A_284 = arith.cmpi ne, %rem3A_281, %ne3A_283 : vector<16xi32>
      %and3A_285 = arith.andi %ne3A_279, %ne3A_284 : vector<16xi1>
      %sub3A_286 = arith.constant 1 : i32
      %sub3A_287 = vector.broadcast %sub3A_286 : i32 to vector<16xi32>
      %sub3A_288 = arith.subi %div3A_261, %sub3A_287 : vector<16xi32>
      %select_n3A_289 = arith.select %and3A_285, %sub3A_288, %div3A_261 : vector<16xi1>, vector<16xi32>
      %mul3A_290 = arith.constant 26 : i32
      %mul3A_291 = vector.broadcast %mul3A_290 : i32 to vector<16xi32>
      %mul3A_292 = arith.muli %select_n3A_289, %mul3A_291 : vector<16xi32>
      %sub3A_293 = arith.subi %add3A_253, %mul3A_292 : vector<16xi32>
      %lt3A_294 = arith.constant 26 : i32
      %lt3A_295 = vector.broadcast %lt3A_294 : i32 to vector<16xi32>
      %lt3A_296 = arith.cmpi slt, %add3A_253, %lt3A_295 : vector<16xi32>
      tpu.vector_store_idx %arg5[%select_n3A_289, %sub3A_293, %gather3A_258], %broadcast_in_dim3A_1 masked %lt3A_296 : memref<1x26x1000xf32, #tpu.memory_space<vmem>>[vector<16xi32>, vector<16xi32>, vector<16xi32>], vector<16xf32>, vector<16xi1>
      %add3A_297 = arith.constant 16 : i32
      %add3A_298 = vector.broadcast %add3A_297 : i32 to vector<16xi32>
      %add3A_299 = arith.addi %iota3A, %add3A_298 : vector<16xi32>
      %add3A_300 = arith.constant 16 : i32
      %add3A_301 = arith.addi %mul3A_250, %add3A_300 : i32
      %add3A_302 = vector.broadcast %add3A_301 : i32 to vector<16xi32>
      %add3A_303 = arith.addi %add3A_302, %iota3A : vector<16xi32>
      %gather3A_304 = tpu.vector_load_idx %arg4[%add3A_303] : memref<848xi32, #tpu.memory_space<vmem>>[vector<16xi32>], vector<16xi32>,
      %jit3A_305 = arith.constant 26 : i32
      %div3A_306 = vector.broadcast %jit3A_305 : i32 to vector<16xi32>
      %div3A_307 = arith.divsi %add3A_299, %div3A_306 : vector<16xi32>
      %sign3A_308 = arith.constant 0 : i32
      %sign3A_309 = vector.broadcast %sign3A_308 : i32 to vector<16xi32>
      %sign3A_310 = arith.cmpi sgt, %add3A_299, %sign3A_309 : vector<16xi32>
      %sign3A_311 = arith.extui %sign3A_310 : vector<16xi1> to vector<16xi32>
      %sign3A_312 = arith.constant 0 : i32
      %sign3A_313 = vector.broadcast %sign3A_312 : i32 to vector<16xi32>
      %sign3A_314 = arith.cmpi slt, %add3A_299, %sign3A_313 : vector<16xi32>
      %sign3A_315 = arith.extui %sign3A_314 : vector<16xi1> to vector<16xi32>
      %sign3A_316 = arith.subi %sign3A_311, %sign3A_315 : vector<16xi32>
      %sign3A_317 = arith.constant 0 : i32
      %sign3A_318 = arith.cmpi sgt, %jit3A_305, %sign3A_317 : i32
      %sign3A_319 = arith.extui %sign3A_318 : i1 to i32
      %sign3A_320 = arith.constant 0 : i32
      %sign3A_321 = arith.cmpi slt, %jit3A_305, %sign3A_320 : i32
      %sign3A_322 = arith.extui %sign3A_321 : i1 to i32
      %sign3A_323 = arith.subi %sign3A_319, %sign3A_322 : i32
      %ne3A_324 = vector.broadcast %sign3A_323 : i32 to vector<16xi32>
      %ne3A_325 = arith.cmpi ne, %sign3A_316, %ne3A_324 : vector<16xi32>
      %rem3A_326 = vector.broadcast %jit3A_305 : i32 to vector<16xi32>
      %rem3A_327 = arith.remsi %add3A_299, %rem3A_326 : vector<16xi32>
      %ne3A_328 = arith.constant 0 : i32
      %ne3A_329 = vector.broadcast %ne3A_328 : i32 to vector<16xi32>
      %ne3A_330 = arith.cmpi ne, %rem3A_327, %ne3A_329 : vector<16xi32>
      %and3A_331 = arith.andi %ne3A_325, %ne3A_330 : vector<16xi1>
      %sub3A_332 = arith.constant 1 : i32
      %sub3A_333 = vector.broadcast %sub3A_332 : i32 to vector<16xi32>
      %sub3A_334 = arith.subi %div3A_307, %sub3A_333 : vector<16xi32>
      %select_n3A_335 = arith.select %and3A_331, %sub3A_334, %div3A_307 : vector<16xi1>, vector<16xi32>
      %mul3A_336 = arith.constant 26 : i32
      %mul3A_337 = vector.broadcast %mul3A_336 : i32 to vector<16xi32>
      %mul3A_338 = arith.muli %select_n3A_335, %mul3A_337 : vector<16xi32>
      %sub3A_339 = arith.subi %add3A_299, %mul3A_338 : vector<16xi32>
      %lt3A_340 = arith.constant 26 : i32
      %lt3A_341 = vector.broadcast %lt3A_340 : i32 to vector<16xi32>
      %lt3A_342 = arith.cmpi slt, %add3A_299, %lt3A_341 : vector<16xi32>
      tpu.vector_store_idx %arg5[%select_n3A_335, %sub3A_339, %gather3A_304], %broadcast_in_dim3A_1 masked %lt3A_342 : memref<1x26x1000xf32, #tpu.memory_space<vmem>>[vector<16xi32>, vector<16xi32>, vector<16xi32>], vector<16xf32>, vector<16xi1>
      %mul3A_343 = arith.constant 26 : i32
      %mul3A_344 = arith.muli %mul3A_233, %mul3A_343 : i32
      %add3A_345 = arith.constant 0 : i32
      %add3A_346 = vector.broadcast %add3A_345 : i32 to vector<16xi32>
      %add3A_347 = arith.addi %iota3A, %add3A_346 : vector<16xi32>
      %add3A_348 = arith.constant 0 : i32
      %add3A_349 = arith.addi %mul3A_344, %add3A_348 : i32
      %add3A_350 = vector.broadcast %add3A_349 : i32 to vector<16xi32>
      %add3A_351 = arith.addi %add3A_350, %iota3A : vector<16xi32>
      %gather3A_352 = tpu.vector_load_idx %arg4[%add3A_351] : memref<848xi32, #tpu.memory_space<vmem>>[vector<16xi32>], vector<16xi32>,
      %jit3A_353 = arith.constant 26 : i32
      %div3A_354 = vector.broadcast %jit3A_353 : i32 to vector<16xi32>
      %div3A_355 = arith.divsi %add3A_347, %div3A_354 : vector<16xi32>
      %sign3A_356 = arith.constant 0 : i32
      %sign3A_357 = vector.broadcast %sign3A_356 : i32 to vector<16xi32>
      %sign3A_358 = arith.cmpi sgt, %add3A_347, %sign3A_357 : vector<16xi32>
      %sign3A_359 = arith.extui %sign3A_358 : vector<16xi1> to vector<16xi32>
      %sign3A_360 = arith.constant 0 : i32
      %sign3A_361 = vector.broadcast %sign3A_360 : i32 to vector<16xi32>
      %sign3A_362 = arith.cmpi slt, %add3A_347, %sign3A_361 : vector<16xi32>
      %sign3A_363 = arith.extui %sign3A_362 : vector<16xi1> to vector<16xi32>
      %sign3A_364 = arith.subi %sign3A_359, %sign3A_363 : vector<16xi32>
      %sign3A_365 = arith.constant 0 : i32
      %sign3A_366 = arith.cmpi sgt, %jit3A_353, %sign3A_365 : i32
      %sign3A_367 = arith.extui %sign3A_366 : i1 to i32
      %sign3A_368 = arith.constant 0 : i32
      %sign3A_369 = arith.cmpi slt, %jit3A_353, %sign3A_368 : i32
      %sign3A_370 = arith.extui %sign3A_369 : i1 to i32
      %sign3A_371 = arith.subi %sign3A_367, %sign3A_370 : i32
      %ne3A_372 = vector.broadcast %sign3A_371 : i32 to vector<16xi32>
      %ne3A_373 = arith.cmpi ne, %sign3A_364, %ne3A_372 : vector<16xi32>
      %rem3A_374 = vector.broadcast %jit3A_353 : i32 to vector<16xi32>
      %rem3A_375 = arith.remsi %add3A_347, %rem3A_374 : vector<16xi32>
      %ne3A_376 = arith.constant 0 : i32
      %ne3A_377 = vector.broadcast %ne3A_376 : i32 to vector<16xi32>
      %ne3A_378 = arith.cmpi ne, %rem3A_375, %ne3A_377 : vector<16xi32>
      %and3A_379 = arith.andi %ne3A_373, %ne3A_378 : vector<16xi1>
      %sub3A_380 = arith.constant 1 : i32
      %sub3A_381 = vector.broadcast %sub3A_380 : i32 to vector<16xi32>
      %sub3A_382 = arith.subi %div3A_355, %sub3A_381 : vector<16xi32>
      %select_n3A_383 = arith.select %and3A_379, %sub3A_382, %div3A_355 : vector<16xi1>, vector<16xi32>
      %mul3A_384 = arith.constant 26 : i32
      %mul3A_385 = vector.broadcast %mul3A_384 : i32 to vector<16xi32>
      %mul3A_386 = arith.muli %select_n3A_383, %mul3A_385 : vector<16xi32>
      %sub3A_387 = arith.subi %add3A_347, %mul3A_386 : vector<16xi32>
      %lt3A_388 = arith.constant 26 : i32
      %lt3A_389 = vector.broadcast %lt3A_388 : i32 to vector<16xi32>
      %lt3A_390 = arith.cmpi slt, %add3A_347, %lt3A_389 : vector<16xi32>
      tpu.vector_store_idx %arg5[%select_n3A_383, %sub3A_387, %gather3A_352], %broadcast_in_dim3A_3 masked %lt3A_390 : memref<1x26x1000xf32, #tpu.memory_space<vmem>>[vector<16xi32>, vector<16xi32>, vector<16xi32>], vector<16xf32>, vector<16xi1>
      %add3A_391 = arith.constant 16 : i32
      %add3A_392 = vector.broadcast %add3A_391 : i32 to vector<16xi32>
      %add3A_393 = arith.addi %iota3A, %add3A_392 : vector<16xi32>
      %add3A_394 = arith.constant 16 : i32
      %add3A_395 = arith.addi %mul3A_344, %add3A_394 : i32
      %add3A_396 = vector.broadcast %add3A_395 : i32 to vector<16xi32>
      %add3A_397 = arith.addi %add3A_396, %iota3A : vector<16xi32>
      %gather3A_398 = tpu.vector_load_idx %arg4[%add3A_397] : memref<848xi32, #tpu.memory_space<vmem>>[vector<16xi32>], vector<16xi32>,
      %jit3A_399 = arith.constant 26 : i32
      %div3A_400 = vector.broadcast %jit3A_399 : i32 to vector<16xi32>
      %div3A_401 = arith.divsi %add3A_393, %div3A_400 : vector<16xi32>
      %sign3A_402 = arith.constant 0 : i32
      %sign3A_403 = vector.broadcast %sign3A_402 : i32 to vector<16xi32>
      %sign3A_404 = arith.cmpi sgt, %add3A_393, %sign3A_403 : vector<16xi32>
      %sign3A_405 = arith.extui %sign3A_404 : vector<16xi1> to vector<16xi32>
      %sign3A_406 = arith.constant 0 : i32
      %sign3A_407 = vector.broadcast %sign3A_406 : i32 to vector<16xi32>
      %sign3A_408 = arith.cmpi slt, %add3A_393, %sign3A_407 : vector<16xi32>
      %sign3A_409 = arith.extui %sign3A_408 : vector<16xi1> to vector<16xi32>
      %sign3A_410 = arith.subi %sign3A_405, %sign3A_409 : vector<16xi32>
      %sign3A_411 = arith.constant 0 : i32
      %sign3A_412 = arith.cmpi sgt, %jit3A_399, %sign3A_411 : i32
      %sign3A_413 = arith.extui %sign3A_412 : i1 to i32
      %sign3A_414 = arith.constant 0 : i32
      %sign3A_415 = arith.cmpi slt, %jit3A_399, %sign3A_414 : i32
      %sign3A_416 = arith.extui %sign3A_415 : i1 to i32
      %sign3A_417 = arith.subi %sign3A_413, %sign3A_416 : i32
      %ne3A_418 = vector.broadcast %sign3A_417 : i32 to vector<16xi32>
      %ne3A_419 = arith.cmpi ne, %sign3A_410, %ne3A_418 : vector<16xi32>
      %rem3A_420 = vector.broadcast %jit3A_399 : i32 to vector<16xi32>
      %rem3A_421 = arith.remsi %add3A_393, %rem3A_420 : vector<16xi32>
      %ne3A_422 = arith.constant 0 : i32
      %ne3A_423 = vector.broadcast %ne3A_422 : i32 to vector<16xi32>
      %ne3A_424 = arith.cmpi ne, %rem3A_421, %ne3A_423 : vector<16xi32>
      %and3A_425 = arith.andi %ne3A_419, %ne3A_424 : vector<16xi1>
      %sub3A_426 = arith.constant 1 : i32
      %sub3A_427 = vector.broadcast %sub3A_426 : i32 to vector<16xi32>
      %sub3A_428 = arith.subi %div3A_401, %sub3A_427 : vector<16xi32>
      %select_n3A_429 = arith.select %and3A_425, %sub3A_428, %div3A_401 : vector<16xi1>, vector<16xi32>
      %mul3A_430 = arith.constant 26 : i32
      %mul3A_431 = vector.broadcast %mul3A_430 : i32 to vector<16xi32>
      %mul3A_432 = arith.muli %select_n3A_429, %mul3A_431 : vector<16xi32>
      %sub3A_433 = arith.subi %add3A_393, %mul3A_432 : vector<16xi32>
      %lt3A_434 = arith.constant 26 : i32
      %lt3A_435 = vector.broadcast %lt3A_434 : i32 to vector<16xi32>
      %lt3A_436 = arith.cmpi slt, %add3A_393, %lt3A_435 : vector<16xi32>
      tpu.vector_store_idx %arg5[%select_n3A_429, %sub3A_433, %gather3A_398], %broadcast_in_dim3A_3 masked %lt3A_436 : memref<1x26x1000xf32, #tpu.memory_space<vmem>>[vector<16xi32>, vector<16xi32>, vector<16xi32>], vector<16xf32>, vector<16xi1>
      %mul3A_437 = arith.constant 32 : i32
      %mul3A_438 = arith.muli %add3A, %mul3A_437 : i32
      %mul3A_439 = arith.constant 1 : i32
      %mul3A_440 = arith.muli %mul3A_233, %mul3A_439 : i32
      %add3A_441 = arith.addi %mul3A_438, %mul3A_440 : i32
      %dma_start3A_442 = arith.constant 0 : i32
      %dma_start3A_443 = arith.constant 0 : i32
      %dma_start3A_444 = tpu.memref_slice %arg3[%add3A_441, %dma_start3A_442, %dma_start3A_443] : memref<1024x26x1000xf32, #tpu.memory_space<hbm>> -> memref<1x26x1000xf32, #tpu.memory_space<hbm>>
      %dma_start3A_445 = arith.constant 0 : i32
      %dma_start3A_446 = arith.constant 0 : i32
      %dma_start3A_447 = tpu.memref_slice %arg3[%add3A_441, %dma_start3A_445, %dma_start3A_446] : memref<1024x26x1000xf32, #tpu.memory_space<hbm>> -> memref<1x26x1000xf32, #tpu.memory_space<hbm>>
      tpu.enqueue_dma source(%arg5 : memref<1x26x1000xf32, #tpu.memory_space<vmem>>) target(%dma_start3A_447 : memref<1x26x1000xf32, #tpu.memory_space<hbm>>) target_semaphore(%arg7 : memref<!tpu.dma_semaphore, #tpu.memory_space<semaphore_mem>>)
      %mul3A_448 = arith.constant 2 : i32
      %mul3A_449 = arith.muli %mul3A_448, %scan3A_231 : i32
      %add3A_450 = arith.constant 1 : i32
      %add3A_451 = arith.addi %mul3A_449, %add3A_450 : i32
      %sub3A_452 = arith.constant 2 : i32
      %sub3A_453 = arith.subi %add3A_451, %sub3A_452 : i32
      %mul3A_454 = arith.constant 32 : i32
      %mul3A_455 = arith.muli %add3A, %mul3A_454 : i32
      %mul3A_456 = arith.constant 1 : i32
      %mul3A_457 = arith.muli %sub3A_453, %mul3A_456 : i32
      %add3A_458 = arith.addi %mul3A_455, %mul3A_457 : i32
      %dma_wait3A_459 = arith.constant 0 : i32
      %dma_wait3A_460 = arith.constant 0 : i32
      %dma_wait3A_461 = tpu.memref_slice %arg3[%add3A_458, %dma_wait3A_459, %dma_wait3A_460] : memref<1024x26x1000xf32, #tpu.memory_space<hbm>> -> memref<1x26x1000xf32, #tpu.memory_space<hbm>>
      %dma_wait3A_462 = arith.constant 0 : i32
      %dma_wait3A_463 = arith.constant 0 : i32
      %dma_wait3A_464 = tpu.memref_slice %arg3[%add3A_458, %dma_wait3A_462, %dma_wait3A_463] : memref<1024x26x1000xf32, #tpu.memory_space<hbm>> -> memref<1x26x1000xf32, #tpu.memory_space<hbm>>
      tpu.wait_dma2 semaphore(%arg8 : memref<!tpu.dma_semaphore, #tpu.memory_space<semaphore_mem>>) src(%arg6 : memref<1x26x1000xf32, #tpu.memory_space<vmem>>) dst(%dma_wait3A_464 : memref<1x26x1000xf32, #tpu.memory_space<hbm>>)
      %sub3A_465 = arith.constant 2 : i32
      %sub3A_466 = arith.subi %add3A_451, %sub3A_465 : i32
      %mul3A_467 = arith.constant 26 : i32
      %mul3A_468 = arith.muli %sub3A_466, %mul3A_467 : i32
      %add3A_469 = arith.constant 0 : i32
      %add3A_470 = vector.broadcast %add3A_469 : i32 to vector<16xi32>
      %add3A_471 = arith.addi %iota3A, %add3A_470 : vector<16xi32>
      %add3A_472 = arith.constant 0 : i32
      %add3A_473 = arith.addi %mul3A_468, %add3A_472 : i32
      %add3A_474 = vector.broadcast %add3A_473 : i32 to vector<16xi32>
      %add3A_475 = arith.addi %add3A_474, %iota3A : vector<16xi32>
      %gather3A_476 = tpu.vector_load_idx %arg4[%add3A_475] : memref<848xi32, #tpu.memory_space<vmem>>[vector<16xi32>], vector<16xi32>,
      %jit3A_477 = arith.constant 26 : i32
      %div3A_478 = vector.broadcast %jit3A_477 : i32 to vector<16xi32>
      %div3A_479 = arith.divsi %add3A_471, %div3A_478 : vector<16xi32>
      %sign3A_480 = arith.constant 0 : i32
      %sign3A_481 = vector.broadcast %sign3A_480 : i32 to vector<16xi32>
      %sign3A_482 = arith.cmpi sgt, %add3A_471, %sign3A_481 : vector<16xi32>
      %sign3A_483 = arith.extui %sign3A_482 : vector<16xi1> to vector<16xi32>
      %sign3A_484 = arith.constant 0 : i32
      %sign3A_485 = vector.broadcast %sign3A_484 : i32 to vector<16xi32>
      %sign3A_486 = arith.cmpi slt, %add3A_471, %sign3A_485 : vector<16xi32>
      %sign3A_487 = arith.extui %sign3A_486 : vector<16xi1> to vector<16xi32>
      %sign3A_488 = arith.subi %sign3A_483, %sign3A_487 : vector<16xi32>
      %sign3A_489 = arith.constant 0 : i32
      %sign3A_490 = arith.cmpi sgt, %jit3A_477, %sign3A_489 : i32
      %sign3A_491 = arith.extui %sign3A_490 : i1 to i32
      %sign3A_492 = arith.constant 0 : i32
      %sign3A_493 = arith.cmpi slt, %jit3A_477, %sign3A_492 : i32
      %sign3A_494 = arith.extui %sign3A_493 : i1 to i32
      %sign3A_495 = arith.subi %sign3A_491, %sign3A_494 : i32
      %ne3A_496 = vector.broadcast %sign3A_495 : i32 to vector<16xi32>
      %ne3A_497 = arith.cmpi ne, %sign3A_488, %ne3A_496 : vector<16xi32>
      %rem3A_498 = vector.broadcast %jit3A_477 : i32 to vector<16xi32>
      %rem3A_499 = arith.remsi %add3A_471, %rem3A_498 : vector<16xi32>
      %ne3A_500 = arith.constant 0 : i32
      %ne3A_501 = vector.broadcast %ne3A_500 : i32 to vector<16xi32>
      %ne3A_502 = arith.cmpi ne, %rem3A_499, %ne3A_501 : vector<16xi32>
      %and3A_503 = arith.andi %ne3A_497, %ne3A_502 : vector<16xi1>
      %sub3A_504 = arith.constant 1 : i32
      %sub3A_505 = vector.broadcast %sub3A_504 : i32 to vector<16xi32>
      %sub3A_506 = arith.subi %div3A_479, %sub3A_505 : vector<16xi32>
      %select_n3A_507 = arith.select %and3A_503, %sub3A_506, %div3A_479 : vector<16xi1>, vector<16xi32>
      %mul3A_508 = arith.constant 26 : i32
      %mul3A_509 = vector.broadcast %mul3A_508 : i32 to vector<16xi32>
      %mul3A_510 = arith.muli %select_n3A_507, %mul3A_509 : vector<16xi32>
      %sub3A_511 = arith.subi %add3A_471, %mul3A_510 : vector<16xi32>
      %lt3A_512 = arith.constant 26 : i32
      %lt3A_513 = vector.broadcast %lt3A_512 : i32 to vector<16xi32>
      %lt3A_514 = arith.cmpi slt, %add3A_471, %lt3A_513 : vector<16xi32>
      tpu.vector_store_idx %arg6[%select_n3A_507, %sub3A_511, %gather3A_476], %broadcast_in_dim3A_1 masked %lt3A_514 : memref<1x26x1000xf32, #tpu.memory_space<vmem>>[vector<16xi32>, vector<16xi32>, vector<16xi32>], vector<16xf32>, vector<16xi1>
      %add3A_515 = arith.constant 16 : i32
      %add3A_516 = vector.broadcast %add3A_515 : i32 to vector<16xi32>
      %add3A_517 = arith.addi %iota3A, %add3A_516 : vector<16xi32>
      %add3A_518 = arith.constant 16 : i32
      %add3A_519 = arith.addi %mul3A_468, %add3A_518 : i32
      %add3A_520 = vector.broadcast %add3A_519 : i32 to vector<16xi32>
      %add3A_521 = arith.addi %add3A_520, %iota3A : vector<16xi32>
      %gather3A_522 = tpu.vector_load_idx %arg4[%add3A_521] : memref<848xi32, #tpu.memory_space<vmem>>[vector<16xi32>], vector<16xi32>,
      %jit3A_523 = arith.constant 26 : i32
      %div3A_524 = vector.broadcast %jit3A_523 : i32 to vector<16xi32>
      %div3A_525 = arith.divsi %add3A_517, %div3A_524 : vector<16xi32>
      %sign3A_526 = arith.constant 0 : i32
      %sign3A_527 = vector.broadcast %sign3A_526 : i32 to vector<16xi32>
      %sign3A_528 = arith.cmpi sgt, %add3A_517, %sign3A_527 : vector<16xi32>
      %sign3A_529 = arith.extui %sign3A_528 : vector<16xi1> to vector<16xi32>
      %sign3A_530 = arith.constant 0 : i32
      %sign3A_531 = vector.broadcast %sign3A_530 : i32 to vector<16xi32>
      %sign3A_532 = arith.cmpi slt, %add3A_517, %sign3A_531 : vector<16xi32>
      %sign3A_533 = arith.extui %sign3A_532 : vector<16xi1> to vector<16xi32>
      %sign3A_534 = arith.subi %sign3A_529, %sign3A_533 : vector<16xi32>
      %sign3A_535 = arith.constant 0 : i32
      %sign3A_536 = arith.cmpi sgt, %jit3A_523, %sign3A_535 : i32
      %sign3A_537 = arith.extui %sign3A_536 : i1 to i32
      %sign3A_538 = arith.constant 0 : i32
      %sign3A_539 = arith.cmpi slt, %jit3A_523, %sign3A_538 : i32
      %sign3A_540 = arith.extui %sign3A_539 : i1 to i32
      %sign3A_541 = arith.subi %sign3A_537, %sign3A_540 : i32
      %ne3A_542 = vector.broadcast %sign3A_541 : i32 to vector<16xi32>
      %ne3A_543 = arith.cmpi ne, %sign3A_534, %ne3A_542 : vector<16xi32>
      %rem3A_544 = vector.broadcast %jit3A_523 : i32 to vector<16xi32>
      %rem3A_545 = arith.remsi %add3A_517, %rem3A_544 : vector<16xi32>
      %ne3A_546 = arith.constant 0 : i32
      %ne3A_547 = vector.broadcast %ne3A_546 : i32 to vector<16xi32>
      %ne3A_548 = arith.cmpi ne, %rem3A_545, %ne3A_547 : vector<16xi32>
      %and3A_549 = arith.andi %ne3A_543, %ne3A_548 : vector<16xi1>
      %sub3A_550 = arith.constant 1 : i32
      %sub3A_551 = vector.broadcast %sub3A_550 : i32 to vector<16xi32>
      %sub3A_552 = arith.subi %div3A_525, %sub3A_551 : vector<16xi32>
      %select_n3A_553 = arith.select %and3A_549, %sub3A_552, %div3A_525 : vector<16xi1>, vector<16xi32>
      %mul3A_554 = arith.constant 26 : i32
      %mul3A_555 = vector.broadcast %mul3A_554 : i32 to vector<16xi32>
      %mul3A_556 = arith.muli %select_n3A_553, %mul3A_555 : vector<16xi32>
      %sub3A_557 = arith.subi %add3A_517, %mul3A_556 : vector<16xi32>
      %lt3A_558 = arith.constant 26 : i32
      %lt3A_559 = vector.broadcast %lt3A_558 : i32 to vector<16xi32>
      %lt3A_560 = arith.cmpi slt, %add3A_517, %lt3A_559 : vector<16xi32>
      tpu.vector_store_idx %arg6[%select_n3A_553, %sub3A_557, %gather3A_522], %broadcast_in_dim3A_1 masked %lt3A_560 : memref<1x26x1000xf32, #tpu.memory_space<vmem>>[vector<16xi32>, vector<16xi32>, vector<16xi32>], vector<16xf32>, vector<16xi1>
      %mul3A_561 = arith.constant 26 : i32
      %mul3A_562 = arith.muli %add3A_451, %mul3A_561 : i32
      %add3A_563 = arith.constant 0 : i32
      %add3A_564 = vector.broadcast %add3A_563 : i32 to vector<16xi32>
      %add3A_565 = arith.addi %iota3A, %add3A_564 : vector<16xi32>
      %add3A_566 = arith.constant 0 : i32
      %add3A_567 = arith.addi %mul3A_562, %add3A_566 : i32
      %add3A_568 = vector.broadcast %add3A_567 : i32 to vector<16xi32>
      %add3A_569 = arith.addi %add3A_568, %iota3A : vector<16xi32>
      %gather3A_570 = tpu.vector_load_idx %arg4[%add3A_569] : memref<848xi32, #tpu.memory_space<vmem>>[vector<16xi32>], vector<16xi32>,
      %jit3A_571 = arith.constant 26 : i32
      %div3A_572 = vector.broadcast %jit3A_571 : i32 to vector<16xi32>
      %div3A_573 = arith.divsi %add3A_565, %div3A_572 : vector<16xi32>
      %sign3A_574 = arith.constant 0 : i32
      %sign3A_575 = vector.broadcast %sign3A_574 : i32 to vector<16xi32>
      %sign3A_576 = arith.cmpi sgt, %add3A_565, %sign3A_575 : vector<16xi32>
      %sign3A_577 = arith.extui %sign3A_576 : vector<16xi1> to vector<16xi32>
      %sign3A_578 = arith.constant 0 : i32
      %sign3A_579 = vector.broadcast %sign3A_578 : i32 to vector<16xi32>
      %sign3A_580 = arith.cmpi slt, %add3A_565, %sign3A_579 : vector<16xi32>
      %sign3A_581 = arith.extui %sign3A_580 : vector<16xi1> to vector<16xi32>
      %sign3A_582 = arith.subi %sign3A_577, %sign3A_581 : vector<16xi32>
      %sign3A_583 = arith.constant 0 : i32
      %sign3A_584 = arith.cmpi sgt, %jit3A_571, %sign3A_583 : i32
      %sign3A_585 = arith.extui %sign3A_584 : i1 to i32
      %sign3A_586 = arith.constant 0 : i32
      %sign3A_587 = arith.cmpi slt, %jit3A_571, %sign3A_586 : i32
      %sign3A_588 = arith.extui %sign3A_587 : i1 to i32
      %sign3A_589 = arith.subi %sign3A_585, %sign3A_588 : i32
      %ne3A_590 = vector.broadcast %sign3A_589 : i32 to vector<16xi32>
      %ne3A_591 = arith.cmpi ne, %sign3A_582, %ne3A_590 : vector<16xi32>
      %rem3A_592 = vector.broadcast %jit3A_571 : i32 to vector<16xi32>
      %rem3A_593 = arith.remsi %add3A_565, %rem3A_592 : vector<16xi32>
      %ne3A_594 = arith.constant 0 : i32
      %ne3A_595 = vector.broadcast %ne3A_594 : i32 to vector<16xi32>
      %ne3A_596 = arith.cmpi ne, %rem3A_593, %ne3A_595 : vector<16xi32>
      %and3A_597 = arith.andi %ne3A_591, %ne3A_596 : vector<16xi1>
      %sub3A_598 = arith.constant 1 : i32
      %sub3A_599 = vector.broadcast %sub3A_598 : i32 to vector<16xi32>
      %sub3A_600 = arith.subi %div3A_573, %sub3A_599 : vector<16xi32>
      %select_n3A_601 = arith.select %and3A_597, %sub3A_600, %div3A_573 : vector<16xi1>, vector<16xi32>
      %mul3A_602 = arith.constant 26 : i32
      %mul3A_603 = vector.broadcast %mul3A_602 : i32 to vector<16xi32>
      %mul3A_604 = arith.muli %select_n3A_601, %mul3A_603 : vector<16xi32>
      %sub3A_605 = arith.subi %add3A_565, %mul3A_604 : vector<16xi32>
      %lt3A_606 = arith.constant 26 : i32
      %lt3A_607 = vector.broadcast %lt3A_606 : i32 to vector<16xi32>
      %lt3A_608 = arith.cmpi slt, %add3A_565, %lt3A_607 : vector<16xi32>
      tpu.vector_store_idx %arg6[%select_n3A_601, %sub3A_605, %gather3A_570], %broadcast_in_dim3A_3 masked %lt3A_608 : memref<1x26x1000xf32, #tpu.memory_space<vmem>>[vector<16xi32>, vector<16xi32>, vector<16xi32>], vector<16xf32>, vector<16xi1>
      %add3A_609 = arith.constant 16 : i32
      %add3A_610 = vector.broadcast %add3A_609 : i32 to vector<16xi32>
      %add3A_611 = arith.addi %iota3A, %add3A_610 : vector<16xi32>
      %add3A_612 = arith.constant 16 : i32
      %add3A_613 = arith.addi %mul3A_562, %add3A_612 : i32
      %add3A_614 = vector.broadcast %add3A_613 : i32 to vector<16xi32>
      %add3A_615 = arith.addi %add3A_614, %iota3A : vector<16xi32>
      %gather3A_616 = tpu.vector_load_idx %arg4[%add3A_615] : memref<848xi32, #tpu.memory_space<vmem>>[vector<16xi32>], vector<16xi32>,
      %jit3A_617 = arith.constant 26 : i32
      %div3A_618 = vector.broadcast %jit3A_617 : i32 to vector<16xi32>
      %div3A_619 = arith.divsi %add3A_611, %div3A_618 : vector<16xi32>
      %sign3A_620 = arith.constant 0 : i32
      %sign3A_621 = vector.broadcast %sign3A_620 : i32 to vector<16xi32>
      %sign3A_622 = arith.cmpi sgt, %add3A_611, %sign3A_621 : vector<16xi32>
      %sign3A_623 = arith.extui %sign3A_622 : vector<16xi1> to vector<16xi32>
      %sign3A_624 = arith.constant 0 : i32
      %sign3A_625 = vector.broadcast %sign3A_624 : i32 to vector<16xi32>
      %sign3A_626 = arith.cmpi slt, %add3A_611, %sign3A_625 : vector<16xi32>
      %sign3A_627 = arith.extui %sign3A_626 : vector<16xi1> to vector<16xi32>
      %sign3A_628 = arith.subi %sign3A_623, %sign3A_627 : vector<16xi32>
      %sign3A_629 = arith.constant 0 : i32
      %sign3A_630 = arith.cmpi sgt, %jit3A_617, %sign3A_629 : i32
      %sign3A_631 = arith.extui %sign3A_630 : i1 to i32
      %sign3A_632 = arith.constant 0 : i32
      %sign3A_633 = arith.cmpi slt, %jit3A_617, %sign3A_632 : i32
      %sign3A_634 = arith.extui %sign3A_633 : i1 to i32
      %sign3A_635 = arith.subi %sign3A_631, %sign3A_634 : i32
      %ne3A_636 = vector.broadcast %sign3A_635 : i32 to vector<16xi32>
      %ne3A_637 = arith.cmpi ne, %sign3A_628, %ne3A_636 : vector<16xi32>
      %rem3A_638 = vector.broadcast %jit3A_617 : i32 to vector<16xi32>
      %rem3A_639 = arith.remsi %add3A_611, %rem3A_638 : vector<16xi32>
      %ne3A_640 = arith.constant 0 : i32
      %ne3A_641 = vector.broadcast %ne3A_640 : i32 to vector<16xi32>
      %ne3A_642 = arith.cmpi ne, %rem3A_639, %ne3A_641 : vector<16xi32>
      %and3A_643 = arith.andi %ne3A_637, %ne3A_642 : vector<16xi1>
      %sub3A_644 = arith.constant 1 : i32
      %sub3A_645 = vector.broadcast %sub3A_644 : i32 to vector<16xi32>
      %sub3A_646 = arith.subi %div3A_619, %sub3A_645 : vector<16xi32>
      %select_n3A_647 = arith.select %and3A_643, %sub3A_646, %div3A_619 : vector<16xi1>, vector<16xi32>
      %mul3A_648 = arith.constant 26 : i32
      %mul3A_649 = vector.broadcast %mul3A_648 : i32 to vector<16xi32>
      %mul3A_650 = arith.muli %select_n3A_647, %mul3A_649 : vector<16xi32>
      %sub3A_651 = arith.subi %add3A_611, %mul3A_650 : vector<16xi32>
      %lt3A_652 = arith.constant 26 : i32
      %lt3A_653 = vector.broadcast %lt3A_652 : i32 to vector<16xi32>
      %lt3A_654 = arith.cmpi slt, %add3A_611, %lt3A_653 : vector<16xi32>
      tpu.vector_store_idx %arg6[%select_n3A_647, %sub3A_651, %gather3A_616], %broadcast_in_dim3A_3 masked %lt3A_654 : memref<1x26x1000xf32, #tpu.memory_space<vmem>>[vector<16xi32>, vector<16xi32>, vector<16xi32>], vector<16xf32>, vector<16xi1>
      %mul3A_655 = arith.constant 32 : i32
      %mul3A_656 = arith.muli %add3A, %mul3A_655 : i32
      %mul3A_657 = arith.constant 1 : i32
      %mul3A_658 = arith.muli %add3A_451, %mul3A_657 : i32
      %add3A_659 = arith.addi %mul3A_656, %mul3A_658 : i32
      %dma_start3A_660 = arith.constant 0 : i32
      %dma_start3A_661 = arith.constant 0 : i32
      %dma_start3A_662 = tpu.memref_slice %arg3[%add3A_659, %dma_start3A_660, %dma_start3A_661] : memref<1024x26x1000xf32, #tpu.memory_space<hbm>> -> memref<1x26x1000xf32, #tpu.memory_space<hbm>>
      %dma_start3A_663 = arith.constant 0 : i32
      %dma_start3A_664 = arith.constant 0 : i32
      %dma_start3A_665 = tpu.memref_slice %arg3[%add3A_659, %dma_start3A_663, %dma_start3A_664] : memref<1024x26x1000xf32, #tpu.memory_space<hbm>> -> memref<1x26x1000xf32, #tpu.memory_space<hbm>>
      tpu.enqueue_dma source(%arg6 : memref<1x26x1000xf32, #tpu.memory_space<vmem>>) target(%dma_start3A_665 : memref<1x26x1000xf32, #tpu.memory_space<hbm>>) target_semaphore(%arg8 : memref<!tpu.dma_semaphore, #tpu.memory_space<semaphore_mem>>)
    }
    %scan3A_211 = arith.constant 15 : i32
    %mul3A_212 = arith.constant 32 : i32
    %mul3A_213 = arith.muli %add3A, %mul3A_212 : i32
    %add3A_214 = arith.constant 30 : i32
    %add3A_215 = arith.addi %mul3A_213, %add3A_214 : i32
    %dma_wait3A = arith.constant 0 : i32
    %dma_wait3A_216 = arith.constant 0 : i32
    %dma_wait3A_217 = tpu.memref_slice %arg3[%add3A_215, %dma_wait3A, %dma_wait3A_216] : memref<1024x26x1000xf32, #tpu.memory_space<hbm>> -> memref<1x26x1000xf32, #tpu.memory_space<hbm>>
    %dma_wait3A_218 = arith.constant 0 : i32
    %dma_wait3A_219 = arith.constant 0 : i32
    %dma_wait3A_220 = tpu.memref_slice %arg3[%add3A_215, %dma_wait3A_218, %dma_wait3A_219] : memref<1024x26x1000xf32, #tpu.memory_space<hbm>> -> memref<1x26x1000xf32, #tpu.memory_space<hbm>>
    tpu.wait_dma2 semaphore(%arg7 : memref<!tpu.dma_semaphore, #tpu.memory_space<semaphore_mem>>) src(%arg5 : memref<1x26x1000xf32, #tpu.memory_space<vmem>>) dst(%dma_wait3A_220 : memref<1x26x1000xf32, #tpu.memory_space<hbm>>)
    %mul3A_221 = arith.constant 32 : i32
    %mul3A_222 = arith.muli %add3A, %mul3A_221 : i32
    %add3A_223 = arith.constant 31 : i32
    %add3A_224 = arith.addi %mul3A_222, %add3A_223 : i32
    %dma_wait3A_225 = arith.constant 0 : i32
    %dma_wait3A_226 = arith.constant 0 : i32
    %dma_wait3A_227 = tpu.memref_slice %arg3[%add3A_224, %dma_wait3A_225, %dma_wait3A_226] : memref<1024x26x1000xf32, #tpu.memory_space<hbm>> -> memref<1x26x1000xf32, #tpu.memory_space<hbm>>
    %dma_wait3A_228 = arith.constant 0 : i32
    %dma_wait3A_229 = arith.constant 0 : i32
    %dma_wait3A_230 = tpu.memref_slice %arg3[%add3A_224, %dma_wait3A_228, %dma_wait3A_229] : memref<1024x26x1000xf32, #tpu.memory_space<hbm>> -> memref<1x26x1000xf32, #tpu.memory_space<hbm>>
    tpu.wait_dma2 semaphore(%arg8 : memref<!tpu.dma_semaphore, #tpu.memory_space<semaphore_mem>>) src(%arg6 : memref<1x26x1000xf32, #tpu.memory_space<vmem>>) dst(%dma_wait3A_230 : memref<1x26x1000xf32, #tpu.memory_space<hbm>>)
    return
  }
}

#map = affine_map<(d0, d1) -> (0)>
#map1 = affine_map<(d0, d1) -> (0, 0, 0)>
module attributes {stable_mosaic.version = 14 : i64} {
  func.func @_sc_body_q(%arg0: i32, %arg1: i32, %arg2: memref<26624xi32, #tpu.memory_space<hbm>>, %arg3: memref<1024x26x1000xf32, #tpu.memory_space<hbm>>, %arg4: memref<848xi32, #tpu.memory_space<vmem>>, %arg5: memref<1x26x1000xf32, #tpu.memory_space<vmem>>, %arg6: memref<1x26x1000xf32, #tpu.memory_space<vmem>>, %arg7: memref<!tpu.dma_semaphore, #tpu.memory_space<semaphore_mem>>, %arg8: memref<!tpu.dma_semaphore, #tpu.memory_space<semaphore_mem>>) attributes {dimension_semantics = [#tpu.dimension_semantics<core_parallel>, #tpu.dimension_semantics<subcore_parallel>], iteration_bounds = array<i64: 2, 16>, scalar_prefetch = 0 : i64, scratch_operands = 5 : i64, tpu.core_type = #tpu.core_type<sc_vector_subcore>, window_params = [{transform_indices = #map}, {transform_indices = #map1}]} {
    %mul3A = arith.constant 2 : i32
    %mul3A_0 = arith.muli %arg1, %mul3A : i32
    %add3A = arith.addi %mul3A_0, %arg0 : i32
    %iota3A = tpu.iota {dimensions = array<i32: 0>} : vector<16xi32>
    %broadcast_in_dim3A = arith.constant 0.000000e+00 : f32
    %broadcast_in_dim3A_1 = vector.broadcast %broadcast_in_dim3A : f32 to vector<16xf32>
    %broadcast_in_dim3A_2 = arith.constant 1.000000e+00 : f32
    %broadcast_in_dim3A_3 = vector.broadcast %broadcast_in_dim3A_2 : f32 to vector<16xf32>
    %mul3A_4 = arith.constant 832 : i32
    %mul3A_5 = arith.muli %add3A, %mul3A_4 : i32
    "tpu.region"() ({
      %run_scoped3A = tpu.sem_alloc : memref<!tpu.dma_semaphore, #tpu.memory_space<semaphore_mem>>
      %dma_start3A_231 = arith.constant 0 : i32
      %dma_start3A_232 = tpu.memref_slice %arg4[%dma_start3A_231] : memref<848xi32, #tpu.memory_space<vmem>> -> memref<832xi32, #tpu.memory_space<vmem>>
      %dma_start3A_233 = tpu.memref_slice %arg2[%mul3A_5] : memref<26624xi32, #tpu.memory_space<hbm>> -> memref<832xi32, #tpu.memory_space<hbm>>
      %dma_start3A_234 = arith.constant 0 : i32
      %dma_start3A_235 = tpu.memref_slice %arg4[%dma_start3A_234] : memref<848xi32, #tpu.memory_space<vmem>> -> memref<832xi32, #tpu.memory_space<vmem>>
      %dma_start3A_236 = tpu.memref_slice %arg2[%mul3A_5] : memref<26624xi32, #tpu.memory_space<hbm>> -> memref<832xi32, #tpu.memory_space<hbm>>
      tpu.enqueue_dma source(%dma_start3A_236 : memref<832xi32, #tpu.memory_space<hbm>>) target(%dma_start3A_235 : memref<832xi32, #tpu.memory_space<vmem>>) target_semaphore(%run_scoped3A : memref<!tpu.dma_semaphore, #tpu.memory_space<semaphore_mem>>)
      %dma_wait3A_237 = arith.constant 0 : i32
      %dma_wait3A_238 = tpu.memref_slice %arg4[%dma_wait3A_237] : memref<848xi32, #tpu.memory_space<vmem>> -> memref<832xi32, #tpu.memory_space<vmem>>
      %dma_wait3A_239 = tpu.memref_slice %arg2[%mul3A_5] : memref<26624xi32, #tpu.memory_space<hbm>> -> memref<832xi32, #tpu.memory_space<hbm>>
      %dma_wait3A_240 = arith.constant 0 : i32
      %dma_wait3A_241 = tpu.memref_slice %arg4[%dma_wait3A_240] : memref<848xi32, #tpu.memory_space<vmem>> -> memref<832xi32, #tpu.memory_space<vmem>>
      %dma_wait3A_242 = tpu.memref_slice %arg2[%mul3A_5] : memref<26624xi32, #tpu.memory_space<hbm>> -> memref<832xi32, #tpu.memory_space<hbm>>
      tpu.wait_dma2 semaphore(%run_scoped3A : memref<!tpu.dma_semaphore, #tpu.memory_space<semaphore_mem>>) src(%dma_wait3A_242 : memref<832xi32, #tpu.memory_space<hbm>>) dst(%dma_wait3A_241 : memref<832xi32, #tpu.memory_space<vmem>>)
      tpu.yield
    }) : () -> ()
    %scan3A = arith.constant 0 : i32
    %scan3A_6 = arith.constant 0 : i32
    %scan3A_7 = arith.constant 26 : i32
    %scan3A_8 = arith.addi %scan3A_6, %scan3A_7 : i32
    %scan3A_9 = arith.constant 1 : i32
    scf.for %scan3A_231 = %scan3A_6 to %scan3A_8 step %scan3A_9  : i32 {
      %scan3A_232 = arith.constant 0 : i32
      %scan3A_233 = arith.constant 62 : i32
      %scan3A_234 = arith.addi %scan3A_232, %scan3A_233 : i32
      %scan3A_235 = arith.constant 1 : i32
      scf.for %scan3A_246 = %scan3A_232 to %scan3A_234 step %scan3A_235  : i32 {
        %mul3A_247 = arith.constant 16 : i32
        %mul3A_248 = arith.muli %scan3A_246, %mul3A_247 : i32
        %multiple_of3A = tpu.assume_multiple %mul3A_248, 16 : i32
        %swap3A = arith.constant 0 : i32
        %swap3A_249 = arith.index_cast %swap3A : i32 to index
        %swap3A_250 = arith.index_cast %scan3A_231 : i32 to index
        %swap3A_251 = arith.index_cast %multiple_of3A : i32 to index
        %swap3A_252 = tpu.vector_load %arg5[%swap3A_249, %swap3A_250, %swap3A_251] {strides = array<i32>} : memref<1x26x1000xf32, #tpu.memory_space<vmem>>, vector<16xf32>,
        tpu.vector_store %arg5[%swap3A_249, %swap3A_250, %swap3A_251], %broadcast_in_dim3A_1 {strides = array<i32>} : memref<1x26x1000xf32, #tpu.memory_space<vmem>>, vector<16xf32>,
      }
      %scan3A_236 = arith.constant 62 : i32
      %broadcast_in_dim3A_237 = vector.broadcast %scan3A_231 : i32 to vector<16xi32>
      %broadcast_in_dim3A_238 = arith.constant 0 : i32
      %broadcast_in_dim3A_239 = vector.broadcast %broadcast_in_dim3A_238 : i32 to vector<16xi32>
      %add3A_240 = arith.constant 992 : i32
      %add3A_241 = vector.broadcast %add3A_240 : i32 to vector<16xi32>
      %add3A_242 = arith.addi %add3A_241, %iota3A : vector<16xi32>
      %lt3A_243 = arith.constant 8 : i32
      %lt3A_244 = vector.broadcast %lt3A_243 : i32 to vector<16xi32>
      %lt3A_245 = arith.cmpi slt, %iota3A, %lt3A_244 : vector<16xi32>
      tpu.vector_store_idx %arg5[%broadcast_in_dim3A_239, %broadcast_in_dim3A_237, %add3A_242], %broadcast_in_dim3A_1 masked %lt3A_245 : memref<1x26x1000xf32, #tpu.memory_space<vmem>>[vector<16xi32>, vector<16xi32>, vector<16xi32>], vector<16xf32>, vector<16xi1>
    }
    %scan3A_10 = arith.constant 26 : i32
    %scan3A_11 = arith.constant 0 : i32
    %scan3A_12 = arith.constant 0 : i32
    %scan3A_13 = arith.constant 26 : i32
    %scan3A_14 = arith.addi %scan3A_12, %scan3A_13 : i32
    %scan3A_15 = arith.constant 1 : i32
    scf.for %scan3A_231 = %scan3A_12 to %scan3A_14 step %scan3A_15  : i32 {
      %scan3A_232 = arith.constant 0 : i32
      %scan3A_233 = arith.constant 62 : i32
      %scan3A_234 = arith.addi %scan3A_232, %scan3A_233 : i32
      %scan3A_235 = arith.constant 1 : i32
      scf.for %scan3A_246 = %scan3A_232 to %scan3A_234 step %scan3A_235  : i32 {
        %mul3A_247 = arith.constant 16 : i32
        %mul3A_248 = arith.muli %scan3A_246, %mul3A_247 : i32
        %multiple_of3A = tpu.assume_multiple %mul3A_248, 16 : i32
        %swap3A = arith.constant 0 : i32
        %swap3A_249 = arith.index_cast %swap3A : i32 to index
        %swap3A_250 = arith.index_cast %scan3A_231 : i32 to index
        %swap3A_251 = arith.index_cast %multiple_of3A : i32 to index
        %swap3A_252 = tpu.vector_load %arg6[%swap3A_249, %swap3A_250, %swap3A_251] {strides = array<i32>} : memref<1x26x1000xf32, #tpu.memory_space<vmem>>, vector<16xf32>,
        tpu.vector_store %arg6[%swap3A_249, %swap3A_250, %swap3A_251], %broadcast_in_dim3A_1 {strides = array<i32>} : memref<1x26x1000xf32, #tpu.memory_space<vmem>>, vector<16xf32>,
      }
      %scan3A_236 = arith.constant 62 : i32
      %broadcast_in_dim3A_237 = vector.broadcast %scan3A_231 : i32 to vector<16xi32>
      %broadcast_in_dim3A_238 = arith.constant 0 : i32
      %broadcast_in_dim3A_239 = vector.broadcast %broadcast_in_dim3A_238 : i32 to vector<16xi32>
      %add3A_240 = arith.constant 992 : i32
      %add3A_241 = vector.broadcast %add3A_240 : i32 to vector<16xi32>
      %add3A_242 = arith.addi %add3A_241, %iota3A : vector<16xi32>
      %lt3A_243 = arith.constant 8 : i32
      %lt3A_244 = vector.broadcast %lt3A_243 : i32 to vector<16xi32>
      %lt3A_245 = arith.cmpi slt, %iota3A, %lt3A_244 : vector<16xi32>
      tpu.vector_store_idx %arg6[%broadcast_in_dim3A_239, %broadcast_in_dim3A_237, %add3A_242], %broadcast_in_dim3A_1 masked %lt3A_245 : memref<1x26x1000xf32, #tpu.memory_space<vmem>>[vector<16xi32>, vector<16xi32>, vector<16xi32>], vector<16xf32>, vector<16xi1>
    }
    %scan3A_16 = arith.constant 26 : i32
    %add3A_17 = arith.constant 0 : i32
    %add3A_18 = vector.broadcast %add3A_17 : i32 to vector<16xi32>
    %add3A_19 = arith.addi %iota3A, %add3A_18 : vector<16xi32>
    %add3A_20 = arith.constant 0 : i32
    %add3A_21 = vector.broadcast %add3A_20 : i32 to vector<16xi32>
    %add3A_22 = arith.addi %add3A_21, %iota3A : vector<16xi32>
    %gather3A = tpu.vector_load_idx %arg4[%add3A_22] : memref<848xi32, #tpu.memory_space<vmem>>[vector<16xi32>], vector<16xi32>,
    %jit3A = arith.constant 26 : i32
    %div3A = vector.broadcast %jit3A : i32 to vector<16xi32>
    %div3A_23 = arith.divsi %add3A_19, %div3A : vector<16xi32>
    %sign3A = arith.constant 0 : i32
    %sign3A_24 = vector.broadcast %sign3A : i32 to vector<16xi32>
    %sign3A_25 = arith.cmpi sgt, %add3A_19, %sign3A_24 : vector<16xi32>
    %sign3A_26 = arith.extui %sign3A_25 : vector<16xi1> to vector<16xi32>
    %sign3A_27 = arith.constant 0 : i32
    %sign3A_28 = vector.broadcast %sign3A_27 : i32 to vector<16xi32>
    %sign3A_29 = arith.cmpi slt, %add3A_19, %sign3A_28 : vector<16xi32>
    %sign3A_30 = arith.extui %sign3A_29 : vector<16xi1> to vector<16xi32>
    %sign3A_31 = arith.subi %sign3A_26, %sign3A_30 : vector<16xi32>
    %sign3A_32 = arith.constant 0 : i32
    %sign3A_33 = arith.cmpi sgt, %jit3A, %sign3A_32 : i32
    %sign3A_34 = arith.extui %sign3A_33 : i1 to i32
    %sign3A_35 = arith.constant 0 : i32
    %sign3A_36 = arith.cmpi slt, %jit3A, %sign3A_35 : i32
    %sign3A_37 = arith.extui %sign3A_36 : i1 to i32
    %sign3A_38 = arith.subi %sign3A_34, %sign3A_37 : i32
    %ne3A = vector.broadcast %sign3A_38 : i32 to vector<16xi32>
    %ne3A_39 = arith.cmpi ne, %sign3A_31, %ne3A : vector<16xi32>
    %rem3A = vector.broadcast %jit3A : i32 to vector<16xi32>
    %rem3A_40 = arith.remsi %add3A_19, %rem3A : vector<16xi32>
    %ne3A_41 = arith.constant 0 : i32
    %ne3A_42 = vector.broadcast %ne3A_41 : i32 to vector<16xi32>
    %ne3A_43 = arith.cmpi ne, %rem3A_40, %ne3A_42 : vector<16xi32>
    %and3A = arith.andi %ne3A_39, %ne3A_43 : vector<16xi1>
    %sub3A = arith.constant 1 : i32
    %sub3A_44 = vector.broadcast %sub3A : i32 to vector<16xi32>
    %sub3A_45 = arith.subi %div3A_23, %sub3A_44 : vector<16xi32>
    %select_n3A = arith.select %and3A, %sub3A_45, %div3A_23 : vector<16xi1>, vector<16xi32>
    %mul3A_46 = arith.constant 26 : i32
    %mul3A_47 = vector.broadcast %mul3A_46 : i32 to vector<16xi32>
    %mul3A_48 = arith.muli %select_n3A, %mul3A_47 : vector<16xi32>
    %sub3A_49 = arith.subi %add3A_19, %mul3A_48 : vector<16xi32>
    %lt3A = arith.constant 26 : i32
    %lt3A_50 = vector.broadcast %lt3A : i32 to vector<16xi32>
    %lt3A_51 = arith.cmpi slt, %add3A_19, %lt3A_50 : vector<16xi32>
    tpu.vector_store_idx %arg5[%select_n3A, %sub3A_49, %gather3A], %broadcast_in_dim3A_3 masked %lt3A_51 : memref<1x26x1000xf32, #tpu.memory_space<vmem>>[vector<16xi32>, vector<16xi32>, vector<16xi32>], vector<16xf32>, vector<16xi1>
    %add3A_52 = arith.constant 16 : i32
    %add3A_53 = vector.broadcast %add3A_52 : i32 to vector<16xi32>
    %add3A_54 = arith.addi %iota3A, %add3A_53 : vector<16xi32>
    %add3A_55 = arith.constant 16 : i32
    %add3A_56 = vector.broadcast %add3A_55 : i32 to vector<16xi32>
    %add3A_57 = arith.addi %add3A_56, %iota3A : vector<16xi32>
    %gather3A_58 = tpu.vector_load_idx %arg4[%add3A_57] : memref<848xi32, #tpu.memory_space<vmem>>[vector<16xi32>], vector<16xi32>,
    %jit3A_59 = arith.constant 26 : i32
    %div3A_60 = vector.broadcast %jit3A_59 : i32 to vector<16xi32>
    %div3A_61 = arith.divsi %add3A_54, %div3A_60 : vector<16xi32>
    %sign3A_62 = arith.constant 0 : i32
    %sign3A_63 = vector.broadcast %sign3A_62 : i32 to vector<16xi32>
    %sign3A_64 = arith.cmpi sgt, %add3A_54, %sign3A_63 : vector<16xi32>
    %sign3A_65 = arith.extui %sign3A_64 : vector<16xi1> to vector<16xi32>
    %sign3A_66 = arith.constant 0 : i32
    %sign3A_67 = vector.broadcast %sign3A_66 : i32 to vector<16xi32>
    %sign3A_68 = arith.cmpi slt, %add3A_54, %sign3A_67 : vector<16xi32>
    %sign3A_69 = arith.extui %sign3A_68 : vector<16xi1> to vector<16xi32>
    %sign3A_70 = arith.subi %sign3A_65, %sign3A_69 : vector<16xi32>
    %sign3A_71 = arith.constant 0 : i32
    %sign3A_72 = arith.cmpi sgt, %jit3A_59, %sign3A_71 : i32
    %sign3A_73 = arith.extui %sign3A_72 : i1 to i32
    %sign3A_74 = arith.constant 0 : i32
    %sign3A_75 = arith.cmpi slt, %jit3A_59, %sign3A_74 : i32
    %sign3A_76 = arith.extui %sign3A_75 : i1 to i32
    %sign3A_77 = arith.subi %sign3A_73, %sign3A_76 : i32
    %ne3A_78 = vector.broadcast %sign3A_77 : i32 to vector<16xi32>
    %ne3A_79 = arith.cmpi ne, %sign3A_70, %ne3A_78 : vector<16xi32>
    %rem3A_80 = vector.broadcast %jit3A_59 : i32 to vector<16xi32>
    %rem3A_81 = arith.remsi %add3A_54, %rem3A_80 : vector<16xi32>
    %ne3A_82 = arith.constant 0 : i32
    %ne3A_83 = vector.broadcast %ne3A_82 : i32 to vector<16xi32>
    %ne3A_84 = arith.cmpi ne, %rem3A_81, %ne3A_83 : vector<16xi32>
    %and3A_85 = arith.andi %ne3A_79, %ne3A_84 : vector<16xi1>
    %sub3A_86 = arith.constant 1 : i32
    %sub3A_87 = vector.broadcast %sub3A_86 : i32 to vector<16xi32>
    %sub3A_88 = arith.subi %div3A_61, %sub3A_87 : vector<16xi32>
    %select_n3A_89 = arith.select %and3A_85, %sub3A_88, %div3A_61 : vector<16xi1>, vector<16xi32>
    %mul3A_90 = arith.constant 26 : i32
    %mul3A_91 = vector.broadcast %mul3A_90 : i32 to vector<16xi32>
    %mul3A_92 = arith.muli %select_n3A_89, %mul3A_91 : vector<16xi32>
    %sub3A_93 = arith.subi %add3A_54, %mul3A_92 : vector<16xi32>
    %lt3A_94 = arith.constant 26 : i32
    %lt3A_95 = vector.broadcast %lt3A_94 : i32 to vector<16xi32>
    %lt3A_96 = arith.cmpi slt, %add3A_54, %lt3A_95 : vector<16xi32>
    tpu.vector_store_idx %arg5[%select_n3A_89, %sub3A_93, %gather3A_58], %broadcast_in_dim3A_3 masked %lt3A_96 : memref<1x26x1000xf32, #tpu.memory_space<vmem>>[vector<16xi32>, vector<16xi32>, vector<16xi32>], vector<16xf32>, vector<16xi1>
    %mul3A_97 = arith.constant 32 : i32
    %mul3A_98 = arith.muli %add3A, %mul3A_97 : i32
    %add3A_99 = arith.constant 0 : i32
    %add3A_100 = arith.addi %mul3A_98, %add3A_99 : i32
    %dma_start3A = arith.constant 0 : i32
    %dma_start3A_101 = arith.constant 0 : i32
    %dma_start3A_102 = tpu.memref_slice %arg3[%add3A_100, %dma_start3A, %dma_start3A_101] : memref<1024x26x1000xf32, #tpu.memory_space<hbm>> -> memref<1x26x1000xf32, #tpu.memory_space<hbm>>
    %dma_start3A_103 = arith.constant 0 : i32
    %dma_start3A_104 = arith.constant 0 : i32
    %dma_start3A_105 = tpu.memref_slice %arg3[%add3A_100, %dma_start3A_103, %dma_start3A_104] : memref<1024x26x1000xf32, #tpu.memory_space<hbm>> -> memref<1x26x1000xf32, #tpu.memory_space<hbm>>
    tpu.enqueue_dma source(%arg5 : memref<1x26x1000xf32, #tpu.memory_space<vmem>>) target(%dma_start3A_105 : memref<1x26x1000xf32, #tpu.memory_space<hbm>>) target_semaphore(%arg7 : memref<!tpu.dma_semaphore, #tpu.memory_space<semaphore_mem>>)
    %add3A_106 = arith.constant 0 : i32
    %add3A_107 = vector.broadcast %add3A_106 : i32 to vector<16xi32>
    %add3A_108 = arith.addi %iota3A, %add3A_107 : vector<16xi32>
    %add3A_109 = arith.constant 26 : i32
    %add3A_110 = vector.broadcast %add3A_109 : i32 to vector<16xi32>
    %add3A_111 = arith.addi %add3A_110, %iota3A : vector<16xi32>
    %gather3A_112 = tpu.vector_load_idx %arg4[%add3A_111] : memref<848xi32, #tpu.memory_space<vmem>>[vector<16xi32>], vector<16xi32>,
    %jit3A_113 = arith.constant 26 : i32
    %div3A_114 = vector.broadcast %jit3A_113 : i32 to vector<16xi32>
    %div3A_115 = arith.divsi %add3A_108, %div3A_114 : vector<16xi32>
    %sign3A_116 = arith.constant 0 : i32
    %sign3A_117 = vector.broadcast %sign3A_116 : i32 to vector<16xi32>
    %sign3A_118 = arith.cmpi sgt, %add3A_108, %sign3A_117 : vector<16xi32>
    %sign3A_119 = arith.extui %sign3A_118 : vector<16xi1> to vector<16xi32>
    %sign3A_120 = arith.constant 0 : i32
    %sign3A_121 = vector.broadcast %sign3A_120 : i32 to vector<16xi32>
    %sign3A_122 = arith.cmpi slt, %add3A_108, %sign3A_121 : vector<16xi32>
    %sign3A_123 = arith.extui %sign3A_122 : vector<16xi1> to vector<16xi32>
    %sign3A_124 = arith.subi %sign3A_119, %sign3A_123 : vector<16xi32>
    %sign3A_125 = arith.constant 0 : i32
    %sign3A_126 = arith.cmpi sgt, %jit3A_113, %sign3A_125 : i32
    %sign3A_127 = arith.extui %sign3A_126 : i1 to i32
    %sign3A_128 = arith.constant 0 : i32
    %sign3A_129 = arith.cmpi slt, %jit3A_113, %sign3A_128 : i32
    %sign3A_130 = arith.extui %sign3A_129 : i1 to i32
    %sign3A_131 = arith.subi %sign3A_127, %sign3A_130 : i32
    %ne3A_132 = vector.broadcast %sign3A_131 : i32 to vector<16xi32>
    %ne3A_133 = arith.cmpi ne, %sign3A_124, %ne3A_132 : vector<16xi32>
    %rem3A_134 = vector.broadcast %jit3A_113 : i32 to vector<16xi32>
    %rem3A_135 = arith.remsi %add3A_108, %rem3A_134 : vector<16xi32>
    %ne3A_136 = arith.constant 0 : i32
    %ne3A_137 = vector.broadcast %ne3A_136 : i32 to vector<16xi32>
    %ne3A_138 = arith.cmpi ne, %rem3A_135, %ne3A_137 : vector<16xi32>
    %and3A_139 = arith.andi %ne3A_133, %ne3A_138 : vector<16xi1>
    %sub3A_140 = arith.constant 1 : i32
    %sub3A_141 = vector.broadcast %sub3A_140 : i32 to vector<16xi32>
    %sub3A_142 = arith.subi %div3A_115, %sub3A_141 : vector<16xi32>
    %select_n3A_143 = arith.select %and3A_139, %sub3A_142, %div3A_115 : vector<16xi1>, vector<16xi32>
    %mul3A_144 = arith.constant 26 : i32
    %mul3A_145 = vector.broadcast %mul3A_144 : i32 to vector<16xi32>
    %mul3A_146 = arith.muli %select_n3A_143, %mul3A_145 : vector<16xi32>
    %sub3A_147 = arith.subi %add3A_108, %mul3A_146 : vector<16xi32>
    %lt3A_148 = arith.constant 26 : i32
    %lt3A_149 = vector.broadcast %lt3A_148 : i32 to vector<16xi32>
    %lt3A_150 = arith.cmpi slt, %add3A_108, %lt3A_149 : vector<16xi32>
    tpu.vector_store_idx %arg6[%select_n3A_143, %sub3A_147, %gather3A_112], %broadcast_in_dim3A_3 masked %lt3A_150 : memref<1x26x1000xf32, #tpu.memory_space<vmem>>[vector<16xi32>, vector<16xi32>, vector<16xi32>], vector<16xf32>, vector<16xi1>
    %add3A_151 = arith.constant 16 : i32
    %add3A_152 = vector.broadcast %add3A_151 : i32 to vector<16xi32>
    %add3A_153 = arith.addi %iota3A, %add3A_152 : vector<16xi32>
    %add3A_154 = arith.constant 42 : i32
    %add3A_155 = vector.broadcast %add3A_154 : i32 to vector<16xi32>
    %add3A_156 = arith.addi %add3A_155, %iota3A : vector<16xi32>
    %gather3A_157 = tpu.vector_load_idx %arg4[%add3A_156] : memref<848xi32, #tpu.memory_space<vmem>>[vector<16xi32>], vector<16xi32>,
    %jit3A_158 = arith.constant 26 : i32
    %div3A_159 = vector.broadcast %jit3A_158 : i32 to vector<16xi32>
    %div3A_160 = arith.divsi %add3A_153, %div3A_159 : vector<16xi32>
    %sign3A_161 = arith.constant 0 : i32
    %sign3A_162 = vector.broadcast %sign3A_161 : i32 to vector<16xi32>
    %sign3A_163 = arith.cmpi sgt, %add3A_153, %sign3A_162 : vector<16xi32>
    %sign3A_164 = arith.extui %sign3A_163 : vector<16xi1> to vector<16xi32>
    %sign3A_165 = arith.constant 0 : i32
    %sign3A_166 = vector.broadcast %sign3A_165 : i32 to vector<16xi32>
    %sign3A_167 = arith.cmpi slt, %add3A_153, %sign3A_166 : vector<16xi32>
    %sign3A_168 = arith.extui %sign3A_167 : vector<16xi1> to vector<16xi32>
    %sign3A_169 = arith.subi %sign3A_164, %sign3A_168 : vector<16xi32>
    %sign3A_170 = arith.constant 0 : i32
    %sign3A_171 = arith.cmpi sgt, %jit3A_158, %sign3A_170 : i32
    %sign3A_172 = arith.extui %sign3A_171 : i1 to i32
    %sign3A_173 = arith.constant 0 : i32
    %sign3A_174 = arith.cmpi slt, %jit3A_158, %sign3A_173 : i32
    %sign3A_175 = arith.extui %sign3A_174 : i1 to i32
    %sign3A_176 = arith.subi %sign3A_172, %sign3A_175 : i32
    %ne3A_177 = vector.broadcast %sign3A_176 : i32 to vector<16xi32>
    %ne3A_178 = arith.cmpi ne, %sign3A_169, %ne3A_177 : vector<16xi32>
    %rem3A_179 = vector.broadcast %jit3A_158 : i32 to vector<16xi32>
    %rem3A_180 = arith.remsi %add3A_153, %rem3A_179 : vector<16xi32>
    %ne3A_181 = arith.constant 0 : i32
    %ne3A_182 = vector.broadcast %ne3A_181 : i32 to vector<16xi32>
    %ne3A_183 = arith.cmpi ne, %rem3A_180, %ne3A_182 : vector<16xi32>
    %and3A_184 = arith.andi %ne3A_178, %ne3A_183 : vector<16xi1>
    %sub3A_185 = arith.constant 1 : i32
    %sub3A_186 = vector.broadcast %sub3A_185 : i32 to vector<16xi32>
    %sub3A_187 = arith.subi %div3A_160, %sub3A_186 : vector<16xi32>
    %select_n3A_188 = arith.select %and3A_184, %sub3A_187, %div3A_160 : vector<16xi1>, vector<16xi32>
    %mul3A_189 = arith.constant 26 : i32
    %mul3A_190 = vector.broadcast %mul3A_189 : i32 to vector<16xi32>
    %mul3A_191 = arith.muli %select_n3A_188, %mul3A_190 : vector<16xi32>
    %sub3A_192 = arith.subi %add3A_153, %mul3A_191 : vector<16xi32>
    %lt3A_193 = arith.constant 26 : i32
    %lt3A_194 = vector.broadcast %lt3A_193 : i32 to vector<16xi32>
    %lt3A_195 = arith.cmpi slt, %add3A_153, %lt3A_194 : vector<16xi32>
    tpu.vector_store_idx %arg6[%select_n3A_188, %sub3A_192, %gather3A_157], %broadcast_in_dim3A_3 masked %lt3A_195 : memref<1x26x1000xf32, #tpu.memory_space<vmem>>[vector<16xi32>, vector<16xi32>, vector<16xi32>], vector<16xf32>, vector<16xi1>
    %mul3A_196 = arith.constant 32 : i32
    %mul3A_197 = arith.muli %add3A, %mul3A_196 : i32
    %add3A_198 = arith.constant 1 : i32
    %add3A_199 = arith.addi %mul3A_197, %add3A_198 : i32
    %dma_start3A_200 = arith.constant 0 : i32
    %dma_start3A_201 = arith.constant 0 : i32
    %dma_start3A_202 = tpu.memref_slice %arg3[%add3A_199, %dma_start3A_200, %dma_start3A_201] : memref<1024x26x1000xf32, #tpu.memory_space<hbm>> -> memref<1x26x1000xf32, #tpu.memory_space<hbm>>
    %dma_start3A_203 = arith.constant 0 : i32
    %dma_start3A_204 = arith.constant 0 : i32
    %dma_start3A_205 = tpu.memref_slice %arg3[%add3A_199, %dma_start3A_203, %dma_start3A_204] : memref<1024x26x1000xf32, #tpu.memory_space<hbm>> -> memref<1x26x1000xf32, #tpu.memory_space<hbm>>
    tpu.enqueue_dma source(%arg6 : memref<1x26x1000xf32, #tpu.memory_space<vmem>>) target(%dma_start3A_205 : memref<1x26x1000xf32, #tpu.memory_space<hbm>>) target_semaphore(%arg8 : memref<!tpu.dma_semaphore, #tpu.memory_space<semaphore_mem>>)
    %scan3A_206 = arith.constant 0 : i32
    %scan3A_207 = arith.constant 1 : i32
    %scan3A_208 = arith.constant 15 : i32
    %scan3A_209 = arith.addi %scan3A_207, %scan3A_208 : i32
    %scan3A_210 = arith.constant 1 : i32
    scf.for %scan3A_231 = %scan3A_207 to %scan3A_209 step %scan3A_210  : i32 {
      %mul3A_232 = arith.constant 2 : i32
      %mul3A_233 = arith.muli %mul3A_232, %scan3A_231 : i32
      %sub3A_234 = arith.constant 2 : i32
      %sub3A_235 = arith.subi %mul3A_233, %sub3A_234 : i32
      %mul3A_236 = arith.constant 32 : i32
      %mul3A_237 = arith.muli %add3A, %mul3A_236 : i32
      %mul3A_238 = arith.constant 1 : i32
      %mul3A_239 = arith.muli %sub3A_235, %mul3A_238 : i32
      %add3A_240 = arith.addi %mul3A_237, %mul3A_239 : i32
      %dma_wait3A_241 = arith.constant 0 : i32
      %dma_wait3A_242 = arith.constant 0 : i32
      %dma_wait3A_243 = tpu.memref_slice %arg3[%add3A_240, %dma_wait3A_241, %dma_wait3A_242] : memref<1024x26x1000xf32, #tpu.memory_space<hbm>> -> memref<1x26x1000xf32, #tpu.memory_space<hbm>>
      %dma_wait3A_244 = arith.constant 0 : i32
      %dma_wait3A_245 = arith.constant 0 : i32
      %dma_wait3A_246 = tpu.memref_slice %arg3[%add3A_240, %dma_wait3A_244, %dma_wait3A_245] : memref<1024x26x1000xf32, #tpu.memory_space<hbm>> -> memref<1x26x1000xf32, #tpu.memory_space<hbm>>
      tpu.wait_dma2 semaphore(%arg7 : memref<!tpu.dma_semaphore, #tpu.memory_space<semaphore_mem>>) src(%arg5 : memref<1x26x1000xf32, #tpu.memory_space<vmem>>) dst(%dma_wait3A_246 : memref<1x26x1000xf32, #tpu.memory_space<hbm>>)
      %sub3A_247 = arith.constant 2 : i32
      %sub3A_248 = arith.subi %mul3A_233, %sub3A_247 : i32
      %mul3A_249 = arith.constant 26 : i32
      %mul3A_250 = arith.muli %sub3A_248, %mul3A_249 : i32
      %add3A_251 = arith.constant 0 : i32
      %add3A_252 = vector.broadcast %add3A_251 : i32 to vector<16xi32>
      %add3A_253 = arith.addi %iota3A, %add3A_252 : vector<16xi32>
      %add3A_254 = arith.constant 0 : i32
      %add3A_255 = arith.addi %mul3A_250, %add3A_254 : i32
      %add3A_256 = vector.broadcast %add3A_255 : i32 to vector<16xi32>
      %add3A_257 = arith.addi %add3A_256, %iota3A : vector<16xi32>
      %gather3A_258 = tpu.vector_load_idx %arg4[%add3A_257] : memref<848xi32, #tpu.memory_space<vmem>>[vector<16xi32>], vector<16xi32>,
      %jit3A_259 = arith.constant 26 : i32
      %div3A_260 = vector.broadcast %jit3A_259 : i32 to vector<16xi32>
      %div3A_261 = arith.divsi %add3A_253, %div3A_260 : vector<16xi32>
      %sign3A_262 = arith.constant 0 : i32
      %sign3A_263 = vector.broadcast %sign3A_262 : i32 to vector<16xi32>
      %sign3A_264 = arith.cmpi sgt, %add3A_253, %sign3A_263 : vector<16xi32>
      %sign3A_265 = arith.extui %sign3A_264 : vector<16xi1> to vector<16xi32>
      %sign3A_266 = arith.constant 0 : i32
      %sign3A_267 = vector.broadcast %sign3A_266 : i32 to vector<16xi32>
      %sign3A_268 = arith.cmpi slt, %add3A_253, %sign3A_267 : vector<16xi32>
      %sign3A_269 = arith.extui %sign3A_268 : vector<16xi1> to vector<16xi32>
      %sign3A_270 = arith.subi %sign3A_265, %sign3A_269 : vector<16xi32>
      %sign3A_271 = arith.constant 0 : i32
      %sign3A_272 = arith.cmpi sgt, %jit3A_259, %sign3A_271 : i32
      %sign3A_273 = arith.extui %sign3A_272 : i1 to i32
      %sign3A_274 = arith.constant 0 : i32
      %sign3A_275 = arith.cmpi slt, %jit3A_259, %sign3A_274 : i32
      %sign3A_276 = arith.extui %sign3A_275 : i1 to i32
      %sign3A_277 = arith.subi %sign3A_273, %sign3A_276 : i32
      %ne3A_278 = vector.broadcast %sign3A_277 : i32 to vector<16xi32>
      %ne3A_279 = arith.cmpi ne, %sign3A_270, %ne3A_278 : vector<16xi32>
      %rem3A_280 = vector.broadcast %jit3A_259 : i32 to vector<16xi32>
      %rem3A_281 = arith.remsi %add3A_253, %rem3A_280 : vector<16xi32>
      %ne3A_282 = arith.constant 0 : i32
      %ne3A_283 = vector.broadcast %ne3A_282 : i32 to vector<16xi32>
      %ne3A_284 = arith.cmpi ne, %rem3A_281, %ne3A_283 : vector<16xi32>
      %and3A_285 = arith.andi %ne3A_279, %ne3A_284 : vector<16xi1>
      %sub3A_286 = arith.constant 1 : i32
      %sub3A_287 = vector.broadcast %sub3A_286 : i32 to vector<16xi32>
      %sub3A_288 = arith.subi %div3A_261, %sub3A_287 : vector<16xi32>
      %select_n3A_289 = arith.select %and3A_285, %sub3A_288, %div3A_261 : vector<16xi1>, vector<16xi32>
      %mul3A_290 = arith.constant 26 : i32
      %mul3A_291 = vector.broadcast %mul3A_290 : i32 to vector<16xi32>
      %mul3A_292 = arith.muli %select_n3A_289, %mul3A_291 : vector<16xi32>
      %sub3A_293 = arith.subi %add3A_253, %mul3A_292 : vector<16xi32>
      %lt3A_294 = arith.constant 26 : i32
      %lt3A_295 = vector.broadcast %lt3A_294 : i32 to vector<16xi32>
      %lt3A_296 = arith.cmpi slt, %add3A_253, %lt3A_295 : vector<16xi32>
      tpu.vector_store_idx %arg5[%select_n3A_289, %sub3A_293, %gather3A_258], %broadcast_in_dim3A_1 masked %lt3A_296 : memref<1x26x1000xf32, #tpu.memory_space<vmem>>[vector<16xi32>, vector<16xi32>, vector<16xi32>], vector<16xf32>, vector<16xi1>
      %add3A_297 = arith.constant 16 : i32
      %add3A_298 = vector.broadcast %add3A_297 : i32 to vector<16xi32>
      %add3A_299 = arith.addi %iota3A, %add3A_298 : vector<16xi32>
      %add3A_300 = arith.constant 16 : i32
      %add3A_301 = arith.addi %mul3A_250, %add3A_300 : i32
      %add3A_302 = vector.broadcast %add3A_301 : i32 to vector<16xi32>
      %add3A_303 = arith.addi %add3A_302, %iota3A : vector<16xi32>
      %gather3A_304 = tpu.vector_load_idx %arg4[%add3A_303] : memref<848xi32, #tpu.memory_space<vmem>>[vector<16xi32>], vector<16xi32>,
      %jit3A_305 = arith.constant 26 : i32
      %div3A_306 = vector.broadcast %jit3A_305 : i32 to vector<16xi32>
      %div3A_307 = arith.divsi %add3A_299, %div3A_306 : vector<16xi32>
      %sign3A_308 = arith.constant 0 : i32
      %sign3A_309 = vector.broadcast %sign3A_308 : i32 to vector<16xi32>
      %sign3A_310 = arith.cmpi sgt, %add3A_299, %sign3A_309 : vector<16xi32>
      %sign3A_311 = arith.extui %sign3A_310 : vector<16xi1> to vector<16xi32>
      %sign3A_312 = arith.constant 0 : i32
      %sign3A_313 = vector.broadcast %sign3A_312 : i32 to vector<16xi32>
      %sign3A_314 = arith.cmpi slt, %add3A_299, %sign3A_313 : vector<16xi32>
      %sign3A_315 = arith.extui %sign3A_314 : vector<16xi1> to vector<16xi32>
      %sign3A_316 = arith.subi %sign3A_311, %sign3A_315 : vector<16xi32>
      %sign3A_317 = arith.constant 0 : i32
      %sign3A_318 = arith.cmpi sgt, %jit3A_305, %sign3A_317 : i32
      %sign3A_319 = arith.extui %sign3A_318 : i1 to i32
      %sign3A_320 = arith.constant 0 : i32
      %sign3A_321 = arith.cmpi slt, %jit3A_305, %sign3A_320 : i32
      %sign3A_322 = arith.extui %sign3A_321 : i1 to i32
      %sign3A_323 = arith.subi %sign3A_319, %sign3A_322 : i32
      %ne3A_324 = vector.broadcast %sign3A_323 : i32 to vector<16xi32>
      %ne3A_325 = arith.cmpi ne, %sign3A_316, %ne3A_324 : vector<16xi32>
      %rem3A_326 = vector.broadcast %jit3A_305 : i32 to vector<16xi32>
      %rem3A_327 = arith.remsi %add3A_299, %rem3A_326 : vector<16xi32>
      %ne3A_328 = arith.constant 0 : i32
      %ne3A_329 = vector.broadcast %ne3A_328 : i32 to vector<16xi32>
      %ne3A_330 = arith.cmpi ne, %rem3A_327, %ne3A_329 : vector<16xi32>
      %and3A_331 = arith.andi %ne3A_325, %ne3A_330 : vector<16xi1>
      %sub3A_332 = arith.constant 1 : i32
      %sub3A_333 = vector.broadcast %sub3A_332 : i32 to vector<16xi32>
      %sub3A_334 = arith.subi %div3A_307, %sub3A_333 : vector<16xi32>
      %select_n3A_335 = arith.select %and3A_331, %sub3A_334, %div3A_307 : vector<16xi1>, vector<16xi32>
      %mul3A_336 = arith.constant 26 : i32
      %mul3A_337 = vector.broadcast %mul3A_336 : i32 to vector<16xi32>
      %mul3A_338 = arith.muli %select_n3A_335, %mul3A_337 : vector<16xi32>
      %sub3A_339 = arith.subi %add3A_299, %mul3A_338 : vector<16xi32>
      %lt3A_340 = arith.constant 26 : i32
      %lt3A_341 = vector.broadcast %lt3A_340 : i32 to vector<16xi32>
      %lt3A_342 = arith.cmpi slt, %add3A_299, %lt3A_341 : vector<16xi32>
      tpu.vector_store_idx %arg5[%select_n3A_335, %sub3A_339, %gather3A_304], %broadcast_in_dim3A_1 masked %lt3A_342 : memref<1x26x1000xf32, #tpu.memory_space<vmem>>[vector<16xi32>, vector<16xi32>, vector<16xi32>], vector<16xf32>, vector<16xi1>
      %mul3A_343 = arith.constant 26 : i32
      %mul3A_344 = arith.muli %mul3A_233, %mul3A_343 : i32
      %add3A_345 = arith.constant 0 : i32
      %add3A_346 = vector.broadcast %add3A_345 : i32 to vector<16xi32>
      %add3A_347 = arith.addi %iota3A, %add3A_346 : vector<16xi32>
      %add3A_348 = arith.constant 0 : i32
      %add3A_349 = arith.addi %mul3A_344, %add3A_348 : i32
      %add3A_350 = vector.broadcast %add3A_349 : i32 to vector<16xi32>
      %add3A_351 = arith.addi %add3A_350, %iota3A : vector<16xi32>
      %gather3A_352 = tpu.vector_load_idx %arg4[%add3A_351] : memref<848xi32, #tpu.memory_space<vmem>>[vector<16xi32>], vector<16xi32>,
      %jit3A_353 = arith.constant 26 : i32
      %div3A_354 = vector.broadcast %jit3A_353 : i32 to vector<16xi32>
      %div3A_355 = arith.divsi %add3A_347, %div3A_354 : vector<16xi32>
      %sign3A_356 = arith.constant 0 : i32
      %sign3A_357 = vector.broadcast %sign3A_356 : i32 to vector<16xi32>
      %sign3A_358 = arith.cmpi sgt, %add3A_347, %sign3A_357 : vector<16xi32>
      %sign3A_359 = arith.extui %sign3A_358 : vector<16xi1> to vector<16xi32>
      %sign3A_360 = arith.constant 0 : i32
      %sign3A_361 = vector.broadcast %sign3A_360 : i32 to vector<16xi32>
      %sign3A_362 = arith.cmpi slt, %add3A_347, %sign3A_361 : vector<16xi32>
      %sign3A_363 = arith.extui %sign3A_362 : vector<16xi1> to vector<16xi32>
      %sign3A_364 = arith.subi %sign3A_359, %sign3A_363 : vector<16xi32>
      %sign3A_365 = arith.constant 0 : i32
      %sign3A_366 = arith.cmpi sgt, %jit3A_353, %sign3A_365 : i32
      %sign3A_367 = arith.extui %sign3A_366 : i1 to i32
      %sign3A_368 = arith.constant 0 : i32
      %sign3A_369 = arith.cmpi slt, %jit3A_353, %sign3A_368 : i32
      %sign3A_370 = arith.extui %sign3A_369 : i1 to i32
      %sign3A_371 = arith.subi %sign3A_367, %sign3A_370 : i32
      %ne3A_372 = vector.broadcast %sign3A_371 : i32 to vector<16xi32>
      %ne3A_373 = arith.cmpi ne, %sign3A_364, %ne3A_372 : vector<16xi32>
      %rem3A_374 = vector.broadcast %jit3A_353 : i32 to vector<16xi32>
      %rem3A_375 = arith.remsi %add3A_347, %rem3A_374 : vector<16xi32>
      %ne3A_376 = arith.constant 0 : i32
      %ne3A_377 = vector.broadcast %ne3A_376 : i32 to vector<16xi32>
      %ne3A_378 = arith.cmpi ne, %rem3A_375, %ne3A_377 : vector<16xi32>
      %and3A_379 = arith.andi %ne3A_373, %ne3A_378 : vector<16xi1>
      %sub3A_380 = arith.constant 1 : i32
      %sub3A_381 = vector.broadcast %sub3A_380 : i32 to vector<16xi32>
      %sub3A_382 = arith.subi %div3A_355, %sub3A_381 : vector<16xi32>
      %select_n3A_383 = arith.select %and3A_379, %sub3A_382, %div3A_355 : vector<16xi1>, vector<16xi32>
      %mul3A_384 = arith.constant 26 : i32
      %mul3A_385 = vector.broadcast %mul3A_384 : i32 to vector<16xi32>
      %mul3A_386 = arith.muli %select_n3A_383, %mul3A_385 : vector<16xi32>
      %sub3A_387 = arith.subi %add3A_347, %mul3A_386 : vector<16xi32>
      %lt3A_388 = arith.constant 26 : i32
      %lt3A_389 = vector.broadcast %lt3A_388 : i32 to vector<16xi32>
      %lt3A_390 = arith.cmpi slt, %add3A_347, %lt3A_389 : vector<16xi32>
      tpu.vector_store_idx %arg5[%select_n3A_383, %sub3A_387, %gather3A_352], %broadcast_in_dim3A_3 masked %lt3A_390 : memref<1x26x1000xf32, #tpu.memory_space<vmem>>[vector<16xi32>, vector<16xi32>, vector<16xi32>], vector<16xf32>, vector<16xi1>
      %add3A_391 = arith.constant 16 : i32
      %add3A_392 = vector.broadcast %add3A_391 : i32 to vector<16xi32>
      %add3A_393 = arith.addi %iota3A, %add3A_392 : vector<16xi32>
      %add3A_394 = arith.constant 16 : i32
      %add3A_395 = arith.addi %mul3A_344, %add3A_394 : i32
      %add3A_396 = vector.broadcast %add3A_395 : i32 to vector<16xi32>
      %add3A_397 = arith.addi %add3A_396, %iota3A : vector<16xi32>
      %gather3A_398 = tpu.vector_load_idx %arg4[%add3A_397] : memref<848xi32, #tpu.memory_space<vmem>>[vector<16xi32>], vector<16xi32>,
      %jit3A_399 = arith.constant 26 : i32
      %div3A_400 = vector.broadcast %jit3A_399 : i32 to vector<16xi32>
      %div3A_401 = arith.divsi %add3A_393, %div3A_400 : vector<16xi32>
      %sign3A_402 = arith.constant 0 : i32
      %sign3A_403 = vector.broadcast %sign3A_402 : i32 to vector<16xi32>
      %sign3A_404 = arith.cmpi sgt, %add3A_393, %sign3A_403 : vector<16xi32>
      %sign3A_405 = arith.extui %sign3A_404 : vector<16xi1> to vector<16xi32>
      %sign3A_406 = arith.constant 0 : i32
      %sign3A_407 = vector.broadcast %sign3A_406 : i32 to vector<16xi32>
      %sign3A_408 = arith.cmpi slt, %add3A_393, %sign3A_407 : vector<16xi32>
      %sign3A_409 = arith.extui %sign3A_408 : vector<16xi1> to vector<16xi32>
      %sign3A_410 = arith.subi %sign3A_405, %sign3A_409 : vector<16xi32>
      %sign3A_411 = arith.constant 0 : i32
      %sign3A_412 = arith.cmpi sgt, %jit3A_399, %sign3A_411 : i32
      %sign3A_413 = arith.extui %sign3A_412 : i1 to i32
      %sign3A_414 = arith.constant 0 : i32
      %sign3A_415 = arith.cmpi slt, %jit3A_399, %sign3A_414 : i32
      %sign3A_416 = arith.extui %sign3A_415 : i1 to i32
      %sign3A_417 = arith.subi %sign3A_413, %sign3A_416 : i32
      %ne3A_418 = vector.broadcast %sign3A_417 : i32 to vector<16xi32>
      %ne3A_419 = arith.cmpi ne, %sign3A_410, %ne3A_418 : vector<16xi32>
      %rem3A_420 = vector.broadcast %jit3A_399 : i32 to vector<16xi32>
      %rem3A_421 = arith.remsi %add3A_393, %rem3A_420 : vector<16xi32>
      %ne3A_422 = arith.constant 0 : i32
      %ne3A_423 = vector.broadcast %ne3A_422 : i32 to vector<16xi32>
      %ne3A_424 = arith.cmpi ne, %rem3A_421, %ne3A_423 : vector<16xi32>
      %and3A_425 = arith.andi %ne3A_419, %ne3A_424 : vector<16xi1>
      %sub3A_426 = arith.constant 1 : i32
      %sub3A_427 = vector.broadcast %sub3A_426 : i32 to vector<16xi32>
      %sub3A_428 = arith.subi %div3A_401, %sub3A_427 : vector<16xi32>
      %select_n3A_429 = arith.select %and3A_425, %sub3A_428, %div3A_401 : vector<16xi1>, vector<16xi32>
      %mul3A_430 = arith.constant 26 : i32
      %mul3A_431 = vector.broadcast %mul3A_430 : i32 to vector<16xi32>
      %mul3A_432 = arith.muli %select_n3A_429, %mul3A_431 : vector<16xi32>
      %sub3A_433 = arith.subi %add3A_393, %mul3A_432 : vector<16xi32>
      %lt3A_434 = arith.constant 26 : i32
      %lt3A_435 = vector.broadcast %lt3A_434 : i32 to vector<16xi32>
      %lt3A_436 = arith.cmpi slt, %add3A_393, %lt3A_435 : vector<16xi32>
      tpu.vector_store_idx %arg5[%select_n3A_429, %sub3A_433, %gather3A_398], %broadcast_in_dim3A_3 masked %lt3A_436 : memref<1x26x1000xf32, #tpu.memory_space<vmem>>[vector<16xi32>, vector<16xi32>, vector<16xi32>], vector<16xf32>, vector<16xi1>
      %mul3A_437 = arith.constant 32 : i32
      %mul3A_438 = arith.muli %add3A, %mul3A_437 : i32
      %mul3A_439 = arith.constant 1 : i32
      %mul3A_440 = arith.muli %mul3A_233, %mul3A_439 : i32
      %add3A_441 = arith.addi %mul3A_438, %mul3A_440 : i32
      %dma_start3A_442 = arith.constant 0 : i32
      %dma_start3A_443 = arith.constant 0 : i32
      %dma_start3A_444 = tpu.memref_slice %arg3[%add3A_441, %dma_start3A_442, %dma_start3A_443] : memref<1024x26x1000xf32, #tpu.memory_space<hbm>> -> memref<1x26x1000xf32, #tpu.memory_space<hbm>>
      %dma_start3A_445 = arith.constant 0 : i32
      %dma_start3A_446 = arith.constant 0 : i32
      %dma_start3A_447 = tpu.memref_slice %arg3[%add3A_441, %dma_start3A_445, %dma_start3A_446] : memref<1024x26x1000xf32, #tpu.memory_space<hbm>> -> memref<1x26x1000xf32, #tpu.memory_space<hbm>>
      tpu.enqueue_dma source(%arg5 : memref<1x26x1000xf32, #tpu.memory_space<vmem>>) target(%dma_start3A_447 : memref<1x26x1000xf32, #tpu.memory_space<hbm>>) target_semaphore(%arg7 : memref<!tpu.dma_semaphore, #tpu.memory_space<semaphore_mem>>)
      %mul3A_448 = arith.constant 2 : i32
      %mul3A_449 = arith.muli %mul3A_448, %scan3A_231 : i32
      %add3A_450 = arith.constant 1 : i32
      %add3A_451 = arith.addi %mul3A_449, %add3A_450 : i32
      %sub3A_452 = arith.constant 2 : i32
      %sub3A_453 = arith.subi %add3A_451, %sub3A_452 : i32
      %mul3A_454 = arith.constant 32 : i32
      %mul3A_455 = arith.muli %add3A, %mul3A_454 : i32
      %mul3A_456 = arith.constant 1 : i32
      %mul3A_457 = arith.muli %sub3A_453, %mul3A_456 : i32
      %add3A_458 = arith.addi %mul3A_455, %mul3A_457 : i32
      %dma_wait3A_459 = arith.constant 0 : i32
      %dma_wait3A_460 = arith.constant 0 : i32
      %dma_wait3A_461 = tpu.memref_slice %arg3[%add3A_458, %dma_wait3A_459, %dma_wait3A_460] : memref<1024x26x1000xf32, #tpu.memory_space<hbm>> -> memref<1x26x1000xf32, #tpu.memory_space<hbm>>
      %dma_wait3A_462 = arith.constant 0 : i32
      %dma_wait3A_463 = arith.constant 0 : i32
      %dma_wait3A_464 = tpu.memref_slice %arg3[%add3A_458, %dma_wait3A_462, %dma_wait3A_463] : memref<1024x26x1000xf32, #tpu.memory_space<hbm>> -> memref<1x26x1000xf32, #tpu.memory_space<hbm>>
      tpu.wait_dma2 semaphore(%arg8 : memref<!tpu.dma_semaphore, #tpu.memory_space<semaphore_mem>>) src(%arg6 : memref<1x26x1000xf32, #tpu.memory_space<vmem>>) dst(%dma_wait3A_464 : memref<1x26x1000xf32, #tpu.memory_space<hbm>>)
      %sub3A_465 = arith.constant 2 : i32
      %sub3A_466 = arith.subi %add3A_451, %sub3A_465 : i32
      %mul3A_467 = arith.constant 26 : i32
      %mul3A_468 = arith.muli %sub3A_466, %mul3A_467 : i32
      %add3A_469 = arith.constant 0 : i32
      %add3A_470 = vector.broadcast %add3A_469 : i32 to vector<16xi32>
      %add3A_471 = arith.addi %iota3A, %add3A_470 : vector<16xi32>
      %add3A_472 = arith.constant 0 : i32
      %add3A_473 = arith.addi %mul3A_468, %add3A_472 : i32
      %add3A_474 = vector.broadcast %add3A_473 : i32 to vector<16xi32>
      %add3A_475 = arith.addi %add3A_474, %iota3A : vector<16xi32>
      %gather3A_476 = tpu.vector_load_idx %arg4[%add3A_475] : memref<848xi32, #tpu.memory_space<vmem>>[vector<16xi32>], vector<16xi32>,
      %jit3A_477 = arith.constant 26 : i32
      %div3A_478 = vector.broadcast %jit3A_477 : i32 to vector<16xi32>
      %div3A_479 = arith.divsi %add3A_471, %div3A_478 : vector<16xi32>
      %sign3A_480 = arith.constant 0 : i32
      %sign3A_481 = vector.broadcast %sign3A_480 : i32 to vector<16xi32>
      %sign3A_482 = arith.cmpi sgt, %add3A_471, %sign3A_481 : vector<16xi32>
      %sign3A_483 = arith.extui %sign3A_482 : vector<16xi1> to vector<16xi32>
      %sign3A_484 = arith.constant 0 : i32
      %sign3A_485 = vector.broadcast %sign3A_484 : i32 to vector<16xi32>
      %sign3A_486 = arith.cmpi slt, %add3A_471, %sign3A_485 : vector<16xi32>
      %sign3A_487 = arith.extui %sign3A_486 : vector<16xi1> to vector<16xi32>
      %sign3A_488 = arith.subi %sign3A_483, %sign3A_487 : vector<16xi32>
      %sign3A_489 = arith.constant 0 : i32
      %sign3A_490 = arith.cmpi sgt, %jit3A_477, %sign3A_489 : i32
      %sign3A_491 = arith.extui %sign3A_490 : i1 to i32
      %sign3A_492 = arith.constant 0 : i32
      %sign3A_493 = arith.cmpi slt, %jit3A_477, %sign3A_492 : i32
      %sign3A_494 = arith.extui %sign3A_493 : i1 to i32
      %sign3A_495 = arith.subi %sign3A_491, %sign3A_494 : i32
      %ne3A_496 = vector.broadcast %sign3A_495 : i32 to vector<16xi32>
      %ne3A_497 = arith.cmpi ne, %sign3A_488, %ne3A_496 : vector<16xi32>
      %rem3A_498 = vector.broadcast %jit3A_477 : i32 to vector<16xi32>
      %rem3A_499 = arith.remsi %add3A_471, %rem3A_498 : vector<16xi32>
      %ne3A_500 = arith.constant 0 : i32
      %ne3A_501 = vector.broadcast %ne3A_500 : i32 to vector<16xi32>
      %ne3A_502 = arith.cmpi ne, %rem3A_499, %ne3A_501 : vector<16xi32>
      %and3A_503 = arith.andi %ne3A_497, %ne3A_502 : vector<16xi1>
      %sub3A_504 = arith.constant 1 : i32
      %sub3A_505 = vector.broadcast %sub3A_504 : i32 to vector<16xi32>
      %sub3A_506 = arith.subi %div3A_479, %sub3A_505 : vector<16xi32>
      %select_n3A_507 = arith.select %and3A_503, %sub3A_506, %div3A_479 : vector<16xi1>, vector<16xi32>
      %mul3A_508 = arith.constant 26 : i32
      %mul3A_509 = vector.broadcast %mul3A_508 : i32 to vector<16xi32>
      %mul3A_510 = arith.muli %select_n3A_507, %mul3A_509 : vector<16xi32>
      %sub3A_511 = arith.subi %add3A_471, %mul3A_510 : vector<16xi32>
      %lt3A_512 = arith.constant 26 : i32
      %lt3A_513 = vector.broadcast %lt3A_512 : i32 to vector<16xi32>
      %lt3A_514 = arith.cmpi slt, %add3A_471, %lt3A_513 : vector<16xi32>
      tpu.vector_store_idx %arg6[%select_n3A_507, %sub3A_511, %gather3A_476], %broadcast_in_dim3A_1 masked %lt3A_514 : memref<1x26x1000xf32, #tpu.memory_space<vmem>>[vector<16xi32>, vector<16xi32>, vector<16xi32>], vector<16xf32>, vector<16xi1>
      %add3A_515 = arith.constant 16 : i32
      %add3A_516 = vector.broadcast %add3A_515 : i32 to vector<16xi32>
      %add3A_517 = arith.addi %iota3A, %add3A_516 : vector<16xi32>
      %add3A_518 = arith.constant 16 : i32
      %add3A_519 = arith.addi %mul3A_468, %add3A_518 : i32
      %add3A_520 = vector.broadcast %add3A_519 : i32 to vector<16xi32>
      %add3A_521 = arith.addi %add3A_520, %iota3A : vector<16xi32>
      %gather3A_522 = tpu.vector_load_idx %arg4[%add3A_521] : memref<848xi32, #tpu.memory_space<vmem>>[vector<16xi32>], vector<16xi32>,
      %jit3A_523 = arith.constant 26 : i32
      %div3A_524 = vector.broadcast %jit3A_523 : i32 to vector<16xi32>
      %div3A_525 = arith.divsi %add3A_517, %div3A_524 : vector<16xi32>
      %sign3A_526 = arith.constant 0 : i32
      %sign3A_527 = vector.broadcast %sign3A_526 : i32 to vector<16xi32>
      %sign3A_528 = arith.cmpi sgt, %add3A_517, %sign3A_527 : vector<16xi32>
      %sign3A_529 = arith.extui %sign3A_528 : vector<16xi1> to vector<16xi32>
      %sign3A_530 = arith.constant 0 : i32
      %sign3A_531 = vector.broadcast %sign3A_530 : i32 to vector<16xi32>
      %sign3A_532 = arith.cmpi slt, %add3A_517, %sign3A_531 : vector<16xi32>
      %sign3A_533 = arith.extui %sign3A_532 : vector<16xi1> to vector<16xi32>
      %sign3A_534 = arith.subi %sign3A_529, %sign3A_533 : vector<16xi32>
      %sign3A_535 = arith.constant 0 : i32
      %sign3A_536 = arith.cmpi sgt, %jit3A_523, %sign3A_535 : i32
      %sign3A_537 = arith.extui %sign3A_536 : i1 to i32
      %sign3A_538 = arith.constant 0 : i32
      %sign3A_539 = arith.cmpi slt, %jit3A_523, %sign3A_538 : i32
      %sign3A_540 = arith.extui %sign3A_539 : i1 to i32
      %sign3A_541 = arith.subi %sign3A_537, %sign3A_540 : i32
      %ne3A_542 = vector.broadcast %sign3A_541 : i32 to vector<16xi32>
      %ne3A_543 = arith.cmpi ne, %sign3A_534, %ne3A_542 : vector<16xi32>
      %rem3A_544 = vector.broadcast %jit3A_523 : i32 to vector<16xi32>
      %rem3A_545 = arith.remsi %add3A_517, %rem3A_544 : vector<16xi32>
      %ne3A_546 = arith.constant 0 : i32
      %ne3A_547 = vector.broadcast %ne3A_546 : i32 to vector<16xi32>
      %ne3A_548 = arith.cmpi ne, %rem3A_545, %ne3A_547 : vector<16xi32>
      %and3A_549 = arith.andi %ne3A_543, %ne3A_548 : vector<16xi1>
      %sub3A_550 = arith.constant 1 : i32
      %sub3A_551 = vector.broadcast %sub3A_550 : i32 to vector<16xi32>
      %sub3A_552 = arith.subi %div3A_525, %sub3A_551 : vector<16xi32>
      %select_n3A_553 = arith.select %and3A_549, %sub3A_552, %div3A_525 : vector<16xi1>, vector<16xi32>
      %mul3A_554 = arith.constant 26 : i32
      %mul3A_555 = vector.broadcast %mul3A_554 : i32 to vector<16xi32>
      %mul3A_556 = arith.muli %select_n3A_553, %mul3A_555 : vector<16xi32>
      %sub3A_557 = arith.subi %add3A_517, %mul3A_556 : vector<16xi32>
      %lt3A_558 = arith.constant 26 : i32
      %lt3A_559 = vector.broadcast %lt3A_558 : i32 to vector<16xi32>
      %lt3A_560 = arith.cmpi slt, %add3A_517, %lt3A_559 : vector<16xi32>
      tpu.vector_store_idx %arg6[%select_n3A_553, %sub3A_557, %gather3A_522], %broadcast_in_dim3A_1 masked %lt3A_560 : memref<1x26x1000xf32, #tpu.memory_space<vmem>>[vector<16xi32>, vector<16xi32>, vector<16xi32>], vector<16xf32>, vector<16xi1>
      %mul3A_561 = arith.constant 26 : i32
      %mul3A_562 = arith.muli %add3A_451, %mul3A_561 : i32
      %add3A_563 = arith.constant 0 : i32
      %add3A_564 = vector.broadcast %add3A_563 : i32 to vector<16xi32>
      %add3A_565 = arith.addi %iota3A, %add3A_564 : vector<16xi32>
      %add3A_566 = arith.constant 0 : i32
      %add3A_567 = arith.addi %mul3A_562, %add3A_566 : i32
      %add3A_568 = vector.broadcast %add3A_567 : i32 to vector<16xi32>
      %add3A_569 = arith.addi %add3A_568, %iota3A : vector<16xi32>
      %gather3A_570 = tpu.vector_load_idx %arg4[%add3A_569] : memref<848xi32, #tpu.memory_space<vmem>>[vector<16xi32>], vector<16xi32>,
      %jit3A_571 = arith.constant 26 : i32
      %div3A_572 = vector.broadcast %jit3A_571 : i32 to vector<16xi32>
      %div3A_573 = arith.divsi %add3A_565, %div3A_572 : vector<16xi32>
      %sign3A_574 = arith.constant 0 : i32
      %sign3A_575 = vector.broadcast %sign3A_574 : i32 to vector<16xi32>
      %sign3A_576 = arith.cmpi sgt, %add3A_565, %sign3A_575 : vector<16xi32>
      %sign3A_577 = arith.extui %sign3A_576 : vector<16xi1> to vector<16xi32>
      %sign3A_578 = arith.constant 0 : i32
      %sign3A_579 = vector.broadcast %sign3A_578 : i32 to vector<16xi32>
      %sign3A_580 = arith.cmpi slt, %add3A_565, %sign3A_579 : vector<16xi32>
      %sign3A_581 = arith.extui %sign3A_580 : vector<16xi1> to vector<16xi32>
      %sign3A_582 = arith.subi %sign3A_577, %sign3A_581 : vector<16xi32>
      %sign3A_583 = arith.constant 0 : i32
      %sign3A_584 = arith.cmpi sgt, %jit3A_571, %sign3A_583 : i32
      %sign3A_585 = arith.extui %sign3A_584 : i1 to i32
      %sign3A_586 = arith.constant 0 : i32
      %sign3A_587 = arith.cmpi slt, %jit3A_571, %sign3A_586 : i32
      %sign3A_588 = arith.extui %sign3A_587 : i1 to i32
      %sign3A_589 = arith.subi %sign3A_585, %sign3A_588 : i32
      %ne3A_590 = vector.broadcast %sign3A_589 : i32 to vector<16xi32>
      %ne3A_591 = arith.cmpi ne, %sign3A_582, %ne3A_590 : vector<16xi32>
      %rem3A_592 = vector.broadcast %jit3A_571 : i32 to vector<16xi32>
      %rem3A_593 = arith.remsi %add3A_565, %rem3A_592 : vector<16xi32>
      %ne3A_594 = arith.constant 0 : i32
      %ne3A_595 = vector.broadcast %ne3A_594 : i32 to vector<16xi32>
      %ne3A_596 = arith.cmpi ne, %rem3A_593, %ne3A_595 : vector<16xi32>
      %and3A_597 = arith.andi %ne3A_591, %ne3A_596 : vector<16xi1>
      %sub3A_598 = arith.constant 1 : i32
      %sub3A_599 = vector.broadcast %sub3A_598 : i32 to vector<16xi32>
      %sub3A_600 = arith.subi %div3A_573, %sub3A_599 : vector<16xi32>
      %select_n3A_601 = arith.select %and3A_597, %sub3A_600, %div3A_573 : vector<16xi1>, vector<16xi32>
      %mul3A_602 = arith.constant 26 : i32
      %mul3A_603 = vector.broadcast %mul3A_602 : i32 to vector<16xi32>
      %mul3A_604 = arith.muli %select_n3A_601, %mul3A_603 : vector<16xi32>
      %sub3A_605 = arith.subi %add3A_565, %mul3A_604 : vector<16xi32>
      %lt3A_606 = arith.constant 26 : i32
      %lt3A_607 = vector.broadcast %lt3A_606 : i32 to vector<16xi32>
      %lt3A_608 = arith.cmpi slt, %add3A_565, %lt3A_607 : vector<16xi32>
      tpu.vector_store_idx %arg6[%select_n3A_601, %sub3A_605, %gather3A_570], %broadcast_in_dim3A_3 masked %lt3A_608 : memref<1x26x1000xf32, #tpu.memory_space<vmem>>[vector<16xi32>, vector<16xi32>, vector<16xi32>], vector<16xf32>, vector<16xi1>
      %add3A_609 = arith.constant 16 : i32
      %add3A_610 = vector.broadcast %add3A_609 : i32 to vector<16xi32>
      %add3A_611 = arith.addi %iota3A, %add3A_610 : vector<16xi32>
      %add3A_612 = arith.constant 16 : i32
      %add3A_613 = arith.addi %mul3A_562, %add3A_612 : i32
      %add3A_614 = vector.broadcast %add3A_613 : i32 to vector<16xi32>
      %add3A_615 = arith.addi %add3A_614, %iota3A : vector<16xi32>
      %gather3A_616 = tpu.vector_load_idx %arg4[%add3A_615] : memref<848xi32, #tpu.memory_space<vmem>>[vector<16xi32>], vector<16xi32>,
      %jit3A_617 = arith.constant 26 : i32
      %div3A_618 = vector.broadcast %jit3A_617 : i32 to vector<16xi32>
      %div3A_619 = arith.divsi %add3A_611, %div3A_618 : vector<16xi32>
      %sign3A_620 = arith.constant 0 : i32
      %sign3A_621 = vector.broadcast %sign3A_620 : i32 to vector<16xi32>
      %sign3A_622 = arith.cmpi sgt, %add3A_611, %sign3A_621 : vector<16xi32>
      %sign3A_623 = arith.extui %sign3A_622 : vector<16xi1> to vector<16xi32>
      %sign3A_624 = arith.constant 0 : i32
      %sign3A_625 = vector.broadcast %sign3A_624 : i32 to vector<16xi32>
      %sign3A_626 = arith.cmpi slt, %add3A_611, %sign3A_625 : vector<16xi32>
      %sign3A_627 = arith.extui %sign3A_626 : vector<16xi1> to vector<16xi32>
      %sign3A_628 = arith.subi %sign3A_623, %sign3A_627 : vector<16xi32>
      %sign3A_629 = arith.constant 0 : i32
      %sign3A_630 = arith.cmpi sgt, %jit3A_617, %sign3A_629 : i32
      %sign3A_631 = arith.extui %sign3A_630 : i1 to i32
      %sign3A_632 = arith.constant 0 : i32
      %sign3A_633 = arith.cmpi slt, %jit3A_617, %sign3A_632 : i32
      %sign3A_634 = arith.extui %sign3A_633 : i1 to i32
      %sign3A_635 = arith.subi %sign3A_631, %sign3A_634 : i32
      %ne3A_636 = vector.broadcast %sign3A_635 : i32 to vector<16xi32>
      %ne3A_637 = arith.cmpi ne, %sign3A_628, %ne3A_636 : vector<16xi32>
      %rem3A_638 = vector.broadcast %jit3A_617 : i32 to vector<16xi32>
      %rem3A_639 = arith.remsi %add3A_611, %rem3A_638 : vector<16xi32>
      %ne3A_640 = arith.constant 0 : i32
      %ne3A_641 = vector.broadcast %ne3A_640 : i32 to vector<16xi32>
      %ne3A_642 = arith.cmpi ne, %rem3A_639, %ne3A_641 : vector<16xi32>
      %and3A_643 = arith.andi %ne3A_637, %ne3A_642 : vector<16xi1>
      %sub3A_644 = arith.constant 1 : i32
      %sub3A_645 = vector.broadcast %sub3A_644 : i32 to vector<16xi32>
      %sub3A_646 = arith.subi %div3A_619, %sub3A_645 : vector<16xi32>
      %select_n3A_647 = arith.select %and3A_643, %sub3A_646, %div3A_619 : vector<16xi1>, vector<16xi32>
      %mul3A_648 = arith.constant 26 : i32
      %mul3A_649 = vector.broadcast %mul3A_648 : i32 to vector<16xi32>
      %mul3A_650 = arith.muli %select_n3A_647, %mul3A_649 : vector<16xi32>
      %sub3A_651 = arith.subi %add3A_611, %mul3A_650 : vector<16xi32>
      %lt3A_652 = arith.constant 26 : i32
      %lt3A_653 = vector.broadcast %lt3A_652 : i32 to vector<16xi32>
      %lt3A_654 = arith.cmpi slt, %add3A_611, %lt3A_653 : vector<16xi32>
      tpu.vector_store_idx %arg6[%select_n3A_647, %sub3A_651, %gather3A_616], %broadcast_in_dim3A_3 masked %lt3A_654 : memref<1x26x1000xf32, #tpu.memory_space<vmem>>[vector<16xi32>, vector<16xi32>, vector<16xi32>], vector<16xf32>, vector<16xi1>
      %mul3A_655 = arith.constant 32 : i32
      %mul3A_656 = arith.muli %add3A, %mul3A_655 : i32
      %mul3A_657 = arith.constant 1 : i32
      %mul3A_658 = arith.muli %add3A_451, %mul3A_657 : i32
      %add3A_659 = arith.addi %mul3A_656, %mul3A_658 : i32
      %dma_start3A_660 = arith.constant 0 : i32
      %dma_start3A_661 = arith.constant 0 : i32
      %dma_start3A_662 = tpu.memref_slice %arg3[%add3A_659, %dma_start3A_660, %dma_start3A_661] : memref<1024x26x1000xf32, #tpu.memory_space<hbm>> -> memref<1x26x1000xf32, #tpu.memory_space<hbm>>
      %dma_start3A_663 = arith.constant 0 : i32
      %dma_start3A_664 = arith.constant 0 : i32
      %dma_start3A_665 = tpu.memref_slice %arg3[%add3A_659, %dma_start3A_663, %dma_start3A_664] : memref<1024x26x1000xf32, #tpu.memory_space<hbm>> -> memref<1x26x1000xf32, #tpu.memory_space<hbm>>
      tpu.enqueue_dma source(%arg6 : memref<1x26x1000xf32, #tpu.memory_space<vmem>>) target(%dma_start3A_665 : memref<1x26x1000xf32, #tpu.memory_space<hbm>>) target_semaphore(%arg8 : memref<!tpu.dma_semaphore, #tpu.memory_space<semaphore_mem>>)
    }
    %scan3A_211 = arith.constant 15 : i32
    %mul3A_212 = arith.constant 32 : i32
    %mul3A_213 = arith.muli %add3A, %mul3A_212 : i32
    %add3A_214 = arith.constant 30 : i32
    %add3A_215 = arith.addi %mul3A_213, %add3A_214 : i32
    %dma_wait3A = arith.constant 0 : i32
    %dma_wait3A_216 = arith.constant 0 : i32
    %dma_wait3A_217 = tpu.memref_slice %arg3[%add3A_215, %dma_wait3A, %dma_wait3A_216] : memref<1024x26x1000xf32, #tpu.memory_space<hbm>> -> memref<1x26x1000xf32, #tpu.memory_space<hbm>>
    %dma_wait3A_218 = arith.constant 0 : i32
    %dma_wait3A_219 = arith.constant 0 : i32
    %dma_wait3A_220 = tpu.memref_slice %arg3[%add3A_215, %dma_wait3A_218, %dma_wait3A_219] : memref<1024x26x1000xf32, #tpu.memory_space<hbm>> -> memref<1x26x1000xf32, #tpu.memory_space<hbm>>
    tpu.wait_dma2 semaphore(%arg7 : memref<!tpu.dma_semaphore, #tpu.memory_space<semaphore_mem>>) src(%arg5 : memref<1x26x1000xf32, #tpu.memory_space<vmem>>) dst(%dma_wait3A_220 : memref<1x26x1000xf32, #tpu.memory_space<hbm>>)
    %mul3A_221 = arith.constant 32 : i32
    %mul3A_222 = arith.muli %add3A, %mul3A_221 : i32
    %add3A_223 = arith.constant 31 : i32
    %add3A_224 = arith.addi %mul3A_222, %add3A_223 : i32
    %dma_wait3A_225 = arith.constant 0 : i32
    %dma_wait3A_226 = arith.constant 0 : i32
    %dma_wait3A_227 = tpu.memref_slice %arg3[%add3A_224, %dma_wait3A_225, %dma_wait3A_226] : memref<1024x26x1000xf32, #tpu.memory_space<hbm>> -> memref<1x26x1000xf32, #tpu.memory_space<hbm>>
    %dma_wait3A_228 = arith.constant 0 : i32
    %dma_wait3A_229 = arith.constant 0 : i32
    %dma_wait3A_230 = tpu.memref_slice %arg3[%add3A_224, %dma_wait3A_228, %dma_wait3A_229] : memref<1024x26x1000xf32, #tpu.memory_space<hbm>> -> memref<1x26x1000xf32, #tpu.memory_space<hbm>>
    tpu.wait_dma2 semaphore(%arg8 : memref<!tpu.dma_semaphore, #tpu.memory_space<semaphore_mem>>) src(%arg6 : memref<1x26x1000xf32, #tpu.memory_space<vmem>>) dst(%dma_wait3A_230 : memref<1x26x1000xf32, #tpu.memory_space<hbm>>)
    return
  }
}

#map = affine_map<(d0, d1) -> (0)>
#map1 = affine_map<(d0, d1) -> (0, 0, 0)>
module attributes {stable_mosaic.version = 14 : i64} {
  func.func @_sc_body_q(%arg0: i32, %arg1: i32, %arg2: memref<26624xi32, #tpu.memory_space<hbm>>, %arg3: memref<1024x26x1000xf32, #tpu.memory_space<hbm>>, %arg4: memref<848xi32, #tpu.memory_space<vmem>>, %arg5: memref<1x26x1000xf32, #tpu.memory_space<vmem>>, %arg6: memref<1x26x1000xf32, #tpu.memory_space<vmem>>, %arg7: memref<!tpu.dma_semaphore, #tpu.memory_space<semaphore_mem>>, %arg8: memref<!tpu.dma_semaphore, #tpu.memory_space<semaphore_mem>>) attributes {dimension_semantics = [#tpu.dimension_semantics<core_parallel>, #tpu.dimension_semantics<subcore_parallel>], iteration_bounds = array<i64: 2, 16>, scalar_prefetch = 0 : i64, scratch_operands = 5 : i64, tpu.core_type = #tpu.core_type<sc_vector_subcore>, window_params = [{transform_indices = #map}, {transform_indices = #map1}]} {
    %mul3A = arith.constant 2 : i32
    %mul3A_0 = arith.muli %arg1, %mul3A : i32
    %add3A = arith.addi %mul3A_0, %arg0 : i32
    %iota3A = tpu.iota {dimensions = array<i32: 0>} : vector<16xi32>
    %broadcast_in_dim3A = arith.constant 0.000000e+00 : f32
    %broadcast_in_dim3A_1 = vector.broadcast %broadcast_in_dim3A : f32 to vector<16xf32>
    %broadcast_in_dim3A_2 = arith.constant 1.000000e+00 : f32
    %broadcast_in_dim3A_3 = vector.broadcast %broadcast_in_dim3A_2 : f32 to vector<16xf32>
    %mul3A_4 = arith.constant 832 : i32
    %mul3A_5 = arith.muli %add3A, %mul3A_4 : i32
    "tpu.region"() ({
      %run_scoped3A = tpu.sem_alloc : memref<!tpu.dma_semaphore, #tpu.memory_space<semaphore_mem>>
      %dma_start3A_231 = arith.constant 0 : i32
      %dma_start3A_232 = tpu.memref_slice %arg4[%dma_start3A_231] : memref<848xi32, #tpu.memory_space<vmem>> -> memref<832xi32, #tpu.memory_space<vmem>>
      %dma_start3A_233 = tpu.memref_slice %arg2[%mul3A_5] : memref<26624xi32, #tpu.memory_space<hbm>> -> memref<832xi32, #tpu.memory_space<hbm>>
      %dma_start3A_234 = arith.constant 0 : i32
      %dma_start3A_235 = tpu.memref_slice %arg4[%dma_start3A_234] : memref<848xi32, #tpu.memory_space<vmem>> -> memref<832xi32, #tpu.memory_space<vmem>>
      %dma_start3A_236 = tpu.memref_slice %arg2[%mul3A_5] : memref<26624xi32, #tpu.memory_space<hbm>> -> memref<832xi32, #tpu.memory_space<hbm>>
      tpu.enqueue_dma source(%dma_start3A_236 : memref<832xi32, #tpu.memory_space<hbm>>) target(%dma_start3A_235 : memref<832xi32, #tpu.memory_space<vmem>>) target_semaphore(%run_scoped3A : memref<!tpu.dma_semaphore, #tpu.memory_space<semaphore_mem>>)
      %dma_wait3A_237 = arith.constant 0 : i32
      %dma_wait3A_238 = tpu.memref_slice %arg4[%dma_wait3A_237] : memref<848xi32, #tpu.memory_space<vmem>> -> memref<832xi32, #tpu.memory_space<vmem>>
      %dma_wait3A_239 = tpu.memref_slice %arg2[%mul3A_5] : memref<26624xi32, #tpu.memory_space<hbm>> -> memref<832xi32, #tpu.memory_space<hbm>>
      %dma_wait3A_240 = arith.constant 0 : i32
      %dma_wait3A_241 = tpu.memref_slice %arg4[%dma_wait3A_240] : memref<848xi32, #tpu.memory_space<vmem>> -> memref<832xi32, #tpu.memory_space<vmem>>
      %dma_wait3A_242 = tpu.memref_slice %arg2[%mul3A_5] : memref<26624xi32, #tpu.memory_space<hbm>> -> memref<832xi32, #tpu.memory_space<hbm>>
      tpu.wait_dma2 semaphore(%run_scoped3A : memref<!tpu.dma_semaphore, #tpu.memory_space<semaphore_mem>>) src(%dma_wait3A_242 : memref<832xi32, #tpu.memory_space<hbm>>) dst(%dma_wait3A_241 : memref<832xi32, #tpu.memory_space<vmem>>)
      tpu.yield
    }) : () -> ()
    %scan3A = arith.constant 0 : i32
    %scan3A_6 = arith.constant 0 : i32
    %scan3A_7 = arith.constant 26 : i32
    %scan3A_8 = arith.addi %scan3A_6, %scan3A_7 : i32
    %scan3A_9 = arith.constant 1 : i32
    scf.for %scan3A_231 = %scan3A_6 to %scan3A_8 step %scan3A_9  : i32 {
      %scan3A_232 = arith.constant 0 : i32
      %scan3A_233 = arith.constant 62 : i32
      %scan3A_234 = arith.addi %scan3A_232, %scan3A_233 : i32
      %scan3A_235 = arith.constant 1 : i32
      scf.for %scan3A_246 = %scan3A_232 to %scan3A_234 step %scan3A_235  : i32 {
        %mul3A_247 = arith.constant 16 : i32
        %mul3A_248 = arith.muli %scan3A_246, %mul3A_247 : i32
        %multiple_of3A = tpu.assume_multiple %mul3A_248, 16 : i32
        %swap3A = arith.constant 0 : i32
        %swap3A_249 = arith.index_cast %swap3A : i32 to index
        %swap3A_250 = arith.index_cast %scan3A_231 : i32 to index
        %swap3A_251 = arith.index_cast %multiple_of3A : i32 to index
        %swap3A_252 = tpu.vector_load %arg5[%swap3A_249, %swap3A_250, %swap3A_251] {strides = array<i32>} : memref<1x26x1000xf32, #tpu.memory_space<vmem>>, vector<16xf32>,
        tpu.vector_store %arg5[%swap3A_249, %swap3A_250, %swap3A_251], %broadcast_in_dim3A_1 {strides = array<i32>} : memref<1x26x1000xf32, #tpu.memory_space<vmem>>, vector<16xf32>,
      }
      %scan3A_236 = arith.constant 62 : i32
      %broadcast_in_dim3A_237 = vector.broadcast %scan3A_231 : i32 to vector<16xi32>
      %broadcast_in_dim3A_238 = arith.constant 0 : i32
      %broadcast_in_dim3A_239 = vector.broadcast %broadcast_in_dim3A_238 : i32 to vector<16xi32>
      %add3A_240 = arith.constant 992 : i32
      %add3A_241 = vector.broadcast %add3A_240 : i32 to vector<16xi32>
      %add3A_242 = arith.addi %add3A_241, %iota3A : vector<16xi32>
      %lt3A_243 = arith.constant 8 : i32
      %lt3A_244 = vector.broadcast %lt3A_243 : i32 to vector<16xi32>
      %lt3A_245 = arith.cmpi slt, %iota3A, %lt3A_244 : vector<16xi32>
      tpu.vector_store_idx %arg5[%broadcast_in_dim3A_239, %broadcast_in_dim3A_237, %add3A_242], %broadcast_in_dim3A_1 masked %lt3A_245 : memref<1x26x1000xf32, #tpu.memory_space<vmem>>[vector<16xi32>, vector<16xi32>, vector<16xi32>], vector<16xf32>, vector<16xi1>
    }
    %scan3A_10 = arith.constant 26 : i32
    %scan3A_11 = arith.constant 0 : i32
    %scan3A_12 = arith.constant 0 : i32
    %scan3A_13 = arith.constant 26 : i32
    %scan3A_14 = arith.addi %scan3A_12, %scan3A_13 : i32
    %scan3A_15 = arith.constant 1 : i32
    scf.for %scan3A_231 = %scan3A_12 to %scan3A_14 step %scan3A_15  : i32 {
      %scan3A_232 = arith.constant 0 : i32
      %scan3A_233 = arith.constant 62 : i32
      %scan3A_234 = arith.addi %scan3A_232, %scan3A_233 : i32
      %scan3A_235 = arith.constant 1 : i32
      scf.for %scan3A_246 = %scan3A_232 to %scan3A_234 step %scan3A_235  : i32 {
        %mul3A_247 = arith.constant 16 : i32
        %mul3A_248 = arith.muli %scan3A_246, %mul3A_247 : i32
        %multiple_of3A = tpu.assume_multiple %mul3A_248, 16 : i32
        %swap3A = arith.constant 0 : i32
        %swap3A_249 = arith.index_cast %swap3A : i32 to index
        %swap3A_250 = arith.index_cast %scan3A_231 : i32 to index
        %swap3A_251 = arith.index_cast %multiple_of3A : i32 to index
        %swap3A_252 = tpu.vector_load %arg6[%swap3A_249, %swap3A_250, %swap3A_251] {strides = array<i32>} : memref<1x26x1000xf32, #tpu.memory_space<vmem>>, vector<16xf32>,
        tpu.vector_store %arg6[%swap3A_249, %swap3A_250, %swap3A_251], %broadcast_in_dim3A_1 {strides = array<i32>} : memref<1x26x1000xf32, #tpu.memory_space<vmem>>, vector<16xf32>,
      }
      %scan3A_236 = arith.constant 62 : i32
      %broadcast_in_dim3A_237 = vector.broadcast %scan3A_231 : i32 to vector<16xi32>
      %broadcast_in_dim3A_238 = arith.constant 0 : i32
      %broadcast_in_dim3A_239 = vector.broadcast %broadcast_in_dim3A_238 : i32 to vector<16xi32>
      %add3A_240 = arith.constant 992 : i32
      %add3A_241 = vector.broadcast %add3A_240 : i32 to vector<16xi32>
      %add3A_242 = arith.addi %add3A_241, %iota3A : vector<16xi32>
      %lt3A_243 = arith.constant 8 : i32
      %lt3A_244 = vector.broadcast %lt3A_243 : i32 to vector<16xi32>
      %lt3A_245 = arith.cmpi slt, %iota3A, %lt3A_244 : vector<16xi32>
      tpu.vector_store_idx %arg6[%broadcast_in_dim3A_239, %broadcast_in_dim3A_237, %add3A_242], %broadcast_in_dim3A_1 masked %lt3A_245 : memref<1x26x1000xf32, #tpu.memory_space<vmem>>[vector<16xi32>, vector<16xi32>, vector<16xi32>], vector<16xf32>, vector<16xi1>
    }
    %scan3A_16 = arith.constant 26 : i32
    %add3A_17 = arith.constant 0 : i32
    %add3A_18 = vector.broadcast %add3A_17 : i32 to vector<16xi32>
    %add3A_19 = arith.addi %iota3A, %add3A_18 : vector<16xi32>
    %add3A_20 = arith.constant 0 : i32
    %add3A_21 = vector.broadcast %add3A_20 : i32 to vector<16xi32>
    %add3A_22 = arith.addi %add3A_21, %iota3A : vector<16xi32>
    %gather3A = tpu.vector_load_idx %arg4[%add3A_22] : memref<848xi32, #tpu.memory_space<vmem>>[vector<16xi32>], vector<16xi32>,
    %jit3A = arith.constant 26 : i32
    %div3A = vector.broadcast %jit3A : i32 to vector<16xi32>
    %div3A_23 = arith.divsi %add3A_19, %div3A : vector<16xi32>
    %sign3A = arith.constant 0 : i32
    %sign3A_24 = vector.broadcast %sign3A : i32 to vector<16xi32>
    %sign3A_25 = arith.cmpi sgt, %add3A_19, %sign3A_24 : vector<16xi32>
    %sign3A_26 = arith.extui %sign3A_25 : vector<16xi1> to vector<16xi32>
    %sign3A_27 = arith.constant 0 : i32
    %sign3A_28 = vector.broadcast %sign3A_27 : i32 to vector<16xi32>
    %sign3A_29 = arith.cmpi slt, %add3A_19, %sign3A_28 : vector<16xi32>
    %sign3A_30 = arith.extui %sign3A_29 : vector<16xi1> to vector<16xi32>
    %sign3A_31 = arith.subi %sign3A_26, %sign3A_30 : vector<16xi32>
    %sign3A_32 = arith.constant 0 : i32
    %sign3A_33 = arith.cmpi sgt, %jit3A, %sign3A_32 : i32
    %sign3A_34 = arith.extui %sign3A_33 : i1 to i32
    %sign3A_35 = arith.constant 0 : i32
    %sign3A_36 = arith.cmpi slt, %jit3A, %sign3A_35 : i32
    %sign3A_37 = arith.extui %sign3A_36 : i1 to i32
    %sign3A_38 = arith.subi %sign3A_34, %sign3A_37 : i32
    %ne3A = vector.broadcast %sign3A_38 : i32 to vector<16xi32>
    %ne3A_39 = arith.cmpi ne, %sign3A_31, %ne3A : vector<16xi32>
    %rem3A = vector.broadcast %jit3A : i32 to vector<16xi32>
    %rem3A_40 = arith.remsi %add3A_19, %rem3A : vector<16xi32>
    %ne3A_41 = arith.constant 0 : i32
    %ne3A_42 = vector.broadcast %ne3A_41 : i32 to vector<16xi32>
    %ne3A_43 = arith.cmpi ne, %rem3A_40, %ne3A_42 : vector<16xi32>
    %and3A = arith.andi %ne3A_39, %ne3A_43 : vector<16xi1>
    %sub3A = arith.constant 1 : i32
    %sub3A_44 = vector.broadcast %sub3A : i32 to vector<16xi32>
    %sub3A_45 = arith.subi %div3A_23, %sub3A_44 : vector<16xi32>
    %select_n3A = arith.select %and3A, %sub3A_45, %div3A_23 : vector<16xi1>, vector<16xi32>
    %mul3A_46 = arith.constant 26 : i32
    %mul3A_47 = vector.broadcast %mul3A_46 : i32 to vector<16xi32>
    %mul3A_48 = arith.muli %select_n3A, %mul3A_47 : vector<16xi32>
    %sub3A_49 = arith.subi %add3A_19, %mul3A_48 : vector<16xi32>
    %lt3A = arith.constant 26 : i32
    %lt3A_50 = vector.broadcast %lt3A : i32 to vector<16xi32>
    %lt3A_51 = arith.cmpi slt, %add3A_19, %lt3A_50 : vector<16xi32>
    tpu.vector_store_idx %arg5[%select_n3A, %sub3A_49, %gather3A], %broadcast_in_dim3A_3 masked %lt3A_51 : memref<1x26x1000xf32, #tpu.memory_space<vmem>>[vector<16xi32>, vector<16xi32>, vector<16xi32>], vector<16xf32>, vector<16xi1>
    %add3A_52 = arith.constant 16 : i32
    %add3A_53 = vector.broadcast %add3A_52 : i32 to vector<16xi32>
    %add3A_54 = arith.addi %iota3A, %add3A_53 : vector<16xi32>
    %add3A_55 = arith.constant 16 : i32
    %add3A_56 = vector.broadcast %add3A_55 : i32 to vector<16xi32>
    %add3A_57 = arith.addi %add3A_56, %iota3A : vector<16xi32>
    %gather3A_58 = tpu.vector_load_idx %arg4[%add3A_57] : memref<848xi32, #tpu.memory_space<vmem>>[vector<16xi32>], vector<16xi32>,
    %jit3A_59 = arith.constant 26 : i32
    %div3A_60 = vector.broadcast %jit3A_59 : i32 to vector<16xi32>
    %div3A_61 = arith.divsi %add3A_54, %div3A_60 : vector<16xi32>
    %sign3A_62 = arith.constant 0 : i32
    %sign3A_63 = vector.broadcast %sign3A_62 : i32 to vector<16xi32>
    %sign3A_64 = arith.cmpi sgt, %add3A_54, %sign3A_63 : vector<16xi32>
    %sign3A_65 = arith.extui %sign3A_64 : vector<16xi1> to vector<16xi32>
    %sign3A_66 = arith.constant 0 : i32
    %sign3A_67 = vector.broadcast %sign3A_66 : i32 to vector<16xi32>
    %sign3A_68 = arith.cmpi slt, %add3A_54, %sign3A_67 : vector<16xi32>
    %sign3A_69 = arith.extui %sign3A_68 : vector<16xi1> to vector<16xi32>
    %sign3A_70 = arith.subi %sign3A_65, %sign3A_69 : vector<16xi32>
    %sign3A_71 = arith.constant 0 : i32
    %sign3A_72 = arith.cmpi sgt, %jit3A_59, %sign3A_71 : i32
    %sign3A_73 = arith.extui %sign3A_72 : i1 to i32
    %sign3A_74 = arith.constant 0 : i32
    %sign3A_75 = arith.cmpi slt, %jit3A_59, %sign3A_74 : i32
    %sign3A_76 = arith.extui %sign3A_75 : i1 to i32
    %sign3A_77 = arith.subi %sign3A_73, %sign3A_76 : i32
    %ne3A_78 = vector.broadcast %sign3A_77 : i32 to vector<16xi32>
    %ne3A_79 = arith.cmpi ne, %sign3A_70, %ne3A_78 : vector<16xi32>
    %rem3A_80 = vector.broadcast %jit3A_59 : i32 to vector<16xi32>
    %rem3A_81 = arith.remsi %add3A_54, %rem3A_80 : vector<16xi32>
    %ne3A_82 = arith.constant 0 : i32
    %ne3A_83 = vector.broadcast %ne3A_82 : i32 to vector<16xi32>
    %ne3A_84 = arith.cmpi ne, %rem3A_81, %ne3A_83 : vector<16xi32>
    %and3A_85 = arith.andi %ne3A_79, %ne3A_84 : vector<16xi1>
    %sub3A_86 = arith.constant 1 : i32
    %sub3A_87 = vector.broadcast %sub3A_86 : i32 to vector<16xi32>
    %sub3A_88 = arith.subi %div3A_61, %sub3A_87 : vector<16xi32>
    %select_n3A_89 = arith.select %and3A_85, %sub3A_88, %div3A_61 : vector<16xi1>, vector<16xi32>
    %mul3A_90 = arith.constant 26 : i32
    %mul3A_91 = vector.broadcast %mul3A_90 : i32 to vector<16xi32>
    %mul3A_92 = arith.muli %select_n3A_89, %mul3A_91 : vector<16xi32>
    %sub3A_93 = arith.subi %add3A_54, %mul3A_92 : vector<16xi32>
    %lt3A_94 = arith.constant 26 : i32
    %lt3A_95 = vector.broadcast %lt3A_94 : i32 to vector<16xi32>
    %lt3A_96 = arith.cmpi slt, %add3A_54, %lt3A_95 : vector<16xi32>
    tpu.vector_store_idx %arg5[%select_n3A_89, %sub3A_93, %gather3A_58], %broadcast_in_dim3A_3 masked %lt3A_96 : memref<1x26x1000xf32, #tpu.memory_space<vmem>>[vector<16xi32>, vector<16xi32>, vector<16xi32>], vector<16xf32>, vector<16xi1>
    %mul3A_97 = arith.constant 32 : i32
    %mul3A_98 = arith.muli %add3A, %mul3A_97 : i32
    %add3A_99 = arith.constant 0 : i32
    %add3A_100 = arith.addi %mul3A_98, %add3A_99 : i32
    %dma_start3A = arith.constant 0 : i32
    %dma_start3A_101 = arith.constant 0 : i32
    %dma_start3A_102 = tpu.memref_slice %arg3[%add3A_100, %dma_start3A, %dma_start3A_101] : memref<1024x26x1000xf32, #tpu.memory_space<hbm>> -> memref<1x26x1000xf32, #tpu.memory_space<hbm>>
    %dma_start3A_103 = arith.constant 0 : i32
    %dma_start3A_104 = arith.constant 0 : i32
    %dma_start3A_105 = tpu.memref_slice %arg3[%add3A_100, %dma_start3A_103, %dma_start3A_104] : memref<1024x26x1000xf32, #tpu.memory_space<hbm>> -> memref<1x26x1000xf32, #tpu.memory_space<hbm>>
    tpu.enqueue_dma source(%arg5 : memref<1x26x1000xf32, #tpu.memory_space<vmem>>) target(%dma_start3A_105 : memref<1x26x1000xf32, #tpu.memory_space<hbm>>) target_semaphore(%arg7 : memref<!tpu.dma_semaphore, #tpu.memory_space<semaphore_mem>>)
    %add3A_106 = arith.constant 0 : i32
    %add3A_107 = vector.broadcast %add3A_106 : i32 to vector<16xi32>
    %add3A_108 = arith.addi %iota3A, %add3A_107 : vector<16xi32>
    %add3A_109 = arith.constant 26 : i32
    %add3A_110 = vector.broadcast %add3A_109 : i32 to vector<16xi32>
    %add3A_111 = arith.addi %add3A_110, %iota3A : vector<16xi32>
    %gather3A_112 = tpu.vector_load_idx %arg4[%add3A_111] : memref<848xi32, #tpu.memory_space<vmem>>[vector<16xi32>], vector<16xi32>,
    %jit3A_113 = arith.constant 26 : i32
    %div3A_114 = vector.broadcast %jit3A_113 : i32 to vector<16xi32>
    %div3A_115 = arith.divsi %add3A_108, %div3A_114 : vector<16xi32>
    %sign3A_116 = arith.constant 0 : i32
    %sign3A_117 = vector.broadcast %sign3A_116 : i32 to vector<16xi32>
    %sign3A_118 = arith.cmpi sgt, %add3A_108, %sign3A_117 : vector<16xi32>
    %sign3A_119 = arith.extui %sign3A_118 : vector<16xi1> to vector<16xi32>
    %sign3A_120 = arith.constant 0 : i32
    %sign3A_121 = vector.broadcast %sign3A_120 : i32 to vector<16xi32>
    %sign3A_122 = arith.cmpi slt, %add3A_108, %sign3A_121 : vector<16xi32>
    %sign3A_123 = arith.extui %sign3A_122 : vector<16xi1> to vector<16xi32>
    %sign3A_124 = arith.subi %sign3A_119, %sign3A_123 : vector<16xi32>
    %sign3A_125 = arith.constant 0 : i32
    %sign3A_126 = arith.cmpi sgt, %jit3A_113, %sign3A_125 : i32
    %sign3A_127 = arith.extui %sign3A_126 : i1 to i32
    %sign3A_128 = arith.constant 0 : i32
    %sign3A_129 = arith.cmpi slt, %jit3A_113, %sign3A_128 : i32
    %sign3A_130 = arith.extui %sign3A_129 : i1 to i32
    %sign3A_131 = arith.subi %sign3A_127, %sign3A_130 : i32
    %ne3A_132 = vector.broadcast %sign3A_131 : i32 to vector<16xi32>
    %ne3A_133 = arith.cmpi ne, %sign3A_124, %ne3A_132 : vector<16xi32>
    %rem3A_134 = vector.broadcast %jit3A_113 : i32 to vector<16xi32>
    %rem3A_135 = arith.remsi %add3A_108, %rem3A_134 : vector<16xi32>
    %ne3A_136 = arith.constant 0 : i32
    %ne3A_137 = vector.broadcast %ne3A_136 : i32 to vector<16xi32>
    %ne3A_138 = arith.cmpi ne, %rem3A_135, %ne3A_137 : vector<16xi32>
    %and3A_139 = arith.andi %ne3A_133, %ne3A_138 : vector<16xi1>
    %sub3A_140 = arith.constant 1 : i32
    %sub3A_141 = vector.broadcast %sub3A_140 : i32 to vector<16xi32>
    %sub3A_142 = arith.subi %div3A_115, %sub3A_141 : vector<16xi32>
    %select_n3A_143 = arith.select %and3A_139, %sub3A_142, %div3A_115 : vector<16xi1>, vector<16xi32>
    %mul3A_144 = arith.constant 26 : i32
    %mul3A_145 = vector.broadcast %mul3A_144 : i32 to vector<16xi32>
    %mul3A_146 = arith.muli %select_n3A_143, %mul3A_145 : vector<16xi32>
    %sub3A_147 = arith.subi %add3A_108, %mul3A_146 : vector<16xi32>
    %lt3A_148 = arith.constant 26 : i32
    %lt3A_149 = vector.broadcast %lt3A_148 : i32 to vector<16xi32>
    %lt3A_150 = arith.cmpi slt, %add3A_108, %lt3A_149 : vector<16xi32>
    tpu.vector_store_idx %arg6[%select_n3A_143, %sub3A_147, %gather3A_112], %broadcast_in_dim3A_3 masked %lt3A_150 : memref<1x26x1000xf32, #tpu.memory_space<vmem>>[vector<16xi32>, vector<16xi32>, vector<16xi32>], vector<16xf32>, vector<16xi1>
    %add3A_151 = arith.constant 16 : i32
    %add3A_152 = vector.broadcast %add3A_151 : i32 to vector<16xi32>
    %add3A_153 = arith.addi %iota3A, %add3A_152 : vector<16xi32>
    %add3A_154 = arith.constant 42 : i32
    %add3A_155 = vector.broadcast %add3A_154 : i32 to vector<16xi32>
    %add3A_156 = arith.addi %add3A_155, %iota3A : vector<16xi32>
    %gather3A_157 = tpu.vector_load_idx %arg4[%add3A_156] : memref<848xi32, #tpu.memory_space<vmem>>[vector<16xi32>], vector<16xi32>,
    %jit3A_158 = arith.constant 26 : i32
    %div3A_159 = vector.broadcast %jit3A_158 : i32 to vector<16xi32>
    %div3A_160 = arith.divsi %add3A_153, %div3A_159 : vector<16xi32>
    %sign3A_161 = arith.constant 0 : i32
    %sign3A_162 = vector.broadcast %sign3A_161 : i32 to vector<16xi32>
    %sign3A_163 = arith.cmpi sgt, %add3A_153, %sign3A_162 : vector<16xi32>
    %sign3A_164 = arith.extui %sign3A_163 : vector<16xi1> to vector<16xi32>
    %sign3A_165 = arith.constant 0 : i32
    %sign3A_166 = vector.broadcast %sign3A_165 : i32 to vector<16xi32>
    %sign3A_167 = arith.cmpi slt, %add3A_153, %sign3A_166 : vector<16xi32>
    %sign3A_168 = arith.extui %sign3A_167 : vector<16xi1> to vector<16xi32>
    %sign3A_169 = arith.subi %sign3A_164, %sign3A_168 : vector<16xi32>
    %sign3A_170 = arith.constant 0 : i32
    %sign3A_171 = arith.cmpi sgt, %jit3A_158, %sign3A_170 : i32
    %sign3A_172 = arith.extui %sign3A_171 : i1 to i32
    %sign3A_173 = arith.constant 0 : i32
    %sign3A_174 = arith.cmpi slt, %jit3A_158, %sign3A_173 : i32
    %sign3A_175 = arith.extui %sign3A_174 : i1 to i32
    %sign3A_176 = arith.subi %sign3A_172, %sign3A_175 : i32
    %ne3A_177 = vector.broadcast %sign3A_176 : i32 to vector<16xi32>
    %ne3A_178 = arith.cmpi ne, %sign3A_169, %ne3A_177 : vector<16xi32>
    %rem3A_179 = vector.broadcast %jit3A_158 : i32 to vector<16xi32>
    %rem3A_180 = arith.remsi %add3A_153, %rem3A_179 : vector<16xi32>
    %ne3A_181 = arith.constant 0 : i32
    %ne3A_182 = vector.broadcast %ne3A_181 : i32 to vector<16xi32>
    %ne3A_183 = arith.cmpi ne, %rem3A_180, %ne3A_182 : vector<16xi32>
    %and3A_184 = arith.andi %ne3A_178, %ne3A_183 : vector<16xi1>
    %sub3A_185 = arith.constant 1 : i32
    %sub3A_186 = vector.broadcast %sub3A_185 : i32 to vector<16xi32>
    %sub3A_187 = arith.subi %div3A_160, %sub3A_186 : vector<16xi32>
    %select_n3A_188 = arith.select %and3A_184, %sub3A_187, %div3A_160 : vector<16xi1>, vector<16xi32>
    %mul3A_189 = arith.constant 26 : i32
    %mul3A_190 = vector.broadcast %mul3A_189 : i32 to vector<16xi32>
    %mul3A_191 = arith.muli %select_n3A_188, %mul3A_190 : vector<16xi32>
    %sub3A_192 = arith.subi %add3A_153, %mul3A_191 : vector<16xi32>
    %lt3A_193 = arith.constant 26 : i32
    %lt3A_194 = vector.broadcast %lt3A_193 : i32 to vector<16xi32>
    %lt3A_195 = arith.cmpi slt, %add3A_153, %lt3A_194 : vector<16xi32>
    tpu.vector_store_idx %arg6[%select_n3A_188, %sub3A_192, %gather3A_157], %broadcast_in_dim3A_3 masked %lt3A_195 : memref<1x26x1000xf32, #tpu.memory_space<vmem>>[vector<16xi32>, vector<16xi32>, vector<16xi32>], vector<16xf32>, vector<16xi1>
    %mul3A_196 = arith.constant 32 : i32
    %mul3A_197 = arith.muli %add3A, %mul3A_196 : i32
    %add3A_198 = arith.constant 1 : i32
    %add3A_199 = arith.addi %mul3A_197, %add3A_198 : i32
    %dma_start3A_200 = arith.constant 0 : i32
    %dma_start3A_201 = arith.constant 0 : i32
    %dma_start3A_202 = tpu.memref_slice %arg3[%add3A_199, %dma_start3A_200, %dma_start3A_201] : memref<1024x26x1000xf32, #tpu.memory_space<hbm>> -> memref<1x26x1000xf32, #tpu.memory_space<hbm>>
    %dma_start3A_203 = arith.constant 0 : i32
    %dma_start3A_204 = arith.constant 0 : i32
    %dma_start3A_205 = tpu.memref_slice %arg3[%add3A_199, %dma_start3A_203, %dma_start3A_204] : memref<1024x26x1000xf32, #tpu.memory_space<hbm>> -> memref<1x26x1000xf32, #tpu.memory_space<hbm>>
    tpu.enqueue_dma source(%arg6 : memref<1x26x1000xf32, #tpu.memory_space<vmem>>) target(%dma_start3A_205 : memref<1x26x1000xf32, #tpu.memory_space<hbm>>) target_semaphore(%arg8 : memref<!tpu.dma_semaphore, #tpu.memory_space<semaphore_mem>>)
    %scan3A_206 = arith.constant 0 : i32
    %scan3A_207 = arith.constant 1 : i32
    %scan3A_208 = arith.constant 15 : i32
    %scan3A_209 = arith.addi %scan3A_207, %scan3A_208 : i32
    %scan3A_210 = arith.constant 1 : i32
    scf.for %scan3A_231 = %scan3A_207 to %scan3A_209 step %scan3A_210  : i32 {
      %mul3A_232 = arith.constant 2 : i32
      %mul3A_233 = arith.muli %mul3A_232, %scan3A_231 : i32
      %sub3A_234 = arith.constant 2 : i32
      %sub3A_235 = arith.subi %mul3A_233, %sub3A_234 : i32
      %mul3A_236 = arith.constant 32 : i32
      %mul3A_237 = arith.muli %add3A, %mul3A_236 : i32
      %mul3A_238 = arith.constant 1 : i32
      %mul3A_239 = arith.muli %sub3A_235, %mul3A_238 : i32
      %add3A_240 = arith.addi %mul3A_237, %mul3A_239 : i32
      %dma_wait3A_241 = arith.constant 0 : i32
      %dma_wait3A_242 = arith.constant 0 : i32
      %dma_wait3A_243 = tpu.memref_slice %arg3[%add3A_240, %dma_wait3A_241, %dma_wait3A_242] : memref<1024x26x1000xf32, #tpu.memory_space<hbm>> -> memref<1x26x1000xf32, #tpu.memory_space<hbm>>
      %dma_wait3A_244 = arith.constant 0 : i32
      %dma_wait3A_245 = arith.constant 0 : i32
      %dma_wait3A_246 = tpu.memref_slice %arg3[%add3A_240, %dma_wait3A_244, %dma_wait3A_245] : memref<1024x26x1000xf32, #tpu.memory_space<hbm>> -> memref<1x26x1000xf32, #tpu.memory_space<hbm>>
      tpu.wait_dma2 semaphore(%arg7 : memref<!tpu.dma_semaphore, #tpu.memory_space<semaphore_mem>>) src(%arg5 : memref<1x26x1000xf32, #tpu.memory_space<vmem>>) dst(%dma_wait3A_246 : memref<1x26x1000xf32, #tpu.memory_space<hbm>>)
      %sub3A_247 = arith.constant 2 : i32
      %sub3A_248 = arith.subi %mul3A_233, %sub3A_247 : i32
      %mul3A_249 = arith.constant 26 : i32
      %mul3A_250 = arith.muli %sub3A_248, %mul3A_249 : i32
      %add3A_251 = arith.constant 0 : i32
      %add3A_252 = vector.broadcast %add3A_251 : i32 to vector<16xi32>
      %add3A_253 = arith.addi %iota3A, %add3A_252 : vector<16xi32>
      %add3A_254 = arith.constant 0 : i32
      %add3A_255 = arith.addi %mul3A_250, %add3A_254 : i32
      %add3A_256 = vector.broadcast %add3A_255 : i32 to vector<16xi32>
      %add3A_257 = arith.addi %add3A_256, %iota3A : vector<16xi32>
      %gather3A_258 = tpu.vector_load_idx %arg4[%add3A_257] : memref<848xi32, #tpu.memory_space<vmem>>[vector<16xi32>], vector<16xi32>,
      %jit3A_259 = arith.constant 26 : i32
      %div3A_260 = vector.broadcast %jit3A_259 : i32 to vector<16xi32>
      %div3A_261 = arith.divsi %add3A_253, %div3A_260 : vector<16xi32>
      %sign3A_262 = arith.constant 0 : i32
      %sign3A_263 = vector.broadcast %sign3A_262 : i32 to vector<16xi32>
      %sign3A_264 = arith.cmpi sgt, %add3A_253, %sign3A_263 : vector<16xi32>
      %sign3A_265 = arith.extui %sign3A_264 : vector<16xi1> to vector<16xi32>
      %sign3A_266 = arith.constant 0 : i32
      %sign3A_267 = vector.broadcast %sign3A_266 : i32 to vector<16xi32>
      %sign3A_268 = arith.cmpi slt, %add3A_253, %sign3A_267 : vector<16xi32>
      %sign3A_269 = arith.extui %sign3A_268 : vector<16xi1> to vector<16xi32>
      %sign3A_270 = arith.subi %sign3A_265, %sign3A_269 : vector<16xi32>
      %sign3A_271 = arith.constant 0 : i32
      %sign3A_272 = arith.cmpi sgt, %jit3A_259, %sign3A_271 : i32
      %sign3A_273 = arith.extui %sign3A_272 : i1 to i32
      %sign3A_274 = arith.constant 0 : i32
      %sign3A_275 = arith.cmpi slt, %jit3A_259, %sign3A_274 : i32
      %sign3A_276 = arith.extui %sign3A_275 : i1 to i32
      %sign3A_277 = arith.subi %sign3A_273, %sign3A_276 : i32
      %ne3A_278 = vector.broadcast %sign3A_277 : i32 to vector<16xi32>
      %ne3A_279 = arith.cmpi ne, %sign3A_270, %ne3A_278 : vector<16xi32>
      %rem3A_280 = vector.broadcast %jit3A_259 : i32 to vector<16xi32>
      %rem3A_281 = arith.remsi %add3A_253, %rem3A_280 : vector<16xi32>
      %ne3A_282 = arith.constant 0 : i32
      %ne3A_283 = vector.broadcast %ne3A_282 : i32 to vector<16xi32>
      %ne3A_284 = arith.cmpi ne, %rem3A_281, %ne3A_283 : vector<16xi32>
      %and3A_285 = arith.andi %ne3A_279, %ne3A_284 : vector<16xi1>
      %sub3A_286 = arith.constant 1 : i32
      %sub3A_287 = vector.broadcast %sub3A_286 : i32 to vector<16xi32>
      %sub3A_288 = arith.subi %div3A_261, %sub3A_287 : vector<16xi32>
      %select_n3A_289 = arith.select %and3A_285, %sub3A_288, %div3A_261 : vector<16xi1>, vector<16xi32>
      %mul3A_290 = arith.constant 26 : i32
      %mul3A_291 = vector.broadcast %mul3A_290 : i32 to vector<16xi32>
      %mul3A_292 = arith.muli %select_n3A_289, %mul3A_291 : vector<16xi32>
      %sub3A_293 = arith.subi %add3A_253, %mul3A_292 : vector<16xi32>
      %lt3A_294 = arith.constant 26 : i32
      %lt3A_295 = vector.broadcast %lt3A_294 : i32 to vector<16xi32>
      %lt3A_296 = arith.cmpi slt, %add3A_253, %lt3A_295 : vector<16xi32>
      tpu.vector_store_idx %arg5[%select_n3A_289, %sub3A_293, %gather3A_258], %broadcast_in_dim3A_1 masked %lt3A_296 : memref<1x26x1000xf32, #tpu.memory_space<vmem>>[vector<16xi32>, vector<16xi32>, vector<16xi32>], vector<16xf32>, vector<16xi1>
      %add3A_297 = arith.constant 16 : i32
      %add3A_298 = vector.broadcast %add3A_297 : i32 to vector<16xi32>
      %add3A_299 = arith.addi %iota3A, %add3A_298 : vector<16xi32>
      %add3A_300 = arith.constant 16 : i32
      %add3A_301 = arith.addi %mul3A_250, %add3A_300 : i32
      %add3A_302 = vector.broadcast %add3A_301 : i32 to vector<16xi32>
      %add3A_303 = arith.addi %add3A_302, %iota3A : vector<16xi32>
      %gather3A_304 = tpu.vector_load_idx %arg4[%add3A_303] : memref<848xi32, #tpu.memory_space<vmem>>[vector<16xi32>], vector<16xi32>,
      %jit3A_305 = arith.constant 26 : i32
      %div3A_306 = vector.broadcast %jit3A_305 : i32 to vector<16xi32>
      %div3A_307 = arith.divsi %add3A_299, %div3A_306 : vector<16xi32>
      %sign3A_308 = arith.constant 0 : i32
      %sign3A_309 = vector.broadcast %sign3A_308 : i32 to vector<16xi32>
      %sign3A_310 = arith.cmpi sgt, %add3A_299, %sign3A_309 : vector<16xi32>
      %sign3A_311 = arith.extui %sign3A_310 : vector<16xi1> to vector<16xi32>
      %sign3A_312 = arith.constant 0 : i32
      %sign3A_313 = vector.broadcast %sign3A_312 : i32 to vector<16xi32>
      %sign3A_314 = arith.cmpi slt, %add3A_299, %sign3A_313 : vector<16xi32>
      %sign3A_315 = arith.extui %sign3A_314 : vector<16xi1> to vector<16xi32>
      %sign3A_316 = arith.subi %sign3A_311, %sign3A_315 : vector<16xi32>
      %sign3A_317 = arith.constant 0 : i32
      %sign3A_318 = arith.cmpi sgt, %jit3A_305, %sign3A_317 : i32
      %sign3A_319 = arith.extui %sign3A_318 : i1 to i32
      %sign3A_320 = arith.constant 0 : i32
      %sign3A_321 = arith.cmpi slt, %jit3A_305, %sign3A_320 : i32
      %sign3A_322 = arith.extui %sign3A_321 : i1 to i32
      %sign3A_323 = arith.subi %sign3A_319, %sign3A_322 : i32
      %ne3A_324 = vector.broadcast %sign3A_323 : i32 to vector<16xi32>
      %ne3A_325 = arith.cmpi ne, %sign3A_316, %ne3A_324 : vector<16xi32>
      %rem3A_326 = vector.broadcast %jit3A_305 : i32 to vector<16xi32>
      %rem3A_327 = arith.remsi %add3A_299, %rem3A_326 : vector<16xi32>
      %ne3A_328 = arith.constant 0 : i32
      %ne3A_329 = vector.broadcast %ne3A_328 : i32 to vector<16xi32>
      %ne3A_330 = arith.cmpi ne, %rem3A_327, %ne3A_329 : vector<16xi32>
      %and3A_331 = arith.andi %ne3A_325, %ne3A_330 : vector<16xi1>
      %sub3A_332 = arith.constant 1 : i32
      %sub3A_333 = vector.broadcast %sub3A_332 : i32 to vector<16xi32>
      %sub3A_334 = arith.subi %div3A_307, %sub3A_333 : vector<16xi32>
      %select_n3A_335 = arith.select %and3A_331, %sub3A_334, %div3A_307 : vector<16xi1>, vector<16xi32>
      %mul3A_336 = arith.constant 26 : i32
      %mul3A_337 = vector.broadcast %mul3A_336 : i32 to vector<16xi32>
      %mul3A_338 = arith.muli %select_n3A_335, %mul3A_337 : vector<16xi32>
      %sub3A_339 = arith.subi %add3A_299, %mul3A_338 : vector<16xi32>
      %lt3A_340 = arith.constant 26 : i32
      %lt3A_341 = vector.broadcast %lt3A_340 : i32 to vector<16xi32>
      %lt3A_342 = arith.cmpi slt, %add3A_299, %lt3A_341 : vector<16xi32>
      tpu.vector_store_idx %arg5[%select_n3A_335, %sub3A_339, %gather3A_304], %broadcast_in_dim3A_1 masked %lt3A_342 : memref<1x26x1000xf32, #tpu.memory_space<vmem>>[vector<16xi32>, vector<16xi32>, vector<16xi32>], vector<16xf32>, vector<16xi1>
      %mul3A_343 = arith.constant 26 : i32
      %mul3A_344 = arith.muli %mul3A_233, %mul3A_343 : i32
      %add3A_345 = arith.constant 0 : i32
      %add3A_346 = vector.broadcast %add3A_345 : i32 to vector<16xi32>
      %add3A_347 = arith.addi %iota3A, %add3A_346 : vector<16xi32>
      %add3A_348 = arith.constant 0 : i32
      %add3A_349 = arith.addi %mul3A_344, %add3A_348 : i32
      %add3A_350 = vector.broadcast %add3A_349 : i32 to vector<16xi32>
      %add3A_351 = arith.addi %add3A_350, %iota3A : vector<16xi32>
      %gather3A_352 = tpu.vector_load_idx %arg4[%add3A_351] : memref<848xi32, #tpu.memory_space<vmem>>[vector<16xi32>], vector<16xi32>,
      %jit3A_353 = arith.constant 26 : i32
      %div3A_354 = vector.broadcast %jit3A_353 : i32 to vector<16xi32>
      %div3A_355 = arith.divsi %add3A_347, %div3A_354 : vector<16xi32>
      %sign3A_356 = arith.constant 0 : i32
      %sign3A_357 = vector.broadcast %sign3A_356 : i32 to vector<16xi32>
      %sign3A_358 = arith.cmpi sgt, %add3A_347, %sign3A_357 : vector<16xi32>
      %sign3A_359 = arith.extui %sign3A_358 : vector<16xi1> to vector<16xi32>
      %sign3A_360 = arith.constant 0 : i32
      %sign3A_361 = vector.broadcast %sign3A_360 : i32 to vector<16xi32>
      %sign3A_362 = arith.cmpi slt, %add3A_347, %sign3A_361 : vector<16xi32>
      %sign3A_363 = arith.extui %sign3A_362 : vector<16xi1> to vector<16xi32>
      %sign3A_364 = arith.subi %sign3A_359, %sign3A_363 : vector<16xi32>
      %sign3A_365 = arith.constant 0 : i32
      %sign3A_366 = arith.cmpi sgt, %jit3A_353, %sign3A_365 : i32
      %sign3A_367 = arith.extui %sign3A_366 : i1 to i32
      %sign3A_368 = arith.constant 0 : i32
      %sign3A_369 = arith.cmpi slt, %jit3A_353, %sign3A_368 : i32
      %sign3A_370 = arith.extui %sign3A_369 : i1 to i32
      %sign3A_371 = arith.subi %sign3A_367, %sign3A_370 : i32
      %ne3A_372 = vector.broadcast %sign3A_371 : i32 to vector<16xi32>
      %ne3A_373 = arith.cmpi ne, %sign3A_364, %ne3A_372 : vector<16xi32>
      %rem3A_374 = vector.broadcast %jit3A_353 : i32 to vector<16xi32>
      %rem3A_375 = arith.remsi %add3A_347, %rem3A_374 : vector<16xi32>
      %ne3A_376 = arith.constant 0 : i32
      %ne3A_377 = vector.broadcast %ne3A_376 : i32 to vector<16xi32>
      %ne3A_378 = arith.cmpi ne, %rem3A_375, %ne3A_377 : vector<16xi32>
      %and3A_379 = arith.andi %ne3A_373, %ne3A_378 : vector<16xi1>
      %sub3A_380 = arith.constant 1 : i32
      %sub3A_381 = vector.broadcast %sub3A_380 : i32 to vector<16xi32>
      %sub3A_382 = arith.subi %div3A_355, %sub3A_381 : vector<16xi32>
      %select_n3A_383 = arith.select %and3A_379, %sub3A_382, %div3A_355 : vector<16xi1>, vector<16xi32>
      %mul3A_384 = arith.constant 26 : i32
      %mul3A_385 = vector.broadcast %mul3A_384 : i32 to vector<16xi32>
      %mul3A_386 = arith.muli %select_n3A_383, %mul3A_385 : vector<16xi32>
      %sub3A_387 = arith.subi %add3A_347, %mul3A_386 : vector<16xi32>
      %lt3A_388 = arith.constant 26 : i32
      %lt3A_389 = vector.broadcast %lt3A_388 : i32 to vector<16xi32>
      %lt3A_390 = arith.cmpi slt, %add3A_347, %lt3A_389 : vector<16xi32>
      tpu.vector_store_idx %arg5[%select_n3A_383, %sub3A_387, %gather3A_352], %broadcast_in_dim3A_3 masked %lt3A_390 : memref<1x26x1000xf32, #tpu.memory_space<vmem>>[vector<16xi32>, vector<16xi32>, vector<16xi32>], vector<16xf32>, vector<16xi1>
      %add3A_391 = arith.constant 16 : i32
      %add3A_392 = vector.broadcast %add3A_391 : i32 to vector<16xi32>
      %add3A_393 = arith.addi %iota3A, %add3A_392 : vector<16xi32>
      %add3A_394 = arith.constant 16 : i32
      %add3A_395 = arith.addi %mul3A_344, %add3A_394 : i32
      %add3A_396 = vector.broadcast %add3A_395 : i32 to vector<16xi32>
      %add3A_397 = arith.addi %add3A_396, %iota3A : vector<16xi32>
      %gather3A_398 = tpu.vector_load_idx %arg4[%add3A_397] : memref<848xi32, #tpu.memory_space<vmem>>[vector<16xi32>], vector<16xi32>,
      %jit3A_399 = arith.constant 26 : i32
      %div3A_400 = vector.broadcast %jit3A_399 : i32 to vector<16xi32>
      %div3A_401 = arith.divsi %add3A_393, %div3A_400 : vector<16xi32>
      %sign3A_402 = arith.constant 0 : i32
      %sign3A_403 = vector.broadcast %sign3A_402 : i32 to vector<16xi32>
      %sign3A_404 = arith.cmpi sgt, %add3A_393, %sign3A_403 : vector<16xi32>
      %sign3A_405 = arith.extui %sign3A_404 : vector<16xi1> to vector<16xi32>
      %sign3A_406 = arith.constant 0 : i32
      %sign3A_407 = vector.broadcast %sign3A_406 : i32 to vector<16xi32>
      %sign3A_408 = arith.cmpi slt, %add3A_393, %sign3A_407 : vector<16xi32>
      %sign3A_409 = arith.extui %sign3A_408 : vector<16xi1> to vector<16xi32>
      %sign3A_410 = arith.subi %sign3A_405, %sign3A_409 : vector<16xi32>
      %sign3A_411 = arith.constant 0 : i32
      %sign3A_412 = arith.cmpi sgt, %jit3A_399, %sign3A_411 : i32
      %sign3A_413 = arith.extui %sign3A_412 : i1 to i32
      %sign3A_414 = arith.constant 0 : i32
      %sign3A_415 = arith.cmpi slt, %jit3A_399, %sign3A_414 : i32
      %sign3A_416 = arith.extui %sign3A_415 : i1 to i32
      %sign3A_417 = arith.subi %sign3A_413, %sign3A_416 : i32
      %ne3A_418 = vector.broadcast %sign3A_417 : i32 to vector<16xi32>
      %ne3A_419 = arith.cmpi ne, %sign3A_410, %ne3A_418 : vector<16xi32>
      %rem3A_420 = vector.broadcast %jit3A_399 : i32 to vector<16xi32>
      %rem3A_421 = arith.remsi %add3A_393, %rem3A_420 : vector<16xi32>
      %ne3A_422 = arith.constant 0 : i32
      %ne3A_423 = vector.broadcast %ne3A_422 : i32 to vector<16xi32>
      %ne3A_424 = arith.cmpi ne, %rem3A_421, %ne3A_423 : vector<16xi32>
      %and3A_425 = arith.andi %ne3A_419, %ne3A_424 : vector<16xi1>
      %sub3A_426 = arith.constant 1 : i32
      %sub3A_427 = vector.broadcast %sub3A_426 : i32 to vector<16xi32>
      %sub3A_428 = arith.subi %div3A_401, %sub3A_427 : vector<16xi32>
      %select_n3A_429 = arith.select %and3A_425, %sub3A_428, %div3A_401 : vector<16xi1>, vector<16xi32>
      %mul3A_430 = arith.constant 26 : i32
      %mul3A_431 = vector.broadcast %mul3A_430 : i32 to vector<16xi32>
      %mul3A_432 = arith.muli %select_n3A_429, %mul3A_431 : vector<16xi32>
      %sub3A_433 = arith.subi %add3A_393, %mul3A_432 : vector<16xi32>
      %lt3A_434 = arith.constant 26 : i32
      %lt3A_435 = vector.broadcast %lt3A_434 : i32 to vector<16xi32>
      %lt3A_436 = arith.cmpi slt, %add3A_393, %lt3A_435 : vector<16xi32>
      tpu.vector_store_idx %arg5[%select_n3A_429, %sub3A_433, %gather3A_398], %broadcast_in_dim3A_3 masked %lt3A_436 : memref<1x26x1000xf32, #tpu.memory_space<vmem>>[vector<16xi32>, vector<16xi32>, vector<16xi32>], vector<16xf32>, vector<16xi1>
      %mul3A_437 = arith.constant 32 : i32
      %mul3A_438 = arith.muli %add3A, %mul3A_437 : i32
      %mul3A_439 = arith.constant 1 : i32
      %mul3A_440 = arith.muli %mul3A_233, %mul3A_439 : i32
      %add3A_441 = arith.addi %mul3A_438, %mul3A_440 : i32
      %dma_start3A_442 = arith.constant 0 : i32
      %dma_start3A_443 = arith.constant 0 : i32
      %dma_start3A_444 = tpu.memref_slice %arg3[%add3A_441, %dma_start3A_442, %dma_start3A_443] : memref<1024x26x1000xf32, #tpu.memory_space<hbm>> -> memref<1x26x1000xf32, #tpu.memory_space<hbm>>
      %dma_start3A_445 = arith.constant 0 : i32
      %dma_start3A_446 = arith.constant 0 : i32
      %dma_start3A_447 = tpu.memref_slice %arg3[%add3A_441, %dma_start3A_445, %dma_start3A_446] : memref<1024x26x1000xf32, #tpu.memory_space<hbm>> -> memref<1x26x1000xf32, #tpu.memory_space<hbm>>
      tpu.enqueue_dma source(%arg5 : memref<1x26x1000xf32, #tpu.memory_space<vmem>>) target(%dma_start3A_447 : memref<1x26x1000xf32, #tpu.memory_space<hbm>>) target_semaphore(%arg7 : memref<!tpu.dma_semaphore, #tpu.memory_space<semaphore_mem>>)
      %mul3A_448 = arith.constant 2 : i32
      %mul3A_449 = arith.muli %mul3A_448, %scan3A_231 : i32
      %add3A_450 = arith.constant 1 : i32
      %add3A_451 = arith.addi %mul3A_449, %add3A_450 : i32
      %sub3A_452 = arith.constant 2 : i32
      %sub3A_453 = arith.subi %add3A_451, %sub3A_452 : i32
      %mul3A_454 = arith.constant 32 : i32
      %mul3A_455 = arith.muli %add3A, %mul3A_454 : i32
      %mul3A_456 = arith.constant 1 : i32
      %mul3A_457 = arith.muli %sub3A_453, %mul3A_456 : i32
      %add3A_458 = arith.addi %mul3A_455, %mul3A_457 : i32
      %dma_wait3A_459 = arith.constant 0 : i32
      %dma_wait3A_460 = arith.constant 0 : i32
      %dma_wait3A_461 = tpu.memref_slice %arg3[%add3A_458, %dma_wait3A_459, %dma_wait3A_460] : memref<1024x26x1000xf32, #tpu.memory_space<hbm>> -> memref<1x26x1000xf32, #tpu.memory_space<hbm>>
      %dma_wait3A_462 = arith.constant 0 : i32
      %dma_wait3A_463 = arith.constant 0 : i32
      %dma_wait3A_464 = tpu.memref_slice %arg3[%add3A_458, %dma_wait3A_462, %dma_wait3A_463] : memref<1024x26x1000xf32, #tpu.memory_space<hbm>> -> memref<1x26x1000xf32, #tpu.memory_space<hbm>>
      tpu.wait_dma2 semaphore(%arg8 : memref<!tpu.dma_semaphore, #tpu.memory_space<semaphore_mem>>) src(%arg6 : memref<1x26x1000xf32, #tpu.memory_space<vmem>>) dst(%dma_wait3A_464 : memref<1x26x1000xf32, #tpu.memory_space<hbm>>)
      %sub3A_465 = arith.constant 2 : i32
      %sub3A_466 = arith.subi %add3A_451, %sub3A_465 : i32
      %mul3A_467 = arith.constant 26 : i32
      %mul3A_468 = arith.muli %sub3A_466, %mul3A_467 : i32
      %add3A_469 = arith.constant 0 : i32
      %add3A_470 = vector.broadcast %add3A_469 : i32 to vector<16xi32>
      %add3A_471 = arith.addi %iota3A, %add3A_470 : vector<16xi32>
      %add3A_472 = arith.constant 0 : i32
      %add3A_473 = arith.addi %mul3A_468, %add3A_472 : i32
      %add3A_474 = vector.broadcast %add3A_473 : i32 to vector<16xi32>
      %add3A_475 = arith.addi %add3A_474, %iota3A : vector<16xi32>
      %gather3A_476 = tpu.vector_load_idx %arg4[%add3A_475] : memref<848xi32, #tpu.memory_space<vmem>>[vector<16xi32>], vector<16xi32>,
      %jit3A_477 = arith.constant 26 : i32
      %div3A_478 = vector.broadcast %jit3A_477 : i32 to vector<16xi32>
      %div3A_479 = arith.divsi %add3A_471, %div3A_478 : vector<16xi32>
      %sign3A_480 = arith.constant 0 : i32
      %sign3A_481 = vector.broadcast %sign3A_480 : i32 to vector<16xi32>
      %sign3A_482 = arith.cmpi sgt, %add3A_471, %sign3A_481 : vector<16xi32>
      %sign3A_483 = arith.extui %sign3A_482 : vector<16xi1> to vector<16xi32>
      %sign3A_484 = arith.constant 0 : i32
      %sign3A_485 = vector.broadcast %sign3A_484 : i32 to vector<16xi32>
      %sign3A_486 = arith.cmpi slt, %add3A_471, %sign3A_485 : vector<16xi32>
      %sign3A_487 = arith.extui %sign3A_486 : vector<16xi1> to vector<16xi32>
      %sign3A_488 = arith.subi %sign3A_483, %sign3A_487 : vector<16xi32>
      %sign3A_489 = arith.constant 0 : i32
      %sign3A_490 = arith.cmpi sgt, %jit3A_477, %sign3A_489 : i32
      %sign3A_491 = arith.extui %sign3A_490 : i1 to i32
      %sign3A_492 = arith.constant 0 : i32
      %sign3A_493 = arith.cmpi slt, %jit3A_477, %sign3A_492 : i32
      %sign3A_494 = arith.extui %sign3A_493 : i1 to i32
      %sign3A_495 = arith.subi %sign3A_491, %sign3A_494 : i32
      %ne3A_496 = vector.broadcast %sign3A_495 : i32 to vector<16xi32>
      %ne3A_497 = arith.cmpi ne, %sign3A_488, %ne3A_496 : vector<16xi32>
      %rem3A_498 = vector.broadcast %jit3A_477 : i32 to vector<16xi32>
      %rem3A_499 = arith.remsi %add3A_471, %rem3A_498 : vector<16xi32>
      %ne3A_500 = arith.constant 0 : i32
      %ne3A_501 = vector.broadcast %ne3A_500 : i32 to vector<16xi32>
      %ne3A_502 = arith.cmpi ne, %rem3A_499, %ne3A_501 : vector<16xi32>
      %and3A_503 = arith.andi %ne3A_497, %ne3A_502 : vector<16xi1>
      %sub3A_504 = arith.constant 1 : i32
      %sub3A_505 = vector.broadcast %sub3A_504 : i32 to vector<16xi32>
      %sub3A_506 = arith.subi %div3A_479, %sub3A_505 : vector<16xi32>
      %select_n3A_507 = arith.select %and3A_503, %sub3A_506, %div3A_479 : vector<16xi1>, vector<16xi32>
      %mul3A_508 = arith.constant 26 : i32
      %mul3A_509 = vector.broadcast %mul3A_508 : i32 to vector<16xi32>
      %mul3A_510 = arith.muli %select_n3A_507, %mul3A_509 : vector<16xi32>
      %sub3A_511 = arith.subi %add3A_471, %mul3A_510 : vector<16xi32>
      %lt3A_512 = arith.constant 26 : i32
      %lt3A_513 = vector.broadcast %lt3A_512 : i32 to vector<16xi32>
      %lt3A_514 = arith.cmpi slt, %add3A_471, %lt3A_513 : vector<16xi32>
      tpu.vector_store_idx %arg6[%select_n3A_507, %sub3A_511, %gather3A_476], %broadcast_in_dim3A_1 masked %lt3A_514 : memref<1x26x1000xf32, #tpu.memory_space<vmem>>[vector<16xi32>, vector<16xi32>, vector<16xi32>], vector<16xf32>, vector<16xi1>
      %add3A_515 = arith.constant 16 : i32
      %add3A_516 = vector.broadcast %add3A_515 : i32 to vector<16xi32>
      %add3A_517 = arith.addi %iota3A, %add3A_516 : vector<16xi32>
      %add3A_518 = arith.constant 16 : i32
      %add3A_519 = arith.addi %mul3A_468, %add3A_518 : i32
      %add3A_520 = vector.broadcast %add3A_519 : i32 to vector<16xi32>
      %add3A_521 = arith.addi %add3A_520, %iota3A : vector<16xi32>
      %gather3A_522 = tpu.vector_load_idx %arg4[%add3A_521] : memref<848xi32, #tpu.memory_space<vmem>>[vector<16xi32>], vector<16xi32>,
      %jit3A_523 = arith.constant 26 : i32
      %div3A_524 = vector.broadcast %jit3A_523 : i32 to vector<16xi32>
      %div3A_525 = arith.divsi %add3A_517, %div3A_524 : vector<16xi32>
      %sign3A_526 = arith.constant 0 : i32
      %sign3A_527 = vector.broadcast %sign3A_526 : i32 to vector<16xi32>
      %sign3A_528 = arith.cmpi sgt, %add3A_517, %sign3A_527 : vector<16xi32>
      %sign3A_529 = arith.extui %sign3A_528 : vector<16xi1> to vector<16xi32>
      %sign3A_530 = arith.constant 0 : i32
      %sign3A_531 = vector.broadcast %sign3A_530 : i32 to vector<16xi32>
      %sign3A_532 = arith.cmpi slt, %add3A_517, %sign3A_531 : vector<16xi32>
      %sign3A_533 = arith.extui %sign3A_532 : vector<16xi1> to vector<16xi32>
      %sign3A_534 = arith.subi %sign3A_529, %sign3A_533 : vector<16xi32>
      %sign3A_535 = arith.constant 0 : i32
      %sign3A_536 = arith.cmpi sgt, %jit3A_523, %sign3A_535 : i32
      %sign3A_537 = arith.extui %sign3A_536 : i1 to i32
      %sign3A_538 = arith.constant 0 : i32
      %sign3A_539 = arith.cmpi slt, %jit3A_523, %sign3A_538 : i32
      %sign3A_540 = arith.extui %sign3A_539 : i1 to i32
      %sign3A_541 = arith.subi %sign3A_537, %sign3A_540 : i32
      %ne3A_542 = vector.broadcast %sign3A_541 : i32 to vector<16xi32>
      %ne3A_543 = arith.cmpi ne, %sign3A_534, %ne3A_542 : vector<16xi32>
      %rem3A_544 = vector.broadcast %jit3A_523 : i32 to vector<16xi32>
      %rem3A_545 = arith.remsi %add3A_517, %rem3A_544 : vector<16xi32>
      %ne3A_546 = arith.constant 0 : i32
      %ne3A_547 = vector.broadcast %ne3A_546 : i32 to vector<16xi32>
      %ne3A_548 = arith.cmpi ne, %rem3A_545, %ne3A_547 : vector<16xi32>
      %and3A_549 = arith.andi %ne3A_543, %ne3A_548 : vector<16xi1>
      %sub3A_550 = arith.constant 1 : i32
      %sub3A_551 = vector.broadcast %sub3A_550 : i32 to vector<16xi32>
      %sub3A_552 = arith.subi %div3A_525, %sub3A_551 : vector<16xi32>
      %select_n3A_553 = arith.select %and3A_549, %sub3A_552, %div3A_525 : vector<16xi1>, vector<16xi32>
      %mul3A_554 = arith.constant 26 : i32
      %mul3A_555 = vector.broadcast %mul3A_554 : i32 to vector<16xi32>
      %mul3A_556 = arith.muli %select_n3A_553, %mul3A_555 : vector<16xi32>
      %sub3A_557 = arith.subi %add3A_517, %mul3A_556 : vector<16xi32>
      %lt3A_558 = arith.constant 26 : i32
      %lt3A_559 = vector.broadcast %lt3A_558 : i32 to vector<16xi32>
      %lt3A_560 = arith.cmpi slt, %add3A_517, %lt3A_559 : vector<16xi32>
      tpu.vector_store_idx %arg6[%select_n3A_553, %sub3A_557, %gather3A_522], %broadcast_in_dim3A_1 masked %lt3A_560 : memref<1x26x1000xf32, #tpu.memory_space<vmem>>[vector<16xi32>, vector<16xi32>, vector<16xi32>], vector<16xf32>, vector<16xi1>
      %mul3A_561 = arith.constant 26 : i32
      %mul3A_562 = arith.muli %add3A_451, %mul3A_561 : i32
      %add3A_563 = arith.constant 0 : i32
      %add3A_564 = vector.broadcast %add3A_563 : i32 to vector<16xi32>
      %add3A_565 = arith.addi %iota3A, %add3A_564 : vector<16xi32>
      %add3A_566 = arith.constant 0 : i32
      %add3A_567 = arith.addi %mul3A_562, %add3A_566 : i32
      %add3A_568 = vector.broadcast %add3A_567 : i32 to vector<16xi32>
      %add3A_569 = arith.addi %add3A_568, %iota3A : vector<16xi32>
      %gather3A_570 = tpu.vector_load_idx %arg4[%add3A_569] : memref<848xi32, #tpu.memory_space<vmem>>[vector<16xi32>], vector<16xi32>,
      %jit3A_571 = arith.constant 26 : i32
      %div3A_572 = vector.broadcast %jit3A_571 : i32 to vector<16xi32>
      %div3A_573 = arith.divsi %add3A_565, %div3A_572 : vector<16xi32>
      %sign3A_574 = arith.constant 0 : i32
      %sign3A_575 = vector.broadcast %sign3A_574 : i32 to vector<16xi32>
      %sign3A_576 = arith.cmpi sgt, %add3A_565, %sign3A_575 : vector<16xi32>
      %sign3A_577 = arith.extui %sign3A_576 : vector<16xi1> to vector<16xi32>
      %sign3A_578 = arith.constant 0 : i32
      %sign3A_579 = vector.broadcast %sign3A_578 : i32 to vector<16xi32>
      %sign3A_580 = arith.cmpi slt, %add3A_565, %sign3A_579 : vector<16xi32>
      %sign3A_581 = arith.extui %sign3A_580 : vector<16xi1> to vector<16xi32>
      %sign3A_582 = arith.subi %sign3A_577, %sign3A_581 : vector<16xi32>
      %sign3A_583 = arith.constant 0 : i32
      %sign3A_584 = arith.cmpi sgt, %jit3A_571, %sign3A_583 : i32
      %sign3A_585 = arith.extui %sign3A_584 : i1 to i32
      %sign3A_586 = arith.constant 0 : i32
      %sign3A_587 = arith.cmpi slt, %jit3A_571, %sign3A_586 : i32
      %sign3A_588 = arith.extui %sign3A_587 : i1 to i32
      %sign3A_589 = arith.subi %sign3A_585, %sign3A_588 : i32
      %ne3A_590 = vector.broadcast %sign3A_589 : i32 to vector<16xi32>
      %ne3A_591 = arith.cmpi ne, %sign3A_582, %ne3A_590 : vector<16xi32>
      %rem3A_592 = vector.broadcast %jit3A_571 : i32 to vector<16xi32>
      %rem3A_593 = arith.remsi %add3A_565, %rem3A_592 : vector<16xi32>
      %ne3A_594 = arith.constant 0 : i32
      %ne3A_595 = vector.broadcast %ne3A_594 : i32 to vector<16xi32>
      %ne3A_596 = arith.cmpi ne, %rem3A_593, %ne3A_595 : vector<16xi32>
      %and3A_597 = arith.andi %ne3A_591, %ne3A_596 : vector<16xi1>
      %sub3A_598 = arith.constant 1 : i32
      %sub3A_599 = vector.broadcast %sub3A_598 : i32 to vector<16xi32>
      %sub3A_600 = arith.subi %div3A_573, %sub3A_599 : vector<16xi32>
      %select_n3A_601 = arith.select %and3A_597, %sub3A_600, %div3A_573 : vector<16xi1>, vector<16xi32>
      %mul3A_602 = arith.constant 26 : i32
      %mul3A_603 = vector.broadcast %mul3A_602 : i32 to vector<16xi32>
      %mul3A_604 = arith.muli %select_n3A_601, %mul3A_603 : vector<16xi32>
      %sub3A_605 = arith.subi %add3A_565, %mul3A_604 : vector<16xi32>
      %lt3A_606 = arith.constant 26 : i32
      %lt3A_607 = vector.broadcast %lt3A_606 : i32 to vector<16xi32>
      %lt3A_608 = arith.cmpi slt, %add3A_565, %lt3A_607 : vector<16xi32>
      tpu.vector_store_idx %arg6[%select_n3A_601, %sub3A_605, %gather3A_570], %broadcast_in_dim3A_3 masked %lt3A_608 : memref<1x26x1000xf32, #tpu.memory_space<vmem>>[vector<16xi32>, vector<16xi32>, vector<16xi32>], vector<16xf32>, vector<16xi1>
      %add3A_609 = arith.constant 16 : i32
      %add3A_610 = vector.broadcast %add3A_609 : i32 to vector<16xi32>
      %add3A_611 = arith.addi %iota3A, %add3A_610 : vector<16xi32>
      %add3A_612 = arith.constant 16 : i32
      %add3A_613 = arith.addi %mul3A_562, %add3A_612 : i32
      %add3A_614 = vector.broadcast %add3A_613 : i32 to vector<16xi32>
      %add3A_615 = arith.addi %add3A_614, %iota3A : vector<16xi32>
      %gather3A_616 = tpu.vector_load_idx %arg4[%add3A_615] : memref<848xi32, #tpu.memory_space<vmem>>[vector<16xi32>], vector<16xi32>,
      %jit3A_617 = arith.constant 26 : i32
      %div3A_618 = vector.broadcast %jit3A_617 : i32 to vector<16xi32>
      %div3A_619 = arith.divsi %add3A_611, %div3A_618 : vector<16xi32>
      %sign3A_620 = arith.constant 0 : i32
      %sign3A_621 = vector.broadcast %sign3A_620 : i32 to vector<16xi32>
      %sign3A_622 = arith.cmpi sgt, %add3A_611, %sign3A_621 : vector<16xi32>
      %sign3A_623 = arith.extui %sign3A_622 : vector<16xi1> to vector<16xi32>
      %sign3A_624 = arith.constant 0 : i32
      %sign3A_625 = vector.broadcast %sign3A_624 : i32 to vector<16xi32>
      %sign3A_626 = arith.cmpi slt, %add3A_611, %sign3A_625 : vector<16xi32>
      %sign3A_627 = arith.extui %sign3A_626 : vector<16xi1> to vector<16xi32>
      %sign3A_628 = arith.subi %sign3A_623, %sign3A_627 : vector<16xi32>
      %sign3A_629 = arith.constant 0 : i32
      %sign3A_630 = arith.cmpi sgt, %jit3A_617, %sign3A_629 : i32
      %sign3A_631 = arith.extui %sign3A_630 : i1 to i32
      %sign3A_632 = arith.constant 0 : i32
      %sign3A_633 = arith.cmpi slt, %jit3A_617, %sign3A_632 : i32
      %sign3A_634 = arith.extui %sign3A_633 : i1 to i32
      %sign3A_635 = arith.subi %sign3A_631, %sign3A_634 : i32
      %ne3A_636 = vector.broadcast %sign3A_635 : i32 to vector<16xi32>
      %ne3A_637 = arith.cmpi ne, %sign3A_628, %ne3A_636 : vector<16xi32>
      %rem3A_638 = vector.broadcast %jit3A_617 : i32 to vector<16xi32>
      %rem3A_639 = arith.remsi %add3A_611, %rem3A_638 : vector<16xi32>
      %ne3A_640 = arith.constant 0 : i32
      %ne3A_641 = vector.broadcast %ne3A_640 : i32 to vector<16xi32>
      %ne3A_642 = arith.cmpi ne, %rem3A_639, %ne3A_641 : vector<16xi32>
      %and3A_643 = arith.andi %ne3A_637, %ne3A_642 : vector<16xi1>
      %sub3A_644 = arith.constant 1 : i32
      %sub3A_645 = vector.broadcast %sub3A_644 : i32 to vector<16xi32>
      %sub3A_646 = arith.subi %div3A_619, %sub3A_645 : vector<16xi32>
      %select_n3A_647 = arith.select %and3A_643, %sub3A_646, %div3A_619 : vector<16xi1>, vector<16xi32>
      %mul3A_648 = arith.constant 26 : i32
      %mul3A_649 = vector.broadcast %mul3A_648 : i32 to vector<16xi32>
      %mul3A_650 = arith.muli %select_n3A_647, %mul3A_649 : vector<16xi32>
      %sub3A_651 = arith.subi %add3A_611, %mul3A_650 : vector<16xi32>
      %lt3A_652 = arith.constant 26 : i32
      %lt3A_653 = vector.broadcast %lt3A_652 : i32 to vector<16xi32>
      %lt3A_654 = arith.cmpi slt, %add3A_611, %lt3A_653 : vector<16xi32>
      tpu.vector_store_idx %arg6[%select_n3A_647, %sub3A_651, %gather3A_616], %broadcast_in_dim3A_3 masked %lt3A_654 : memref<1x26x1000xf32, #tpu.memory_space<vmem>>[vector<16xi32>, vector<16xi32>, vector<16xi32>], vector<16xf32>, vector<16xi1>
      %mul3A_655 = arith.constant 32 : i32
      %mul3A_656 = arith.muli %add3A, %mul3A_655 : i32
      %mul3A_657 = arith.constant 1 : i32
      %mul3A_658 = arith.muli %add3A_451, %mul3A_657 : i32
      %add3A_659 = arith.addi %mul3A_656, %mul3A_658 : i32
      %dma_start3A_660 = arith.constant 0 : i32
      %dma_start3A_661 = arith.constant 0 : i32
      %dma_start3A_662 = tpu.memref_slice %arg3[%add3A_659, %dma_start3A_660, %dma_start3A_661] : memref<1024x26x1000xf32, #tpu.memory_space<hbm>> -> memref<1x26x1000xf32, #tpu.memory_space<hbm>>
      %dma_start3A_663 = arith.constant 0 : i32
      %dma_start3A_664 = arith.constant 0 : i32
      %dma_start3A_665 = tpu.memref_slice %arg3[%add3A_659, %dma_start3A_663, %dma_start3A_664] : memref<1024x26x1000xf32, #tpu.memory_space<hbm>> -> memref<1x26x1000xf32, #tpu.memory_space<hbm>>
      tpu.enqueue_dma source(%arg6 : memref<1x26x1000xf32, #tpu.memory_space<vmem>>) target(%dma_start3A_665 : memref<1x26x1000xf32, #tpu.memory_space<hbm>>) target_semaphore(%arg8 : memref<!tpu.dma_semaphore, #tpu.memory_space<semaphore_mem>>)
    }
    %scan3A_211 = arith.constant 15 : i32
    %mul3A_212 = arith.constant 32 : i32
    %mul3A_213 = arith.muli %add3A, %mul3A_212 : i32
    %add3A_214 = arith.constant 30 : i32
    %add3A_215 = arith.addi %mul3A_213, %add3A_214 : i32
    %dma_wait3A = arith.constant 0 : i32
    %dma_wait3A_216 = arith.constant 0 : i32
    %dma_wait3A_217 = tpu.memref_slice %arg3[%add3A_215, %dma_wait3A, %dma_wait3A_216] : memref<1024x26x1000xf32, #tpu.memory_space<hbm>> -> memref<1x26x1000xf32, #tpu.memory_space<hbm>>
    %dma_wait3A_218 = arith.constant 0 : i32
    %dma_wait3A_219 = arith.constant 0 : i32
    %dma_wait3A_220 = tpu.memref_slice %arg3[%add3A_215, %dma_wait3A_218, %dma_wait3A_219] : memref<1024x26x1000xf32, #tpu.memory_space<hbm>> -> memref<1x26x1000xf32, #tpu.memory_space<hbm>>
    tpu.wait_dma2 semaphore(%arg7 : memref<!tpu.dma_semaphore, #tpu.memory_space<semaphore_mem>>) src(%arg5 : memref<1x26x1000xf32, #tpu.memory_space<vmem>>) dst(%dma_wait3A_220 : memref<1x26x1000xf32, #tpu.memory_space<hbm>>)
    %mul3A_221 = arith.constant 32 : i32
    %mul3A_222 = arith.muli %add3A, %mul3A_221 : i32
    %add3A_223 = arith.constant 31 : i32
    %add3A_224 = arith.addi %mul3A_222, %add3A_223 : i32
    %dma_wait3A_225 = arith.constant 0 : i32
    %dma_wait3A_226 = arith.constant 0 : i32
    %dma_wait3A_227 = tpu.memref_slice %arg3[%add3A_224, %dma_wait3A_225, %dma_wait3A_226] : memref<1024x26x1000xf32, #tpu.memory_space<hbm>> -> memref<1x26x1000xf32, #tpu.memory_space<hbm>>
    %dma_wait3A_228 = arith.constant 0 : i32
    %dma_wait3A_229 = arith.constant 0 : i32
    %dma_wait3A_230 = tpu.memref_slice %arg3[%add3A_224, %dma_wait3A_228, %dma_wait3A_229] : memref<1024x26x1000xf32, #tpu.memory_space<hbm>> -> memref<1x26x1000xf32, #tpu.memory_space<hbm>>
    tpu.wait_dma2 semaphore(%arg8 : memref<!tpu.dma_semaphore, #tpu.memory_space<semaphore_mem>>) src(%arg6 : memref<1x26x1000xf32, #tpu.memory_space<vmem>>) dst(%dma_wait3A_230 : memref<1x26x1000xf32, #tpu.memory_space<hbm>>)
    return
  }
}

</mosaic_0001>

<sc_bundles>
// kernel: kernel.12.cloned.1.call-start
scs
__scs_entry_jumppad:
0x0: {  	(pc) =	sbr.rel $0x88, $3  }
0x1: {  	(tag) =	ssettag $0x0;
	lr =	simm.s32 $0x1  }
0x2: {  	[smem:$0x3FA0] =	sst lr;
	_ =	strace $0xD0000000  }
0x3: {  	_ = 	snop  }
0x4: {  	_ = 	snop  }
0x5: {  	_ = 	snop  }
0x6: {  	_ = 	snop  }
0x7: {  	_ = 	snop  }
__scs_overlays_trampoline_lowered:
0x8: {  	[smem:$0x3FAF] =	sst s0  }
0x9: {  	[smem:$0x3FB0] =	sst s1  }
0xa: {  	[smem:$0x3FB1] =	sst s2  }
0xb: {  	[smem:$0x3FB2] =	sst s3  }
0xc: {  	[smem:$0x3FB3] =	sst s4  }
0xd: {  	[smem:$0x3FB4] =	sst s5  }
0xe: {  	[smem:$0x3FB5] =	sst s6  }
0xf: {  	[smem:$0x3FB6] =	sst s7  }
0x10: {  	[smem:$0x3FB7] =	sst s8  }
0x11: {  	[smem:$0x3FB8] =	sst s9;
	s0 =	simm.s32 @!p0 $0x0  }
0x12: {  	s1 =	sld [smem:$0x3F9E];
	s0 =	simm.s32 @p0 $0x1  }
0x13: {  	[smem:$0x3FB9] =	sst s0;
	s0 =	simm.s32 @!p1 $0x0  }
0x14: {  	s2 =	sld [smem:$0x3F9D];
	s0 =	simm.s32 @p1 $0x1  }
0x15: {  	[smem:$0x3FBA] =	sst s0;
	s0 =	simm.s32 @!p2 $0x0  }
0x16: {  	s3 =	sld [smem:$0x3FDB];
	s0 =	simm.s32 @p2 $0x1  }
0x17: {  	s4 =	simm.s32 $0x1BF5;
	[smem:$0x3FBC] =	sst s0  }
0x18: {  	s0 =	sld [smem:$0x3F9F];
	_ =	swait.ge [sflag:s4], $0x0  }
0x19: {  	s7 =	sld [smem:$0x3FA0]  }
0x1a: {  	s8 =	sadd.s32 $0xFFFFE003, lr  }
0x1b: {  	s9 =	sadd.s32 $0xFFFFFEF7, lr;
	s5 =	simm.s32 $0xFFFFFFFF;
	p2 =	slt.u32 s8, $0xFFFFF086  }
0x1c: {  	p1 =	slt.u32 s9, $0xF7A;
	s5 =	simm.s32 @!p2 $0x0  }
0x1d: {  	s5 =	simm.s32 @p1 $0x1;
	p0 =	seq.s32 s7, s2  }
0x1e: {  	s7 =	smul.u32 @!p0 $0xF7A, s2;
	p2 =	seq.s32 @!p0 s5, $0x0  }
0x1f: {  	s9 =	smul.u32 $0xF7A, s1;
	s8 =	simm.s32 @!p0 $0x1BF5;
	p2 =	por !p2, p0  }
0x20: {  	[sflag:s8] =	ssyncset.s32 @!p0 $0xFFFFF086;
	s6 =	sadd.s32 @!p0 s3, s7;
	s7 =	simm.s32 @!p0 $0x108  }
0x21: {  	s3 =	sadd.s32 s3, s9;
	s6 =	sadd.s32 @!p0 $0x88, s6;
	s7 =	simm.s32 @p2 $0x1082  }
0x22: {  	[simem:s7], [sflag:s8] =	dma.local @!p0 [hbm:s6], $0xF7A  }
0x23: {  	s9 =	sor.u32 $0xD0000000, s2;
	s6 =	simm.s32 $0x108;
	_ =	swait.ge @!p0 [sflag:s8], $0x0  }
0x24: {  	s3 =	sadd.s32 $0x88, s3;
	s6 =	simm.s32 @!p1 $0x1082;
	[sflag:s4] =	ssyncset.s32 $0xFFFFF086  }
0x25: {  	[simem:s6], [sflag:s4] =	dma.local [hbm:s3], $0xF7A  }
0x26: {  	[smem:$0x3FA0] =	sst s1;
	(tag) =	ssettag s2;
	_ =	strace s9  }
0x27: {  	s1 =	sld [smem:$0x3FB0]  }
0x28: {  	s2 =	sld [smem:$0x3FB1]  }
0x29: {  	s4 =	sld [smem:$0x3FB3]  }
0x2a: {  	p0 =	seq.s32 s5, $0x0;
	s5 =	sld [smem:$0x3FB4]  }
0x2b: {  	s6 =	sld [smem:$0x3FB5]  }
0x2c: {  	s7 =	sld [smem:$0x3FB6]  }
0x2d: {  	s3 =	simm.s32 $0x108;
	s8 =	sld [smem:$0x3FB7]  }
0x2e: {  	s3 =	simm.s32 @!p0 $0x1082;
	s9 =	sld [smem:$0x3FB8]  }
0x2f: {  	lr =	sadd.s32 s0, s3;
	s0 =	sld [smem:$0x3FAF]  }
0x30: {  	s3 =	sld [smem:$0x3FB2]  }
0x31: {  	[smem:$0x3FBB] =	sst s10  }
0x32: {  	s10 =	sld [smem:$0x3FB9];
	_ =	sdelay $0x3  }
0x33: {  	p0 =	seq.s32 s10, $0x1;
	s10 =	sld [smem:$0x3FBB];
	_ =	sdelay $0x3  }
0x34: {  	[smem:$0x3FBB] =	sst s10  }
0x35: {  	s10 =	sld [smem:$0x3FBA];
	_ =	sdelay $0x3  }
0x36: {  	p1 =	seq.s32 s10, $0x1;
	s10 =	sld [smem:$0x3FBB];
	_ =	sdelay $0x3  }
0x37: {  	[smem:$0x3FBB] =	sst s10  }
0x38: {  	s10 =	sld [smem:$0x3FBC]  }
0x39: {  	_ = 	snop;
	(pc) =	sbr.ind lr, $3  }
0x3a: {  	_ = 	snop  }
0x3b: {  	_ = 	snop  }
0x3c: {  	p2 =	seq.s32 s10, $0x1;
	s10 =	sld [smem:$0x3FBB]  }
0x3d: {  	_ =	shalt  }
0x3e: {  	_ =	shalt  }
0x3f: {  	_ =	shalt  }
0x40: {  	_ =	shalt  }
0x41: {  	_ =	shalt  }
0x42: {  	_ =	shalt  }
0x43: {  	_ =	shalt  }
0x44: {  	_ =	shalt  }
0x45: {  	_ =	shalt  }
0x46: {  	_ =	shalt  }
0x47: {  	_ =	shalt  }
0x48: {  	_ =	shalt  }
0x49: {  	_ =	shalt  }
0x4a: {  	_ =	shalt  }
0x4b: {  	_ =	shalt  }
0x4c: {  	_ =	shalt  }
0x4d: {  	_ =	shalt  }
0x4e: {  	_ =	shalt  }
0x4f: {  	_ =	shalt  }
0x50: {  	_ =	shalt  }
0x51: {  	_ =	shalt  }
0x52: {  	_ =	shalt  }
0x53: {  	_ =	shalt  }
0x54: {  	_ =	shalt  }
0x55: {  	_ =	shalt  }
0x56: {  	_ =	shalt  }
0x57: {  	_ =	shalt  }
0x58: {  	_ =	shalt  }
0x59: {  	_ =	shalt  }
0x5a: {  	_ =	shalt  }
0x5b: {  	_ =	shalt  }
0x5c: {  	_ =	shalt  }
0x5d: {  	_ =	shalt  }
0x5e: {  	_ =	shalt  }
0x5f: {  	_ =	shalt  }
0x60: {  	_ =	shalt  }
0x61: {  	_ =	shalt  }
0x62: {  	_ =	shalt  }
0x63: {  	_ =	shalt  }
0x64: {  	_ =	shalt  }
0x65: {  	_ =	shalt  }
0x66: {  	_ =	shalt  }
0x67: {  	_ =	shalt  }
0x68: {  	_ =	shalt  }
0x69: {  	_ =	shalt  }
0x6a: {  	_ =	shalt  }
0x6b: {  	_ =	shalt  }
0x6c: {  	_ =	shalt  }
0x6d: {  	_ =	shalt  }
0x6e: {  	_ =	shalt  }
0x6f: {  	_ =	shalt  }
0x70: {  	_ =	shalt  }
0x71: {  	_ =	shalt  }
0x72: {  	_ =	shalt  }
0x73: {  	_ =	shalt  }
0x74: {  	_ =	shalt  }
0x75: {  	_ =	shalt  }
0x76: {  	_ =	shalt  }
0x77: {  	_ =	shalt  }
0x78: {  	_ =	shalt  }
0x79: {  	_ =	shalt  }
0x7a: {  	_ =	shalt  }
0x7b: {  	_ =	shalt  }
0x7c: {  	_ =	shalt  }
0x7d: {  	_ =	shalt  }
0x7e: {  	_ =	shalt  }
0x7f: {  	_ =	shalt  }
0x80: {  	_ =	shalt  }
0x81: {  	_ =	shalt  }
0x82: {  	_ =	shalt  }
0x83: {  	_ =	shalt  }
0x84: {  	_ =	shalt  }
0x85: {  	_ =	shalt  }
0x86: {  	_ =	shalt  }
0x87: {  	_ =	shalt  }
.Lfunc_end0:
.L_simem_size_0:
called_computation.3_lowered:
.L_overlay_start_0:
0x88: {  	s2 =	sld [smem:$0x3FD9]  }
0x89: {  	s3 =	sld [smem:$0x3FFE];
	_ =	sdelay $0x1  }
0x8a: {  	s1 =	srdreg.scid  }
0x8b: {  	s0 =	sand.u32 $0x1, s1  }
0x8c: {  	s17 =	sshll.u32 s0, $0xA;
	s2 =	sadd.s32 s3, s2  }
0x8d: {  	s2 =	sadd.s32 s2, s17  }
0x8e: {  	[smem:$0x3FC7] =	sst s2  }
0x8f: {  	_ = 	snop  }
0x90: {  	(tm) =	ssettm $0x1  }
0x91: {  	s18 =	sld [smem:$0x3FFB];
	_ =	sdelay $0x3  }
0x92: {  	_ =	strace s18  }
0x93: {  	s2 =	sld [smem:$0x3FFC];
	_ =	sdelay $0x3  }
0x94: {  	_ =	strace s2  }
0x95: {  	s2 =	sld [smem:$0x3FFD];
	_ =	sdelay $0x3  }
0x96: {  	_ =	strace s2  }
0x97: {  	_ =	strace $0x8FFFFFFF  }
0x98: {  	s19 =	sld [smem:$0x3FDB];
	_ =	sdelay $0x1  }
0x99: {  	s20 =	simm.s32 $_scs_section_size  }
0x9a: {  	s4 =	simm.s32 $_size__tile_overlayer_lowered;
	s5 =	simm.s32 $_tile_overlayer_lowered  }
0x9b: {  	s6 =	simm.s32 $0x1BFF;
	s21 =	sshll.u32 s5, $0x1;
	s3 =	sadd.s32 s20, s19  }
0x9c: {  	s22 =	simm.s32 $0x0;
	s4 =	sshll.u32 s4, $0x1;
	s5 =	sadd.s32 s21, s3  }
0x9d: {  	[timem:s22], [sflag:s6] =	dma.local [hbm:s5], s4  }
0x9e: {  	_ =	swait.ge [sflag:s6], s4  }
0x9f: {  	s4 =	ssub.s32 $0x0, s4;
	[sflag:s6] =	ssyncset.done $0x0  }
0xa0: {  	[sflag:s6] =	ssyncadd.s32 s4;
	_ =	sdelay $0x1  }
0xa1: {  	s23 =	simm.s32 $0x1B8B  }
0xa2: {  	_ =	swait.ge [sflag:s23], $0x1  }
0xa3: {  	[sflag:s23] =	ssyncset.done $0x0  }
0xa4: {  	[sflag:s23] =	ssyncadd.s32 $0xFFFFFFFF  }
0xa5: {  	s4 =	sld [smem:$0x0]  }
0xa6: {  	s5 =	sand.u32 $0xFFFFFFFE, s1  }
0xa7: {  	p0 =	sne.s32 s1, s5  }
0xa8: {  	s5 =	sshll.u32 @p0 s5, $0xE  }
0xa9: {  	s5 =	sadd.s32 @p0 $0x11B8D, s5;
	s6 =	sshll.u32 @p0 s4, $0x11  }
0xaa: {  	s5 =	sor.u32 @p0 s6, s5  }
0xab: {  	[sflag:s5] =	ssyncadd.remote.s32 @p0 $0x1;
	_ =	sdelay $0x1  }
0xac: {  	s5 =	simm.s32 @p0 $0x1B8D  }
0xad: {  	_ =	swait.eq @p0 [sflag:s5], $0x1  }
0xae: {  	[sflag:s5] =	ssyncadd.s32 @p0 $0xFFFFFFFF  }
0xaf: {  	s6 =	sshll.u32 @!p0 s1, $0xE  }
0xb0: {  	s6 =	sor.u32 @!p0 $0x4000, s6;
	s5 =	simm.s32 @!p0 $0x1B8D  }
0xb1: {  	s4 =	sshll.u32 @!p0 s4, $0x11;
	s6 =	sadd.s32 @!p0 $0x11B8D, s6;
	_ =	swait.eq @!p0 [sflag:s5], $0x1  }
0xb2: {  	s4 =	sor.u32 @!p0 s4, s6;
	[sflag:s5] =	ssyncadd.s32 @!p0 $0xFFFFFFFF  }
0xb3: {  	s25 =	simm.s32 $0x1B8E;
	s24 =	sld [smem:$0x3FFE];
	[sflag:s4] =	ssyncadd.remote.s32 @!p0 $0x1  }
0xb4: {  	s26 =	simm.s32 $execute0_lowered;
	[smem:$0x3FD2] =	sst s25  }
0xb5: {  	s5 =	sshll.u32 s26, $0x1;
	_ =	strace $0x80000049;
	[dreg:$0x1] =	wrdreg $0xFFFFFFFF  }
0xb6: {  	s28 =	simm.s32 $_size_execute0_lowered;
	s3 =	sadd.s32 s3, s5;
	[dreg:$0x0] =	wrdreg $0x0  }
0xb7: {  	s5 =	sshll.u32 s28, $0x1;
	[dreg:$0x2] =	wrdreg s3  }
0xb8: {  	[dreg:$0x3] =	wrdreg s5  }
0xb9: {  	[dreg:$0x4] =	wrdreg $0xC0  }
0xba: {  	_ =	task [dreg:s22], $0x5FFFF  }
0xbb: {  	[dreg:$0x1] =	wrdreg $0xFFFFFFFF  }
0xbc: {  	[dreg:$0x0] =	wrdreg $0x60  }
0xbd: {  	[dreg:$0x2] =	wrdreg s24  }
0xbe: {  	[dreg:$0x3] =	wrdreg $0xB  }
0xbf: {  	_ =	task.clear_ibuf [dreg:s22], $0x4FFFF;
	_ =	strace $0x90000049  }
0xc0: {  	s29 =	simm.s32 $0xB;
	_ =	strace $0x8000004B  }
0xc1: {  	_ =	swait.ge [sflag:s29], $0x1  }
0xc2: {  	[sflag:s29] =	ssyncadd.s32 $0xFFFFFFFF  }
0xc3: {  	_ =	strace $0x9000004B  }
0xc4: {  	_ =	sfence  }
0xc5: {  	s30 =	sld [smem:$0x0];
	_ =	sdelay $0x2  }
0xc6: {  	s31 =	sshll.u32 s1, $0xD;
	s1 =	sshrl.u32 s1, $0x2  }
0xc7: {  	s4 =	sand.u32 $0x4000, s31;
	s1 =	sadd.s32 s1, s30  }
0xc8: {  	s0 =	sor.u32 s4, s0;
	s1 =	sshll.u32 s1, $0x11  }
0xc9: {  	s0 =	sor.u32 s1, s0  }
0xca: {  	s0 =	sadd.s32 $0x8F2B, s0  }
0xcb: {  	[sflag:s0] =	ssyncadd.remote.s32 $0x1  }
0xcc: {  	_ =	sfence.sel $0xFFFF  }
0xcd: {  	[dreg:$0x0] =	wrdreg $0xFFFFFFFF;
	(pc) =	sbr.abs _section_cstart, $3  }
0xce: {  	[dreg:$0x1] =	wrdreg $0xFFFFFFFF  }
0xcf: {  	_ =	task.clear_ibuf [dreg:s22], $0x2FFFF;
	_ =	strace $0x9FFFFFFF  }
0xd0: {  	(tm) =	ssettm $0x7FFFFFFF  }
0xd1: {  	_ =	shalt  }
tec
execute0_lowered:
.L_overlay_start_1:
0x0: {  	(tag) =	ssettag $0x1  }
0x1: {  	v0 =	vimm.f32 $0.0e+00;
	v2 =	vimm.s32 $0x2380;
	vm0 =	vcmask $0x300  }
0x2: {  	vm1 =	vcmask $0x704;
	vm2 =	vcmask $0xB08;
	v3 =	vimm.s32 $0x8280  }
0x3: {  	vm3 =	vcmask $0xF0C;
	vm15 =	vcmask $0x1310;
	vm6 =	vcmask $0x1714  }
0x4: {  	vm7 =	vcmask $0x1B18;
	v2 =	vsel vm0, $0x0, v2;
	v3 =	vsel vm0, $0x4000, v3  }
0x5: {  	vm8 =	vcmask $0x1F1C;
	v2 =	vsel vm1, $0x80, v2;
	v3 =	vsel vm1, $0x4080, v3  }
0x6: {  	vm9 =	vcmask $0x2320;
	v2 =	vsel vm2, $0x100, v2;
	v3 =	vsel vm2, $0x4100, v3  }
0x7: {  	s1 =	srdreg.scid;
	vm10 =	vcmask $0x2724;
	v2 =	vsel vm3, $0x180, v2;
	v3 =	vsel vm3, $0x4180, v3  }
0x8: {  	s0 =	stileid.u32;
	s3 =	rddreg [dreg:$0x0];
	vm11 =	vcmask $0x2B28;
	v2 =	vsel vm15, $0x200, v2;
	v3 =	vsel vm15, $0x4200, v3  }
0x9: {  	s2 =	simm.s32 $0x0;
	vm12 =	vcmask $0x2F2C;
	s10 =	simm.s32 $0x380;
	s11 =	simm.s32 $0x8380;
	v2 =	vsel vm6, $0x280, v2;
	v3 =	vsel vm6, $0x4280, v3  }
0xa: {  	vm13 =	vcmask $0x3330;
	s12 =	simm.s32 $0x1;
	s13 =	simm.s32 $0x2;
	s14 =	simm.s32 $0x0;
	v2 =	vsel vm7, $0x300, v2;
	v3 =	vsel vm7, $0x4300, v3  }
0xb: {  	vm14 =	vcmask $0x3734;
	s4 =	sand.u32 $0x1, s1;
	s5 =	sshll.u32 s0, $0x1;
	s1 =	rddreg [dreg:$0x1];
	v2 =	vsel vm8, $0x380, v2;
	v3 =	vsel vm8, $0x4380, v3  }
0xc: {  	v1 =	vlaneseq.u32;
	[smem:$0x7FF] =	sst s2;
	s8 =	sadd.s32 $0x404400, s3;
	s9 =	sshll.u32 s0, $0x12;
	v2 =	vsel vm9, $0x2000, v2;
	v3 =	vsel vm9, $0x6000, v3  }
0xd: {  	v7 =	vadd.s32 $0x1A, v1;
	s5 =	sor.u32 s4, s5;
	_ =	strace $0x8000004A;
	s7 =	ssub.s32 $0x2, s4;
	v2 =	vsel vm10, $0x2080, v2;
	v3 =	vsel vm10, $0x6080, v3  }
0xe: {  	v8 =	vadd.s32 $0x2A, v1;
	s4 =	sshll.u32 s4, $0x11;
	s6 =	smul.u32 $0x68, s5;
	s31 =	sshrl.u32 s7, $0x1;
	v2 =	vsel vm11, $0x2100, v2;
	v3 =	vsel vm11, $0x8000, v3  }
0xf: {  	s5 =	sshll.u32 s5, $0x11;
	s9 =	sor.u32 s4, s9;
	s7 =	ssub.s32 s7, s31;
	vm15 =	vcmask $0x3B38;
	v2 =	vsel vm12, $0x2180, v2;
	v5 =	vsel vm12, $0x8080, v3  }
0x10: {  	s6 =	sadd.s32 s6, s3;
	s3 =	sadd.s32 s8, s5;
	s8 =	sadd.s32 s9, s8;
	v2 =	vsel vm13, $0x2200, v2;
	v6 =	vsel vm13, $0x8100, v5;
	v5 =	vor.u32 $0x10, v1  }
0x11: {  	s9 =	simm.s32 $0x3;
	s4 =	sadd.s32 $0x2800, s6;
	s5 =	sadd.s32 $0x1000, s3;
	v4 =	vsel vm14, $0x2280, v2;
	v2 =	vor.u32 $0x1C60, v1;
	v6 =	vsel vm14, $0x8180, v6  }
0x12: {  	s6 =	smax.u32 s7, $0x1;
	s7 =	sadd.s32 $0x2000, s8;
	s8 =	sadd.s32 $0x3000, s8;
	v3 =	vsel vm15, $0x2300, v4;
	v4 =	vimm.f32 $1.000000000e+00;
	v6 =	vsel vm15, $0x8200, v6  }
.LBB2_1:
0x13: {  	[tilespmem:s2], [sflag:$0x3] =	stream.linear.gather [hbm4b:s4+s2], $0x340, $0x38;
	[tilespmem:$0x10380] =	vst v63  }
0x14: {  	_ =	swait.ge [sflag:s9], $0x340  }
0x15: {  	[sflag:s9] =	ssyncset.done $0x0  }
0x16: {  	s16 =	simm.s32 $0x0;
	[sflag:s9] =	ssyncadd.s32 $0xFFFFFCC0  }
.LBB2_2:
0x17: {  	s15 =	sshll.u32 s16, $0xA;
	s17 =	sshll.u32 s16, $0x7  }
0x18: {  	s15 =	sand.u32 $0x6000, s15;
	s17 =	sand.u32 $0x380, s17  }
0x19: {  	s17 =	sor.u32 s17, s15;
	s15 =	simm.s32 $0x0  }
0x1a: {  	s17 =	sadd.s32 $0x380, s17;
	s18 =	sand.u32 $0x1C00, s15  }
0x1b: {  	s19 =	sand.u32 $0x70, s15;
	s20 =	sadd.s32 s18, s17  }
0x1c: {  	s18 =	simm.s32 $0x10;
	s19 =	sadd.s32 s19, s20  }
.LBB2_3:
0x1d: {  	p0 =	sne.s32 s18, $0x3D0  }
0x1e: {  	[tilespmem:s19+$0x0] =	vst v0;
	s15 =	sadd.s32 $0x80, s15;
	s19 =	smov.u32 s18;
	s18 =	sadd.s32 $0x10, s18  }
.Ltmp0:
0x1f: {  	(pc) =	sbr.rel @p0 .LBB2_3-.Ltmp0, $4  }
0x20: {  	_ = 	snop  }
0x21: {  	s20 =	sand.u32 $0x1C00, s15  }
0x22: {  	s19 =	sand.u32 $0x70, s19;
	s20 =	sadd.s32 s20, s17  }
0x23: {  	s19 =	sadd.s32 s19, s20  }
0x24: {  	v9 =	vmov s16  }
0x25: {  	v10 =	vshll.u32 v9, $0x7  }
0x26: {  	v9 =	vshll.u32 v9, $0xA;
	v10 =	vand.u32 $0x380, v10  }
0x27: {  	s16 =	sadd.s32 $0x1, s16;
	v9 =	vor.u32 v10, v9  }
0x28: {  	p0 =	sne.s32 s16, $0x1A;
	v9 =	vor.u32 v2, v9  }
.Ltmp1:
0x29: {  	_ = 	snop;
	(pc) =	sbr.rel @p0 .LBB2_2-.Ltmp1, $3  }
0x2a: {  	_ =	sdelay $0x1  }
0x2b: {  	[tilespmem:s19+$0x0] =	vst v0  }
0x2c: {  	s15 =	simm.s32 $0x0;
	[tilespmem:v9+s10+$0x0] =	vst.idx.msk $0xff, v0  }
0x2d: {  	s16 =	simm.s32 $0x0  }
.LBB2_6:
0x2e: {  	s17 =	sshll.u32 s16, $0xA;
	s18 =	sshll.u32 s16, $0x7  }
0x2f: {  	s17 =	sand.u32 $0x6000, s17;
	s18 =	sand.u32 $0x380, s18  }
0x30: {  	s17 =	sor.u32 s18, s17  }
0x31: {  	s31 =	sand.u32 $0x1C00, s15;
	s17 =	sadd.s32 $0x8380, s17  }
0x32: {  	s19 =	sand.u32 $0x70, s15;
	s20 =	sadd.s32 s31, s17  }
0x33: {  	s18 =	simm.s32 $0x10;
	s20 =	sadd.s32 s19, s20;
	s19 =	simm.s32 $0x0  }
.LBB2_7:
0x34: {  	p0 =	sne.s32 s18, $0x3D0  }
0x35: {  	[tilespmem:s20+$0x0] =	vst v0;
	s19 =	sadd.s32 $0x80, s19;
	s20 =	smov.u32 s18;
	s18 =	sadd.s32 $0x10, s18  }
.Ltmp2:
0x36: {  	(pc) =	sbr.rel @p0 .LBB2_7-.Ltmp2, $4  }
0x37: {  	_ = 	snop  }
0x38: {  	s21 =	sand.u32 $0x1C00, s19  }
0x39: {  	s20 =	sand.u32 $0x70, s20;
	s21 =	sadd.s32 s21, s17  }
0x3a: {  	s20 =	sadd.s32 s20, s21  }
0x3b: {  	v9 =	vmov s16  }
0x3c: {  	v10 =	vshll.u32 v9, $0x7  }
0x3d: {  	v9 =	vshll.u32 v9, $0xA;
	v10 =	vand.u32 $0x380, v10  }
0x3e: {  	s16 =	sadd.s32 $0x1, s16;
	v9 =	vor.u32 v10, v9  }
0x3f: {  	p0 =	sne.s32 s16, $0x1A;
	v9 =	vor.u32 v2, v9  }
.Ltmp3:
0x40: {  	_ = 	snop;
	(pc) =	sbr.rel @p0 .LBB2_6-.Ltmp3, $3  }
0x41: {  	_ =	sdelay $0x1  }
0x42: {  	[tilespmem:s20+$0x0] =	vst v0  }
0x43: {  	[tilespmem:v9+s11+$0x0] =	vst.idx.msk $0xff, v0  }
0x44: {  	_ =	sdelay $0x2  }
0x45: {  	s15 =	simm.s32 $0x0  }
0x46: {  	v9 =	vld.idx.msk [tilespmem:v1+s15+$0x0], $0xffff;
	_ =	sdelay $0x4  }
0x47: {  	v10 =	vshll.u32 v9, $0x3  }
0x48: {  	v9 =	vand.u32 $0x7F, v9;
	v10 =	vand.u32 $0xFFFFFC00, v10  }
0x49: {  	v9 =	vor.u32 v9, v10  }
0x4a: {  	v9 =	vadd.s32 v3, v9;
	_ =	sdelay $0x4  }
0x4b: {  	[tilespmem:v9+s10+$0x0] =	vst.idx.msk $0xffff, v4  }
0x4c: {  	v9 =	vld.idx.msk [tilespmem:v5+s15+$0x0], $0xffff;
	_ =	sdelay $0x4  }
0x4d: {  	v10 =	vshll.u32 v9, $0x3  }
0x4e: {  	v9 =	vand.u32 $0x7F, v9;
	v10 =	vand.u32 $0xFFFFFC00, v10  }
0x4f: {  	v9 =	vor.u32 v9, v10  }
0x50: {  	v9 =	vadd.s32 v6, v9;
	_ =	sdelay $0x4  }
0x51: {  	[tilespmem:v9+s10+$0x0] =	vst.idx.msk $0x3ff, v4  }
0x52: {  	[hbm4b:s3+s15] =	stream.linear.scatter [tilespmem:s10], [sflag:$0x1], $0x8000, $0x38;
	[tilespmem:$0x10380] =	vst v63  }
0x53: {  	v9 =	vld.idx.msk [tilespmem:v7+s15+$0x0], $0xffff;
	_ =	sdelay $0x4  }
0x54: {  	v10 =	vshll.u32 v9, $0x3  }
0x55: {  	v9 =	vand.u32 $0x7F, v9;
	v10 =	vand.u32 $0xFFFFFC00, v10  }
0x56: {  	v9 =	vor.u32 v9, v10  }
0x57: {  	v9 =	vadd.s32 v3, v9;
	_ =	sdelay $0x4  }
0x58: {  	[tilespmem:v9+s11+$0x0] =	vst.idx.msk $0xffff, v4  }
0x59: {  	v9 =	vld.idx.msk [tilespmem:v8+s15+$0x0], $0xffff;
	_ =	sdelay $0x4  }
0x5a: {  	v10 =	vshll.u32 v9, $0x3  }
0x5b: {  	v9 =	vand.u32 $0x7F, v9;
	v10 =	vand.u32 $0xFFFFFC00, v10  }
0x5c: {  	v9 =	vor.u32 v9, v10  }
0x5d: {  	v9 =	vadd.s32 v6, v9;
	_ =	sdelay $0x4  }
0x5e: {  	s16 =	smov.u32 s8;
	s17 =	smov.u32 s7;
	[tilespmem:v9+s11+$0x0] =	vst.idx.msk $0x3ff, v4  }
0x5f: {  	[hbm4b:s5+s15] =	stream.linear.scatter [tilespmem:s11], [sflag:$0x2], $0x8000, $0x38;
	[tilespmem:$0x10380] =	vst v63  }
.LBB2_10:
0x60: {  	v9 =	vadd.s32 s15, v1;
	_ =	sdelay $0x1  }
0x61: {  	_ =	swait.ge [sflag:s12], $0x8000  }
0x62: {  	[sflag:s12] =	ssyncset.done $0x0  }
0x63: {  	[sflag:s12] =	ssyncadd.s32 $0xFFFF8000  }
0x64: {  	v9 =	vld.idx.msk [tilespmem:v9+s2+$0x0], $0xffff;
	_ =	sdelay $0x4  }
0x65: {  	v10 =	vshll.u32 v9, $0x3  }
0x66: {  	v9 =	vand.u32 $0x7F, v9;
	v10 =	vand.u32 $0xFFFFFC00, v10  }
0x67: {  	v9 =	vor.u32 v9, v10  }
0x68: {  	s18 =	sadd.s32 $0x10, s15;
	v9 =	vadd.s32 v3, v9  }
0x69: {  	v10 =	vadd.s32 s18, v1;
	_ =	sdelay $0x3  }
0x6a: {  	[tilespmem:v9+s10+$0x0] =	vst.idx.msk $0xffff, v0  }
0x6b: {  	v9 =	vld.idx.msk [tilespmem:v10+s2+$0x0], $0xffff;
	_ =	sdelay $0x4  }
0x6c: {  	v10 =	vshll.u32 v9, $0x3  }
0x6d: {  	v9 =	vand.u32 $0x7F, v9;
	v10 =	vand.u32 $0xFFFFFC00, v10  }
0x6e: {  	v9 =	vor.u32 v9, v10  }
0x6f: {  	s26 =	sadd.s32 $0x34, s15;
	v9 =	vadd.s32 v6, v9  }
0x70: {  	v10 =	vadd.s32 s26, v1;
	_ =	sdelay $0x3  }
0x71: {  	[tilespmem:v9+s10+$0x0] =	vst.idx.msk $0x3ff, v0  }
0x72: {  	v9 =	vld.idx.msk [tilespmem:v10+s2+$0x0], $0xffff;
	_ =	sdelay $0x4  }
0x73: {  	v10 =	vshll.u32 v9, $0x3  }
0x74: {  	v9 =	vand.u32 $0x7F, v9;
	v10 =	vand.u32 $0xFFFFFC00, v10  }
0x75: {  	v9 =	vor.u32 v9, v10  }
0x76: {  	s19 =	sadd.s32 $0x44, s15;
	v9 =	vadd.s32 v3, v9  }
0x77: {  	v10 =	vadd.s32 s19, v1;
	_ =	sdelay $0x3  }
0x78: {  	[tilespmem:v9+s10+$0x0] =	vst.idx.msk $0xffff, v4  }
0x79: {  	v9 =	vld.idx.msk [tilespmem:v10+s2+$0x0], $0xffff;
	_ =	sdelay $0x4  }
0x7a: {  	v10 =	vshll.u32 v9, $0x3  }
0x7b: {  	v9 =	vand.u32 $0x7F, v9;
	v10 =	vand.u32 $0xFFFFFC00, v10  }
0x7c: {  	v9 =	vor.u32 v9, v10  }
0x7d: {  	v9 =	vadd.s32 v6, v9;
	_ =	sdelay $0x3  }
0x7e: {  	s28 =	sadd.s32 $0x1A, s15  }
0x7f: {  	[tilespmem:v9+s10+$0x0] =	vst.idx.msk $0x3ff, v4;
	v9 =	vadd.s32 s28, v1  }
0x80: {  	[hbm4b:s17+s2] =	stream.linear.scatter [tilespmem:s10], [sflag:$0x1], $0x8000, $0x38;
	[tilespmem:$0x10380] =	vst v63  }
0x81: {  	_ =	swait.ge [sflag:s13], $0x8000  }
0x82: {  	[sflag:s13] =	ssyncset.done $0x0  }
0x83: {  	[sflag:s13] =	ssyncadd.s32 $0xFFFF8000  }
0x84: {  	v9 =	vld.idx.msk [tilespmem:v9+s2+$0x0], $0xffff;
	_ =	sdelay $0x4  }
0x85: {  	v10 =	vshll.u32 v9, $0x3  }
0x86: {  	v9 =	vand.u32 $0x7F, v9;
	v10 =	vand.u32 $0xFFFFFC00, v10  }
0x87: {  	v9 =	vor.u32 v9, v10  }
0x88: {  	s29 =	sadd.s32 $0x2A, s15;
	v9 =	vadd.s32 v3, v9  }
0x89: {  	v10 =	vadd.s32 s29, v1;
	_ =	sdelay $0x3  }
0x8a: {  	[tilespmem:v9+s11+$0x0] =	vst.idx.msk $0xffff, v0  }
0x8b: {  	v9 =	vld.idx.msk [tilespmem:v10+s2+$0x0], $0xffff;
	_ =	sdelay $0x4  }
0x8c: {  	v10 =	vshll.u32 v9, $0x3  }
0x8d: {  	v9 =	vand.u32 $0x7F, v9;
	v10 =	vand.u32 $0xFFFFFC00, v10  }
0x8e: {  	v9 =	vor.u32 v9, v10  }
0x8f: {  	s30 =	sadd.s32 $0x4E, s15;
	v9 =	vadd.s32 v6, v9  }
0x90: {  	v10 =	vadd.s32 s30, v1;
	_ =	sdelay $0x3  }
0x91: {  	[tilespmem:v9+s11+$0x0] =	vst.idx.msk $0x3ff, v0  }
0x92: {  	v9 =	vld.idx.msk [tilespmem:v10+s2+$0x0], $0xffff;
	_ =	sdelay $0x4  }
0x93: {  	v10 =	vshll.u32 v9, $0x3  }
0x94: {  	v9 =	vand.u32 $0x7F, v9;
	v10 =	vand.u32 $0xFFFFFC00, v10  }
0x95: {  	v9 =	vor.u32 v9, v10  }
0x96: {  	s31 =	sadd.s32 $0x5E, s15;
	v9 =	vadd.s32 v3, v9  }
0x97: {  	v10 =	vadd.s32 s31, v1;
	_ =	sdelay $0x3  }
0x98: {  	[tilespmem:v9+s11+$0x0] =	vst.idx.msk $0xffff, v4  }
0x99: {  	v9 =	vld.idx.msk [tilespmem:v10+s2+$0x0], $0xffff;
	_ =	sdelay $0x4  }
0x9a: {  	v10 =	vshll.u32 v9, $0x3  }
0x9b: {  	v9 =	vand.u32 $0x7F, v9;
	v10 =	vand.u32 $0xFFFFFC00, v10  }
0x9c: {  	v9 =	vor.u32 v9, v10  }
0x9d: {  	v9 =	vadd.s32 v6, v9;
	_ =	sdelay $0x1  }
0x9e: {  	p0 =	sne.s32 s15, $0x2D8  }
.Ltmp4:
0x9f: {  	_ = 	snop;
	(pc) =	sbr.rel @p0 .LBB2_10-.Ltmp4, $4  }
0xa0: {  	_ = 	snop  }
0xa1: {  	[tilespmem:v9+s11+$0x0] =	vst.idx.msk $0x3ff, v4  }
0xa2: {  	[hbm4b:s16+s2] =	stream.linear.scatter [tilespmem:s11], [sflag:$0x2], $0x8000, $0x38;
	[tilespmem:$0x10380] =	vst v63  }
0xa3: {  	s15 =	smov.u32 s26;
	s17 =	sadd.s32 $0x2000, s17;
	s16 =	sadd.s32 $0x2000, s16  }
0xa4: {  	s14 =	sadd.s32 $0x1, s14  }
0xa5: {  	_ =	swait.ge [sflag:s12], $0x8000;
	p0 =	sne.s32 s14, s6  }
.Ltmp5:
0xa6: {  	[sflag:s12] =	ssyncset.done $0x0;
	(pc) =	sbr.rel @p0 .LBB2_1-.Ltmp5, $4  }
0xa7: {  	[sflag:s12] =	ssyncadd.s32 $0xFFFF8000  }
0xa8: {  	_ =	swait.ge [sflag:s13], $0x8000  }
0xa9: {  	[sflag:s13] =	ssyncset.done $0x0  }
0xaa: {  	[sflag:s13] =	ssyncadd.s32 $0xFFFF8000  }
0xab: {  	_ =	sfence.sel $0x180000  }
0xac: {  	[bflag:$0x0] =	sbarrier.arrive $0xFFFF  }
0xad: {  	p0 =	sne.s32 s0, $0x0;
	_ =	strace $0x9000004A  }
0xae: {  	s0 =	sadd.s32 @!p0 $0x100000, s1;
	[bflag:$0x2] =	sbarrier.arrive $0xFFFF  }
0xaf: {  	[sflag:s0] =	ssyncadd.tile.s32 @!p0 $0x1;
	_ =	shalt  }
.Lfunc_end2:
_tile_overlayer_lowered:
.L_overlay_start_2:
0xb0: {  	(tag) =	ssettag $0x2  }
0xb1: {  	s0 =	rddreg [dreg:$0x0];
	s2 =	stileid.u32  }
0xb2: {  	s1 =	rddreg [dreg:$0x1];
	p0 =	sne.s32 s2, $0x0  }
0xb3: {  	s3 =	rddreg [dreg:$0x2];
	[bflag:$0x3] =	sbarrier.arrive $0xFFFF;
	s2 =	simm.s32 @!p0 $0x1C03  }
0xb4: {  	[timem:s3], [sflag:s2] =	dma.local @!p0 [hbm:s0], s1  }
0xb5: {  	s0 =	simm.s32 @!p0 $0x3  }
0xb6: {  	_ =	swait.ge @!p0 [sflag:s0], s1  }
0xb7: {  	s1 =	ssub.s32 @!p0 $0x0, s1;
	[sflag:s0] =	ssyncset.done @!p0 $0x0  }
0xb8: {  	[sflag:s0] =	ssyncadd.s32 @!p0 s1  }
0xb9: {  	[bflag:$0x3] =	sbarrier.arrive $0xFFFF  }
0xba: {  	_ =	shalt  }

// kernel: kernel.15.cloned.1.call-start
scs
__scs_entry_jumppad:
0x0: {  	(pc) =	sbr.rel $0x88, $3  }
0x1: {  	(tag) =	ssettag $0x0;
	lr =	simm.s32 $0x1  }
0x2: {  	[smem:$0x3FA0] =	sst lr;
	_ =	strace $0xD0000000  }
0x3: {  	_ = 	snop  }
0x4: {  	_ = 	snop  }
0x5: {  	_ = 	snop  }
0x6: {  	_ = 	snop  }
0x7: {  	_ = 	snop  }
__scs_overlays_trampoline_lowered:
0x8: {  	[smem:$0x3FAF] =	sst s0  }
0x9: {  	[smem:$0x3FB0] =	sst s1  }
0xa: {  	[smem:$0x3FB1] =	sst s2  }
0xb: {  	[smem:$0x3FB2] =	sst s3  }
0xc: {  	[smem:$0x3FB3] =	sst s4  }
0xd: {  	[smem:$0x3FB4] =	sst s5  }
0xe: {  	[smem:$0x3FB5] =	sst s6  }
0xf: {  	[smem:$0x3FB6] =	sst s7  }
0x10: {  	[smem:$0x3FB7] =	sst s8  }
0x11: {  	[smem:$0x3FB8] =	sst s9;
	s0 =	simm.s32 @!p0 $0x0  }
0x12: {  	s1 =	sld [smem:$0x3F9E];
	s0 =	simm.s32 @p0 $0x1  }
0x13: {  	[smem:$0x3FB9] =	sst s0;
	s0 =	simm.s32 @!p1 $0x0  }
0x14: {  	s2 =	sld [smem:$0x3F9D];
	s0 =	simm.s32 @p1 $0x1  }
0x15: {  	[smem:$0x3FBA] =	sst s0;
	s0 =	simm.s32 @!p2 $0x0  }
0x16: {  	s3 =	sld [smem:$0x3FDB];
	s0 =	simm.s32 @p2 $0x1  }
0x17: {  	s4 =	simm.s32 $0x1BF5;
	[smem:$0x3FBC] =	sst s0  }
0x18: {  	s0 =	sld [smem:$0x3F9F];
	_ =	swait.ge [sflag:s4], $0x0  }
0x19: {  	s7 =	sld [smem:$0x3FA0]  }
0x1a: {  	s8 =	sadd.s32 $0xFFFFE003, lr  }
0x1b: {  	s9 =	sadd.s32 $0xFFFFFEF7, lr;
	s5 =	simm.s32 $0xFFFFFFFF;
	p2 =	slt.u32 s8, $0xFFFFF086  }
0x1c: {  	p1 =	slt.u32 s9, $0xF7A;
	s5 =	simm.s32 @!p2 $0x0  }
0x1d: {  	s5 =	simm.s32 @p1 $0x1;
	p0 =	seq.s32 s7, s2  }
0x1e: {  	s7 =	smul.u32 @!p0 $0xF7A, s2;
	p2 =	seq.s32 @!p0 s5, $0x0  }
0x1f: {  	s9 =	smul.u32 $0xF7A, s1;
	s8 =	simm.s32 @!p0 $0x1BF5;
	p2 =	por !p2, p0  }
0x20: {  	[sflag:s8] =	ssyncset.s32 @!p0 $0xFFFFF086;
	s6 =	sadd.s32 @!p0 s3, s7;
	s7 =	simm.s32 @!p0 $0x108  }
0x21: {  	s3 =	sadd.s32 s3, s9;
	s6 =	sadd.s32 @!p0 $0x88, s6;
	s7 =	simm.s32 @p2 $0x1082  }
0x22: {  	[simem:s7], [sflag:s8] =	dma.local @!p0 [hbm:s6], $0xF7A  }
0x23: {  	s9 =	sor.u32 $0xD0000000, s2;
	s6 =	simm.s32 $0x108;
	_ =	swait.ge @!p0 [sflag:s8], $0x0  }
0x24: {  	s3 =	sadd.s32 $0x88, s3;
	s6 =	simm.s32 @!p1 $0x1082;
	[sflag:s4] =	ssyncset.s32 $0xFFFFF086  }
0x25: {  	[simem:s6], [sflag:s4] =	dma.local [hbm:s3], $0xF7A  }
0x26: {  	[smem:$0x3FA0] =	sst s1;
	(tag) =	ssettag s2;
	_ =	strace s9  }
0x27: {  	s1 =	sld [smem:$0x3FB0]  }
0x28: {  	s2 =	sld [smem:$0x3FB1]  }
0x29: {  	s4 =	sld [smem:$0x3FB3]  }
0x2a: {  	p0 =	seq.s32 s5, $0x0;
	s5 =	sld [smem:$0x3FB4]  }
0x2b: {  	s6 =	sld [smem:$0x3FB5]  }
0x2c: {  	s7 =	sld [smem:$0x3FB6]  }
0x2d: {  	s3 =	simm.s32 $0x108;
	s8 =	sld [smem:$0x3FB7]  }
0x2e: {  	s3 =	simm.s32 @!p0 $0x1082;
	s9 =	sld [smem:$0x3FB8]  }
0x2f: {  	lr =	sadd.s32 s0, s3;
	s0 =	sld [smem:$0x3FAF]  }
0x30: {  	s3 =	sld [smem:$0x3FB2]  }
0x31: {  	[smem:$0x3FBB] =	sst s10  }
0x32: {  	s10 =	sld [smem:$0x3FB9];
	_ =	sdelay $0x3  }
0x33: {  	p0 =	seq.s32 s10, $0x1;
	s10 =	sld [smem:$0x3FBB];
	_ =	sdelay $0x3  }
0x34: {  	[smem:$0x3FBB] =	sst s10  }
0x35: {  	s10 =	sld [smem:$0x3FBA];
	_ =	sdelay $0x3  }
0x36: {  	p1 =	seq.s32 s10, $0x1;
	s10 =	sld [smem:$0x3FBB];
	_ =	sdelay $0x3  }
0x37: {  	[smem:$0x3FBB] =	sst s10  }
0x38: {  	s10 =	sld [smem:$0x3FBC]  }
0x39: {  	_ = 	snop;
	(pc) =	sbr.ind lr, $3  }
0x3a: {  	_ = 	snop  }
0x3b: {  	_ = 	snop  }
0x3c: {  	p2 =	seq.s32 s10, $0x1;
	s10 =	sld [smem:$0x3FBB]  }
0x3d: {  	_ =	shalt  }
0x3e: {  	_ =	shalt  }
0x3f: {  	_ =	shalt  }
0x40: {  	_ =	shalt  }
0x41: {  	_ =	shalt  }
0x42: {  	_ =	shalt  }
0x43: {  	_ =	shalt  }
0x44: {  	_ =	shalt  }
0x45: {  	_ =	shalt  }
0x46: {  	_ =	shalt  }
0x47: {  	_ =	shalt  }
0x48: {  	_ =	shalt  }
0x49: {  	_ =	shalt  }
0x4a: {  	_ =	shalt  }
0x4b: {  	_ =	shalt  }
0x4c: {  	_ =	shalt  }
0x4d: {  	_ =	shalt  }
0x4e: {  	_ =	shalt  }
0x4f: {  	_ =	shalt  }
0x50: {  	_ =	shalt  }
0x51: {  	_ =	shalt  }
0x52: {  	_ =	shalt  }
0x53: {  	_ =	shalt  }
0x54: {  	_ =	shalt  }
0x55: {  	_ =	shalt  }
0x56: {  	_ =	shalt  }
0x57: {  	_ =	shalt  }
0x58: {  	_ =	shalt  }
0x59: {  	_ =	shalt  }
0x5a: {  	_ =	shalt  }
0x5b: {  	_ =	shalt  }
0x5c: {  	_ =	shalt  }
0x5d: {  	_ =	shalt  }
0x5e: {  	_ =	shalt  }
0x5f: {  	_ =	shalt  }
0x60: {  	_ =	shalt  }
0x61: {  	_ =	shalt  }
0x62: {  	_ =	shalt  }
0x63: {  	_ =	shalt  }
0x64: {  	_ =	shalt  }
0x65: {  	_ =	shalt  }
0x66: {  	_ =	shalt  }
0x67: {  	_ =	shalt  }
0x68: {  	_ =	shalt  }
0x69: {  	_ =	shalt  }
0x6a: {  	_ =	shalt  }
0x6b: {  	_ =	shalt  }
0x6c: {  	_ =	shalt  }
0x6d: {  	_ =	shalt  }
0x6e: {  	_ =	shalt  }
0x6f: {  	_ =	shalt  }
0x70: {  	_ =	shalt  }
0x71: {  	_ =	shalt  }
0x72: {  	_ =	shalt  }
0x73: {  	_ =	shalt  }
0x74: {  	_ =	shalt  }
0x75: {  	_ =	shalt  }
0x76: {  	_ =	shalt  }
0x77: {  	_ =	shalt  }
0x78: {  	_ =	shalt  }
0x79: {  	_ =	shalt  }
0x7a: {  	_ =	shalt  }
0x7b: {  	_ =	shalt  }
0x7c: {  	_ =	shalt  }
0x7d: {  	_ =	shalt  }
0x7e: {  	_ =	shalt  }
0x7f: {  	_ =	shalt  }
0x80: {  	_ =	shalt  }
0x81: {  	_ =	shalt  }
0x82: {  	_ =	shalt  }
0x83: {  	_ =	shalt  }
0x84: {  	_ =	shalt  }
0x85: {  	_ =	shalt  }
0x86: {  	_ =	shalt  }
0x87: {  	_ =	shalt  }
.Lfunc_end0:
.L_simem_size_0:
called_computation.4_lowered:
.L_overlay_start_0:
0x88: {  	s2 =	sld [smem:$0x3FD9]  }
0x89: {  	s3 =	sld [smem:$0x3FFE];
	_ =	sdelay $0x1  }
0x8a: {  	s1 =	srdreg.scid  }
0x8b: {  	s0 =	sand.u32 $0x1, s1  }
0x8c: {  	s17 =	sshll.u32 s0, $0xA;
	s2 =	sadd.s32 s3, s2  }
0x8d: {  	s2 =	sadd.s32 s2, s17  }
0x8e: {  	[smem:$0x3FC7] =	sst s2  }
0x8f: {  	_ = 	snop  }
0x90: {  	(tm) =	ssettm $0x1  }
0x91: {  	s18 =	sld [smem:$0x3FFB];
	_ =	sdelay $0x3  }
0x92: {  	_ =	strace s18  }
0x93: {  	s2 =	sld [smem:$0x3FFC];
	_ =	sdelay $0x3  }
0x94: {  	_ =	strace s2  }
0x95: {  	s2 =	sld [smem:$0x3FFD];
	_ =	sdelay $0x3  }
0x96: {  	_ =	strace s2  }
0x97: {  	_ =	strace $0x8FFFFFFF  }
0x98: {  	s19 =	sld [smem:$0x3FDB];
	_ =	sdelay $0x1  }
0x99: {  	s20 =	simm.s32 $_scs_section_size  }
0x9a: {  	s4 =	simm.s32 $_size__tile_overlayer_lowered;
	s5 =	simm.s32 $_tile_overlayer_lowered  }
0x9b: {  	s6 =	simm.s32 $0x1BFF;
	s21 =	sshll.u32 s5, $0x1;
	s3 =	sadd.s32 s20, s19  }
0x9c: {  	s22 =	simm.s32 $0x0;
	s4 =	sshll.u32 s4, $0x1;
	s5 =	sadd.s32 s21, s3  }
0x9d: {  	[timem:s22], [sflag:s6] =	dma.local [hbm:s5], s4  }
0x9e: {  	_ =	swait.ge [sflag:s6], s4  }
0x9f: {  	s4 =	ssub.s32 $0x0, s4;
	[sflag:s6] =	ssyncset.done $0x0  }
0xa0: {  	[sflag:s6] =	ssyncadd.s32 s4;
	_ =	sdelay $0x1  }
0xa1: {  	s23 =	simm.s32 $0x1B8B  }
0xa2: {  	_ =	swait.ge [sflag:s23], $0x1  }
0xa3: {  	[sflag:s23] =	ssyncset.done $0x0  }
0xa4: {  	[sflag:s23] =	ssyncadd.s32 $0xFFFFFFFF  }
0xa5: {  	s4 =	sld [smem:$0x0]  }
0xa6: {  	s5 =	sand.u32 $0xFFFFFFFE, s1  }
0xa7: {  	p0 =	sne.s32 s1, s5  }
0xa8: {  	s5 =	sshll.u32 @p0 s5, $0xE  }
0xa9: {  	s5 =	sadd.s32 @p0 $0x11B8D, s5;
	s6 =	sshll.u32 @p0 s4, $0x11  }
0xaa: {  	s5 =	sor.u32 @p0 s6, s5  }
0xab: {  	[sflag:s5] =	ssyncadd.remote.s32 @p0 $0x1;
	_ =	sdelay $0x1  }
0xac: {  	s5 =	simm.s32 @p0 $0x1B8D  }
0xad: {  	_ =	swait.eq @p0 [sflag:s5], $0x1  }
0xae: {  	[sflag:s5] =	ssyncadd.s32 @p0 $0xFFFFFFFF  }
0xaf: {  	s6 =	sshll.u32 @!p0 s1, $0xE  }
0xb0: {  	s6 =	sor.u32 @!p0 $0x4000, s6;
	s5 =	simm.s32 @!p0 $0x1B8D  }
0xb1: {  	s4 =	sshll.u32 @!p0 s4, $0x11;
	s6 =	sadd.s32 @!p0 $0x11B8D, s6;
	_ =	swait.eq @!p0 [sflag:s5], $0x1  }
0xb2: {  	s4 =	sor.u32 @!p0 s4, s6;
	[sflag:s5] =	ssyncadd.s32 @!p0 $0xFFFFFFFF  }
0xb3: {  	s25 =	simm.s32 $0x1B8E;
	s24 =	sld [smem:$0x3FFE];
	[sflag:s4] =	ssyncadd.remote.s32 @!p0 $0x1  }
0xb4: {  	s26 =	simm.s32 $execute0_lowered;
	[smem:$0x3FD2] =	sst s25  }
0xb5: {  	s5 =	sshll.u32 s26, $0x1;
	_ =	strace $0x8000004C;
	[dreg:$0x1] =	wrdreg $0xFFFFFFFF  }
0xb6: {  	s28 =	simm.s32 $_size_execute0_lowered;
	s3 =	sadd.s32 s3, s5;
	[dreg:$0x0] =	wrdreg $0x0  }
0xb7: {  	s5 =	sshll.u32 s28, $0x1;
	[dreg:$0x2] =	wrdreg s3  }
0xb8: {  	[dreg:$0x3] =	wrdreg s5  }
0xb9: {  	[dreg:$0x4] =	wrdreg $0xC0  }
0xba: {  	_ =	task [dreg:s22], $0x5FFFF  }
0xbb: {  	[dreg:$0x1] =	wrdreg $0xFFFFFFFF  }
0xbc: {  	[dreg:$0x0] =	wrdreg $0x60  }
0xbd: {  	[dreg:$0x2] =	wrdreg s24  }
0xbe: {  	[dreg:$0x3] =	wrdreg $0xC  }
0xbf: {  	_ =	task.clear_ibuf [dreg:s22], $0x4FFFF;
	_ =	strace $0x9000004C  }
0xc0: {  	s29 =	simm.s32 $0xC;
	_ =	strace $0x8000004E  }
0xc1: {  	_ =	swait.ge [sflag:s29], $0x1  }
0xc2: {  	[sflag:s29] =	ssyncadd.s32 $0xFFFFFFFF  }
0xc3: {  	_ =	strace $0x9000004E  }
0xc4: {  	_ =	sfence  }
0xc5: {  	s30 =	sld [smem:$0x0];
	_ =	sdelay $0x2  }
0xc6: {  	s31 =	sshll.u32 s1, $0xD;
	s1 =	sshrl.u32 s1, $0x2  }
0xc7: {  	s4 =	sand.u32 $0x4000, s31;
	s1 =	sadd.s32 s1, s30  }
0xc8: {  	s0 =	sor.u32 s4, s0;
	s1 =	sshll.u32 s1, $0x11  }
0xc9: {  	s0 =	sor.u32 s1, s0  }
0xca: {  	s0 =	sadd.s32 $0x8F2B, s0  }
0xcb: {  	[sflag:s0] =	ssyncadd.remote.s32 $0x1  }
0xcc: {  	_ =	sfence.sel $0xFFFF  }
0xcd: {  	[dreg:$0x0] =	wrdreg $0xFFFFFFFF;
	(pc) =	sbr.abs _section_cstart, $3  }
0xce: {  	[dreg:$0x1] =	wrdreg $0xFFFFFFFF  }
0xcf: {  	_ =	task.clear_ibuf [dreg:s22], $0x2FFFF;
	_ =	strace $0x9FFFFFFF  }
0xd0: {  	(tm) =	ssettm $0x7FFFFFFF  }
0xd1: {  	_ =	shalt  }
tec
execute0_lowered:
.L_overlay_start_1:
0x0: {  	(tag) =	ssettag $0x1  }
0x1: {  	v0 =	vimm.f32 $0.0e+00;
	v2 =	vimm.s32 $0x2380;
	vm0 =	vcmask $0x300  }
0x2: {  	vm1 =	vcmask $0x704;
	vm2 =	vcmask $0xB08;
	v3 =	vimm.s32 $0x8280  }
0x3: {  	vm3 =	vcmask $0xF0C;
	vm15 =	vcmask $0x1310;
	vm6 =	vcmask $0x1714  }
0x4: {  	vm7 =	vcmask $0x1B18;
	v2 =	vsel vm0, $0x0, v2;
	v3 =	vsel vm0, $0x4000, v3  }
0x5: {  	vm8 =	vcmask $0x1F1C;
	v2 =	vsel vm1, $0x80, v2;
	v3 =	vsel vm1, $0x4080, v3  }
0x6: {  	vm9 =	vcmask $0x2320;
	v2 =	vsel vm2, $0x100, v2;
	v3 =	vsel vm2, $0x4100, v3  }
0x7: {  	s1 =	srdreg.scid;
	vm10 =	vcmask $0x2724;
	v2 =	vsel vm3, $0x180, v2;
	v3 =	vsel vm3, $0x4180, v3  }
0x8: {  	s0 =	stileid.u32;
	s3 =	rddreg [dreg:$0x0];
	vm11 =	vcmask $0x2B28;
	v2 =	vsel vm15, $0x200, v2;
	v3 =	vsel vm15, $0x4200, v3  }
0x9: {  	s2 =	simm.s32 $0x0;
	vm12 =	vcmask $0x2F2C;
	s10 =	simm.s32 $0x380;
	s11 =	simm.s32 $0x8380;
	v2 =	vsel vm6, $0x280, v2;
	v3 =	vsel vm6, $0x4280, v3  }
0xa: {  	vm13 =	vcmask $0x3330;
	s12 =	simm.s32 $0x1;
	s13 =	simm.s32 $0x2;
	s14 =	simm.s32 $0x0;
	v2 =	vsel vm7, $0x300, v2;
	v3 =	vsel vm7, $0x4300, v3  }
0xb: {  	vm14 =	vcmask $0x3734;
	s4 =	sand.u32 $0x1, s1;
	s5 =	sshll.u32 s0, $0x1;
	s1 =	rddreg [dreg:$0x1];
	v2 =	vsel vm8, $0x380, v2;
	v3 =	vsel vm8, $0x4380, v3  }
0xc: {  	v1 =	vlaneseq.u32;
	[smem:$0x7FF] =	sst s2;
	s8 =	sadd.s32 $0x804400, s3;
	s9 =	sshll.u32 s0, $0x12;
	v2 =	vsel vm9, $0x2000, v2;
	v3 =	vsel vm9, $0x6000, v3  }
0xd: {  	v7 =	vadd.s32 $0x1A, v1;
	s5 =	sor.u32 s4, s5;
	_ =	strace $0x8000004D;
	s7 =	ssub.s32 $0x2, s4;
	v2 =	vsel vm10, $0x2080, v2;
	v3 =	vsel vm10, $0x6080, v3  }
0xe: {  	v8 =	vadd.s32 $0x2A, v1;
	s4 =	sshll.u32 s4, $0x11;
	s6 =	smul.u32 $0x68, s5;
	s31 =	sshrl.u32 s7, $0x1;
	v2 =	vsel vm11, $0x2100, v2;
	v3 =	vsel vm11, $0x8000, v3  }
0xf: {  	s5 =	sshll.u32 s5, $0x11;
	s9 =	sor.u32 s4, s9;
	s7 =	ssub.s32 s7, s31;
	vm15 =	vcmask $0x3B38;
	v2 =	vsel vm12, $0x2180, v2;
	v5 =	vsel vm12, $0x8080, v3  }
0x10: {  	s6 =	sadd.s32 s6, s3;
	s3 =	sadd.s32 s8, s5;
	s8 =	sadd.s32 s9, s8;
	v2 =	vsel vm13, $0x2200, v2;
	v6 =	vsel vm13, $0x8100, v5;
	v5 =	vor.u32 $0x10, v1  }
0x11: {  	s9 =	simm.s32 $0x3;
	s4 =	sadd.s32 $0x3600, s6;
	s5 =	sadd.s32 $0x1000, s3;
	v4 =	vsel vm14, $0x2280, v2;
	v2 =	vor.u32 $0x1C60, v1;
	v6 =	vsel vm14, $0x8180, v6  }
0x12: {  	s6 =	smax.u32 s7, $0x1;
	s7 =	sadd.s32 $0x2000, s8;
	s8 =	sadd.s32 $0x3000, s8;
	v3 =	vsel vm15, $0x2300, v4;
	v4 =	vimm.f32 $1.000000000e+00;
	v6 =	vsel vm15, $0x8200, v6  }
.LBB2_1:
0x13: {  	[tilespmem:s2], [sflag:$0x3] =	stream.linear.gather [hbm4b:s4+s2], $0x340, $0x38;
	[tilespmem:$0x10380] =	vst v63  }
0x14: {  	_ =	swait.ge [sflag:s9], $0x340  }
0x15: {  	[sflag:s9] =	ssyncset.done $0x0  }
0x16: {  	s16 =	simm.s32 $0x0;
	[sflag:s9] =	ssyncadd.s32 $0xFFFFFCC0  }
.LBB2_2:
0x17: {  	s15 =	sshll.u32 s16, $0xA;
	s17 =	sshll.u32 s16, $0x7  }
0x18: {  	s15 =	sand.u32 $0x6000, s15;
	s17 =	sand.u32 $0x380, s17  }
0x19: {  	s17 =	sor.u32 s17, s15;
	s15 =	simm.s32 $0x0  }
0x1a: {  	s17 =	sadd.s32 $0x380, s17;
	s18 =	sand.u32 $0x1C00, s15  }
0x1b: {  	s19 =	sand.u32 $0x70, s15;
	s20 =	sadd.s32 s18, s17  }
0x1c: {  	s18 =	simm.s32 $0x10;
	s19 =	sadd.s32 s19, s20  }
.LBB2_3:
0x1d: {  	p0 =	sne.s32 s18, $0x3D0  }
0x1e: {  	[tilespmem:s19+$0x0] =	vst v0;
	s15 =	sadd.s32 $0x80, s15;
	s19 =	smov.u32 s18;
	s18 =	sadd.s32 $0x10, s18  }
.Ltmp0:
0x1f: {  	(pc) =	sbr.rel @p0 .LBB2_3-.Ltmp0, $4  }
0x20: {  	_ = 	snop  }
0x21: {  	s20 =	sand.u32 $0x1C00, s15  }
0x22: {  	s19 =	sand.u32 $0x70, s19;
	s20 =	sadd.s32 s20, s17  }
0x23: {  	s19 =	sadd.s32 s19, s20  }
0x24: {  	v9 =	vmov s16  }
0x25: {  	v10 =	vshll.u32 v9, $0x7  }
0x26: {  	v9 =	vshll.u32 v9, $0xA;
	v10 =	vand.u32 $0x380, v10  }
0x27: {  	s16 =	sadd.s32 $0x1, s16;
	v9 =	vor.u32 v10, v9  }
0x28: {  	p0 =	sne.s32 s16, $0x1A;
	v9 =	vor.u32 v2, v9  }
.Ltmp1:
0x29: {  	_ = 	snop;
	(pc) =	sbr.rel @p0 .LBB2_2-.Ltmp1, $3  }
0x2a: {  	_ =	sdelay $0x1  }
0x2b: {  	[tilespmem:s19+$0x0] =	vst v0  }
0x2c: {  	s15 =	simm.s32 $0x0;
	[tilespmem:v9+s10+$0x0] =	vst.idx.msk $0xff, v0  }
0x2d: {  	s16 =	simm.s32 $0x0  }
.LBB2_6:
0x2e: {  	s17 =	sshll.u32 s16, $0xA;
	s18 =	sshll.u32 s16, $0x7  }
0x2f: {  	s17 =	sand.u32 $0x6000, s17;
	s18 =	sand.u32 $0x380, s18  }
0x30: {  	s17 =	sor.u32 s18, s17  }
0x31: {  	s31 =	sand.u32 $0x1C00, s15;
	s17 =	sadd.s32 $0x8380, s17  }
0x32: {  	s19 =	sand.u32 $0x70, s15;
	s20 =	sadd.s32 s31, s17  }
0x33: {  	s18 =	simm.s32 $0x10;
	s20 =	sadd.s32 s19, s20;
	s19 =	simm.s32 $0x0  }
.LBB2_7:
0x34: {  	p0 =	sne.s32 s18, $0x3D0  }
0x35: {  	[tilespmem:s20+$0x0] =	vst v0;
	s19 =	sadd.s32 $0x80, s19;
	s20 =	smov.u32 s18;
	s18 =	sadd.s32 $0x10, s18  }
.Ltmp2:
0x36: {  	(pc) =	sbr.rel @p0 .LBB2_7-.Ltmp2, $4  }
0x37: {  	_ = 	snop  }
0x38: {  	s21 =	sand.u32 $0x1C00, s19  }
0x39: {  	s20 =	sand.u32 $0x70, s20;
	s21 =	sadd.s32 s21, s17  }
0x3a: {  	s20 =	sadd.s32 s20, s21  }
0x3b: {  	v9 =	vmov s16  }
0x3c: {  	v10 =	vshll.u32 v9, $0x7  }
0x3d: {  	v9 =	vshll.u32 v9, $0xA;
	v10 =	vand.u32 $0x380, v10  }
0x3e: {  	s16 =	sadd.s32 $0x1, s16;
	v9 =	vor.u32 v10, v9  }
0x3f: {  	p0 =	sne.s32 s16, $0x1A;
	v9 =	vor.u32 v2, v9  }
.Ltmp3:
0x40: {  	_ = 	snop;
	(pc) =	sbr.rel @p0 .LBB2_6-.Ltmp3, $3  }
0x41: {  	_ =	sdelay $0x1  }
0x42: {  	[tilespmem:s20+$0x0] =	vst v0  }
0x43: {  	[tilespmem:v9+s11+$0x0] =	vst.idx.msk $0xff, v0  }
0x44: {  	_ =	sdelay $0x2  }
0x45: {  	s15 =	simm.s32 $0x0  }
0x46: {  	v9 =	vld.idx.msk [tilespmem:v1+s15+$0x0], $0xffff;
	_ =	sdelay $0x4  }
0x47: {  	v10 =	vshll.u32 v9, $0x3  }
0x48: {  	v9 =	vand.u32 $0x7F, v9;
	v10 =	vand.u32 $0xFFFFFC00, v10  }
0x49: {  	v9 =	vor.u32 v9, v10  }
0x4a: {  	v9 =	vadd.s32 v3, v9;
	_ =	sdelay $0x4  }
0x4b: {  	[tilespmem:v9+s10+$0x0] =	vst.idx.msk $0xffff, v4  }
0x4c: {  	v9 =	vld.idx.msk [tilespmem:v5+s15+$0x0], $0xffff;
	_ =	sdelay $0x4  }
0x4d: {  	v10 =	vshll.u32 v9, $0x3  }
0x4e: {  	v9 =	vand.u32 $0x7F, v9;
	v10 =	vand.u32 $0xFFFFFC00, v10  }
0x4f: {  	v9 =	vor.u32 v9, v10  }
0x50: {  	v9 =	vadd.s32 v6, v9;
	_ =	sdelay $0x4  }
0x51: {  	[tilespmem:v9+s10+$0x0] =	vst.idx.msk $0x3ff, v4  }
0x52: {  	[hbm4b:s3+s15] =	stream.linear.scatter [tilespmem:s10], [sflag:$0x1], $0x8000, $0x38;
	[tilespmem:$0x10380] =	vst v63  }
0x53: {  	v9 =	vld.idx.msk [tilespmem:v7+s15+$0x0], $0xffff;
	_ =	sdelay $0x4  }
0x54: {  	v10 =	vshll.u32 v9, $0x3  }
0x55: {  	v9 =	vand.u32 $0x7F, v9;
	v10 =	vand.u32 $0xFFFFFC00, v10  }
0x56: {  	v9 =	vor.u32 v9, v10  }
0x57: {  	v9 =	vadd.s32 v3, v9;
	_ =	sdelay $0x4  }
0x58: {  	[tilespmem:v9+s11+$0x0] =	vst.idx.msk $0xffff, v4  }
0x59: {  	v9 =	vld.idx.msk [tilespmem:v8+s15+$0x0], $0xffff;
	_ =	sdelay $0x4  }
0x5a: {  	v10 =	vshll.u32 v9, $0x3  }
0x5b: {  	v9 =	vand.u32 $0x7F, v9;
	v10 =	vand.u32 $0xFFFFFC00, v10  }
0x5c: {  	v9 =	vor.u32 v9, v10  }
0x5d: {  	v9 =	vadd.s32 v6, v9;
	_ =	sdelay $0x4  }
0x5e: {  	s16 =	smov.u32 s8;
	s17 =	smov.u32 s7;
	[tilespmem:v9+s11+$0x0] =	vst.idx.msk $0x3ff, v4  }
0x5f: {  	[hbm4b:s5+s15] =	stream.linear.scatter [tilespmem:s11], [sflag:$0x2], $0x8000, $0x38;
	[tilespmem:$0x10380] =	vst v63  }
.LBB2_10:
0x60: {  	v9 =	vadd.s32 s15, v1;
	_ =	sdelay $0x1  }
0x61: {  	_ =	swait.ge [sflag:s12], $0x8000  }
0x62: {  	[sflag:s12] =	ssyncset.done $0x0  }
0x63: {  	[sflag:s12] =	ssyncadd.s32 $0xFFFF8000  }
0x64: {  	v9 =	vld.idx.msk [tilespmem:v9+s2+$0x0], $0xffff;
	_ =	sdelay $0x4  }
0x65: {  	v10 =	vshll.u32 v9, $0x3  }
0x66: {  	v9 =	vand.u32 $0x7F, v9;
	v10 =	vand.u32 $0xFFFFFC00, v10  }
0x67: {  	v9 =	vor.u32 v9, v10  }
0x68: {  	s18 =	sadd.s32 $0x10, s15;
	v9 =	vadd.s32 v3, v9  }
0x69: {  	v10 =	vadd.s32 s18, v1;
	_ =	sdelay $0x3  }
0x6a: {  	[tilespmem:v9+s10+$0x0] =	vst.idx.msk $0xffff, v0  }
0x6b: {  	v9 =	vld.idx.msk [tilespmem:v10+s2+$0x0], $0xffff;
	_ =	sdelay $0x4  }
0x6c: {  	v10 =	vshll.u32 v9, $0x3  }
0x6d: {  	v9 =	vand.u32 $0x7F, v9;
	v10 =	vand.u32 $0xFFFFFC00, v10  }
0x6e: {  	v9 =	vor.u32 v9, v10  }
0x6f: {  	s26 =	sadd.s32 $0x34, s15;
	v9 =	vadd.s32 v6, v9  }
0x70: {  	v10 =	vadd.s32 s26, v1;
	_ =	sdelay $0x3  }
0x71: {  	[tilespmem:v9+s10+$0x0] =	vst.idx.msk $0x3ff, v0  }
0x72: {  	v9 =	vld.idx.msk [tilespmem:v10+s2+$0x0], $0xffff;
	_ =	sdelay $0x4  }
0x73: {  	v10 =	vshll.u32 v9, $0x3  }
0x74: {  	v9 =	vand.u32 $0x7F, v9;
	v10 =	vand.u32 $0xFFFFFC00, v10  }
0x75: {  	v9 =	vor.u32 v9, v10  }
0x76: {  	s19 =	sadd.s32 $0x44, s15;
	v9 =	vadd.s32 v3, v9  }
0x77: {  	v10 =	vadd.s32 s19, v1;
	_ =	sdelay $0x3  }
0x78: {  	[tilespmem:v9+s10+$0x0] =	vst.idx.msk $0xffff, v4  }
0x79: {  	v9 =	vld.idx.msk [tilespmem:v10+s2+$0x0], $0xffff;
	_ =	sdelay $0x4  }
0x7a: {  	v10 =	vshll.u32 v9, $0x3  }
0x7b: {  	v9 =	vand.u32 $0x7F, v9;
	v10 =	vand.u32 $0xFFFFFC00, v10  }
0x7c: {  	v9 =	vor.u32 v9, v10  }
0x7d: {  	v9 =	vadd.s32 v6, v9;
	_ =	sdelay $0x3  }
0x7e: {  	s28 =	sadd.s32 $0x1A, s15  }
0x7f: {  	[tilespmem:v9+s10+$0x0] =	vst.idx.msk $0x3ff, v4;
	v9 =	vadd.s32 s28, v1  }
0x80: {  	[hbm4b:s17+s2] =	stream.linear.scatter [tilespmem:s10], [sflag:$0x1], $0x8000, $0x38;
	[tilespmem:$0x10380] =	vst v63  }
0x81: {  	_ =	swait.ge [sflag:s13], $0x8000  }
0x82: {  	[sflag:s13] =	ssyncset.done $0x0  }
0x83: {  	[sflag:s13] =	ssyncadd.s32 $0xFFFF8000  }
0x84: {  	v9 =	vld.idx.msk [tilespmem:v9+s2+$0x0], $0xffff;
	_ =	sdelay $0x4  }
0x85: {  	v10 =	vshll.u32 v9, $0x3  }
0x86: {  	v9 =	vand.u32 $0x7F, v9;
	v10 =	vand.u32 $0xFFFFFC00, v10  }
0x87: {  	v9 =	vor.u32 v9, v10  }
0x88: {  	s29 =	sadd.s32 $0x2A, s15;
	v9 =	vadd.s32 v3, v9  }
0x89: {  	v10 =	vadd.s32 s29, v1;
	_ =	sdelay $0x3  }
0x8a: {  	[tilespmem:v9+s11+$0x0] =	vst.idx.msk $0xffff, v0  }
0x8b: {  	v9 =	vld.idx.msk [tilespmem:v10+s2+$0x0], $0xffff;
	_ =	sdelay $0x4  }
0x8c: {  	v10 =	vshll.u32 v9, $0x3  }
0x8d: {  	v9 =	vand.u32 $0x7F, v9;
	v10 =	vand.u32 $0xFFFFFC00, v10  }
0x8e: {  	v9 =	vor.u32 v9, v10  }
0x8f: {  	s30 =	sadd.s32 $0x4E, s15;
	v9 =	vadd.s32 v6, v9  }
0x90: {  	v10 =	vadd.s32 s30, v1;
	_ =	sdelay $0x3  }
0x91: {  	[tilespmem:v9+s11+$0x0] =	vst.idx.msk $0x3ff, v0  }
0x92: {  	v9 =	vld.idx.msk [tilespmem:v10+s2+$0x0], $0xffff;
	_ =	sdelay $0x4  }
0x93: {  	v10 =	vshll.u32 v9, $0x3  }
0x94: {  	v9 =	vand.u32 $0x7F, v9;
	v10 =	vand.u32 $0xFFFFFC00, v10  }
0x95: {  	v9 =	vor.u32 v9, v10  }
0x96: {  	s31 =	sadd.s32 $0x5E, s15;
	v9 =	vadd.s32 v3, v9  }
0x97: {  	v10 =	vadd.s32 s31, v1;
	_ =	sdelay $0x3  }
0x98: {  	[tilespmem:v9+s11+$0x0] =	vst.idx.msk $0xffff, v4  }
0x99: {  	v9 =	vld.idx.msk [tilespmem:v10+s2+$0x0], $0xffff;
	_ =	sdelay $0x4  }
0x9a: {  	v10 =	vshll.u32 v9, $0x3  }
0x9b: {  	v9 =	vand.u32 $0x7F, v9;
	v10 =	vand.u32 $0xFFFFFC00, v10  }
0x9c: {  	v9 =	vor.u32 v9, v10  }
0x9d: {  	v9 =	vadd.s32 v6, v9;
	_ =	sdelay $0x1  }
0x9e: {  	p0 =	sne.s32 s15, $0x2D8  }
.Ltmp4:
0x9f: {  	_ = 	snop;
	(pc) =	sbr.rel @p0 .LBB2_10-.Ltmp4, $4  }
0xa0: {  	_ = 	snop  }
0xa1: {  	[tilespmem:v9+s11+$0x0] =	vst.idx.msk $0x3ff, v4  }
0xa2: {  	[hbm4b:s16+s2] =	stream.linear.scatter [tilespmem:s11], [sflag:$0x2], $0x8000, $0x38;
	[tilespmem:$0x10380] =	vst v63  }
0xa3: {  	s15 =	smov.u32 s26;
	s17 =	sadd.s32 $0x2000, s17;
	s16 =	sadd.s32 $0x2000, s16  }
0xa4: {  	s14 =	sadd.s32 $0x1, s14  }
0xa5: {  	_ =	swait.ge [sflag:s12], $0x8000;
	p0 =	sne.s32 s14, s6  }
.Ltmp5:
0xa6: {  	[sflag:s12] =	ssyncset.done $0x0;
	(pc) =	sbr.rel @p0 .LBB2_1-.Ltmp5, $4  }
0xa7: {  	[sflag:s12] =	ssyncadd.s32 $0xFFFF8000  }
0xa8: {  	_ =	swait.ge [sflag:s13], $0x8000  }
0xa9: {  	[sflag:s13] =	ssyncset.done $0x0  }
0xaa: {  	[sflag:s13] =	ssyncadd.s32 $0xFFFF8000  }
0xab: {  	_ =	sfence.sel $0x180000  }
0xac: {  	[bflag:$0x0] =	sbarrier.arrive $0xFFFF  }
0xad: {  	p0 =	sne.s32 s0, $0x0;
	_ =	strace $0x9000004D  }
0xae: {  	s0 =	sadd.s32 @!p0 $0x100000, s1;
	[bflag:$0x2] =	sbarrier.arrive $0xFFFF  }
0xaf: {  	[sflag:s0] =	ssyncadd.tile.s32 @!p0 $0x1;
	_ =	shalt  }
.Lfunc_end2:
_tile_overlayer_lowered:
.L_overlay_start_2:
0xb0: {  	(tag) =	ssettag $0x2  }
0xb1: {  	s0 =	rddreg [dreg:$0x0];
	s2 =	stileid.u32  }
0xb2: {  	s1 =	rddreg [dreg:$0x1];
	p0 =	sne.s32 s2, $0x0  }
0xb3: {  	s3 =	rddreg [dreg:$0x2];
	[bflag:$0x3] =	sbarrier.arrive $0xFFFF;
	s2 =	simm.s32 @!p0 $0x1C03  }
0xb4: {  	[timem:s3], [sflag:s2] =	dma.local @!p0 [hbm:s0], s1  }
0xb5: {  	s0 =	simm.s32 @!p0 $0x3  }
0xb6: {  	_ =	swait.ge @!p0 [sflag:s0], s1  }
0xb7: {  	s1 =	ssub.s32 @!p0 $0x0, s1;
	[sflag:s0] =	ssyncset.done @!p0 $0x0  }
0xb8: {  	[sflag:s0] =	ssyncadd.s32 @!p0 s1  }
0xb9: {  	[bflag:$0x3] =	sbarrier.arrive $0xFFFF  }
0xba: {  	_ =	shalt  }

// kernel: kernel.6.cloned.1.call-start
scs
__scs_entry_jumppad:
0x0: {  	(pc) =	sbr.rel $0x88, $3  }
0x1: {  	(tag) =	ssettag $0x0;
	lr =	simm.s32 $0x1  }
0x2: {  	[smem:$0x3FA0] =	sst lr;
	_ =	strace $0xD0000000  }
0x3: {  	_ = 	snop  }
0x4: {  	_ = 	snop  }
0x5: {  	_ = 	snop  }
0x6: {  	_ = 	snop  }
0x7: {  	_ = 	snop  }
__scs_overlays_trampoline_lowered:
0x8: {  	[smem:$0x3FAF] =	sst s0  }
0x9: {  	[smem:$0x3FB0] =	sst s1  }
0xa: {  	[smem:$0x3FB1] =	sst s2  }
0xb: {  	[smem:$0x3FB2] =	sst s3  }
0xc: {  	[smem:$0x3FB3] =	sst s4  }
0xd: {  	[smem:$0x3FB4] =	sst s5  }
0xe: {  	[smem:$0x3FB5] =	sst s6  }
0xf: {  	[smem:$0x3FB6] =	sst s7  }
0x10: {  	[smem:$0x3FB7] =	sst s8  }
0x11: {  	[smem:$0x3FB8] =	sst s9;
	s0 =	simm.s32 @!p0 $0x0  }
0x12: {  	s1 =	sld [smem:$0x3F9E];
	s0 =	simm.s32 @p0 $0x1  }
0x13: {  	[smem:$0x3FB9] =	sst s0;
	s0 =	simm.s32 @!p1 $0x0  }
0x14: {  	s2 =	sld [smem:$0x3F9D];
	s0 =	simm.s32 @p1 $0x1  }
0x15: {  	[smem:$0x3FBA] =	sst s0;
	s0 =	simm.s32 @!p2 $0x0  }
0x16: {  	s3 =	sld [smem:$0x3FDB];
	s0 =	simm.s32 @p2 $0x1  }
0x17: {  	s4 =	simm.s32 $0x1BF5;
	[smem:$0x3FBC] =	sst s0  }
0x18: {  	s0 =	sld [smem:$0x3F9F];
	_ =	swait.ge [sflag:s4], $0x0  }
0x19: {  	s7 =	sld [smem:$0x3FA0]  }
0x1a: {  	s8 =	sadd.s32 $0xFFFFE003, lr  }
0x1b: {  	s9 =	sadd.s32 $0xFFFFFEF7, lr;
	s5 =	simm.s32 $0xFFFFFFFF;
	p2 =	slt.u32 s8, $0xFFFFF086  }
0x1c: {  	p1 =	slt.u32 s9, $0xF7A;
	s5 =	simm.s32 @!p2 $0x0  }
0x1d: {  	s5 =	simm.s32 @p1 $0x1;
	p0 =	seq.s32 s7, s2  }
0x1e: {  	s7 =	smul.u32 @!p0 $0xF7A, s2;
	p2 =	seq.s32 @!p0 s5, $0x0  }
0x1f: {  	s9 =	smul.u32 $0xF7A, s1;
	s8 =	simm.s32 @!p0 $0x1BF5;
	p2 =	por !p2, p0  }
0x20: {  	[sflag:s8] =	ssyncset.s32 @!p0 $0xFFFFF086;
	s6 =	sadd.s32 @!p0 s3, s7;
	s7 =	simm.s32 @!p0 $0x108  }
0x21: {  	s3 =	sadd.s32 s3, s9;
	s6 =	sadd.s32 @!p0 $0x88, s6;
	s7 =	simm.s32 @p2 $0x1082  }
0x22: {  	[simem:s7], [sflag:s8] =	dma.local @!p0 [hbm:s6], $0xF7A  }
0x23: {  	s9 =	sor.u32 $0xD0000000, s2;
	s6 =	simm.s32 $0x108;
	_ =	swait.ge @!p0 [sflag:s8], $0x0  }
0x24: {  	s3 =	sadd.s32 $0x88, s3;
	s6 =	simm.s32 @!p1 $0x1082;
	[sflag:s4] =	ssyncset.s32 $0xFFFFF086  }
0x25: {  	[simem:s6], [sflag:s4] =	dma.local [hbm:s3], $0xF7A  }
0x26: {  	[smem:$0x3FA0] =	sst s1;
	(tag) =	ssettag s2;
	_ =	strace s9  }
0x27: {  	s1 =	sld [smem:$0x3FB0]  }
0x28: {  	s2 =	sld [smem:$0x3FB1]  }
0x29: {  	s4 =	sld [smem:$0x3FB3]  }
0x2a: {  	p0 =	seq.s32 s5, $0x0;
	s5 =	sld [smem:$0x3FB4]  }
0x2b: {  	s6 =	sld [smem:$0x3FB5]  }
0x2c: {  	s7 =	sld [smem:$0x3FB6]  }
0x2d: {  	s3 =	simm.s32 $0x108;
	s8 =	sld [smem:$0x3FB7]  }
0x2e: {  	s3 =	simm.s32 @!p0 $0x1082;
	s9 =	sld [smem:$0x3FB8]  }
0x2f: {  	lr =	sadd.s32 s0, s3;
	s0 =	sld [smem:$0x3FAF]  }
0x30: {  	s3 =	sld [smem:$0x3FB2]  }
0x31: {  	[smem:$0x3FBB] =	sst s10  }
0x32: {  	s10 =	sld [smem:$0x3FB9];
	_ =	sdelay $0x3  }
0x33: {  	p0 =	seq.s32 s10, $0x1;
	s10 =	sld [smem:$0x3FBB];
	_ =	sdelay $0x3  }
0x34: {  	[smem:$0x3FBB] =	sst s10  }
0x35: {  	s10 =	sld [smem:$0x3FBA];
	_ =	sdelay $0x3  }
0x36: {  	p1 =	seq.s32 s10, $0x1;
	s10 =	sld [smem:$0x3FBB];
	_ =	sdelay $0x3  }
0x37: {  	[smem:$0x3FBB] =	sst s10  }
0x38: {  	s10 =	sld [smem:$0x3FBC]  }
0x39: {  	_ = 	snop;
	(pc) =	sbr.ind lr, $3  }
0x3a: {  	_ = 	snop  }
0x3b: {  	_ = 	snop  }
0x3c: {  	p2 =	seq.s32 s10, $0x1;
	s10 =	sld [smem:$0x3FBB]  }
0x3d: {  	_ =	shalt  }
0x3e: {  	_ =	shalt  }
0x3f: {  	_ =	shalt  }
0x40: {  	_ =	shalt  }
0x41: {  	_ =	shalt  }
0x42: {  	_ =	shalt  }
0x43: {  	_ =	shalt  }
0x44: {  	_ =	shalt  }
0x45: {  	_ =	shalt  }
0x46: {  	_ =	shalt  }
0x47: {  	_ =	shalt  }
0x48: {  	_ =	shalt  }
0x49: {  	_ =	shalt  }
0x4a: {  	_ =	shalt  }
0x4b: {  	_ =	shalt  }
0x4c: {  	_ =	shalt  }
0x4d: {  	_ =	shalt  }
0x4e: {  	_ =	shalt  }
0x4f: {  	_ =	shalt  }
0x50: {  	_ =	shalt  }
0x51: {  	_ =	shalt  }
0x52: {  	_ =	shalt  }
0x53: {  	_ =	shalt  }
0x54: {  	_ =	shalt  }
0x55: {  	_ =	shalt  }
0x56: {  	_ =	shalt  }
0x57: {  	_ =	shalt  }
0x58: {  	_ =	shalt  }
0x59: {  	_ =	shalt  }
0x5a: {  	_ =	shalt  }
0x5b: {  	_ =	shalt  }
0x5c: {  	_ =	shalt  }
0x5d: {  	_ =	shalt  }
0x5e: {  	_ =	shalt  }
0x5f: {  	_ =	shalt  }
0x60: {  	_ =	shalt  }
0x61: {  	_ =	shalt  }
0x62: {  	_ =	shalt  }
0x63: {  	_ =	shalt  }
0x64: {  	_ =	shalt  }
0x65: {  	_ =	shalt  }
0x66: {  	_ =	shalt  }
0x67: {  	_ =	shalt  }
0x68: {  	_ =	shalt  }
0x69: {  	_ =	shalt  }
0x6a: {  	_ =	shalt  }
0x6b: {  	_ =	shalt  }
0x6c: {  	_ =	shalt  }
0x6d: {  	_ =	shalt  }
0x6e: {  	_ =	shalt  }
0x6f: {  	_ =	shalt  }
0x70: {  	_ =	shalt  }
0x71: {  	_ =	shalt  }
0x72: {  	_ =	shalt  }
0x73: {  	_ =	shalt  }
0x74: {  	_ =	shalt  }
0x75: {  	_ =	shalt  }
0x76: {  	_ =	shalt  }
0x77: {  	_ =	shalt  }
0x78: {  	_ =	shalt  }
0x79: {  	_ =	shalt  }
0x7a: {  	_ =	shalt  }
0x7b: {  	_ =	shalt  }
0x7c: {  	_ =	shalt  }
0x7d: {  	_ =	shalt  }
0x7e: {  	_ =	shalt  }
0x7f: {  	_ =	shalt  }
0x80: {  	_ =	shalt  }
0x81: {  	_ =	shalt  }
0x82: {  	_ =	shalt  }
0x83: {  	_ =	shalt  }
0x84: {  	_ =	shalt  }
0x85: {  	_ =	shalt  }
0x86: {  	_ =	shalt  }
0x87: {  	_ =	shalt  }
.Lfunc_end0:
.L_simem_size_0:
called_computation.1_lowered:
.L_overlay_start_0:
0x88: {  	s2 =	sld [smem:$0x3FD9]  }
0x89: {  	s3 =	sld [smem:$0x3FFE];
	_ =	sdelay $0x1  }
0x8a: {  	s1 =	srdreg.scid  }
0x8b: {  	s0 =	sand.u32 $0x1, s1  }
0x8c: {  	s17 =	sshll.u32 s0, $0xA;
	s2 =	sadd.s32 s3, s2  }
0x8d: {  	s2 =	sadd.s32 s2, s17  }
0x8e: {  	[smem:$0x3FC7] =	sst s2  }
0x8f: {  	_ = 	snop  }
0x90: {  	s18 =	sld [smem:$0x3FD0];
	(tm) =	ssettm $0x1  }
0x91: {  	s19 =	sld [smem:$0x3FFB];
	_ =	sdelay $0x3  }
0x92: {  	_ =	strace s19  }
0x93: {  	s2 =	sld [smem:$0x3FFC];
	_ =	sdelay $0x3  }
0x94: {  	_ =	strace s2  }
0x95: {  	s2 =	sld [smem:$0x3FFD];
	_ =	sdelay $0x3  }
0x96: {  	_ =	strace s2  }
0x97: {  	_ =	strace $0x8FFFFFFF  }
0x98: {  	s20 =	sld [smem:$0x3FDB];
	_ =	sdelay $0x1  }
0x99: {  	s4 =	simm.s32 $_scs_section_size  }
0x9a: {  	s5 =	simm.s32 $_size__tile_overlayer_lowered;
	s6 =	simm.s32 $_tile_overlayer_lowered  }
0x9b: {  	s7 =	simm.s32 $0x1BFF;
	s21 =	sshll.u32 s6, $0x1;
	s4 =	sadd.s32 s4, s20  }
0x9c: {  	s22 =	simm.s32 $0x0;
	s5 =	sshll.u32 s5, $0x1;
	s6 =	sadd.s32 s21, s4  }
0x9d: {  	[timem:s22], [sflag:s7] =	dma.local [hbm:s6], s5  }
0x9e: {  	_ =	swait.ge [sflag:s7], s5  }
0x9f: {  	s5 =	ssub.s32 $0x0, s5;
	[sflag:s7] =	ssyncset.done $0x0  }
0xa0: {  	[sflag:s7] =	ssyncadd.s32 s5;
	_ =	sdelay $0x1  }
0xa1: {  	s23 =	simm.s32 $0x1B8B  }
0xa2: {  	_ =	swait.ge [sflag:s23], $0x1  }
0xa3: {  	[sflag:s23] =	ssyncset.done $0x0  }
0xa4: {  	[sflag:s23] =	ssyncadd.s32 $0xFFFFFFFF  }
0xa5: {  	s5 =	sld [smem:$0x0]  }
0xa6: {  	s6 =	sand.u32 $0xFFFFFFFE, s1  }
0xa7: {  	p0 =	sne.s32 s1, s6  }
0xa8: {  	s6 =	sshll.u32 @p0 s6, $0xE  }
0xa9: {  	s6 =	sadd.s32 @p0 $0x11B8D, s6;
	s7 =	sshll.u32 @p0 s5, $0x11  }
0xaa: {  	s6 =	sor.u32 @p0 s7, s6  }
0xab: {  	[sflag:s6] =	ssyncadd.remote.s32 @p0 $0x1;
	_ =	sdelay $0x1  }
0xac: {  	s6 =	simm.s32 @p0 $0x1B8D  }
0xad: {  	_ =	swait.eq @p0 [sflag:s6], $0x1  }
0xae: {  	[sflag:s6] =	ssyncadd.s32 @p0 $0xFFFFFFFF  }
0xaf: {  	s7 =	sshll.u32 @!p0 s1, $0xE  }
0xb0: {  	s7 =	sor.u32 @!p0 $0x4000, s7;
	s6 =	simm.s32 @!p0 $0x1B8D  }
0xb1: {  	s5 =	sshll.u32 @!p0 s5, $0x11;
	s7 =	sadd.s32 @!p0 $0x11B8D, s7;
	_ =	swait.eq @!p0 [sflag:s6], $0x1  }
0xb2: {  	s5 =	sor.u32 @!p0 s5, s7;
	[sflag:s6] =	ssyncadd.s32 @!p0 $0xFFFFFFFF  }
0xb3: {  	s25 =	simm.s32 $0x1B8E;
	s24 =	sld [smem:$0x3FFE];
	[sflag:s5] =	ssyncadd.remote.s32 @!p0 $0x1  }
0xb4: {  	s26 =	simm.s32 $execute0_lowered;
	[smem:$0x3FD2] =	sst s25  }
0xb5: {  	s6 =	sshll.u32 s26, $0x1;
	_ =	strace $0x8000004F;
	[dreg:$0x1] =	wrdreg $0xFFFFFFFF  }
0xb6: {  	s28 =	simm.s32 $_size_execute0_lowered;
	s4 =	sadd.s32 s4, s6;
	[dreg:$0x0] =	wrdreg $0x0  }
0xb7: {  	s6 =	sshll.u32 s28, $0x1;
	[dreg:$0x2] =	wrdreg s4  }
0xb8: {  	[dreg:$0x3] =	wrdreg s6  }
0xb9: {  	[dreg:$0x4] =	wrdreg $0xC0  }
0xba: {  	_ =	task [dreg:s22], $0x5FFFF  }
0xbb: {  	[dreg:$0x1] =	wrdreg $0xFFFFFFFF  }
0xbc: {  	[dreg:$0x0] =	wrdreg $0x60  }
0xbd: {  	[dreg:$0x2] =	wrdreg s24  }
0xbe: {  	[dreg:$0x3] =	wrdreg s18  }
0xbf: {  	[dreg:$0x4] =	wrdreg $0x9  }
0xc0: {  	_ =	task.clear_ibuf [dreg:s22], $0x5FFFF;
	_ =	strace $0x9000004F  }
0xc1: {  	s29 =	simm.s32 $0x9;
	_ =	strace $0x80000051  }
0xc2: {  	_ =	swait.ge [sflag:s29], $0x1  }
0xc3: {  	[sflag:s29] =	ssyncadd.s32 $0xFFFFFFFF  }
0xc4: {  	_ =	strace $0x90000051  }
0xc5: {  	_ =	sfence  }
0xc6: {  	s30 =	sld [smem:$0x0];
	_ =	sdelay $0x2  }
0xc7: {  	s31 =	sshll.u32 s1, $0xD;
	s1 =	sshrl.u32 s1, $0x2  }
0xc8: {  	s4 =	sand.u32 $0x4000, s31;
	s1 =	sadd.s32 s1, s30  }
0xc9: {  	s0 =	sor.u32 s4, s0;
	s1 =	sshll.u32 s1, $0x11  }
0xca: {  	s0 =	sor.u32 s1, s0  }
0xcb: {  	s0 =	sadd.s32 $0x8F2B, s0  }
0xcc: {  	[sflag:s0] =	ssyncadd.remote.s32 $0x1  }
0xcd: {  	_ =	sfence.sel $0xFFFF  }
0xce: {  	[dreg:$0x0] =	wrdreg $0xFFFFFFFF;
	(pc) =	sbr.abs _section_cstart, $3  }
0xcf: {  	[dreg:$0x1] =	wrdreg $0xFFFFFFFF  }
0xd0: {  	_ =	task.clear_ibuf [dreg:s22], $0x2FFFF;
	_ =	strace $0x9FFFFFFF  }
0xd1: {  	(tm) =	ssettm $0x7FFFFFFF  }
tec
execute0_lowered:
.L_overlay_start_1:
0x0: {  	(tag) =	ssettag $0x1  }
0x1: {  	v0 =	vimm.f32 $0.0e+00;
	v2 =	vimm.s32 $0x2380;
	vm0 =	vcmask $0x300  }
0x2: {  	v1 =	vlaneseq.u32;
	vm1 =	vcmask $0x704;
	vm2 =	vcmask $0xB08  }
0x3: {  	v3 =	vimm.s32 $0x8280;
	vm3 =	vcmask $0xF0C;
	vm15 =	vcmask $0x1310  }
0x4: {  	vm6 =	vcmask $0x1714;
	v2 =	vsel vm0, $0x0, v2;
	v3 =	vsel vm0, $0x4000, v3  }
0x5: {  	vm7 =	vcmask $0x1B18;
	v2 =	vsel vm1, $0x80, v2;
	v3 =	vsel vm1, $0x4080, v3  }
0x6: {  	vm8 =	vcmask $0x1F1C;
	v2 =	vsel vm2, $0x100, v2;
	v3 =	vsel vm2, $0x4100, v3  }
0x7: {  	s1 =	srdreg.scid;
	vm9 =	vcmask $0x2320;
	v2 =	vsel vm3, $0x180, v2;
	v3 =	vsel vm3, $0x4180, v3  }
0x8: {  	s0 =	stileid.u32;
	s3 =	rddreg [dreg:$0x0];
	vm10 =	vcmask $0x2724;
	v2 =	vsel vm15, $0x200, v2;
	v3 =	vsel vm15, $0x4200, v3  }
0x9: {  	s6 =	rddreg [dreg:$0x1];
	s2 =	simm.s32 $0x0;
	vm11 =	vcmask $0x2B28;
	s10 =	simm.s32 $0x380;
	v2 =	vsel vm6, $0x280, v2;
	v3 =	vsel vm6, $0x4280, v3  }
0xa: {  	vm12 =	vcmask $0x2F2C;
	s11 =	simm.s32 $0x8380;
	s12 =	simm.s32 $0x1;
	s13 =	simm.s32 $0x2;
	v2 =	vsel vm7, $0x300, v2;
	v3 =	vsel vm7, $0x4300, v3  }
0xb: {  	vm13 =	vcmask $0x3330;
	s14 =	simm.s32 $0x0;
	s4 =	sand.u32 $0x1, s1;
	s1 =	rddreg [dreg:$0x2];
	v2 =	vsel vm8, $0x380, v2;
	v3 =	vsel vm8, $0x4380, v3  }
0xc: {  	vm14 =	vcmask $0x3734;
	s30 =	sshll.u32 s0, $0x1;
	[smem:$0x7FF] =	sst s2;
	s9 =	sshll.u32 s0, $0x12;
	v2 =	vsel vm9, $0x2000, v2;
	v3 =	vsel vm9, $0x6000, v3  }
0xd: {  	v7 =	vadd.s32 $0x1A, v1;
	s5 =	sor.u32 s4, s30;
	s8 =	ssub.s32 $0x2, s4;
	_ =	strace $0x80000050;
	v2 =	vsel vm10, $0x2080, v2;
	v3 =	vsel vm10, $0x6080, v3  }
0xe: {  	v8 =	vadd.s32 $0x2A, v1;
	s4 =	sshll.u32 s4, $0x11;
	s7 =	smul.u32 $0x68, s5;
	s31 =	sshrl.u32 s8, $0x1;
	v2 =	vsel vm11, $0x2100, v2;
	v3 =	vsel vm11, $0x8000, v3  }
0xf: {  	s5 =	sshll.u32 s5, $0x11;
	s9 =	sor.u32 s4, s9;
	s8 =	ssub.s32 s8, s31;
	vm15 =	vcmask $0x3B38;
	v2 =	vsel vm12, $0x2180, v2;
	v5 =	vsel vm12, $0x8080, v3  }
0x10: {  	s9 =	sadd.s32 s9, s6;
	s7 =	sadd.s32 s7, s3;
	s3 =	sadd.s32 s6, s5;
	v2 =	vsel vm13, $0x2200, v2;
	v6 =	vsel vm13, $0x8100, v5;
	v5 =	vor.u32 $0x10, v1  }
0x11: {  	s6 =	smax.u32 s8, $0x1;
	s8 =	sadd.s32 $0x3000, s9;
	s4 =	sadd.s32 $0xC04400, s7;
	v4 =	vsel vm14, $0x2280, v2;
	v2 =	vor.u32 $0x1C60, v1;
	v6 =	vsel vm14, $0x8180, v6  }
0x12: {  	s5 =	sadd.s32 $0x1000, s3;
	s7 =	sadd.s32 $0x2000, s9;
	s9 =	simm.s32 $0x3;
	v3 =	vsel vm15, $0x2300, v4;
	v4 =	vimm.f32 $1.000000000e+00;
	v6 =	vsel vm15, $0x8200, v6  }
.LBB2_1:
0x13: {  	[tilespmem:s2], [sflag:$0x3] =	stream.linear.gather [hbm4b:s4+s2], $0x340, $0x38;
	[tilespmem:$0x10380] =	vst v63  }
0x14: {  	_ =	swait.ge [sflag:s9], $0x340  }
0x15: {  	[sflag:s9] =	ssyncset.done $0x0  }
0x16: {  	s16 =	simm.s32 $0x0;
	[sflag:s9] =	ssyncadd.s32 $0xFFFFFCC0  }
.LBB2_2:
0x17: {  	s15 =	sshll.u32 s16, $0xA;
	s17 =	sshll.u32 s16, $0x7  }
0x18: {  	s15 =	sand.u32 $0x6000, s15;
	s17 =	sand.u32 $0x380, s17  }
0x19: {  	s17 =	sor.u32 s17, s15;
	s15 =	simm.s32 $0x0  }
0x1a: {  	s17 =	sadd.s32 $0x380, s17;
	s18 =	sand.u32 $0x1C00, s15  }
0x1b: {  	s19 =	sand.u32 $0x70, s15;
	s20 =	sadd.s32 s18, s17  }
0x1c: {  	s18 =	simm.s32 $0x10;
	s19 =	sadd.s32 s19, s20  }
.LBB2_3:
0x1d: {  	p0 =	sne.s32 s18, $0x3D0  }
0x1e: {  	[tilespmem:s19+$0x0] =	vst v0;
	s15 =	sadd.s32 $0x80, s15;
	s19 =	smov.u32 s18;
	s18 =	sadd.s32 $0x10, s18  }
.Ltmp0:
0x1f: {  	(pc) =	sbr.rel @p0 .LBB2_3-.Ltmp0, $4  }
0x20: {  	_ = 	snop  }
0x21: {  	s20 =	sand.u32 $0x1C00, s15  }
0x22: {  	s19 =	sand.u32 $0x70, s19;
	s20 =	sadd.s32 s20, s17  }
0x23: {  	s19 =	sadd.s32 s19, s20  }
0x24: {  	v9 =	vmov s16  }
0x25: {  	v10 =	vshll.u32 v9, $0x7  }
0x26: {  	v9 =	vshll.u32 v9, $0xA;
	v10 =	vand.u32 $0x380, v10  }
0x27: {  	s16 =	sadd.s32 $0x1, s16;
	v9 =	vor.u32 v10, v9  }
0x28: {  	p0 =	sne.s32 s16, $0x1A;
	v9 =	vor.u32 v2, v9  }
.Ltmp1:
0x29: {  	_ = 	snop;
	(pc) =	sbr.rel @p0 .LBB2_2-.Ltmp1, $3  }
0x2a: {  	_ =	sdelay $0x1  }
0x2b: {  	[tilespmem:s19+$0x0] =	vst v0  }
0x2c: {  	s15 =	simm.s32 $0x0;
	[tilespmem:v9+s10+$0x0] =	vst.idx.msk $0xff, v0  }
0x2d: {  	s16 =	simm.s32 $0x0  }
.LBB2_6:
0x2e: {  	s17 =	sshll.u32 s16, $0xA;
	s18 =	sshll.u32 s16, $0x7  }
0x2f: {  	s17 =	sand.u32 $0x6000, s17;
	s18 =	sand.u32 $0x380, s18  }
0x30: {  	s17 =	sor.u32 s18, s17  }
0x31: {  	s31 =	sand.u32 $0x1C00, s15;
	s17 =	sadd.s32 $0x8380, s17  }
0x32: {  	s19 =	sand.u32 $0x70, s15;
	s20 =	sadd.s32 s31, s17  }
0x33: {  	s18 =	simm.s32 $0x10;
	s20 =	sadd.s32 s19, s20;
	s19 =	simm.s32 $0x0  }
.LBB2_7:
0x34: {  	p0 =	sne.s32 s18, $0x3D0  }
0x35: {  	[tilespmem:s20+$0x0] =	vst v0;
	s19 =	sadd.s32 $0x80, s19;
	s20 =	smov.u32 s18;
	s18 =	sadd.s32 $0x10, s18  }
.Ltmp2:
0x36: {  	(pc) =	sbr.rel @p0 .LBB2_7-.Ltmp2, $4  }
0x37: {  	_ = 	snop  }
0x38: {  	s21 =	sand.u32 $0x1C00, s19  }
0x39: {  	s20 =	sand.u32 $0x70, s20;
	s21 =	sadd.s32 s21, s17  }
0x3a: {  	s20 =	sadd.s32 s20, s21  }
0x3b: {  	v9 =	vmov s16  }
0x3c: {  	v10 =	vshll.u32 v9, $0x7  }
0x3d: {  	v9 =	vshll.u32 v9, $0xA;
	v10 =	vand.u32 $0x380, v10  }
0x3e: {  	s16 =	sadd.s32 $0x1, s16;
	v9 =	vor.u32 v10, v9  }
0x3f: {  	p0 =	sne.s32 s16, $0x1A;
	v9 =	vor.u32 v2, v9  }
.Ltmp3:
0x40: {  	_ = 	snop;
	(pc) =	sbr.rel @p0 .LBB2_6-.Ltmp3, $3  }
0x41: {  	_ =	sdelay $0x1  }
0x42: {  	[tilespmem:s20+$0x0] =	vst v0  }
0x43: {  	[tilespmem:v9+s11+$0x0] =	vst.idx.msk $0xff, v0  }
0x44: {  	_ =	sdelay $0x2  }
0x45: {  	s15 =	simm.s32 $0x0  }
0x46: {  	v9 =	vld.idx.msk [tilespmem:v1+s15+$0x0], $0xffff;
	_ =	sdelay $0x4  }
0x47: {  	v10 =	vshll.u32 v9, $0x3  }
0x48: {  	v9 =	vand.u32 $0x7F, v9;
	v10 =	vand.u32 $0xFFFFFC00, v10  }
0x49: {  	v9 =	vor.u32 v9, v10  }
0x4a: {  	v9 =	vadd.s32 v3, v9;
	_ =	sdelay $0x4  }
0x4b: {  	[tilespmem:v9+s10+$0x0] =	vst.idx.msk $0xffff, v4  }
0x4c: {  	v9 =	vld.idx.msk [tilespmem:v5+s15+$0x0], $0xffff;
	_ =	sdelay $0x4  }
0x4d: {  	v10 =	vshll.u32 v9, $0x3  }
0x4e: {  	v9 =	vand.u32 $0x7F, v9;
	v10 =	vand.u32 $0xFFFFFC00, v10  }
0x4f: {  	v9 =	vor.u32 v9, v10  }
0x50: {  	v9 =	vadd.s32 v6, v9;
	_ =	sdelay $0x4  }
0x51: {  	[tilespmem:v9+s10+$0x0] =	vst.idx.msk $0x3ff, v4  }
0x52: {  	[hbm4b:s3+s15] =	stream.linear.scatter [tilespmem:s10], [sflag:$0x1], $0x8000, $0x38;
	[tilespmem:$0x10380] =	vst v63  }
0x53: {  	v9 =	vld.idx.msk [tilespmem:v7+s15+$0x0], $0xffff;
	_ =	sdelay $0x4  }
0x54: {  	v10 =	vshll.u32 v9, $0x3  }
0x55: {  	v9 =	vand.u32 $0x7F, v9;
	v10 =	vand.u32 $0xFFFFFC00, v10  }
0x56: {  	v9 =	vor.u32 v9, v10  }
0x57: {  	v9 =	vadd.s32 v3, v9;
	_ =	sdelay $0x4  }
0x58: {  	[tilespmem:v9+s11+$0x0] =	vst.idx.msk $0xffff, v4  }
0x59: {  	v9 =	vld.idx.msk [tilespmem:v8+s15+$0x0], $0xffff;
	_ =	sdelay $0x4  }
0x5a: {  	v10 =	vshll.u32 v9, $0x3  }
0x5b: {  	v9 =	vand.u32 $0x7F, v9;
	v10 =	vand.u32 $0xFFFFFC00, v10  }
0x5c: {  	v9 =	vor.u32 v9, v10  }
0x5d: {  	v9 =	vadd.s32 v6, v9;
	_ =	sdelay $0x4  }
0x5e: {  	s16 =	smov.u32 s8;
	s17 =	smov.u32 s7;
	[tilespmem:v9+s11+$0x0] =	vst.idx.msk $0x3ff, v4  }
0x5f: {  	[hbm4b:s5+s15] =	stream.linear.scatter [tilespmem:s11], [sflag:$0x2], $0x8000, $0x38;
	[tilespmem:$0x10380] =	vst v63  }
.LBB2_10:
0x60: {  	v9 =	vadd.s32 s15, v1;
	_ =	sdelay $0x1  }
0x61: {  	_ =	swait.ge [sflag:s12], $0x8000  }
0x62: {  	[sflag:s12] =	ssyncset.done $0x0  }
0x63: {  	[sflag:s12] =	ssyncadd.s32 $0xFFFF8000  }
0x64: {  	v9 =	vld.idx.msk [tilespmem:v9+s2+$0x0], $0xffff;
	_ =	sdelay $0x4  }
0x65: {  	v10 =	vshll.u32 v9, $0x3  }
0x66: {  	v9 =	vand.u32 $0x7F, v9;
	v10 =	vand.u32 $0xFFFFFC00, v10  }
0x67: {  	v9 =	vor.u32 v9, v10  }
0x68: {  	s18 =	sadd.s32 $0x10, s15;
	v9 =	vadd.s32 v3, v9  }
0x69: {  	v10 =	vadd.s32 s18, v1;
	_ =	sdelay $0x3  }
0x6a: {  	[tilespmem:v9+s10+$0x0] =	vst.idx.msk $0xffff, v0  }
0x6b: {  	v9 =	vld.idx.msk [tilespmem:v10+s2+$0x0], $0xffff;
	_ =	sdelay $0x4  }
0x6c: {  	v10 =	vshll.u32 v9, $0x3  }
0x6d: {  	v9 =	vand.u32 $0x7F, v9;
	v10 =	vand.u32 $0xFFFFFC00, v10  }
0x6e: {  	v9 =	vor.u32 v9, v10  }
0x6f: {  	s26 =	sadd.s32 $0x34, s15;
	v9 =	vadd.s32 v6, v9  }
0x70: {  	v10 =	vadd.s32 s26, v1;
	_ =	sdelay $0x3  }
0x71: {  	[tilespmem:v9+s10+$0x0] =	vst.idx.msk $0x3ff, v0  }
0x72: {  	v9 =	vld.idx.msk [tilespmem:v10+s2+$0x0], $0xffff;
	_ =	sdelay $0x4  }
0x73: {  	v10 =	vshll.u32 v9, $0x3  }
0x74: {  	v9 =	vand.u32 $0x7F, v9;
	v10 =	vand.u32 $0xFFFFFC00, v10  }
0x75: {  	v9 =	vor.u32 v9, v10  }
0x76: {  	s19 =	sadd.s32 $0x44, s15;
	v9 =	vadd.s32 v3, v9  }
0x77: {  	v10 =	vadd.s32 s19, v1;
	_ =	sdelay $0x3  }
0x78: {  	[tilespmem:v9+s10+$0x0] =	vst.idx.msk $0xffff, v4  }
0x79: {  	v9 =	vld.idx.msk [tilespmem:v10+s2+$0x0], $0xffff;
	_ =	sdelay $0x4  }
0x7a: {  	v10 =	vshll.u32 v9, $0x3  }
0x7b: {  	v9 =	vand.u32 $0x7F, v9;
	v10 =	vand.u32 $0xFFFFFC00, v10  }
0x7c: {  	v9 =	vor.u32 v9, v10  }
0x7d: {  	v9 =	vadd.s32 v6, v9;
	_ =	sdelay $0x3  }
0x7e: {  	s28 =	sadd.s32 $0x1A, s15  }
0x7f: {  	[tilespmem:v9+s10+$0x0] =	vst.idx.msk $0x3ff, v4;
	v9 =	vadd.s32 s28, v1  }
0x80: {  	[hbm4b:s17+s2] =	stream.linear.scatter [tilespmem:s10], [sflag:$0x1], $0x8000, $0x38;
	[tilespmem:$0x10380] =	vst v63  }
0x81: {  	_ =	swait.ge [sflag:s13], $0x8000  }
0x82: {  	[sflag:s13] =	ssyncset.done $0x0  }
0x83: {  	[sflag:s13] =	ssyncadd.s32 $0xFFFF8000  }
0x84: {  	v9 =	vld.idx.msk [tilespmem:v9+s2+$0x0], $0xffff;
	_ =	sdelay $0x4  }
0x85: {  	v10 =	vshll.u32 v9, $0x3  }
0x86: {  	v9 =	vand.u32 $0x7F, v9;
	v10 =	vand.u32 $0xFFFFFC00, v10  }
0x87: {  	v9 =	vor.u32 v9, v10  }
0x88: {  	s29 =	sadd.s32 $0x2A, s15;
	v9 =	vadd.s32 v3, v9  }
0x89: {  	v10 =	vadd.s32 s29, v1;
	_ =	sdelay $0x3  }
0x8a: {  	[tilespmem:v9+s11+$0x0] =	vst.idx.msk $0xffff, v0  }
0x8b: {  	v9 =	vld.idx.msk [tilespmem:v10+s2+$0x0], $0xffff;
	_ =	sdelay $0x4  }
0x8c: {  	v10 =	vshll.u32 v9, $0x3  }
0x8d: {  	v9 =	vand.u32 $0x7F, v9;
	v10 =	vand.u32 $0xFFFFFC00, v10  }
0x8e: {  	v9 =	vor.u32 v9, v10  }
0x8f: {  	s30 =	sadd.s32 $0x4E, s15;
	v9 =	vadd.s32 v6, v9  }
0x90: {  	v10 =	vadd.s32 s30, v1;
	_ =	sdelay $0x3  }
0x91: {  	[tilespmem:v9+s11+$0x0] =	vst.idx.msk $0x3ff, v0  }
0x92: {  	v9 =	vld.idx.msk [tilespmem:v10+s2+$0x0], $0xffff;
	_ =	sdelay $0x4  }
0x93: {  	v10 =	vshll.u32 v9, $0x3  }
0x94: {  	v9 =	vand.u32 $0x7F, v9;
	v10 =	vand.u32 $0xFFFFFC00, v10  }
0x95: {  	v9 =	vor.u32 v9, v10  }
0x96: {  	s31 =	sadd.s32 $0x5E, s15;
	v9 =	vadd.s32 v3, v9  }
0x97: {  	v10 =	vadd.s32 s31, v1;
	_ =	sdelay $0x3  }
0x98: {  	[tilespmem:v9+s11+$0x0] =	vst.idx.msk $0xffff, v4  }
0x99: {  	v9 =	vld.idx.msk [tilespmem:v10+s2+$0x0], $0xffff;
	_ =	sdelay $0x4  }
0x9a: {  	v10 =	vshll.u32 v9, $0x3  }
0x9b: {  	v9 =	vand.u32 $0x7F, v9;
	v10 =	vand.u32 $0xFFFFFC00, v10  }
0x9c: {  	v9 =	vor.u32 v9, v10  }
0x9d: {  	v9 =	vadd.s32 v6, v9;
	_ =	sdelay $0x1  }
0x9e: {  	p0 =	sne.s32 s15, $0x2D8  }
.Ltmp4:
0x9f: {  	_ = 	snop;
	(pc) =	sbr.rel @p0 .LBB2_10-.Ltmp4, $4  }
0xa0: {  	_ = 	snop  }
0xa1: {  	[tilespmem:v9+s11+$0x0] =	vst.idx.msk $0x3ff, v4  }
0xa2: {  	[hbm4b:s16+s2] =	stream.linear.scatter [tilespmem:s11], [sflag:$0x2], $0x8000, $0x38;
	[tilespmem:$0x10380] =	vst v63  }
0xa3: {  	s15 =	smov.u32 s26;
	s17 =	sadd.s32 $0x2000, s17;
	s16 =	sadd.s32 $0x2000, s16  }
0xa4: {  	s14 =	sadd.s32 $0x1, s14  }
0xa5: {  	_ =	swait.ge [sflag:s12], $0x8000;
	p0 =	sne.s32 s14, s6  }
.Ltmp5:
0xa6: {  	[sflag:s12] =	ssyncset.done $0x0;
	(pc) =	sbr.rel @p0 .LBB2_1-.Ltmp5, $4  }
0xa7: {  	[sflag:s12] =	ssyncadd.s32 $0xFFFF8000  }
0xa8: {  	_ =	swait.ge [sflag:s13], $0x8000  }
0xa9: {  	[sflag:s13] =	ssyncset.done $0x0  }
0xaa: {  	[sflag:s13] =	ssyncadd.s32 $0xFFFF8000  }
0xab: {  	_ =	sfence.sel $0x180000  }
0xac: {  	[bflag:$0x0] =	sbarrier.arrive $0xFFFF  }
0xad: {  	p0 =	sne.s32 s0, $0x0;
	_ =	strace $0x90000050  }
0xae: {  	s0 =	sadd.s32 @!p0 $0x100000, s1;
	[bflag:$0x2] =	sbarrier.arrive $0xFFFF  }
0xaf: {  	[sflag:s0] =	ssyncadd.tile.s32 @!p0 $0x1;
	_ =	shalt  }
.Lfunc_end2:
_tile_overlayer_lowered:
.L_overlay_start_2:
0xb0: {  	(tag) =	ssettag $0x2  }
0xb1: {  	s0 =	rddreg [dreg:$0x0];
	s2 =	stileid.u32  }
0xb2: {  	s1 =	rddreg [dreg:$0x1];
	p0 =	sne.s32 s2, $0x0  }
0xb3: {  	s3 =	rddreg [dreg:$0x2];
	[bflag:$0x3] =	sbarrier.arrive $0xFFFF;
	s2 =	simm.s32 @!p0 $0x1C03  }
0xb4: {  	[timem:s3], [sflag:s2] =	dma.local @!p0 [hbm:s0], s1  }
0xb5: {  	s0 =	simm.s32 @!p0 $0x3  }
0xb6: {  	_ =	swait.ge @!p0 [sflag:s0], s1  }
0xb7: {  	s1 =	ssub.s32 @!p0 $0x0, s1;
	[sflag:s0] =	ssyncset.done @!p0 $0x0  }
0xb8: {  	[sflag:s0] =	ssyncadd.s32 @!p0 s1  }
0xb9: {  	[bflag:$0x3] =	sbarrier.arrive $0xFFFF  }
0xba: {  	_ =	shalt  }

// kernel: kernel.9.cloned.1.call-start
scs
__scs_entry_jumppad:
0x0: {  	(pc) =	sbr.rel $0x88, $3  }
0x1: {  	(tag) =	ssettag $0x0;
	lr =	simm.s32 $0x1  }
0x2: {  	[smem:$0x3FA0] =	sst lr;
	_ =	strace $0xD0000000  }
0x3: {  	_ = 	snop  }
0x4: {  	_ = 	snop  }
0x5: {  	_ = 	snop  }
0x6: {  	_ = 	snop  }
0x7: {  	_ = 	snop  }
__scs_overlays_trampoline_lowered:
0x8: {  	[smem:$0x3FAF] =	sst s0  }
0x9: {  	[smem:$0x3FB0] =	sst s1  }
0xa: {  	[smem:$0x3FB1] =	sst s2  }
0xb: {  	[smem:$0x3FB2] =	sst s3  }
0xc: {  	[smem:$0x3FB3] =	sst s4  }
0xd: {  	[smem:$0x3FB4] =	sst s5  }
0xe: {  	[smem:$0x3FB5] =	sst s6  }
0xf: {  	[smem:$0x3FB6] =	sst s7  }
0x10: {  	[smem:$0x3FB7] =	sst s8  }
0x11: {  	[smem:$0x3FB8] =	sst s9;
	s0 =	simm.s32 @!p0 $0x0  }
0x12: {  	s1 =	sld [smem:$0x3F9E];
	s0 =	simm.s32 @p0 $0x1  }
0x13: {  	[smem:$0x3FB9] =	sst s0;
	s0 =	simm.s32 @!p1 $0x0  }
0x14: {  	s2 =	sld [smem:$0x3F9D];
	s0 =	simm.s32 @p1 $0x1  }
0x15: {  	[smem:$0x3FBA] =	sst s0;
	s0 =	simm.s32 @!p2 $0x0  }
0x16: {  	s3 =	sld [smem:$0x3FDB];
	s0 =	simm.s32 @p2 $0x1  }
0x17: {  	s4 =	simm.s32 $0x1BF5;
	[smem:$0x3FBC] =	sst s0  }
0x18: {  	s0 =	sld [smem:$0x3F9F];
	_ =	swait.ge [sflag:s4], $0x0  }
0x19: {  	s7 =	sld [smem:$0x3FA0]  }
0x1a: {  	s8 =	sadd.s32 $0xFFFFE003, lr  }
0x1b: {  	s9 =	sadd.s32 $0xFFFFFEF7, lr;
	s5 =	simm.s32 $0xFFFFFFFF;
	p2 =	slt.u32 s8, $0xFFFFF086  }
0x1c: {  	p1 =	slt.u32 s9, $0xF7A;
	s5 =	simm.s32 @!p2 $0x0  }
0x1d: {  	s5 =	simm.s32 @p1 $0x1;
	p0 =	seq.s32 s7, s2  }
0x1e: {  	s7 =	smul.u32 @!p0 $0xF7A, s2;
	p2 =	seq.s32 @!p0 s5, $0x0  }
0x1f: {  	s9 =	smul.u32 $0xF7A, s1;
	s8 =	simm.s32 @!p0 $0x1BF5;
	p2 =	por !p2, p0  }
0x20: {  	[sflag:s8] =	ssyncset.s32 @!p0 $0xFFFFF086;
	s6 =	sadd.s32 @!p0 s3, s7;
	s7 =	simm.s32 @!p0 $0x108  }
0x21: {  	s3 =	sadd.s32 s3, s9;
	s6 =	sadd.s32 @!p0 $0x88, s6;
	s7 =	simm.s32 @p2 $0x1082  }
0x22: {  	[simem:s7], [sflag:s8] =	dma.local @!p0 [hbm:s6], $0xF7A  }
0x23: {  	s9 =	sor.u32 $0xD0000000, s2;
	s6 =	simm.s32 $0x108;
	_ =	swait.ge @!p0 [sflag:s8], $0x0  }
0x24: {  	s3 =	sadd.s32 $0x88, s3;
	s6 =	simm.s32 @!p1 $0x1082;
	[sflag:s4] =	ssyncset.s32 $0xFFFFF086  }
0x25: {  	[simem:s6], [sflag:s4] =	dma.local [hbm:s3], $0xF7A  }
0x26: {  	[smem:$0x3FA0] =	sst s1;
	(tag) =	ssettag s2;
	_ =	strace s9  }
0x27: {  	s1 =	sld [smem:$0x3FB0]  }
0x28: {  	s2 =	sld [smem:$0x3FB1]  }
0x29: {  	s4 =	sld [smem:$0x3FB3]  }
0x2a: {  	p0 =	seq.s32 s5, $0x0;
	s5 =	sld [smem:$0x3FB4]  }
0x2b: {  	s6 =	sld [smem:$0x3FB5]  }
0x2c: {  	s7 =	sld [smem:$0x3FB6]  }
0x2d: {  	s3 =	simm.s32 $0x108;
	s8 =	sld [smem:$0x3FB7]  }
0x2e: {  	s3 =	simm.s32 @!p0 $0x1082;
	s9 =	sld [smem:$0x3FB8]  }
0x2f: {  	lr =	sadd.s32 s0, s3;
	s0 =	sld [smem:$0x3FAF]  }
0x30: {  	s3 =	sld [smem:$0x3FB2]  }
0x31: {  	[smem:$0x3FBB] =	sst s10  }
0x32: {  	s10 =	sld [smem:$0x3FB9];
	_ =	sdelay $0x3  }
0x33: {  	p0 =	seq.s32 s10, $0x1;
	s10 =	sld [smem:$0x3FBB];
	_ =	sdelay $0x3  }
0x34: {  	[smem:$0x3FBB] =	sst s10  }
0x35: {  	s10 =	sld [smem:$0x3FBA];
	_ =	sdelay $0x3  }
0x36: {  	p1 =	seq.s32 s10, $0x1;
	s10 =	sld [smem:$0x3FBB];
	_ =	sdelay $0x3  }
0x37: {  	[smem:$0x3FBB] =	sst s10  }
0x38: {  	s10 =	sld [smem:$0x3FBC]  }
0x39: {  	_ = 	snop;
	(pc) =	sbr.ind lr, $3  }
0x3a: {  	_ = 	snop  }
0x3b: {  	_ = 	snop  }
0x3c: {  	p2 =	seq.s32 s10, $0x1;
	s10 =	sld [smem:$0x3FBB]  }
0x3d: {  	_ =	shalt  }
0x3e: {  	_ =	shalt  }
0x3f: {  	_ =	shalt  }
0x40: {  	_ =	shalt  }
0x41: {  	_ =	shalt  }
0x42: {  	_ =	shalt  }
0x43: {  	_ =	shalt  }
0x44: {  	_ =	shalt  }
0x45: {  	_ =	shalt  }
0x46: {  	_ =	shalt  }
0x47: {  	_ =	shalt  }
0x48: {  	_ =	shalt  }
0x49: {  	_ =	shalt  }
0x4a: {  	_ =	shalt  }
0x4b: {  	_ =	shalt  }
0x4c: {  	_ =	shalt  }
0x4d: {  	_ =	shalt  }
0x4e: {  	_ =	shalt  }
0x4f: {  	_ =	shalt  }
0x50: {  	_ =	shalt  }
0x51: {  	_ =	shalt  }
0x52: {  	_ =	shalt  }
0x53: {  	_ =	shalt  }
0x54: {  	_ =	shalt  }
0x55: {  	_ =	shalt  }
0x56: {  	_ =	shalt  }
0x57: {  	_ =	shalt  }
0x58: {  	_ =	shalt  }
0x59: {  	_ =	shalt  }
0x5a: {  	_ =	shalt  }
0x5b: {  	_ =	shalt  }
0x5c: {  	_ =	shalt  }
0x5d: {  	_ =	shalt  }
0x5e: {  	_ =	shalt  }
0x5f: {  	_ =	shalt  }
0x60: {  	_ =	shalt  }
0x61: {  	_ =	shalt  }
0x62: {  	_ =	shalt  }
0x63: {  	_ =	shalt  }
0x64: {  	_ =	shalt  }
0x65: {  	_ =	shalt  }
0x66: {  	_ =	shalt  }
0x67: {  	_ =	shalt  }
0x68: {  	_ =	shalt  }
0x69: {  	_ =	shalt  }
0x6a: {  	_ =	shalt  }
0x6b: {  	_ =	shalt  }
0x6c: {  	_ =	shalt  }
0x6d: {  	_ =	shalt  }
0x6e: {  	_ =	shalt  }
0x6f: {  	_ =	shalt  }
0x70: {  	_ =	shalt  }
0x71: {  	_ =	shalt  }
0x72: {  	_ =	shalt  }
0x73: {  	_ =	shalt  }
0x74: {  	_ =	shalt  }
0x75: {  	_ =	shalt  }
0x76: {  	_ =	shalt  }
0x77: {  	_ =	shalt  }
0x78: {  	_ =	shalt  }
0x79: {  	_ =	shalt  }
0x7a: {  	_ =	shalt  }
0x7b: {  	_ =	shalt  }
0x7c: {  	_ =	shalt  }
0x7d: {  	_ =	shalt  }
0x7e: {  	_ =	shalt  }
0x7f: {  	_ =	shalt  }
0x80: {  	_ =	shalt  }
0x81: {  	_ =	shalt  }
0x82: {  	_ =	shalt  }
0x83: {  	_ =	shalt  }
0x84: {  	_ =	shalt  }
0x85: {  	_ =	shalt  }
0x86: {  	_ =	shalt  }
0x87: {  	_ =	shalt  }
.Lfunc_end0:
.L_simem_size_0:
called_computation.2_lowered:
.L_overlay_start_0:
0x88: {  	s2 =	sld [smem:$0x3FD9]  }
0x89: {  	s3 =	sld [smem:$0x3FFE];
	_ =	sdelay $0x1  }
0x8a: {  	s1 =	srdreg.scid  }
0x8b: {  	s0 =	sand.u32 $0x1, s1  }
0x8c: {  	s16 =	sshll.u32 s0, $0xA;
	s2 =	sadd.s32 s3, s2  }
0x8d: {  	s2 =	sadd.s32 s2, s16  }
0x8e: {  	[smem:$0x3FC7] =	sst s2  }
0x8f: {  	_ = 	snop  }
0x90: {  	(tm) =	ssettm $0x1  }
0x91: {  	s17 =	sld [smem:$0x3FFB];
	_ =	sdelay $0x3  }
0x92: {  	_ =	strace s17  }
0x93: {  	s2 =	sld [smem:$0x3FFC];
	_ =	sdelay $0x3  }
0x94: {  	_ =	strace s2  }
0x95: {  	s2 =	sld [smem:$0x3FFD];
	_ =	sdelay $0x3  }
0x96: {  	_ =	strace s2  }
0x97: {  	_ =	strace $0x8FFFFFFF  }
0x98: {  	s18 =	sld [smem:$0x3FDB];
	_ =	sdelay $0x1  }
0x99: {  	s19 =	simm.s32 $_scs_section_size  }
0x9a: {  	s4 =	simm.s32 $_size__tile_overlayer_lowered;
	s5 =	simm.s32 $_tile_overlayer_lowered  }
0x9b: {  	s22 =	simm.s32 $0x1BFF;
	s21 =	sshll.u32 s5, $0x1;
	s2 =	sadd.s32 s19, s18  }
0x9c: {  	s6 =	simm.s32 $0x0;
	s20 =	sshll.u32 s4, $0x1;
	s4 =	sadd.s32 s21, s2  }
0x9d: {  	[timem:s6], [sflag:s22] =	dma.local [hbm:s4], s20  }
0x9e: {  	_ =	swait.ge [sflag:s22], s20  }
0x9f: {  	s3 =	ssub.s32 $0x0, s20;
	[sflag:s22] =	ssyncset.done $0x0  }
0xa0: {  	[sflag:s22] =	ssyncadd.s32 s3;
	_ =	sdelay $0x1  }
0xa1: {  	s23 =	simm.s32 $0x1B8B  }
0xa2: {  	_ =	swait.ge [sflag:s23], $0x1  }
0xa3: {  	[sflag:s23] =	ssyncset.done $0x0  }
0xa4: {  	s25 =	simm.s32 $0x1B8E;
	s24 =	sld [smem:$0x3FFE];
	[sflag:s23] =	ssyncadd.s32 $0xFFFFFFFF  }
0xa5: {  	s26 =	simm.s32 $execute0_lowered;
	[smem:$0x3FD2] =	sst s25  }
0xa6: {  	s4 =	sshll.u32 s26, $0x1;
	_ =	strace $0x80000046;
	[dreg:$0x1] =	wrdreg $0xFFFFFFFF  }
0xa7: {  	s28 =	simm.s32 $_size_execute0_lowered;
	s2 =	sadd.s32 s2, s4;
	[dreg:$0x0] =	wrdreg $0x0  }
0xa8: {  	s4 =	sshll.u32 s28, $0x1;
	[dreg:$0x2] =	wrdreg s2  }
0xa9: {  	[dreg:$0x3] =	wrdreg s4  }
0xaa: {  	[dreg:$0x4] =	wrdreg $0xC0  }
0xab: {  	_ =	task [dreg:s6], $0x5FFFF  }
0xac: {  	[dreg:$0x1] =	wrdreg $0xFFFFFFFF  }
0xad: {  	[dreg:$0x0] =	wrdreg $0x60  }
0xae: {  	[dreg:$0x2] =	wrdreg s24  }
0xaf: {  	[dreg:$0x3] =	wrdreg $0xA  }
0xb0: {  	_ =	task.clear_ibuf [dreg:s6], $0x4FFFF;
	_ =	strace $0x90000046  }
0xb1: {  	s29 =	simm.s32 $0xA;
	_ =	strace $0x80000048  }
0xb2: {  	_ =	swait.ge [sflag:s29], $0x1  }
0xb3: {  	[sflag:s29] =	ssyncadd.s32 $0xFFFFFFFF  }
0xb4: {  	_ =	strace $0x90000048  }
0xb5: {  	_ =	sfence  }
0xb6: {  	s30 =	sld [smem:$0x0];
	_ =	sdelay $0x2  }
0xb7: {  	s31 =	sshll.u32 s1, $0xD;
	s1 =	sshrl.u32 s1, $0x2  }
0xb8: {  	s3 =	sand.u32 $0x4000, s31;
	s1 =	sadd.s32 s1, s30  }
0xb9: {  	s0 =	sor.u32 s3, s0;
	s1 =	sshll.u32 s1, $0x11  }
0xba: {  	s0 =	sor.u32 s1, s0  }
0xbb: {  	s0 =	sadd.s32 $0x8F2B, s0  }
0xbc: {  	[sflag:s0] =	ssyncadd.remote.s32 $0x1  }
0xbd: {  	_ =	sfence.sel $0xFFFF  }
0xbe: {  	[dreg:$0x0] =	wrdreg $0xFFFFFFFF;
	(pc) =	sbr.abs _section_cstart, $3  }
0xbf: {  	[dreg:$0x1] =	wrdreg $0xFFFFFFFF  }
0xc0: {  	_ =	task.clear_ibuf [dreg:s6], $0x2FFFF;
	_ =	strace $0x9FFFFFFF  }
0xc1: {  	(tm) =	ssettm $0x7FFFFFFF  }
tec
execute0_lowered:
.L_overlay_start_1:
0x0: {  	(tag) =	ssettag $0x1  }
0x1: {  	v0 =	vimm.f32 $0.0e+00;
	v2 =	vimm.s32 $0x2380;
	vm0 =	vcmask $0x300  }
0x2: {  	v1 =	vlaneseq.u32;
	vm1 =	vcmask $0x704;
	vm2 =	vcmask $0xB08  }
0x3: {  	v3 =	vimm.s32 $0x8280;
	vm3 =	vcmask $0xF0C;
	vm15 =	vcmask $0x1310  }
0x4: {  	vm6 =	vcmask $0x1714;
	v2 =	vsel vm0, $0x0, v2;
	v3 =	vsel vm0, $0x4000, v3  }
0x5: {  	vm7 =	vcmask $0x1B18;
	v2 =	vsel vm1, $0x80, v2;
	v3 =	vsel vm1, $0x4080, v3  }
0x6: {  	vm8 =	vcmask $0x1F1C;
	v2 =	vsel vm2, $0x100, v2;
	v3 =	vsel vm2, $0x4100, v3  }
0x7: {  	s1 =	srdreg.scid;
	vm9 =	vcmask $0x2320;
	v2 =	vsel vm3, $0x180, v2;
	v3 =	vsel vm3, $0x4180, v3  }
0x8: {  	s0 =	stileid.u32;
	s3 =	rddreg [dreg:$0x0];
	vm10 =	vcmask $0x2724;
	v2 =	vsel vm15, $0x200, v2;
	v3 =	vsel vm15, $0x4200, v3  }
0x9: {  	s2 =	simm.s32 $0x0;
	vm11 =	vcmask $0x2B28;
	s10 =	simm.s32 $0x380;
	s11 =	simm.s32 $0x8380;
	v2 =	vsel vm6, $0x280, v2;
	v3 =	vsel vm6, $0x4280, v3  }
0xa: {  	vm12 =	vcmask $0x2F2C;
	s12 =	simm.s32 $0x1;
	s13 =	simm.s32 $0x2;
	s14 =	simm.s32 $0x0;
	v2 =	vsel vm7, $0x300, v2;
	v3 =	vsel vm7, $0x4300, v3  }
0xb: {  	vm13 =	vcmask $0x3330;
	s4 =	sand.u32 $0x1, s1;
	s5 =	sshll.u32 s0, $0x1;
	s1 =	rddreg [dreg:$0x1];
	v2 =	vsel vm8, $0x380, v2;
	v3 =	vsel vm8, $0x4380, v3  }
0xc: {  	vm14 =	vcmask $0x3734;
	[smem:$0x7FF] =	sst s2;
	s8 =	sadd.s32 $0x4400, s3;
	s9 =	sshll.u32 s0, $0x12;
	v2 =	vsel vm9, $0x2000, v2;
	v3 =	vsel vm9, $0x6000, v3  }
0xd: {  	v7 =	vadd.s32 $0x1A, v1;
	s5 =	sor.u32 s4, s5;
	_ =	strace $0x80000047;
	s7 =	ssub.s32 $0x2, s4;
	v2 =	vsel vm10, $0x2080, v2;
	v3 =	vsel vm10, $0x6080, v3  }
0xe: {  	v8 =	vadd.s32 $0x2A, v1;
	s4 =	sshll.u32 s4, $0x11;
	s6 =	smul.u32 $0x68, s5;
	s31 =	sshrl.u32 s7, $0x1;
	v2 =	vsel vm11, $0x2100, v2;
	v3 =	vsel vm11, $0x8000, v3  }
0xf: {  	s5 =	sshll.u32 s5, $0x11;
	s9 =	sor.u32 s4, s9;
	s7 =	ssub.s32 s7, s31;
	vm15 =	vcmask $0x3B38;
	v2 =	vsel vm12, $0x2180, v2;
	v5 =	vsel vm12, $0x8080, v3  }
0x10: {  	s6 =	sadd.s32 s6, s3;
	s3 =	sadd.s32 s8, s5;
	s8 =	sadd.s32 s9, s8;
	v2 =	vsel vm13, $0x2200, v2;
	v6 =	vsel vm13, $0x8100, v5;
	v5 =	vor.u32 $0x10, v1  }
0x11: {  	s9 =	simm.s32 $0x3;
	s4 =	sadd.s32 $0x1A00, s6;
	s5 =	sadd.s32 $0x1000, s3;
	v4 =	vsel vm14, $0x2280, v2;
	v2 =	vor.u32 $0x1C60, v1;
	v6 =	vsel vm14, $0x8180, v6  }
0x12: {  	s6 =	smax.u32 s7, $0x1;
	s7 =	sadd.s32 $0x2000, s8;
	s8 =	sadd.s32 $0x3000, s8;
	v3 =	vsel vm15, $0x2300, v4;
	v4 =	vimm.f32 $1.000000000e+00;
	v6 =	vsel vm15, $0x8200, v6  }
.LBB2_1:
0x13: {  	[tilespmem:s2], [sflag:$0x3] =	stream.linear.gather [hbm4b:s4+s2], $0x340, $0x38;
	[tilespmem:$0x10380] =	vst v63  }
0x14: {  	_ =	swait.ge [sflag:s9], $0x340  }
0x15: {  	[sflag:s9] =	ssyncset.done $0x0  }
0x16: {  	s16 =	simm.s32 $0x0;
	[sflag:s9] =	ssyncadd.s32 $0xFFFFFCC0  }
.LBB2_2:
0x17: {  	s15 =	sshll.u32 s16, $0xA;
	s17 =	sshll.u32 s16, $0x7  }
0x18: {  	s15 =	sand.u32 $0x6000, s15;
	s17 =	sand.u32 $0x380, s17  }
0x19: {  	s17 =	sor.u32 s17, s15;
	s15 =	simm.s32 $0x0  }
0x1a: {  	s17 =	sadd.s32 $0x380, s17;
	s18 =	sand.u32 $0x1C00, s15  }
0x1b: {  	s19 =	sand.u32 $0x70, s15;
	s20 =	sadd.s32 s18, s17  }
0x1c: {  	s18 =	simm.s32 $0x10;
	s19 =	sadd.s32 s19, s20  }
.LBB2_3:
0x1d: {  	p0 =	sne.s32 s18, $0x3D0  }
0x1e: {  	[tilespmem:s19+$0x0] =	vst v0;
	s15 =	sadd.s32 $0x80, s15;
	s19 =	smov.u32 s18;
	s18 =	sadd.s32 $0x10, s18  }
.Ltmp0:
0x1f: {  	(pc) =	sbr.rel @p0 .LBB2_3-.Ltmp0, $4  }
0x20: {  	_ = 	snop  }
0x21: {  	s20 =	sand.u32 $0x1C00, s15  }
0x22: {  	s19 =	sand.u32 $0x70, s19;
	s20 =	sadd.s32 s20, s17  }
0x23: {  	s19 =	sadd.s32 s19, s20  }
0x24: {  	v9 =	vmov s16  }
0x25: {  	v10 =	vshll.u32 v9, $0x7  }
0x26: {  	v9 =	vshll.u32 v9, $0xA;
	v10 =	vand.u32 $0x380, v10  }
0x27: {  	s16 =	sadd.s32 $0x1, s16;
	v9 =	vor.u32 v10, v9  }
0x28: {  	p0 =	sne.s32 s16, $0x1A;
	v9 =	vor.u32 v2, v9  }
.Ltmp1:
0x29: {  	_ = 	snop;
	(pc) =	sbr.rel @p0 .LBB2_2-.Ltmp1, $3  }
0x2a: {  	_ =	sdelay $0x1  }
0x2b: {  	[tilespmem:s19+$0x0] =	vst v0  }
0x2c: {  	s15 =	simm.s32 $0x0;
	[tilespmem:v9+s10+$0x0] =	vst.idx.msk $0xff, v0  }
0x2d: {  	s16 =	simm.s32 $0x0  }
.LBB2_6:
0x2e: {  	s17 =	sshll.u32 s16, $0xA;
	s18 =	sshll.u32 s16, $0x7  }
0x2f: {  	s17 =	sand.u32 $0x6000, s17;
	s18 =	sand.u32 $0x380, s18  }
0x30: {  	s17 =	sor.u32 s18, s17  }
0x31: {  	s31 =	sand.u32 $0x1C00, s15;
	s17 =	sadd.s32 $0x8380, s17  }
0x32: {  	s19 =	sand.u32 $0x70, s15;
	s20 =	sadd.s32 s31, s17  }
0x33: {  	s18 =	simm.s32 $0x10;
	s20 =	sadd.s32 s19, s20;
	s19 =	simm.s32 $0x0  }
.LBB2_7:
0x34: {  	p0 =	sne.s32 s18, $0x3D0  }
0x35: {  	[tilespmem:s20+$0x0] =	vst v0;
	s19 =	sadd.s32 $0x80, s19;
	s20 =	smov.u32 s18;
	s18 =	sadd.s32 $0x10, s18  }
.Ltmp2:
0x36: {  	(pc) =	sbr.rel @p0 .LBB2_7-.Ltmp2, $4  }
0x37: {  	_ = 	snop  }
0x38: {  	s21 =	sand.u32 $0x1C00, s19  }
0x39: {  	s20 =	sand.u32 $0x70, s20;
	s21 =	sadd.s32 s21, s17  }
0x3a: {  	s20 =	sadd.s32 s20, s21  }
0x3b: {  	v9 =	vmov s16  }
0x3c: {  	v10 =	vshll.u32 v9, $0x7  }
0x3d: {  	v9 =	vshll.u32 v9, $0xA;
	v10 =	vand.u32 $0x380, v10  }
0x3e: {  	s16 =	sadd.s32 $0x1, s16;
	v9 =	vor.u32 v10, v9  }
0x3f: {  	p0 =	sne.s32 s16, $0x1A;
	v9 =	vor.u32 v2, v9  }
.Ltmp3:
0x40: {  	_ = 	snop;
	(pc) =	sbr.rel @p0 .LBB2_6-.Ltmp3, $3  }
0x41: {  	_ =	sdelay $0x1  }
0x42: {  	[tilespmem:s20+$0x0] =	vst v0  }
0x43: {  	[tilespmem:v9+s11+$0x0] =	vst.idx.msk $0xff, v0  }
0x44: {  	_ =	sdelay $0x2  }
0x45: {  	s15 =	simm.s32 $0x0  }
0x46: {  	v9 =	vld.idx.msk [tilespmem:v1+s15+$0x0], $0xffff;
	_ =	sdelay $0x4  }
0x47: {  	v10 =	vshll.u32 v9, $0x3  }
0x48: {  	v9 =	vand.u32 $0x7F, v9;
	v10 =	vand.u32 $0xFFFFFC00, v10  }
0x49: {  	v9 =	vor.u32 v9, v10  }
0x4a: {  	v9 =	vadd.s32 v3, v9;
	_ =	sdelay $0x4  }
0x4b: {  	[tilespmem:v9+s10+$0x0] =	vst.idx.msk $0xffff, v4  }
0x4c: {  	v9 =	vld.idx.msk [tilespmem:v5+s15+$0x0], $0xffff;
	_ =	sdelay $0x4  }
0x4d: {  	v10 =	vshll.u32 v9, $0x3  }
0x4e: {  	v9 =	vand.u32 $0x7F, v9;
	v10 =	vand.u32 $0xFFFFFC00, v10  }
0x4f: {  	v9 =	vor.u32 v9, v10  }
0x50: {  	v9 =	vadd.s32 v6, v9;
	_ =	sdelay $0x4  }
0x51: {  	[tilespmem:v9+s10+$0x0] =	vst.idx.msk $0x3ff, v4  }
0x52: {  	[hbm4b:s3+s15] =	stream.linear.scatter [tilespmem:s10], [sflag:$0x1], $0x8000, $0x38;
	[tilespmem:$0x10380] =	vst v63  }
0x53: {  	v9 =	vld.idx.msk [tilespmem:v7+s15+$0x0], $0xffff;
	_ =	sdelay $0x4  }
0x54: {  	v10 =	vshll.u32 v9, $0x3  }
0x55: {  	v9 =	vand.u32 $0x7F, v9;
	v10 =	vand.u32 $0xFFFFFC00, v10  }
0x56: {  	v9 =	vor.u32 v9, v10  }
0x57: {  	v9 =	vadd.s32 v3, v9;
	_ =	sdelay $0x4  }
0x58: {  	[tilespmem:v9+s11+$0x0] =	vst.idx.msk $0xffff, v4  }
0x59: {  	v9 =	vld.idx.msk [tilespmem:v8+s15+$0x0], $0xffff;
	_ =	sdelay $0x4  }
0x5a: {  	v10 =	vshll.u32 v9, $0x3  }
0x5b: {  	v9 =	vand.u32 $0x7F, v9;
	v10 =	vand.u32 $0xFFFFFC00, v10  }
0x5c: {  	v9 =	vor.u32 v9, v10  }
0x5d: {  	v9 =	vadd.s32 v6, v9;
	_ =	sdelay $0x4  }
0x5e: {  	s16 =	smov.u32 s8;
	s17 =	smov.u32 s7;
	[tilespmem:v9+s11+$0x0] =	vst.idx.msk $0x3ff, v4  }
0x5f: {  	[hbm4b:s5+s15] =	stream.linear.scatter [tilespmem:s11], [sflag:$0x2], $0x8000, $0x38;
	[tilespmem:$0x10380] =	vst v63  }
.LBB2_10:
0x60: {  	v9 =	vadd.s32 s15, v1;
	_ =	sdelay $0x1  }
0x61: {  	_ =	swait.ge [sflag:s12], $0x8000  }
0x62: {  	[sflag:s12] =	ssyncset.done $0x0  }
0x63: {  	[sflag:s12] =	ssyncadd.s32 $0xFFFF8000  }
0x64: {  	v9 =	vld.idx.msk [tilespmem:v9+s2+$0x0], $0xffff;
	_ =	sdelay $0x4  }
0x65: {  	v10 =	vshll.u32 v9, $0x3  }
0x66: {  	v9 =	vand.u32 $0x7F, v9;
	v10 =	vand.u32 $0xFFFFFC00, v10  }
0x67: {  	v9 =	vor.u32 v9, v10  }
0x68: {  	s18 =	sadd.s32 $0x10, s15;
	v9 =	vadd.s32 v3, v9  }
0x69: {  	v10 =	vadd.s32 s18, v1;
	_ =	sdelay $0x3  }
0x6a: {  	[tilespmem:v9+s10+$0x0] =	vst.idx.msk $0xffff, v0  }
0x6b: {  	v9 =	vld.idx.msk [tilespmem:v10+s2+$0x0], $0xffff;
	_ =	sdelay $0x4  }
0x6c: {  	v10 =	vshll.u32 v9, $0x3  }
0x6d: {  	v9 =	vand.u32 $0x7F, v9;
	v10 =	vand.u32 $0xFFFFFC00, v10  }
0x6e: {  	v9 =	vor.u32 v9, v10  }
0x6f: {  	s26 =	sadd.s32 $0x34, s15;
	v9 =	vadd.s32 v6, v9  }
0x70: {  	v10 =	vadd.s32 s26, v1;
	_ =	sdelay $0x3  }
0x71: {  	[tilespmem:v9+s10+$0x0] =	vst.idx.msk $0x3ff, v0  }
0x72: {  	v9 =	vld.idx.msk [tilespmem:v10+s2+$0x0], $0xffff;
	_ =	sdelay $0x4  }
0x73: {  	v10 =	vshll.u32 v9, $0x3  }
0x74: {  	v9 =	vand.u32 $0x7F, v9;
	v10 =	vand.u32 $0xFFFFFC00, v10  }
0x75: {  	v9 =	vor.u32 v9, v10  }
0x76: {  	s19 =	sadd.s32 $0x44, s15;
	v9 =	vadd.s32 v3, v9  }
0x77: {  	v10 =	vadd.s32 s19, v1;
	_ =	sdelay $0x3  }
0x78: {  	[tilespmem:v9+s10+$0x0] =	vst.idx.msk $0xffff, v4  }
0x79: {  	v9 =	vld.idx.msk [tilespmem:v10+s2+$0x0], $0xffff;
	_ =	sdelay $0x4  }
0x7a: {  	v10 =	vshll.u32 v9, $0x3  }
0x7b: {  	v9 =	vand.u32 $0x7F, v9;
	v10 =	vand.u32 $0xFFFFFC00, v10  }
0x7c: {  	v9 =	vor.u32 v9, v10  }
0x7d: {  	v9 =	vadd.s32 v6, v9;
	_ =	sdelay $0x3  }
0x7e: {  	s28 =	sadd.s32 $0x1A, s15  }
0x7f: {  	[tilespmem:v9+s10+$0x0] =	vst.idx.msk $0x3ff, v4;
	v9 =	vadd.s32 s28, v1  }
0x80: {  	[hbm4b:s17+s2] =	stream.linear.scatter [tilespmem:s10], [sflag:$0x1], $0x8000, $0x38;
	[tilespmem:$0x10380] =	vst v63  }
0x81: {  	_ =	swait.ge [sflag:s13], $0x8000  }
0x82: {  	[sflag:s13] =	ssyncset.done $0x0  }
0x83: {  	[sflag:s13] =	ssyncadd.s32 $0xFFFF8000  }
0x84: {  	v9 =	vld.idx.msk [tilespmem:v9+s2+$0x0], $0xffff;
	_ =	sdelay $0x4  }
0x85: {  	v10 =	vshll.u32 v9, $0x3  }
0x86: {  	v9 =	vand.u32 $0x7F, v9;
	v10 =	vand.u32 $0xFFFFFC00, v10  }
0x87: {  	v9 =	vor.u32 v9, v10  }
0x88: {  	s29 =	sadd.s32 $0x2A, s15;
	v9 =	vadd.s32 v3, v9  }
0x89: {  	v10 =	vadd.s32 s29, v1;
	_ =	sdelay $0x3  }
0x8a: {  	[tilespmem:v9+s11+$0x0] =	vst.idx.msk $0xffff, v0  }
0x8b: {  	v9 =	vld.idx.msk [tilespmem:v10+s2+$0x0], $0xffff;
	_ =	sdelay $0x4  }
0x8c: {  	v10 =	vshll.u32 v9, $0x3  }
0x8d: {  	v9 =	vand.u32 $0x7F, v9;
	v10 =	vand.u32 $0xFFFFFC00, v10  }
0x8e: {  	v9 =	vor.u32 v9, v10  }
0x8f: {  	s30 =	sadd.s32 $0x4E, s15;
	v9 =	vadd.s32 v6, v9  }
0x90: {  	v10 =	vadd.s32 s30, v1;
	_ =	sdelay $0x3  }
0x91: {  	[tilespmem:v9+s11+$0x0] =	vst.idx.msk $0x3ff, v0  }
0x92: {  	v9 =	vld.idx.msk [tilespmem:v10+s2+$0x0], $0xffff;
	_ =	sdelay $0x4  }
0x93: {  	v10 =	vshll.u32 v9, $0x3  }
0x94: {  	v9 =	vand.u32 $0x7F, v9;
	v10 =	vand.u32 $0xFFFFFC00, v10  }
0x95: {  	v9 =	vor.u32 v9, v10  }
0x96: {  	s31 =	sadd.s32 $0x5E, s15;
	v9 =	vadd.s32 v3, v9  }
0x97: {  	v10 =	vadd.s32 s31, v1;
	_ =	sdelay $0x3  }
0x98: {  	[tilespmem:v9+s11+$0x0] =	vst.idx.msk $0xffff, v4  }
0x99: {  	v9 =	vld.idx.msk [tilespmem:v10+s2+$0x0], $0xffff;
	_ =	sdelay $0x4  }
0x9a: {  	v10 =	vshll.u32 v9, $0x3  }
0x9b: {  	v9 =	vand.u32 $0x7F, v9;
	v10 =	vand.u32 $0xFFFFFC00, v10  }
0x9c: {  	v9 =	vor.u32 v9, v10  }
0x9d: {  	v9 =	vadd.s32 v6, v9;
	_ =	sdelay $0x1  }
0x9e: {  	p0 =	sne.s32 s15, $0x2D8  }
.Ltmp4:
0x9f: {  	_ = 	snop;
	(pc) =	sbr.rel @p0 .LBB2_10-.Ltmp4, $4  }
0xa0: {  	_ = 	snop  }
0xa1: {  	[tilespmem:v9+s11+$0x0] =	vst.idx.msk $0x3ff, v4  }
0xa2: {  	[hbm4b:s16+s2] =	stream.linear.scatter [tilespmem:s11], [sflag:$0x2], $0x8000, $0x38;
	[tilespmem:$0x10380] =	vst v63  }
0xa3: {  	s15 =	smov.u32 s26;
	s17 =	sadd.s32 $0x2000, s17;
	s16 =	sadd.s32 $0x2000, s16  }
0xa4: {  	s14 =	sadd.s32 $0x1, s14  }
0xa5: {  	_ =	swait.ge [sflag:s12], $0x8000;
	p0 =	sne.s32 s14, s6  }
.Ltmp5:
0xa6: {  	[sflag:s12] =	ssyncset.done $0x0;
	(pc) =	sbr.rel @p0 .LBB2_1-.Ltmp5, $4  }
0xa7: {  	[sflag:s12] =	ssyncadd.s32 $0xFFFF8000  }
0xa8: {  	_ =	swait.ge [sflag:s13], $0x8000  }
0xa9: {  	[sflag:s13] =	ssyncset.done $0x0  }
0xaa: {  	[sflag:s13] =	ssyncadd.s32 $0xFFFF8000  }
0xab: {  	_ =	sfence.sel $0x180000  }
0xac: {  	[bflag:$0x0] =	sbarrier.arrive $0xFFFF  }
0xad: {  	p0 =	sne.s32 s0, $0x0;
	_ =	strace $0x90000047  }
0xae: {  	s0 =	sadd.s32 @!p0 $0x100000, s1;
	[bflag:$0x2] =	sbarrier.arrive $0xFFFF  }
0xaf: {  	[sflag:s0] =	ssyncadd.tile.s32 @!p0 $0x1;
	_ =	shalt  }
.Lfunc_end2:
_tile_overlayer_lowered:
.L_overlay_start_2:
0xb0: {  	(tag) =	ssettag $0x2  }
0xb1: {  	s0 =	rddreg [dreg:$0x0];
	s2 =	stileid.u32  }
0xb2: {  	s1 =	rddreg [dreg:$0x1];
	p0 =	sne.s32 s2, $0x0  }
0xb3: {  	s3 =	rddreg [dreg:$0x2];
	[bflag:$0x3] =	sbarrier.arrive $0xFFFF;
	s2 =	simm.s32 @!p0 $0x1C03  }
0xb4: {  	[timem:s3], [sflag:s2] =	dma.local @!p0 [hbm:s0], s1  }
0xb5: {  	s0 =	simm.s32 @!p0 $0x3  }
0xb6: {  	_ =	swait.ge @!p0 [sflag:s0], s1  }
0xb7: {  	s1 =	ssub.s32 @!p0 $0x0, s1;
	[sflag:s0] =	ssyncset.done @!p0 $0x0  }
0xb8: {  	[sflag:s0] =	ssyncadd.s32 @!p0 s1  }
0xb9: {  	[bflag:$0x3] =	sbarrier.arrive $0xFFFF  }
0xba: {  	_ =	shalt  }

// kernel: sparse-core-data-format-call.cloned.1.call-start
scs
called_computation_lowered:
.L_overlay_start_0:
0x0: {  	s2 =	sld [smem:$0x3FD9]  }
0x1: {  	s3 =	sld [smem:$0x3FFE];
	_ =	sdelay $0x1  }
0x2: {  	s1 =	srdreg.scid  }
0x3: {  	s0 =	sand.u32 $0x1, s1  }
0x4: {  	s18 =	sshll.u32 s0, $0xA;
	s2 =	sadd.s32 s3, s2  }
0x5: {  	s2 =	sadd.s32 s2, s18  }
0x6: {  	[smem:$0x3FC7] =	sst s2  }
0x7: {  	_ = 	snop  }
0x8: {  	s2 =	sld [smem:$0x3FD0];
	(tm) =	ssettm $0x1  }
0x9: {  	s19 =	sld [smem:$0x3FFB];
	_ =	sdelay $0x3  }
0xa: {  	_ =	strace s19  }
0xb: {  	s3 =	sld [smem:$0x3FFC];
	_ =	sdelay $0x3  }
0xc: {  	_ =	strace s3  }
0xd: {  	s3 =	sld [smem:$0x3FFD];
	_ =	sdelay $0x3  }
0xe: {  	_ =	strace s3  }
0xf: {  	_ =	strace $0x8FFFFFFF  }
0x10: {  	s20 =	sld [smem:$0x3FDB];
	_ =	sdelay $0x1  }
0x11: {  	s4 =	simm.s32 $_scs_section_size  }
0x12: {  	s5 =	simm.s32 $_size__tile_overlayer_lowered;
	s6 =	simm.s32 $_tile_overlayer_lowered  }
0x13: {  	s23 =	simm.s32 $0x1BFF;
	s22 =	sshll.u32 s6, $0x1;
	s3 =	sadd.s32 s4, s20  }
0x14: {  	s7 =	simm.s32 $0x0;
	s21 =	sshll.u32 s5, $0x1;
	s5 =	sadd.s32 s22, s3  }
0x15: {  	[timem:s7], [sflag:s23] =	dma.local [hbm:s5], s21  }
0x16: {  	_ =	swait.ge [sflag:s23], s21  }
0x17: {  	s4 =	ssub.s32 $0x0, s21;
	[sflag:s23] =	ssyncset.done $0x0  }
0x18: {  	[sflag:s23] =	ssyncadd.s32 s4;
	_ =	sdelay $0x1  }
0x19: {  	s24 =	simm.s32 $0x1B8B  }
0x1a: {  	_ =	swait.ge [sflag:s24], $0x1  }
0x1b: {  	[sflag:s24] =	ssyncset.done $0x0  }
0x1c: {  	s26 =	simm.s32 $0x1B8E;
	s25 =	sld [smem:$0x3FFE];
	[sflag:s24] =	ssyncadd.s32 $0xFFFFFFFF  }
0x1d: {  	s27 =	simm.s32 $execute0_lowered;
	[smem:$0x3FD2] =	sst s26  }
0x1e: {  	s5 =	sshll.u32 s27, $0x1;
	_ =	strace $0x80000052;
	[dreg:$0x1] =	wrdreg $0xFFFFFFFF  }
0x1f: {  	s28 =	simm.s32 $_size_execute0_lowered;
	s3 =	sadd.s32 s3, s5;
	[dreg:$0x0] =	wrdreg $0x0  }
0x20: {  	s5 =	sshll.u32 s28, $0x1;
	[dreg:$0x2] =	wrdreg s3  }
0x21: {  	[dreg:$0x3] =	wrdreg s5  }
0x22: {  	[dreg:$0x4] =	wrdreg $0xC0  }
0x23: {  	_ =	task [dreg:s7], $0x5FFFF  }
0x24: {  	[dreg:$0x1] =	wrdreg $0xFFFFFFFF  }
0x25: {  	[dreg:$0x0] =	wrdreg $0x60  }
0x26: {  	[dreg:$0x2] =	wrdreg s25  }
0x27: {  	[dreg:$0x3] =	wrdreg s2  }
0x28: {  	[dreg:$0x4] =	wrdreg $0x9  }
0x29: {  	_ =	task.clear_ibuf [dreg:s7], $0x5FFFF;
	_ =	strace $0x90000052  }
0x2a: {  	s29 =	simm.s32 $0x9;
	_ =	strace $0x80000054  }
0x2b: {  	_ =	swait.ge [sflag:s29], $0x1  }
0x2c: {  	[sflag:s29] =	ssyncadd.s32 $0xFFFFFFFF  }
0x2d: {  	_ =	strace $0x90000054  }
0x2e: {  	_ =	sfence  }
0x2f: {  	s30 =	sld [smem:$0x0];
	_ =	sdelay $0x2  }
0x30: {  	s31 =	sshll.u32 s1, $0xD;
	s1 =	sshrl.u32 s1, $0x2  }
0x31: {  	s3 =	sand.u32 $0x4000, s31;
	s1 =	sadd.s32 s1, s30  }
0x32: {  	s0 =	sor.u32 s3, s0;
	s1 =	sshll.u32 s1, $0x11  }
0x33: {  	s0 =	sor.u32 s1, s0  }
0x34: {  	s0 =	sadd.s32 $0x8F2B, s0  }
0x35: {  	[sflag:s0] =	ssyncadd.remote.s32 $0x1  }
0x36: {  	_ =	sfence.sel $0xFFFF  }
0x37: {  	[dreg:$0x0] =	wrdreg $0xFFFFFFFF;
	(pc) =	sbr.abs _section_cstart, $3  }
0x38: {  	[dreg:$0x1] =	wrdreg $0xFFFFFFFF  }
0x39: {  	_ =	task.clear_ibuf [dreg:s7], $0x2FFFF;
	_ =	strace $0x9FFFFFFF  }
0x3a: {  	(tm) =	ssettm $0x7FFFFFFF  }
0x3b: {  	_ =	shalt  }
tec
execute0_lowered:
.L_overlay_start_1:
0x0: {  	(tag) =	ssettag $0x1  }
0x1: {  	s0 =	srdreg.scid;
	s6 =	rddreg [dreg:$0x0]  }
0x2: {  	s3 =	rddreg [dreg:$0x1];
	s1 =	sshll.u32 s0, $0x4  }
0x3: {  	s5 =	simm.s32 $0x1;
	s0 =	stileid.u32;
	s1 =	sand.u32 $0x10, s1  }
0x4: {  	s31 =	simm.s32 $0x2;
	s16 =	simm.s32 $0x0;
	s1 =	sor.u32 s0, s1  }
0x5: {  	s8 =	simm.s32 $0x8000;
	s18 =	simm.s32 $0x0;
	s2 =	sshll.u32 s1, $0x7  }
0x6: {  	s17 =	simm.s32 $0x0;
	s9 =	simm.s32 $0x0;
	s4 =	ssub.s32 $0x1000, s2  }
0x7: {  	s10 =	simm.s32 $0x0;
	s11 =	simm.s32 $0x0;
	s30 =	sand.u32 $0xF80, s4  }
0x8: {  	s12 =	simm.s32 $0x0;
	s13 =	simm.s32 $0x0;
	p0 =	sne.s32 s30, $0x0  }
.Ltmp0:
0x9: {  	s7 =	sshrl.u32 s4, $0xC;
	s5 =	simm.s32 @!p0 $0x0;
	(pc) =	sbr.rel .LBB1_1-.Ltmp0, $4  }
0xa: {  	s15 =	simm.s32 $0x0;
	s1 =	rddreg [dreg:$0x2];
	s5 =	sadd.s32 s5, s7  }
0xb: {  	_ =	strace $0x80000053;
	s4 =	simm.s32 $0x1;
	s5 =	smul.u32 $0xD0, s5  }
0xc: {  	s6 =	sadd.s32 $0xC04400, s6;
	s14 =	smov.u32 s2;
	[sflag:s4] =	ssyncpa.u1 $0x0  }
0xd: {  	[sflag:s31] =	ssyncpa.u1 $0x0;
	p0 =	por $0x0, $0x0;
	s7 =	sor.u32 $0x1, s5  }
.LBB1_4:
0xe: {  	s23 =	sshra.s32 s23, $0x2;
	s30 =	sshll.u32 s9, $0xC  }
0xf: {  	p1 =	sgt.s32 s10, $0x19;
	s24 =	smov.u32 s10;
	s25 =	sshra.s32 s10, $0x1F  }
0x10: {  	s26 =	sshll.u32 s11, $0x3;
	s28 =	smov.u32 s11;
	s29 =	sshra.s32 s11, $0x1F  }
0x11: {  	s22 =	sadd.s32 s23, s22;
	s24 =	simm.s32 @!p1 $0x19;
	s25 =	sand.u32 s25, s10  }
0x12: {  	s23 =	sand.u32 $0xFFFF8000, s30;
	s27 =	sand.u32 $0xFFFFFC00, s26;
	p1 =	sgt.s32 s9, $0x368  }
0x13: {  	s31 =	sand.u32 s29, s11;
	s29 =	sshll.u32 s9, $0x7;
	s30 =	sshra.s32 s9, $0x1F  }
0x14: {  	[tilespmem:s21+$0x2040 ss:$0x81] =	vst.msk $0xffff, v4;
	s24 =	ssub.s32 s24, s25;
	s23 =	sadd.s32 s27, s23;
	s27 =	smov.u32 s9  }
0x15: {  	[tilespmem:s21+$0x2850 ss:$0x81] =	vst.msk $0xffff, v3;
	s29 =	sand.u32 $0x380, s29;
	s25 =	sadd.s32 $0xFFFFFFE7, s24;
	s27 =	simm.s32 @!p1 $0x368  }
0x16: {  	v5 =	vld [tilespmem:s20+$0xFFFFFFD0];
	[tilespmem:s21+$0x3060 ss:$0x81] =	vst.msk $0xffff, v2;
	p1 =	sgt.s32 s11, $0xF80;
	s23 =	sshrl.u32 s23, $0xC;
	s24 =	ssub.s32 $0x1A, s24  }
0x17: {  	v58 =	vld [tilespmem:s20+$0xFFFFFFE0];
	[tilespmem:s21+$0x0 ss:$0x81] =	vst.msk $0xffff, v1;
	s28 =	simm.s32 @!p1 $0xF80;
	p1 =	sgt.s32 s25, $0x0;
	s21 =	smulhi.u32 $0x418938, s23  }
0x18: {  	v59 =	vld [tilespmem:s20+$0xFFFFFFF0];
	s25 =	ssub.s32 s28, s31;
	s28 =	sand.u32 s30, s9;
	s24 =	simm.s32 @p1 $0x0  }
0x19: {  	v60 =	vld [tilespmem:s20+$0x0];
	s27 =	ssub.s32 s27, s28;
	s31 =	sadd.s32 $0xFFFFF080, s25;
	s25 =	ssub.s32 $0x1000, s25  }
0x1a: {  	v61 =	vld [tilespmem:s20+$0x10];
	[tilespmem:s22+$0x3870 ss:$0x81] =	vst.msk $0xffff, v0;
	s21 =	smul.u32 $0x3E8, s21;
	s28 =	sand.u32 $0x7, s11;
	p1 =	sgt.s32 s31, $0x7F  }
0x1b: {  	v62 =	vld [tilespmem:s20+$0x20];
	[tilespmem:s22+$0x810 ss:$0x81] =	vst.msk $0xffff, v5;
	s30 =	sadd.s32 $0xFFFFFC98, s27;
	s31 =	sand.u32 $0x78, s11;
	s25 =	simm.s32 @p1 $0x0  }
0x1c: {  	v63 =	vld [tilespmem:s20+$0xFFFFFFC0];
	[tilespmem:s22+$0x1020 ss:$0x81] =	vst.msk $0xffff, v58;
	p1 =	sgt.s32 s30, $0x7F;
	s30 =	sand.u32 $0xC00, s26;
	s24 =	smul.u32 s25, s24  }
0x1d: {  	[tilespmem:s22+$0x1830 ss:$0x81] =	vst.msk $0xffff, v59;
	s26 =	ssub.s32 $0x3E8, s27;
	s20 =	sor.u32 s31, s30;
	s31 =	smul.u32 $0x7D000, s10  }
0x1e: {  	[tilespmem:s22+$0x2040 ss:$0x81] =	vst.msk $0xffff, v60;
	s21 =	ssub.s32 s23, s21;
	s26 =	simm.s32 @p1 $0x0;
	s20 =	sor.u32 s29, s20  }
0x1f: {  	[tilespmem:s22+$0x2850 ss:$0x81] =	vst.msk $0xffff, v61;
	s26 =	smul.u32 s26, s24;
	s20 =	sshrl.u32 s20, $0x3;
	s27 =	sadd.s32 s3, s31  }
0x20: {  	[tilespmem:s22+$0x3060 ss:$0x81] =	vst.msk $0xffff, v62;
	s21 =	sshll.u32 s21, $0x9;
	s29 =	sshll.u32 s28, $0x12;
	s20 =	sadd.s32 s20, s27  }
0x21: {  	[tilespmem:s22+$0x0 ss:$0x81] =	vst.msk $0xffff, v63;
	s31 =	sor.u32 $0x400, s29;
	s30 =	sand.u32 $0x3FFFFFFF, s26;
	s20 =	sadd.s32 s21, s20  }
0x22: {  	[hbm4b:s20+s31] =	stream.strided.scatter [tilespmem:s19], [sflag:$0x2], s30, s8, s31, $0x20;
	[tilespmem:$0x10100] =	vst v63  }
.LBB1_5:
0x23: {  	p1 =	slt.u32 s15, $0x2  }
0x24: {  	p2 =	sgt.s32 @!p1 s18, $0x19  }
0x25: {  	s19 =	smov.u32 s18;
	s20 =	sshra.s32 @!p1 s18, $0x1F;
	p2 =	por !p2, p1  }
0x26: {  	s18 =	sand.u32 @!p1 s20, s18;
	s19 =	simm.s32 @p2 $0x19  }
0x27: {  	p3 =	sgt.s32 @!p1 s16, $0x368;
	s18 =	ssub.s32 @!p1 s19, s18  }
0x28: {  	p4 =	sgt.s32 @!p1 s17, $0xF80;
	s21 =	sshra.s32 @!p1 s17, $0x1F;
	s19 =	sadd.s32 @!p1 $0xFFFFFFE7, s18  }
0x29: {  	s20 =	smov.u32 s16;
	p2 =	sgt.s32 @!p1 s19, $0x0;
	s19 =	sshra.s32 @!p1 s16, $0x1F  }
0x2a: {  	p4 =	por !p4, p1;
	s16 =	sand.u32 @!p1 s19, s16;
	s19 =	smov.u32 s17  }
0x2b: {  	p3 =	por !p3, p1;
	s17 =	sand.u32 @!p1 s21, s17;
	s19 =	simm.s32 @p4 $0xF80  }
0x2c: {  	s20 =	simm.s32 @p3 $0x368;
	s18 =	ssub.s32 @!p1 $0x1A, s18;
	s17 =	ssub.s32 @!p1 s19, s17  }
0x2d: {  	p2 =	por !p2, p1;
	s16 =	ssub.s32 @!p1 s20, s16;
	s20 =	sadd.s32 @!p1 $0xFFFFF080, s17  }
0x2e: {  	s18 =	simm.s32 @!p2 $0x0;
	p3 =	sgt.s32 @!p1 s20, $0x7F  }
0x2f: {  	s19 =	sadd.s32 @!p1 $0xFFFFFC98, s16;
	s17 =	ssub.s32 @!p1 $0x1000, s17;
	p3 =	por !p3, p1  }
0x30: {  	p2 =	sgt.s32 @!p1 s19, $0x7F;
	s19 =	sadd.s32 $0x80, s12;
	s17 =	simm.s32 @!p3 $0x0  }
0x31: {  	p3 =	sgt.s32 s19, $0x3E7;
	s17 =	smul.u32 @!p1 s17, s18;
	s18 =	simm.s32 $0x1  }
0x32: {  	s16 =	ssub.s32 @!p1 $0x3E8, s16;
	p2 =	por !p2, p1;
	s18 =	simm.s32 @!p3 $0x0  }
0x33: {  	s21 =	smov.u32 s14;
	s16 =	simm.s32 @!p2 $0x0;
	s20 =	sadd.s32 s18, s13  }
0x34: {  	s16 =	smul.u32 @!p1 s16, s17;
	s17 =	sadd.s32 $0x1000, s14;
	p2 =	sgt.s32 s20, $0x19  }
0x35: {  	p0 =	por !p0, !p0;
	s22 =	simm.s32 @!p1 $0x2;
	s21 =	smov.u32 @p2 s17  }
0x36: {  	s19 =	simm.s32 @p3 $0x0;
	s20 =	simm.s32 @p2 $0x0;
	p2 =	sgt.s32 s21, $0xFFF  }
0x37: {  	s18 =	smov.u32 s10;
	s21 =	smov.u32 @p2 s2;
	p2 =	sne.s32 s15, s7  }
.Ltmp1:
0x38: {  	s10 =	smov.u32 s13;
	s16 =	sand.u32 @!p1 $0x3FFFFFFF, s16;
	(pc) =	sbr.rel @!p2 .LBB1_6-.Ltmp1, $4  }
0x39: {  	s17 =	smov.u32 s11;
	s11 =	smov.u32 s14;
	_ =	swait.ge @!p1 [sflag:s22], s16  }
0x3a: {  	s23 =	ssub.s32 @!p1 $0x0, s16;
	s16 =	smov.u32 s9;
	s9 =	smov.u32 s12  }
0x3b: {  	s12 =	smov.u32 s19;
	s13 =	smov.u32 s20;
	[sflag:s22] =	ssyncset.done @!p1 $0x0  }
0x3c: {  	s15 =	sadd.s32 $0x1, s15;
	[sflag:s22] =	ssyncadd.s32 @!p1 s23;
	s14 =	smov.u32 s21  }
.LBB1_1:
0x3d: {  	p1 =	sge.u32 s15, s5  }
0x3e: {  	s31 =	sadd.s32 $0xFFFFFFFF, s15;
	s19 =	sshll.u32 @!p1 s13, $0x7  }
0x3f: {  	s20 =	sxor.u32 @!p1 $0xFFFFFFFF, s15;
	s21 =	sand.u32 @!p1 $0x78, s12;
	s22 =	sand.u32 @!p1 $0x380, s19  }
0x40: {  	s20 =	sshll.u32 @!p1 s20, $0xE;
	s21 =	sor.u32 @!p1 s21, s22;
	s22 =	sshll.u32 @!p1 s14, $0xC  }
0x41: {  	s19 =	sand.u32 @!p1 $0xC00, s19;
	s21 =	sshrl.u32 @!p1 s21, $0x3;
	s22 =	sadd.s32 @!p1 s6, s22  }
0x42: {  	s19 =	sadd.s32 @!p1 s12, s19;
	s21 =	sadd.s32 @!p1 s21, s22;
	s22 =	sand.u32 @!p1 $0x7, s12  }
0x43: {  	s20 =	sand.u32 @!p1 $0x4000, s20;
	s19 =	sand.u32 @!p1 $0xF80, s19;
	s22 =	sshll.u32 @!p1 s22, $0x12  }
0x44: {  	s19 =	sadd.s32 @!p1 s19, s21;
	s21 =	sor.u32 @!p1 $0x80, s22;
	s22 =	simm.s32 @!p1 $0x8000  }
0x45: {  	[tilespmem:s20], [sflag:$0x1] =	stream.strided.gather @!p1 [hbm4b:s19+s21], $0x4000, s22, s21, $0x38;
	[tilespmem:$0x10100] =	vst v63  }
0x46: {  	p1 =	sge.u32 s31, s5  }
.Ltmp2:
0x47: {  	_ = 	snop;
	(pc) =	sbr.rel @p1 .LBB1_5-.Ltmp2, $1  }
0x48: {  	_ =	sdelay $0x3  }
0x49: {  	s19 =	simm.s32 $0x1  }
0x4a: {  	_ =	swait.ge [sflag:s4], $0x4000;
	s19 =	simm.s32 @!p0 $0x0  }
0x4b: {  	[sflag:s4] =	ssyncset.done $0x0;
	s20 =	sshll.u32 s19, $0xE  }
0x4c: {  	[sflag:s4] =	ssyncadd.s32 $0xFFFFC000;
	s20 =	sor.u32 $0x40, s20  }
0x4d: {  	s19 =	smul.u32 $0x10200, s19;
	v0 =	vld [tilespmem:s20+$0x30]  }
0x4e: {  	v1 =	vld [tilespmem:s20+$0xFFFFFFD0]  }
0x4f: {  	s19 =	sshrl.u32 s19, $0x2;
	v5 =	vld [tilespmem:s20+$0xFFFFFFE0]  }
0x50: {  	v6 =	vld [tilespmem:s20+$0xFFFFFFF0];
	s22 =	sor.u32 $0x8000, s19  }
0x51: {  	s31 =	sand.u32 $0x1, s15;
	v4 =	vld [tilespmem:s20+$0x0];
	s21 =	sadd.s32 $0x0, s22  }
0x52: {  	v3 =	vld [tilespmem:s20+$0x10];
	s19 =	smul.u32 $0x10200, s31;
	[tilespmem:s21+$0x3870 ss:$0x81] =	vst.msk $0xffff, v0  }
0x53: {  	v2 =	vld [tilespmem:s20+$0x20];
	[tilespmem:s21+$0x810 ss:$0x81] =	vst.msk $0xffff, v1  }
0x54: {  	s19 =	sshrl.u32 s19, $0x2;
	v1 =	vld [tilespmem:s20+$0xFFFFFFC0];
	[tilespmem:s21+$0x1020 ss:$0x81] =	vst.msk $0xffff, v5;
	s20 =	sadd.s32 $0x80, s20  }
0x55: {  	s23 =	simm.s32 $0x4;
	s24 =	simm.s32 $0x8;
	s19 =	sor.u32 $0x8000, s19;
	[tilespmem:s21+$0x1830 ss:$0x81] =	vst.msk $0xffff, v6;
	v0 =	vld [tilespmem:s20+$0x30]  }
.LBB1_3:
0x56: {  	p1 =	sne.s32 s24, $0x1FC;
	v5 =	vld [tilespmem:s20+$0xFFFFFFD0];
	[tilespmem:s21+$0x2040 ss:$0x81] =	vst.msk $0xffff, v4  }
0x57: {  	v6 =	vld [tilespmem:s20+$0xFFFFFFE0];
	[tilespmem:s21+$0x2850 ss:$0x81] =	vst.msk $0xffff, v3  }
0x58: {  	s25 =	sshra.s32 s23, $0x2;
	s23 =	smov.u32 s24;
	v7 =	vld [tilespmem:s20+$0xFFFFFFF0];
	[tilespmem:s21+$0x3060 ss:$0x81] =	vst.msk $0xffff, v2  }
.Ltmp3:
0x59: {  	v4 =	vld [tilespmem:s20+$0x0];
	[tilespmem:s21+$0x0 ss:$0x81] =	vst.msk $0xffff, v1;
	s21 =	sadd.s32 s25, s22;
	(pc) =	sbr.rel @p1 .LBB1_3-.Ltmp3, $4  }
0x5a: {  	v3 =	vld [tilespmem:s20+$0x10];
	[tilespmem:s21+$0x3870 ss:$0x81] =	vst.msk $0xffff, v0  }
0x5b: {  	[tilespmem:s21+$0x810 ss:$0x81] =	vst.msk $0xffff, v5;
	v2 =	vld [tilespmem:s20+$0x20]  }
0x5c: {  	v1 =	vld [tilespmem:s20+$0xFFFFFFC0];
	[tilespmem:s21+$0x1020 ss:$0x81] =	vst.msk $0xffff, v6;
	s20 =	sadd.s32 $0x80, s20  }
0x5d: {  	s24 =	sadd.s32 $0x4, s24;
	v0 =	vld [tilespmem:s20+$0x30];
	[tilespmem:s21+$0x1830 ss:$0x81] =	vst.msk $0xffff, v7  }
.Ltmp4:
0x5e: {  	_ = 	snop;
	(pc) =	sbr.rel .LBB1_4-.Ltmp4, $1  }
0x5f: {  	_ =	sdelay $0x3  }
.LBB1_6:
0x60: {  	_ =	sfence.sel $0x180000  }
0x61: {  	s2 =	simm.s32 $0x1;
	[bflag:$0x0] =	sbarrier.arrive $0xFFFF  }
0x62: {  	s31 =	simm.s32 $0x2;
	[sflag:s2] =	ssyncpa.u1 $0x1  }
0x63: {  	[sflag:s31] =	ssyncpa.u1 $0x1  }
0x64: {  	p0 =	sne.s32 s0, $0x0;
	_ =	strace $0x90000053  }
0x65: {  	s0 =	sadd.s32 @!p0 $0x100000, s1;
	[bflag:$0x2] =	sbarrier.arrive $0xFFFF  }
0x66: {  	[sflag:s0] =	ssyncadd.tile.s32 @!p0 $0x1;
	_ =	shalt  }
.Lfunc_end1:
_tile_overlayer_lowered:
.L_overlay_start_2:
0x67: {  	(tag) =	ssettag $0x2  }
0x68: {  	s0 =	rddreg [dreg:$0x0];
	s2 =	stileid.u32  }
0x69: {  	s1 =	rddreg [dreg:$0x1];
	p0 =	sne.s32 s2, $0x0  }
0x6a: {  	s3 =	rddreg [dreg:$0x2];
	[bflag:$0x3] =	sbarrier.arrive $0xFFFF;
	s2 =	simm.s32 @!p0 $0x1C01  }
0x6b: {  	[timem:s3], [sflag:s2] =	dma.local @!p0 [hbm:s0], s1  }
0x6c: {  	s0 =	simm.s32 @!p0 $0x1  }
0x6d: {  	_ =	swait.ge @!p0 [sflag:s0], s1  }
0x6e: {  	s1 =	ssub.s32 @!p0 $0x0, s1;
	[sflag:s0] =	ssyncset.done @!p0 $0x0  }
0x6f: {  	[sflag:s0] =	ssyncadd.s32 @!p0 s1  }
0x70: {  	[bflag:$0x3] =	sbarrier.arrive $0xFFFF  }
0x71: {  	_ =	shalt  }

</sc_bundles>
